<compile_context>
chip_gen: v7x
topology: tpu7x:2x2x1
jax: 0.10.2.dev20260603
libtpu: 0.0.44.dev20260713+nightly
codegen_flags: <defaults>
</compile_context>

<pallas_src>
import functools

import jax
import jax.numpy as jnp
from jax import lax
from jax.experimental import pallas as pl
from jax.experimental.pallas import tpu as pltpu
from jax.experimental.pallas import tpu_sc as plsc

ROWS = 16384
PRED_D = 950
OUT_D = 200
NUM_W = 32
ROWS_PER_W = ROWS // NUM_W
BATCH = 32
NBATCH = ROWS_PER_W // BATCH
IN_WORDS = BATCH * PRED_D
OUT_WORDS = BATCH * OUT_D


def _decode_block(in_v, out_v, rows):
    r_in = rows * PRED_D
    r_out = rows * OUT_D

    def col(c):
        return plsc.load_gather(in_v, [r_in + c])

    def put(c, y):
        plsc.store_scatter(out_v, [r_out + c], y)

    @plsc.parallel_loop(0, 100, unroll=10)
    def num_body(c):
        x = col(c)
        put(c, 1.0 / (1.0 + jnp.exp(-x)))

    @plsc.parallel_loop(0, 50, unroll=4)
    def cat_body(g):
        base = 100 + 16 * g
        vals = [col(base + k) for k in range(16)]
        pairs = []
        for a in range(0, 16, 2):
            gt = vals[a + 1] > vals[a]
            pairs.append((jnp.where(gt, vals[a + 1], vals[a]),
                          jnp.where(gt, jnp.float32(a + 1), jnp.float32(a))))
        while len(pairs) > 1:
            nxt = []
            for a in range(0, len(pairs), 2):
                m1, i1 = pairs[a]
                m2, i2 = pairs[a + 1]
                gt = m2 > m1
                nxt.append((jnp.where(gt, m2, m1), jnp.where(gt, i2, i1)))
            pairs = nxt
        put(100 + g, pairs[0][1])

    @plsc.parallel_loop(0, 50, unroll=8)
    def bin_body(c):
        x = col(900 + c)
        put(150 + c, jnp.where(x > 0.0, jnp.float32(1.0), jnp.float32(0.0)))


def _body(pred_hbm, out_hbm, in0, in1, ou0, ou1, sems):
    wid = lax.axis_index("s") * 2 + lax.axis_index("c")
    row0 = wid * ROWS_PER_W
    iota = lax.iota(jnp.int32, 16)

    def in_cp(i, buf, sem):
        rbase = row0 + i * BATCH
        return pltpu.make_async_copy(
            pred_hbm.at[pl.ds(rbase * PRED_D, IN_WORDS)],
            buf.at[pl.ds(0, IN_WORDS)], sem)

    def out_cp(i, buf, sem):
        rbase = row0 + i * BATCH
        return pltpu.make_async_copy(
            buf.at[pl.ds(0, OUT_WORDS)],
            out_hbm.at[pl.ds(rbase * OUT_D, OUT_WORDS)], sem)

    def compute(in_v, out_v):
        for rb in range(BATCH // 16):
            _decode_block(in_v, out_v, iota + 16 * rb)

    bufs = ((in0, ou0), (in1, ou1))

    in_cp(0, in0, sems.at[0]).start()

    def pair_body(t, _):
        for ph in range(2):
            i = 2 * t + ph
            in_b, out_b = bufs[ph]
            in_sem, out_sem = sems.at[ph], sems.at[2 + ph]

            @pl.when(t > 0)
            def _():
                out_cp(i - 2, out_b, out_sem).wait()

            nxt_in, _o = bufs[1 - ph]

            @pl.when(i + 1 < NBATCH)
            def _():
                in_cp(i + 1, nxt_in, sems.at[1 - ph]).start()

            in_cp(i, in_b, in_sem).wait()
            compute(in_b, out_b)
            out_cp(i, out_b, out_sem).start()
        return 0

    lax.fori_loop(0, NBATCH // 2, pair_body, 0)
    out_cp(NBATCH - 2, ou0, sems.at[2]).wait()
    out_cp(NBATCH - 1, ou1, sems.at[3]).wait()


@jax.jit
def kernel(pred):
    mesh = plsc.VectorSubcoreMesh(core_axis_name="c", subcore_axis_name="s")
    run = functools.partial(
        pl.kernel,
        mesh=mesh,
        compiler_params=pltpu.CompilerParams(
            needs_layout_passes=False, use_tc_tiling_on_sc=False),
        out_type=jax.ShapeDtypeStruct((ROWS * OUT_D,), jnp.float32),
        scratch_types=[
            pltpu.VMEM((IN_WORDS,), jnp.float32),
            pltpu.VMEM((IN_WORDS,), jnp.float32),
            pltpu.VMEM((OUT_WORDS,), jnp.float32),
            pltpu.VMEM((OUT_WORDS,), jnp.float32),
            pltpu.SemaphoreType.DMA((4,)),
        ],
    )(_body)
    out_flat = run(pred.reshape(-1))
    return out_flat.reshape(ROWS, OUT_D)

# --- scband reference (transcript-rebuilt; emitter-appended) ---
"""Pipeline reference for scband-preset-decoder-91096256348914 (READ-ONLY COPY).

The authoritative reference and input builder live on the scoring server;
editing this copy changes nothing except your own understanding.
"""

import jax, jax.numpy as jnp
import numpy as np

# Synthetic PresetHelper configuration (see init_kwargs):
# 100 numerical params, 50 categorical params each with cardinality 16, 50 binary params.
# Prediction layout: [num(100) | cat blocks (50*16=800) | bin(50)] -> pred dim 950.
# Output layout:     [num(100) | cat(50) | bin(50)] -> 200 used parameters.
NUM_N = 100
NUM_CAT = 50
CARD = 16
NUM_BIN = 50
PRED_DIM = NUM_N + NUM_CAT * CARD + NUM_BIN  # 950
OUT_DIM = NUM_N + NUM_CAT + NUM_BIN          # 200
CAT_START = NUM_N

num_idx_pred = jnp.arange(0, NUM_N, dtype=jnp.int32)
bin_idx_pred = jnp.arange(NUM_N + NUM_CAT * CARD, PRED_DIM, dtype=jnp.int32)
num_idx_target = jnp.arange(0, NUM_N, dtype=jnp.int32)
cat_idx_target = jnp.arange(NUM_N, NUM_N + NUM_CAT, dtype=jnp.int32)
bin_idx_target = jnp.arange(NUM_N + NUM_CAT, OUT_DIM, dtype=jnp.int32)


def setup_inputs(seed: int = 0) -> dict:
    key = jax.random.key(seed)
    pred = jax.random.normal(key, (16384, PRED_DIM), dtype=jnp.float32)
    return {"pred": pred}


def reference(pred):
    B = pred.shape[0]
    out = jnp.zeros((B, OUT_DIM), dtype=jnp.float32)
    # numerical params: sigmoid, scatter-overwrite into target columns
    out = out.at[:, num_idx_target].set(jax.nn.sigmoid(jnp.take(pred, num_idx_pred, axis=1)))
    # binary params: rounded sigmoid
    out = out.at[:, bin_idx_target].set(jnp.round(jax.nn.sigmoid(jnp.take(pred, bin_idx_pred, axis=1))))
    # categorical params: argmax over each cardinality block
    cat_logits = pred[:, CAT_START:CAT_START + NUM_CAT * CARD].reshape(B, NUM_CAT, CARD)
    cat_vals = jnp.argmax(cat_logits, axis=2).astype(jnp.float32)
    out = out.at[:, cat_idx_target].set(cat_vals)
    return out

if __name__ == "__main__":
    import jax
    _d = setup_inputs()
    print(jax.jit(kernel)(*tuple(_d.values())))

</pallas_src>

<mosaic_0001>
#map = affine_map<(d0, d1) -> (0)>
module attributes {stable_mosaic.version = 14 : i64} {
  func.func @_body(%arg0: i32, %arg1: i32, %arg2: memref<15564800xf32, #tpu.memory_space<hbm>>, %arg3: memref<3276800xf32, #tpu.memory_space<hbm>>, %arg4: memref<30400xf32, #tpu.memory_space<vmem>>, %arg5: memref<30400xf32, #tpu.memory_space<vmem>>, %arg6: memref<6400xf32, #tpu.memory_space<vmem>>, %arg7: memref<6400xf32, #tpu.memory_space<vmem>>, %arg8: memref<4x!tpu.dma_semaphore, #tpu.memory_space<semaphore_mem>>) attributes {dimension_semantics = [#tpu.dimension_semantics<core_parallel>, #tpu.dimension_semantics<subcore_parallel>], iteration_bounds = array<i64: 2, 16>, scalar_prefetch = 0 : i64, scratch_operands = 5 : i64, tpu.core_type = #tpu.core_type<sc_vector_subcore>, window_params = [{transform_indices = #map}, {transform_indices = #map}]} {
    %mul3A = arith.constant 2 : i32
    %mul3A_0 = arith.muli %arg1, %mul3A : i32
    %add3A = arith.addi %mul3A_0, %arg0 : i32
    %mul3A_1 = arith.constant 512 : i32
    %mul3A_2 = arith.muli %add3A, %mul3A_1 : i32
    %iota3A = tpu.iota {dimensions = array<i32: 0>} : vector<16xi32>
    %add3A_3 = arith.constant 0 : i32
    %add3A_4 = arith.addi %mul3A_2, %add3A_3 : i32
    %mul3A_5 = arith.constant 950 : i32
    %mul3A_6 = arith.muli %add3A_4, %mul3A_5 : i32
    %dma_start3A = arith.constant 0 : i32
    %dma_start3A_7 = arith.constant 0 : i32
    %dma_start3A_8 = tpu.memref_slice %arg4[%dma_start3A_7] : memref<30400xf32, #tpu.memory_space<vmem>> -> memref<30400xf32, #tpu.memory_space<vmem>>
    %dma_start3A_9 = tpu.memref_slice %arg2[%mul3A_6] : memref<15564800xf32, #tpu.memory_space<hbm>> -> memref<30400xf32, #tpu.memory_space<hbm>>
    %dma_start3A_10 = tpu.memref_slice %arg8[%dma_start3A] : memref<4x!tpu.dma_semaphore, #tpu.memory_space<semaphore_mem>> -> memref<1x!tpu.dma_semaphore, #tpu.memory_space<semaphore_mem>>
    %dma_start3A_11 = tpu.memref_squeeze %dma_start3A_10 : memref<1x!tpu.dma_semaphore, #tpu.memory_space<semaphore_mem>> -> memref<!tpu.dma_semaphore, #tpu.memory_space<semaphore_mem>>
    %dma_start3A_12 = arith.constant 0 : i32
    %dma_start3A_13 = tpu.memref_slice %arg4[%dma_start3A_12] : memref<30400xf32, #tpu.memory_space<vmem>> -> memref<30400xf32, #tpu.memory_space<vmem>>
    %dma_start3A_14 = tpu.memref_slice %arg2[%mul3A_6] : memref<15564800xf32, #tpu.memory_space<hbm>> -> memref<30400xf32, #tpu.memory_space<hbm>>
    tpu.enqueue_dma source(%dma_start3A_14 : memref<30400xf32, #tpu.memory_space<hbm>>) target(%dma_start3A_13 : memref<30400xf32, #tpu.memory_space<vmem>>) target_semaphore(%dma_start3A_11 : memref<!tpu.dma_semaphore, #tpu.memory_space<semaphore_mem>>)
    %scan3A = arith.constant 0 : i32
    %scan3A_15 = arith.constant 0 : i32
    %scan3A_16 = arith.constant 8 : i32
    %scan3A_17 = arith.addi %scan3A_15, %scan3A_16 : i32
    %scan3A_18 = arith.constant 1 : i32
    %scan3A_19 = scf.for %scan3A_46 = %scan3A_15 to %scan3A_17 step %scan3A_18 iter_args(%scan3A_47 = %scan3A) -> (i32)  : i32 {
      %mul3A_48 = arith.constant 2 : i32
      %mul3A_49 = arith.muli %mul3A_48, %scan3A_46 : i32
      %add3A_50 = arith.constant 0 : i32
      %add3A_51 = arith.addi %mul3A_49, %add3A_50 : i32
      %gt3A = arith.constant 0 : i32
      %gt3A_52 = arith.cmpi sgt, %scan3A_46, %gt3A : i32
      %convert_element_type3A = arith.extui %gt3A_52 : i1 to i32
      %cond3A = arith.constant 2 : i32
      %cond3A_53 = arith.constant 0 : i32
      %cond3A_54 = arith.cmpi ne, %convert_element_type3A, %cond3A_53 : i32
      scf.if %cond3A_54 {
        %sub3A = arith.constant 2 : i32
        %sub3A_206 = arith.subi %add3A_51, %sub3A : i32
        %mul3A_207 = arith.constant 32 : i32
        %mul3A_208 = arith.muli %sub3A_206, %mul3A_207 : i32
        %add3A_209 = arith.addi %mul3A_2, %mul3A_208 : i32
        %mul3A_210 = arith.constant 200 : i32
        %mul3A_211 = arith.muli %add3A_209, %mul3A_210 : i32
        %dma_wait3A_212 = arith.constant 0 : i32
        %dma_wait3A_213 = tpu.memref_slice %arg6[%dma_wait3A_212] : memref<6400xf32, #tpu.memory_space<vmem>> -> memref<6400xf32, #tpu.memory_space<vmem>>
        %dma_wait3A_214 = tpu.memref_slice %arg3[%mul3A_211] : memref<3276800xf32, #tpu.memory_space<hbm>> -> memref<6400xf32, #tpu.memory_space<hbm>>
        %dma_wait3A_215 = tpu.memref_slice %arg8[%cond3A] : memref<4x!tpu.dma_semaphore, #tpu.memory_space<semaphore_mem>> -> memref<1x!tpu.dma_semaphore, #tpu.memory_space<semaphore_mem>>
        %dma_wait3A_216 = tpu.memref_squeeze %dma_wait3A_215 : memref<1x!tpu.dma_semaphore, #tpu.memory_space<semaphore_mem>> -> memref<!tpu.dma_semaphore, #tpu.memory_space<semaphore_mem>>
        %dma_wait3A_217 = tpu.memref_slice %arg3[%mul3A_211] : memref<3276800xf32, #tpu.memory_space<hbm>> -> memref<6400xf32, #tpu.memory_space<hbm>>
        %dma_wait3A_218 = arith.constant 0 : i32
        %dma_wait3A_219 = tpu.memref_slice %arg6[%dma_wait3A_218] : memref<6400xf32, #tpu.memory_space<vmem>> -> memref<6400xf32, #tpu.memory_space<vmem>>
        tpu.wait_dma2 semaphore(%dma_wait3A_216 : memref<!tpu.dma_semaphore, #tpu.memory_space<semaphore_mem>>) src(%dma_wait3A_219 : memref<6400xf32, #tpu.memory_space<vmem>>) dst(%dma_wait3A_217 : memref<6400xf32, #tpu.memory_space<hbm>>)
      } else {
      }
      %add3A_55 = arith.constant 1 : i32
      %add3A_56 = arith.addi %add3A_51, %add3A_55 : i32
      %lt3A = arith.constant 16 : i32
      %lt3A_57 = arith.cmpi slt, %add3A_56, %lt3A : i32
      %convert_element_type3A_58 = arith.extui %lt3A_57 : i1 to i32
      %cond3A_59 = arith.constant 0 : i32
      %cond3A_60 = arith.cmpi ne, %convert_element_type3A_58, %cond3A_59 : i32
      scf.if %cond3A_60 {
        %add3A_206 = arith.constant 1 : i32
        %add3A_207 = arith.addi %add3A_51, %add3A_206 : i32
        %mul3A_208 = arith.constant 32 : i32
        %mul3A_209 = arith.muli %add3A_207, %mul3A_208 : i32
        %add3A_210 = arith.addi %mul3A_2, %mul3A_209 : i32
        %mul3A_211 = arith.constant 950 : i32
        %mul3A_212 = arith.muli %add3A_210, %mul3A_211 : i32
        %dma_start3A_213 = arith.constant 1 : i32
        %dma_start3A_214 = arith.constant 0 : i32
        %dma_start3A_215 = tpu.memref_slice %arg5[%dma_start3A_214] : memref<30400xf32, #tpu.memory_space<vmem>> -> memref<30400xf32, #tpu.memory_space<vmem>>
        %dma_start3A_216 = tpu.memref_slice %arg2[%mul3A_212] : memref<15564800xf32, #tpu.memory_space<hbm>> -> memref<30400xf32, #tpu.memory_space<hbm>>
        %dma_start3A_217 = tpu.memref_slice %arg8[%dma_start3A_213] : memref<4x!tpu.dma_semaphore, #tpu.memory_space<semaphore_mem>> -> memref<1x!tpu.dma_semaphore, #tpu.memory_space<semaphore_mem>>
        %dma_start3A_218 = tpu.memref_squeeze %dma_start3A_217 : memref<1x!tpu.dma_semaphore, #tpu.memory_space<semaphore_mem>> -> memref<!tpu.dma_semaphore, #tpu.memory_space<semaphore_mem>>
        %dma_start3A_219 = arith.constant 0 : i32
        %dma_start3A_220 = tpu.memref_slice %arg5[%dma_start3A_219] : memref<30400xf32, #tpu.memory_space<vmem>> -> memref<30400xf32, #tpu.memory_space<vmem>>
        %dma_start3A_221 = tpu.memref_slice %arg2[%mul3A_212] : memref<15564800xf32, #tpu.memory_space<hbm>> -> memref<30400xf32, #tpu.memory_space<hbm>>
        tpu.enqueue_dma source(%dma_start3A_221 : memref<30400xf32, #tpu.memory_space<hbm>>) target(%dma_start3A_220 : memref<30400xf32, #tpu.memory_space<vmem>>) target_semaphore(%dma_start3A_218 : memref<!tpu.dma_semaphore, #tpu.memory_space<semaphore_mem>>)
      } else {
      }
      %mul3A_61 = arith.constant 32 : i32
      %mul3A_62 = arith.muli %add3A_51, %mul3A_61 : i32
      %add3A_63 = arith.addi %mul3A_2, %mul3A_62 : i32
      %mul3A_64 = arith.constant 950 : i32
      %mul3A_65 = arith.muli %add3A_63, %mul3A_64 : i32
      %dma_wait3A_66 = arith.constant 0 : i32
      %dma_wait3A_67 = arith.constant 0 : i32
      %dma_wait3A_68 = tpu.memref_slice %arg4[%dma_wait3A_67] : memref<30400xf32, #tpu.memory_space<vmem>> -> memref<30400xf32, #tpu.memory_space<vmem>>
      %dma_wait3A_69 = tpu.memref_slice %arg2[%mul3A_65] : memref<15564800xf32, #tpu.memory_space<hbm>> -> memref<30400xf32, #tpu.memory_space<hbm>>
      %dma_wait3A_70 = tpu.memref_slice %arg8[%dma_wait3A_66] : memref<4x!tpu.dma_semaphore, #tpu.memory_space<semaphore_mem>> -> memref<1x!tpu.dma_semaphore, #tpu.memory_space<semaphore_mem>>
      %dma_wait3A_71 = tpu.memref_squeeze %dma_wait3A_70 : memref<1x!tpu.dma_semaphore, #tpu.memory_space<semaphore_mem>> -> memref<!tpu.dma_semaphore, #tpu.memory_space<semaphore_mem>>
      %dma_wait3A_72 = arith.constant 0 : i32
      %dma_wait3A_73 = tpu.memref_slice %arg4[%dma_wait3A_72] : memref<30400xf32, #tpu.memory_space<vmem>> -> memref<30400xf32, #tpu.memory_space<vmem>>
      %dma_wait3A_74 = tpu.memref_slice %arg2[%mul3A_65] : memref<15564800xf32, #tpu.memory_space<hbm>> -> memref<30400xf32, #tpu.memory_space<hbm>>
      tpu.wait_dma2 semaphore(%dma_wait3A_71 : memref<!tpu.dma_semaphore, #tpu.memory_space<semaphore_mem>>) src(%dma_wait3A_74 : memref<30400xf32, #tpu.memory_space<hbm>>) dst(%dma_wait3A_73 : memref<30400xf32, #tpu.memory_space<vmem>>)
      %add3A_75 = arith.constant 0 : i32
      %add3A_76 = vector.broadcast %add3A_75 : i32 to vector<16xi32>
      %add3A_77 = arith.addi %iota3A, %add3A_76 : vector<16xi32>
      %mul3A_78 = arith.constant 950 : i32
      %mul3A_79 = vector.broadcast %mul3A_78 : i32 to vector<16xi32>
      %mul3A_80 = arith.muli %add3A_77, %mul3A_79 : vector<16xi32>
      %mul3A_81 = arith.constant 200 : i32
      %mul3A_82 = vector.broadcast %mul3A_81 : i32 to vector<16xi32>
      %mul3A_83 = arith.muli %add3A_77, %mul3A_82 : vector<16xi32>
      %parallel_loop3A = arith.constant 0 : i32
      %parallel_loop3A_84 = arith.constant 100 : i32
      %parallel_loop3A_85 = arith.constant 1 : i32
      scf.for %parallel_loop3A_206 = %parallel_loop3A to %parallel_loop3A_84 step %parallel_loop3A_85  : i32 {
        %parallel_loop3A_207 = vector.broadcast %parallel_loop3A_206 : i32 to vector<16xi32>
        %parallel_loop3A_208 = arith.addi %mul3A_80, %parallel_loop3A_207 : vector<16xi32>
        %parallel_loop3A_209 = tpu.vector_load_idx %arg4[%parallel_loop3A_208] : memref<30400xf32, #tpu.memory_space<vmem>>[vector<16xi32>], vector<16xf32>,
        %parallel_loop3A_210 = arith.constant 0.000000e+00 : f32
        %parallel_loop3A_211 = vector.broadcast %parallel_loop3A_210 : f32 to vector<16xf32>
        %parallel_loop3A_212 = arith.subf %parallel_loop3A_211, %parallel_loop3A_209 : vector<16xf32>
        %parallel_loop3A_213 = math.exp %parallel_loop3A_212 : vector<16xf32>
        %parallel_loop3A_214 = arith.constant 1.000000e+00 : f32
        %parallel_loop3A_215 = vector.broadcast %parallel_loop3A_214 : f32 to vector<16xf32>
        %parallel_loop3A_216 = arith.addf %parallel_loop3A_215, %parallel_loop3A_213 : vector<16xf32>
        %parallel_loop3A_217 = arith.constant 1.000000e+00 : f32
        %parallel_loop3A_218 = vector.broadcast %parallel_loop3A_217 : f32 to vector<16xf32>
        %parallel_loop3A_219 = arith.divf %parallel_loop3A_218, %parallel_loop3A_216 : vector<16xf32>
        %parallel_loop3A_220 = vector.broadcast %parallel_loop3A_206 : i32 to vector<16xi32>
        %parallel_loop3A_221 = arith.addi %mul3A_83, %parallel_loop3A_220 : vector<16xi32>
        tpu.vector_store_idx %arg6[%parallel_loop3A_221], %parallel_loop3A_219 : memref<6400xf32, #tpu.memory_space<vmem>>[vector<16xi32>], vector<16xf32>,
      } {sc.loop_unroll_factor = 10 : i64, sc.parallel_access}
      %parallel_loop3A_86 = arith.constant 0 : i32
      %parallel_loop3A_87 = arith.constant 50 : i32
      %parallel_loop3A_88 = arith.constant 1 : i32
      scf.for %parallel_loop3A_206 = %parallel_loop3A_86 to %parallel_loop3A_87 step %parallel_loop3A_88  : i32 {
        %parallel_loop3A_207 = arith.constant 16 : i32
        %parallel_loop3A_208 = arith.muli %parallel_loop3A_207, %parallel_loop3A_206 : i32
        %parallel_loop3A_209 = arith.constant 100 : i32
        %parallel_loop3A_210 = arith.addi %parallel_loop3A_209, %parallel_loop3A_208 : i32
        %parallel_loop3A_211 = arith.constant 0 : i32
        %parallel_loop3A_212 = arith.addi %parallel_loop3A_210, %parallel_loop3A_211 : i32
        %parallel_loop3A_213 = vector.broadcast %parallel_loop3A_212 : i32 to vector<16xi32>
        %parallel_loop3A_214 = arith.addi %mul3A_80, %parallel_loop3A_213 : vector<16xi32>
        %parallel_loop3A_215 = tpu.vector_load_idx %arg4[%parallel_loop3A_214] : memref<30400xf32, #tpu.memory_space<vmem>>[vector<16xi32>], vector<16xf32>,
        %parallel_loop3A_216 = arith.constant 1 : i32
        %parallel_loop3A_217 = arith.addi %parallel_loop3A_210, %parallel_loop3A_216 : i32
        %parallel_loop3A_218 = vector.broadcast %parallel_loop3A_217 : i32 to vector<16xi32>
        %parallel_loop3A_219 = arith.addi %mul3A_80, %parallel_loop3A_218 : vector<16xi32>
        %parallel_loop3A_220 = tpu.vector_load_idx %arg4[%parallel_loop3A_219] : memref<30400xf32, #tpu.memory_space<vmem>>[vector<16xi32>], vector<16xf32>,
        %parallel_loop3A_221 = arith.constant 2 : i32
        %parallel_loop3A_222 = arith.addi %parallel_loop3A_210, %parallel_loop3A_221 : i32
        %parallel_loop3A_223 = vector.broadcast %parallel_loop3A_222 : i32 to vector<16xi32>
        %parallel_loop3A_224 = arith.addi %mul3A_80, %parallel_loop3A_223 : vector<16xi32>
        %parallel_loop3A_225 = tpu.vector_load_idx %arg4[%parallel_loop3A_224] : memref<30400xf32, #tpu.memory_space<vmem>>[vector<16xi32>], vector<16xf32>,
        %parallel_loop3A_226 = arith.constant 3 : i32
        %parallel_loop3A_227 = arith.addi %parallel_loop3A_210, %parallel_loop3A_226 : i32
        %parallel_loop3A_228 = vector.broadcast %parallel_loop3A_227 : i32 to vector<16xi32>
        %parallel_loop3A_229 = arith.addi %mul3A_80, %parallel_loop3A_228 : vector<16xi32>
        %parallel_loop3A_230 = tpu.vector_load_idx %arg4[%parallel_loop3A_229] : memref<30400xf32, #tpu.memory_space<vmem>>[vector<16xi32>], vector<16xf32>,
        %parallel_loop3A_231 = arith.constant 4 : i32
        %parallel_loop3A_232 = arith.addi %parallel_loop3A_210, %parallel_loop3A_231 : i32
        %parallel_loop3A_233 = vector.broadcast %parallel_loop3A_232 : i32 to vector<16xi32>
        %parallel_loop3A_234 = arith.addi %mul3A_80, %parallel_loop3A_233 : vector<16xi32>
        %parallel_loop3A_235 = tpu.vector_load_idx %arg4[%parallel_loop3A_234] : memref<30400xf32, #tpu.memory_space<vmem>>[vector<16xi32>], vector<16xf32>,
        %parallel_loop3A_236 = arith.constant 5 : i32
        %parallel_loop3A_237 = arith.addi %parallel_loop3A_210, %parallel_loop3A_236 : i32
        %parallel_loop3A_238 = vector.broadcast %parallel_loop3A_237 : i32 to vector<16xi32>
        %parallel_loop3A_239 = arith.addi %mul3A_80, %parallel_loop3A_238 : vector<16xi32>
        %parallel_loop3A_240 = tpu.vector_load_idx %arg4[%parallel_loop3A_239] : memref<30400xf32, #tpu.memory_space<vmem>>[vector<16xi32>], vector<16xf32>,
        %parallel_loop3A_241 = arith.constant 6 : i32
        %parallel_loop3A_242 = arith.addi %parallel_loop3A_210, %parallel_loop3A_241 : i32
        %parallel_loop3A_243 = vector.broadcast %parallel_loop3A_242 : i32 to vector<16xi32>
        %parallel_loop3A_244 = arith.addi %mul3A_80, %parallel_loop3A_243 : vector<16xi32>
        %parallel_loop3A_245 = tpu.vector_load_idx %arg4[%parallel_loop3A_244] : memref<30400xf32, #tpu.memory_space<vmem>>[vector<16xi32>], vector<16xf32>,
        %parallel_loop3A_246 = arith.constant 7 : i32
        %parallel_loop3A_247 = arith.addi %parallel_loop3A_210, %parallel_loop3A_246 : i32
        %parallel_loop3A_248 = vector.broadcast %parallel_loop3A_247 : i32 to vector<16xi32>
        %parallel_loop3A_249 = arith.addi %mul3A_80, %parallel_loop3A_248 : vector<16xi32>
        %parallel_loop3A_250 = tpu.vector_load_idx %arg4[%parallel_loop3A_249] : memref<30400xf32, #tpu.memory_space<vmem>>[vector<16xi32>], vector<16xf32>,
        %parallel_loop3A_251 = arith.constant 8 : i32
        %parallel_loop3A_252 = arith.addi %parallel_loop3A_210, %parallel_loop3A_251 : i32
        %parallel_loop3A_253 = vector.broadcast %parallel_loop3A_252 : i32 to vector<16xi32>
        %parallel_loop3A_254 = arith.addi %mul3A_80, %parallel_loop3A_253 : vector<16xi32>
        %parallel_loop3A_255 = tpu.vector_load_idx %arg4[%parallel_loop3A_254] : memref<30400xf32, #tpu.memory_space<vmem>>[vector<16xi32>], vector<16xf32>,
        %parallel_loop3A_256 = arith.constant 9 : i32
        %parallel_loop3A_257 = arith.addi %parallel_loop3A_210, %parallel_loop3A_256 : i32
        %parallel_loop3A_258 = vector.broadcast %parallel_loop3A_257 : i32 to vector<16xi32>
        %parallel_loop3A_259 = arith.addi %mul3A_80, %parallel_loop3A_258 : vector<16xi32>
        %parallel_loop3A_260 = tpu.vector_load_idx %arg4[%parallel_loop3A_259] : memref<30400xf32, #tpu.memory_space<vmem>>[vector<16xi32>], vector<16xf32>,
        %parallel_loop3A_261 = arith.constant 10 : i32
        %parallel_loop3A_262 = arith.addi %parallel_loop3A_210, %parallel_loop3A_261 : i32
        %parallel_loop3A_263 = vector.broadcast %parallel_loop3A_262 : i32 to vector<16xi32>
        %parallel_loop3A_264 = arith.addi %mul3A_80, %parallel_loop3A_263 : vector<16xi32>
        %parallel_loop3A_265 = tpu.vector_load_idx %arg4[%parallel_loop3A_264] : memref<30400xf32, #tpu.memory_space<vmem>>[vector<16xi32>], vector<16xf32>,
        %parallel_loop3A_266 = arith.constant 11 : i32
        %parallel_loop3A_267 = arith.addi %parallel_loop3A_210, %parallel_loop3A_266 : i32
        %parallel_loop3A_268 = vector.broadcast %parallel_loop3A_267 : i32 to vector<16xi32>
        %parallel_loop3A_269 = arith.addi %mul3A_80, %parallel_loop3A_268 : vector<16xi32>
        %parallel_loop3A_270 = tpu.vector_load_idx %arg4[%parallel_loop3A_269] : memref<30400xf32, #tpu.memory_space<vmem>>[vector<16xi32>], vector<16xf32>,
        %parallel_loop3A_271 = arith.constant 12 : i32
        %parallel_loop3A_272 = arith.addi %parallel_loop3A_210, %parallel_loop3A_271 : i32
        %parallel_loop3A_273 = vector.broadcast %parallel_loop3A_272 : i32 to vector<16xi32>
        %parallel_loop3A_274 = arith.addi %mul3A_80, %parallel_loop3A_273 : vector<16xi32>
        %parallel_loop3A_275 = tpu.vector_load_idx %arg4[%parallel_loop3A_274] : memref<30400xf32, #tpu.memory_space<vmem>>[vector<16xi32>], vector<16xf32>,
        %parallel_loop3A_276 = arith.constant 13 : i32
        %parallel_loop3A_277 = arith.addi %parallel_loop3A_210, %parallel_loop3A_276 : i32
        %parallel_loop3A_278 = vector.broadcast %parallel_loop3A_277 : i32 to vector<16xi32>
        %parallel_loop3A_279 = arith.addi %mul3A_80, %parallel_loop3A_278 : vector<16xi32>
        %parallel_loop3A_280 = tpu.vector_load_idx %arg4[%parallel_loop3A_279] : memref<30400xf32, #tpu.memory_space<vmem>>[vector<16xi32>], vector<16xf32>,
        %parallel_loop3A_281 = arith.constant 14 : i32
        %parallel_loop3A_282 = arith.addi %parallel_loop3A_210, %parallel_loop3A_281 : i32
        %parallel_loop3A_283 = vector.broadcast %parallel_loop3A_282 : i32 to vector<16xi32>
        %parallel_loop3A_284 = arith.addi %mul3A_80, %parallel_loop3A_283 : vector<16xi32>
        %parallel_loop3A_285 = tpu.vector_load_idx %arg4[%parallel_loop3A_284] : memref<30400xf32, #tpu.memory_space<vmem>>[vector<16xi32>], vector<16xf32>,
        %parallel_loop3A_286 = arith.constant 15 : i32
        %parallel_loop3A_287 = arith.addi %parallel_loop3A_210, %parallel_loop3A_286 : i32
        %parallel_loop3A_288 = vector.broadcast %parallel_loop3A_287 : i32 to vector<16xi32>
        %parallel_loop3A_289 = arith.addi %mul3A_80, %parallel_loop3A_288 : vector<16xi32>
        %parallel_loop3A_290 = tpu.vector_load_idx %arg4[%parallel_loop3A_289] : memref<30400xf32, #tpu.memory_space<vmem>>[vector<16xi32>], vector<16xf32>,
        %parallel_loop3A_291 = arith.cmpf ogt, %parallel_loop3A_220, %parallel_loop3A_215 : vector<16xf32>
        %parallel_loop3A_292 = arith.select %parallel_loop3A_291, %parallel_loop3A_220, %parallel_loop3A_215 : vector<16xi1>, vector<16xf32>
        %parallel_loop3A_293 = arith.constant 1.000000e+00 : f32
        %parallel_loop3A_294 = arith.constant 0.000000e+00 : f32
        %parallel_loop3A_295 = vector.broadcast %parallel_loop3A_293 : f32 to vector<16xf32>
        %parallel_loop3A_296 = vector.broadcast %parallel_loop3A_294 : f32 to vector<16xf32>
        %parallel_loop3A_297 = arith.select %parallel_loop3A_291, %parallel_loop3A_295, %parallel_loop3A_296 : vector<16xi1>, vector<16xf32>
        %parallel_loop3A_298 = arith.cmpf ogt, %parallel_loop3A_230, %parallel_loop3A_225 : vector<16xf32>
        %parallel_loop3A_299 = arith.select %parallel_loop3A_298, %parallel_loop3A_230, %parallel_loop3A_225 : vector<16xi1>, vector<16xf32>
        %parallel_loop3A_300 = arith.constant 3.000000e+00 : f32
        %parallel_loop3A_301 = arith.constant 2.000000e+00 : f32
        %parallel_loop3A_302 = vector.broadcast %parallel_loop3A_300 : f32 to vector<16xf32>
        %parallel_loop3A_303 = vector.broadcast %parallel_loop3A_301 : f32 to vector<16xf32>
        %parallel_loop3A_304 = arith.select %parallel_loop3A_298, %parallel_loop3A_302, %parallel_loop3A_303 : vector<16xi1>, vector<16xf32>
        %parallel_loop3A_305 = arith.cmpf ogt, %parallel_loop3A_240, %parallel_loop3A_235 : vector<16xf32>
        %parallel_loop3A_306 = arith.select %parallel_loop3A_305, %parallel_loop3A_240, %parallel_loop3A_235 : vector<16xi1>, vector<16xf32>
        %parallel_loop3A_307 = arith.constant 5.000000e+00 : f32
        %parallel_loop3A_308 = arith.constant 4.000000e+00 : f32
        %parallel_loop3A_309 = vector.broadcast %parallel_loop3A_307 : f32 to vector<16xf32>
        %parallel_loop3A_310 = vector.broadcast %parallel_loop3A_308 : f32 to vector<16xf32>
        %parallel_loop3A_311 = arith.select %parallel_loop3A_305, %parallel_loop3A_309, %parallel_loop3A_310 : vector<16xi1>, vector<16xf32>
        %parallel_loop3A_312 = arith.cmpf ogt, %parallel_loop3A_250, %parallel_loop3A_245 : vector<16xf32>
        %parallel_loop3A_313 = arith.select %parallel_loop3A_312, %parallel_loop3A_250, %parallel_loop3A_245 : vector<16xi1>, vector<16xf32>
        %parallel_loop3A_314 = arith.constant 7.000000e+00 : f32
        %parallel_loop3A_315 = arith.constant 6.000000e+00 : f32
        %parallel_loop3A_316 = vector.broadcast %parallel_loop3A_314 : f32 to vector<16xf32>
        %parallel_loop3A_317 = vector.broadcast %parallel_loop3A_315 : f32 to vector<16xf32>
        %parallel_loop3A_318 = arith.select %parallel_loop3A_312, %parallel_loop3A_316, %parallel_loop3A_317 : vector<16xi1>, vector<16xf32>
        %parallel_loop3A_319 = arith.cmpf ogt, %parallel_loop3A_260, %parallel_loop3A_255 : vector<16xf32>
        %parallel_loop3A_320 = arith.select %parallel_loop3A_319, %parallel_loop3A_260, %parallel_loop3A_255 : vector<16xi1>, vector<16xf32>
        %parallel_loop3A_321 = arith.constant 9.000000e+00 : f32
        %parallel_loop3A_322 = arith.constant 8.000000e+00 : f32
        %parallel_loop3A_323 = vector.broadcast %parallel_loop3A_321 : f32 to vector<16xf32>
        %parallel_loop3A_324 = vector.broadcast %parallel_loop3A_322 : f32 to vector<16xf32>
        %parallel_loop3A_325 = arith.select %parallel_loop3A_319, %parallel_loop3A_323, %parallel_loop3A_324 : vector<16xi1>, vector<16xf32>
        %parallel_loop3A_326 = arith.cmpf ogt, %parallel_loop3A_270, %parallel_loop3A_265 : vector<16xf32>
        %parallel_loop3A_327 = arith.select %parallel_loop3A_326, %parallel_loop3A_270, %parallel_loop3A_265 : vector<16xi1>, vector<16xf32>
        %parallel_loop3A_328 = arith.constant 1.100000e+01 : f32
        %parallel_loop3A_329 = arith.constant 1.000000e+01 : f32
        %parallel_loop3A_330 = vector.broadcast %parallel_loop3A_328 : f32 to vector<16xf32>
        %parallel_loop3A_331 = vector.broadcast %parallel_loop3A_329 : f32 to vector<16xf32>
        %parallel_loop3A_332 = arith.select %parallel_loop3A_326, %parallel_loop3A_330, %parallel_loop3A_331 : vector<16xi1>, vector<16xf32>
        %parallel_loop3A_333 = arith.cmpf ogt, %parallel_loop3A_280, %parallel_loop3A_275 : vector<16xf32>
        %parallel_loop3A_334 = arith.select %parallel_loop3A_333, %parallel_loop3A_280, %parallel_loop3A_275 : vector<16xi1>, vector<16xf32>
        %parallel_loop3A_335 = arith.constant 1.300000e+01 : f32
        %parallel_loop3A_336 = arith.constant 1.200000e+01 : f32
        %parallel_loop3A_337 = vector.broadcast %parallel_loop3A_335 : f32 to vector<16xf32>
        %parallel_loop3A_338 = vector.broadcast %parallel_loop3A_336 : f32 to vector<16xf32>
        %parallel_loop3A_339 = arith.select %parallel_loop3A_333, %parallel_loop3A_337, %parallel_loop3A_338 : vector<16xi1>, vector<16xf32>
        %parallel_loop3A_340 = arith.cmpf ogt, %parallel_loop3A_290, %parallel_loop3A_285 : vector<16xf32>
        %parallel_loop3A_341 = arith.select %parallel_loop3A_340, %parallel_loop3A_290, %parallel_loop3A_285 : vector<16xi1>, vector<16xf32>
        %parallel_loop3A_342 = arith.constant 1.500000e+01 : f32
        %parallel_loop3A_343 = arith.constant 1.400000e+01 : f32
        %parallel_loop3A_344 = vector.broadcast %parallel_loop3A_342 : f32 to vector<16xf32>
        %parallel_loop3A_345 = vector.broadcast %parallel_loop3A_343 : f32 to vector<16xf32>
        %parallel_loop3A_346 = arith.select %parallel_loop3A_340, %parallel_loop3A_344, %parallel_loop3A_345 : vector<16xi1>, vector<16xf32>
        %parallel_loop3A_347 = arith.cmpf ogt, %parallel_loop3A_299, %parallel_loop3A_292 : vector<16xf32>
        %parallel_loop3A_348 = arith.select %parallel_loop3A_347, %parallel_loop3A_299, %parallel_loop3A_292 : vector<16xi1>, vector<16xf32>
        %parallel_loop3A_349 = arith.select %parallel_loop3A_347, %parallel_loop3A_304, %parallel_loop3A_297 : vector<16xi1>, vector<16xf32>
        %parallel_loop3A_350 = arith.cmpf ogt, %parallel_loop3A_313, %parallel_loop3A_306 : vector<16xf32>
        %parallel_loop3A_351 = arith.select %parallel_loop3A_350, %parallel_loop3A_313, %parallel_loop3A_306 : vector<16xi1>, vector<16xf32>
        %parallel_loop3A_352 = arith.select %parallel_loop3A_350, %parallel_loop3A_318, %parallel_loop3A_311 : vector<16xi1>, vector<16xf32>
        %parallel_loop3A_353 = arith.cmpf ogt, %parallel_loop3A_327, %parallel_loop3A_320 : vector<16xf32>
        %parallel_loop3A_354 = arith.select %parallel_loop3A_353, %parallel_loop3A_327, %parallel_loop3A_320 : vector<16xi1>, vector<16xf32>
        %parallel_loop3A_355 = arith.select %parallel_loop3A_353, %parallel_loop3A_332, %parallel_loop3A_325 : vector<16xi1>, vector<16xf32>
        %parallel_loop3A_356 = arith.cmpf ogt, %parallel_loop3A_341, %parallel_loop3A_334 : vector<16xf32>
        %parallel_loop3A_357 = arith.select %parallel_loop3A_356, %parallel_loop3A_341, %parallel_loop3A_334 : vector<16xi1>, vector<16xf32>
        %parallel_loop3A_358 = arith.select %parallel_loop3A_356, %parallel_loop3A_346, %parallel_loop3A_339 : vector<16xi1>, vector<16xf32>
        %parallel_loop3A_359 = arith.cmpf ogt, %parallel_loop3A_351, %parallel_loop3A_348 : vector<16xf32>
        %parallel_loop3A_360 = arith.select %parallel_loop3A_359, %parallel_loop3A_351, %parallel_loop3A_348 : vector<16xi1>, vector<16xf32>
        %parallel_loop3A_361 = arith.select %parallel_loop3A_359, %parallel_loop3A_352, %parallel_loop3A_349 : vector<16xi1>, vector<16xf32>
        %parallel_loop3A_362 = arith.cmpf ogt, %parallel_loop3A_357, %parallel_loop3A_354 : vector<16xf32>
        %parallel_loop3A_363 = arith.select %parallel_loop3A_362, %parallel_loop3A_357, %parallel_loop3A_354 : vector<16xi1>, vector<16xf32>
        %parallel_loop3A_364 = arith.select %parallel_loop3A_362, %parallel_loop3A_358, %parallel_loop3A_355 : vector<16xi1>, vector<16xf32>
        %parallel_loop3A_365 = arith.cmpf ogt, %parallel_loop3A_363, %parallel_loop3A_360 : vector<16xf32>
        %parallel_loop3A_366 = arith.select %parallel_loop3A_365, %parallel_loop3A_363, %parallel_loop3A_360 : vector<16xi1>, vector<16xf32>
        %parallel_loop3A_367 = arith.select %parallel_loop3A_365, %parallel_loop3A_364, %parallel_loop3A_361 : vector<16xi1>, vector<16xf32>
        %parallel_loop3A_368 = arith.constant 100 : i32
        %parallel_loop3A_369 = arith.addi %parallel_loop3A_368, %parallel_loop3A_206 : i32
        %parallel_loop3A_370 = vector.broadcast %parallel_loop3A_369 : i32 to vector<16xi32>
        %parallel_loop3A_371 = arith.addi %mul3A_83, %parallel_loop3A_370 : vector<16xi32>
        tpu.vector_store_idx %arg6[%parallel_loop3A_371], %parallel_loop3A_367 : memref<6400xf32, #tpu.memory_space<vmem>>[vector<16xi32>], vector<16xf32>,
      } {sc.loop_unroll_factor = 4 : i64, sc.parallel_access}
      %parallel_loop3A_89 = arith.constant 0 : i32
      %parallel_loop3A_90 = arith.constant 50 : i32
      %parallel_loop3A_91 = arith.constant 1 : i32
      scf.for %parallel_loop3A_206 = %parallel_loop3A_89 to %parallel_loop3A_90 step %parallel_loop3A_91  : i32 {
        %parallel_loop3A_207 = arith.constant 900 : i32
        %parallel_loop3A_208 = arith.addi %parallel_loop3A_207, %parallel_loop3A_206 : i32
        %parallel_loop3A_209 = vector.broadcast %parallel_loop3A_208 : i32 to vector<16xi32>
        %parallel_loop3A_210 = arith.addi %mul3A_80, %parallel_loop3A_209 : vector<16xi32>
        %parallel_loop3A_211 = tpu.vector_load_idx %arg4[%parallel_loop3A_210] : memref<30400xf32, #tpu.memory_space<vmem>>[vector<16xi32>], vector<16xf32>,
        %parallel_loop3A_212 = arith.constant 150 : i32
        %parallel_loop3A_213 = arith.addi %parallel_loop3A_212, %parallel_loop3A_206 : i32
        %parallel_loop3A_214 = arith.constant 0.000000e+00 : f32
        %parallel_loop3A_215 = vector.broadcast %parallel_loop3A_214 : f32 to vector<16xf32>
        %parallel_loop3A_216 = arith.cmpf ogt, %parallel_loop3A_211, %parallel_loop3A_215 : vector<16xf32>
        %parallel_loop3A_217 = arith.constant 1.000000e+00 : f32
        %parallel_loop3A_218 = arith.constant 0.000000e+00 : f32
        %parallel_loop3A_219 = vector.broadcast %parallel_loop3A_217 : f32 to vector<16xf32>
        %parallel_loop3A_220 = vector.broadcast %parallel_loop3A_218 : f32 to vector<16xf32>
        %parallel_loop3A_221 = arith.select %parallel_loop3A_216, %parallel_loop3A_219, %parallel_loop3A_220 : vector<16xi1>, vector<16xf32>
        %parallel_loop3A_222 = vector.broadcast %parallel_loop3A_213 : i32 to vector<16xi32>
        %parallel_loop3A_223 = arith.addi %mul3A_83, %parallel_loop3A_222 : vector<16xi32>
        tpu.vector_store_idx %arg6[%parallel_loop3A_223], %parallel_loop3A_221 : memref<6400xf32, #tpu.memory_space<vmem>>[vector<16xi32>], vector<16xf32>,
      } {sc.loop_unroll_factor = 8 : i64, sc.parallel_access}
      %add3A_92 = arith.constant 16 : i32
      %add3A_93 = vector.broadcast %add3A_92 : i32 to vector<16xi32>
      %add3A_94 = arith.addi %iota3A, %add3A_93 : vector<16xi32>
      %mul3A_95 = arith.constant 950 : i32
      %mul3A_96 = vector.broadcast %mul3A_95 : i32 to vector<16xi32>
      %mul3A_97 = arith.muli %add3A_94, %mul3A_96 : vector<16xi32>
      %mul3A_98 = arith.constant 200 : i32
      %mul3A_99 = vector.broadcast %mul3A_98 : i32 to vector<16xi32>
      %mul3A_100 = arith.muli %add3A_94, %mul3A_99 : vector<16xi32>
      %parallel_loop3A_101 = arith.constant 0 : i32
      %parallel_loop3A_102 = arith.constant 100 : i32
      %parallel_loop3A_103 = arith.constant 1 : i32
      scf.for %parallel_loop3A_206 = %parallel_loop3A_101 to %parallel_loop3A_102 step %parallel_loop3A_103  : i32 {
        %parallel_loop3A_207 = vector.broadcast %parallel_loop3A_206 : i32 to vector<16xi32>
        %parallel_loop3A_208 = arith.addi %mul3A_97, %parallel_loop3A_207 : vector<16xi32>
        %parallel_loop3A_209 = tpu.vector_load_idx %arg4[%parallel_loop3A_208] : memref<30400xf32, #tpu.memory_space<vmem>>[vector<16xi32>], vector<16xf32>,
        %parallel_loop3A_210 = arith.constant 0.000000e+00 : f32
        %parallel_loop3A_211 = vector.broadcast %parallel_loop3A_210 : f32 to vector<16xf32>
        %parallel_loop3A_212 = arith.subf %parallel_loop3A_211, %parallel_loop3A_209 : vector<16xf32>
        %parallel_loop3A_213 = math.exp %parallel_loop3A_212 : vector<16xf32>
        %parallel_loop3A_214 = arith.constant 1.000000e+00 : f32
        %parallel_loop3A_215 = vector.broadcast %parallel_loop3A_214 : f32 to vector<16xf32>
        %parallel_loop3A_216 = arith.addf %parallel_loop3A_215, %parallel_loop3A_213 : vector<16xf32>
        %parallel_loop3A_217 = arith.constant 1.000000e+00 : f32
        %parallel_loop3A_218 = vector.broadcast %parallel_loop3A_217 : f32 to vector<16xf32>
        %parallel_loop3A_219 = arith.divf %parallel_loop3A_218, %parallel_loop3A_216 : vector<16xf32>
        %parallel_loop3A_220 = vector.broadcast %parallel_loop3A_206 : i32 to vector<16xi32>
        %parallel_loop3A_221 = arith.addi %mul3A_100, %parallel_loop3A_220 : vector<16xi32>
        tpu.vector_store_idx %arg6[%parallel_loop3A_221], %parallel_loop3A_219 : memref<6400xf32, #tpu.memory_space<vmem>>[vector<16xi32>], vector<16xf32>,
      } {sc.loop_unroll_factor = 10 : i64, sc.parallel_access}
      %parallel_loop3A_104 = arith.constant 0 : i32
      %parallel_loop3A_105 = arith.constant 50 : i32
      %parallel_loop3A_106 = arith.constant 1 : i32
      scf.for %parallel_loop3A_206 = %parallel_loop3A_104 to %parallel_loop3A_105 step %parallel_loop3A_106  : i32 {
        %parallel_loop3A_207 = arith.constant 16 : i32
        %parallel_loop3A_208 = arith.muli %parallel_loop3A_207, %parallel_loop3A_206 : i32
        %parallel_loop3A_209 = arith.constant 100 : i32
        %parallel_loop3A_210 = arith.addi %parallel_loop3A_209, %parallel_loop3A_208 : i32
        %parallel_loop3A_211 = arith.constant 0 : i32
        %parallel_loop3A_212 = arith.addi %parallel_loop3A_210, %parallel_loop3A_211 : i32
        %parallel_loop3A_213 = vector.broadcast %parallel_loop3A_212 : i32 to vector<16xi32>
        %parallel_loop3A_214 = arith.addi %mul3A_97, %parallel_loop3A_213 : vector<16xi32>
        %parallel_loop3A_215 = tpu.vector_load_idx %arg4[%parallel_loop3A_214] : memref<30400xf32, #tpu.memory_space<vmem>>[vector<16xi32>], vector<16xf32>,
        %parallel_loop3A_216 = arith.constant 1 : i32
        %parallel_loop3A_217 = arith.addi %parallel_loop3A_210, %parallel_loop3A_216 : i32
        %parallel_loop3A_218 = vector.broadcast %parallel_loop3A_217 : i32 to vector<16xi32>
        %parallel_loop3A_219 = arith.addi %mul3A_97, %parallel_loop3A_218 : vector<16xi32>
        %parallel_loop3A_220 = tpu.vector_load_idx %arg4[%parallel_loop3A_219] : memref<30400xf32, #tpu.memory_space<vmem>>[vector<16xi32>], vector<16xf32>,
        %parallel_loop3A_221 = arith.constant 2 : i32
        %parallel_loop3A_222 = arith.addi %parallel_loop3A_210, %parallel_loop3A_221 : i32
        %parallel_loop3A_223 = vector.broadcast %parallel_loop3A_222 : i32 to vector<16xi32>
        %parallel_loop3A_224 = arith.addi %mul3A_97, %parallel_loop3A_223 : vector<16xi32>
        %parallel_loop3A_225 = tpu.vector_load_idx %arg4[%parallel_loop3A_224] : memref<30400xf32, #tpu.memory_space<vmem>>[vector<16xi32>], vector<16xf32>,
        %parallel_loop3A_226 = arith.constant 3 : i32
        %parallel_loop3A_227 = arith.addi %parallel_loop3A_210, %parallel_loop3A_226 : i32
        %parallel_loop3A_228 = vector.broadcast %parallel_loop3A_227 : i32 to vector<16xi32>
        %parallel_loop3A_229 = arith.addi %mul3A_97, %parallel_loop3A_228 : vector<16xi32>
        %parallel_loop3A_230 = tpu.vector_load_idx %arg4[%parallel_loop3A_229] : memref<30400xf32, #tpu.memory_space<vmem>>[vector<16xi32>], vector<16xf32>,
        %parallel_loop3A_231 = arith.constant 4 : i32
        %parallel_loop3A_232 = arith.addi %parallel_loop3A_210, %parallel_loop3A_231 : i32
        %parallel_loop3A_233 = vector.broadcast %parallel_loop3A_232 : i32 to vector<16xi32>
        %parallel_loop3A_234 = arith.addi %mul3A_97, %parallel_loop3A_233 : vector<16xi32>
        %parallel_loop3A_235 = tpu.vector_load_idx %arg4[%parallel_loop3A_234] : memref<30400xf32, #tpu.memory_space<vmem>>[vector<16xi32>], vector<16xf32>,
        %parallel_loop3A_236 = arith.constant 5 : i32
        %parallel_loop3A_237 = arith.addi %parallel_loop3A_210, %parallel_loop3A_236 : i32
        %parallel_loop3A_238 = vector.broadcast %parallel_loop3A_237 : i32 to vector<16xi32>
        %parallel_loop3A_239 = arith.addi %mul3A_97, %parallel_loop3A_238 : vector<16xi32>
        %parallel_loop3A_240 = tpu.vector_load_idx %arg4[%parallel_loop3A_239] : memref<30400xf32, #tpu.memory_space<vmem>>[vector<16xi32>], vector<16xf32>,
        %parallel_loop3A_241 = arith.constant 6 : i32
        %parallel_loop3A_242 = arith.addi %parallel_loop3A_210, %parallel_loop3A_241 : i32
        %parallel_loop3A_243 = vector.broadcast %parallel_loop3A_242 : i32 to vector<16xi32>
        %parallel_loop3A_244 = arith.addi %mul3A_97, %parallel_loop3A_243 : vector<16xi32>
        %parallel_loop3A_245 = tpu.vector_load_idx %arg4[%parallel_loop3A_244] : memref<30400xf32, #tpu.memory_space<vmem>>[vector<16xi32>], vector<16xf32>,
        %parallel_loop3A_246 = arith.constant 7 : i32
        %parallel_loop3A_247 = arith.addi %parallel_loop3A_210, %parallel_loop3A_246 : i32
        %parallel_loop3A_248 = vector.broadcast %parallel_loop3A_247 : i32 to vector<16xi32>
        %parallel_loop3A_249 = arith.addi %mul3A_97, %parallel_loop3A_248 : vector<16xi32>
        %parallel_loop3A_250 = tpu.vector_load_idx %arg4[%parallel_loop3A_249] : memref<30400xf32, #tpu.memory_space<vmem>>[vector<16xi32>], vector<16xf32>,
        %parallel_loop3A_251 = arith.constant 8 : i32
        %parallel_loop3A_252 = arith.addi %parallel_loop3A_210, %parallel_loop3A_251 : i32
        %parallel_loop3A_253 = vector.broadcast %parallel_loop3A_252 : i32 to vector<16xi32>
        %parallel_loop3A_254 = arith.addi %mul3A_97, %parallel_loop3A_253 : vector<16xi32>
        %parallel_loop3A_255 = tpu.vector_load_idx %arg4[%parallel_loop3A_254] : memref<30400xf32, #tpu.memory_space<vmem>>[vector<16xi32>], vector<16xf32>,
        %parallel_loop3A_256 = arith.constant 9 : i32
        %parallel_loop3A_257 = arith.addi %parallel_loop3A_210, %parallel_loop3A_256 : i32
        %parallel_loop3A_258 = vector.broadcast %parallel_loop3A_257 : i32 to vector<16xi32>
        %parallel_loop3A_259 = arith.addi %mul3A_97, %parallel_loop3A_258 : vector<16xi32>
        %parallel_loop3A_260 = tpu.vector_load_idx %arg4[%parallel_loop3A_259] : memref<30400xf32, #tpu.memory_space<vmem>>[vector<16xi32>], vector<16xf32>,
        %parallel_loop3A_261 = arith.constant 10 : i32
        %parallel_loop3A_262 = arith.addi %parallel_loop3A_210, %parallel_loop3A_261 : i32
        %parallel_loop3A_263 = vector.broadcast %parallel_loop3A_262 : i32 to vector<16xi32>
        %parallel_loop3A_264 = arith.addi %mul3A_97, %parallel_loop3A_263 : vector<16xi32>
        %parallel_loop3A_265 = tpu.vector_load_idx %arg4[%parallel_loop3A_264] : memref<30400xf32, #tpu.memory_space<vmem>>[vector<16xi32>], vector<16xf32>,
        %parallel_loop3A_266 = arith.constant 11 : i32
        %parallel_loop3A_267 = arith.addi %parallel_loop3A_210, %parallel_loop3A_266 : i32
        %parallel_loop3A_268 = vector.broadcast %parallel_loop3A_267 : i32 to vector<16xi32>
        %parallel_loop3A_269 = arith.addi %mul3A_97, %parallel_loop3A_268 : vector<16xi32>
        %parallel_loop3A_270 = tpu.vector_load_idx %arg4[%parallel_loop3A_269] : memref<30400xf32, #tpu.memory_space<vmem>>[vector<16xi32>], vector<16xf32>,
        %parallel_loop3A_271 = arith.constant 12 : i32
        %parallel_loop3A_272 = arith.addi %parallel_loop3A_210, %parallel_loop3A_271 : i32
        %parallel_loop3A_273 = vector.broadcast %parallel_loop3A_272 : i32 to vector<16xi32>
        %parallel_loop3A_274 = arith.addi %mul3A_97, %parallel_loop3A_273 : vector<16xi32>
        %parallel_loop3A_275 = tpu.vector_load_idx %arg4[%parallel_loop3A_274] : memref<30400xf32, #tpu.memory_space<vmem>>[vector<16xi32>], vector<16xf32>,
        %parallel_loop3A_276 = arith.constant 13 : i32
        %parallel_loop3A_277 = arith.addi %parallel_loop3A_210, %parallel_loop3A_276 : i32
        %parallel_loop3A_278 = vector.broadcast %parallel_loop3A_277 : i32 to vector<16xi32>
        %parallel_loop3A_279 = arith.addi %mul3A_97, %parallel_loop3A_278 : vector<16xi32>
        %parallel_loop3A_280 = tpu.vector_load_idx %arg4[%parallel_loop3A_279] : memref<30400xf32, #tpu.memory_space<vmem>>[vector<16xi32>], vector<16xf32>,
        %parallel_loop3A_281 = arith.constant 14 : i32
        %parallel_loop3A_282 = arith.addi %parallel_loop3A_210, %parallel_loop3A_281 : i32
        %parallel_loop3A_283 = vector.broadcast %parallel_loop3A_282 : i32 to vector<16xi32>
        %parallel_loop3A_284 = arith.addi %mul3A_97, %parallel_loop3A_283 : vector<16xi32>
        %parallel_loop3A_285 = tpu.vector_load_idx %arg4[%parallel_loop3A_284] : memref<30400xf32, #tpu.memory_space<vmem>>[vector<16xi32>], vector<16xf32>,
        %parallel_loop3A_286 = arith.constant 15 : i32
        %parallel_loop3A_287 = arith.addi %parallel_loop3A_210, %parallel_loop3A_286 : i32
        %parallel_loop3A_288 = vector.broadcast %parallel_loop3A_287 : i32 to vector<16xi32>
        %parallel_loop3A_289 = arith.addi %mul3A_97, %parallel_loop3A_288 : vector<16xi32>
        %parallel_loop3A_290 = tpu.vector_load_idx %arg4[%parallel_loop3A_289] : memref<30400xf32, #tpu.memory_space<vmem>>[vector<16xi32>], vector<16xf32>,
        %parallel_loop3A_291 = arith.cmpf ogt, %parallel_loop3A_220, %parallel_loop3A_215 : vector<16xf32>
        %parallel_loop3A_292 = arith.select %parallel_loop3A_291, %parallel_loop3A_220, %parallel_loop3A_215 : vector<16xi1>, vector<16xf32>
        %parallel_loop3A_293 = arith.constant 1.000000e+00 : f32
        %parallel_loop3A_294 = arith.constant 0.000000e+00 : f32
        %parallel_loop3A_295 = vector.broadcast %parallel_loop3A_293 : f32 to vector<16xf32>
        %parallel_loop3A_296 = vector.broadcast %parallel_loop3A_294 : f32 to vector<16xf32>
        %parallel_loop3A_297 = arith.select %parallel_loop3A_291, %parallel_loop3A_295, %parallel_loop3A_296 : vector<16xi1>, vector<16xf32>
        %parallel_loop3A_298 = arith.cmpf ogt, %parallel_loop3A_230, %parallel_loop3A_225 : vector<16xf32>
        %parallel_loop3A_299 = arith.select %parallel_loop3A_298, %parallel_loop3A_230, %parallel_loop3A_225 : vector<16xi1>, vector<16xf32>
        %parallel_loop3A_300 = arith.constant 3.000000e+00 : f32
        %parallel_loop3A_301 = arith.constant 2.000000e+00 : f32
        %parallel_loop3A_302 = vector.broadcast %parallel_loop3A_300 : f32 to vector<16xf32>
        %parallel_loop3A_303 = vector.broadcast %parallel_loop3A_301 : f32 to vector<16xf32>
        %parallel_loop3A_304 = arith.select %parallel_loop3A_298, %parallel_loop3A_302, %parallel_loop3A_303 : vector<16xi1>, vector<16xf32>
        %parallel_loop3A_305 = arith.cmpf ogt, %parallel_loop3A_240, %parallel_loop3A_235 : vector<16xf32>
        %parallel_loop3A_306 = arith.select %parallel_loop3A_305, %parallel_loop3A_240, %parallel_loop3A_235 : vector<16xi1>, vector<16xf32>
        %parallel_loop3A_307 = arith.constant 5.000000e+00 : f32
        %parallel_loop3A_308 = arith.constant 4.000000e+00 : f32
        %parallel_loop3A_309 = vector.broadcast %parallel_loop3A_307 : f32 to vector<16xf32>
        %parallel_loop3A_310 = vector.broadcast %parallel_loop3A_308 : f32 to vector<16xf32>
        %parallel_loop3A_311 = arith.select %parallel_loop3A_305, %parallel_loop3A_309, %parallel_loop3A_310 : vector<16xi1>, vector<16xf32>
        %parallel_loop3A_312 = arith.cmpf ogt, %parallel_loop3A_250, %parallel_loop3A_245 : vector<16xf32>
        %parallel_loop3A_313 = arith.select %parallel_loop3A_312, %parallel_loop3A_250, %parallel_loop3A_245 : vector<16xi1>, vector<16xf32>
        %parallel_loop3A_314 = arith.constant 7.000000e+00 : f32
        %parallel_loop3A_315 = arith.constant 6.000000e+00 : f32
        %parallel_loop3A_316 = vector.broadcast %parallel_loop3A_314 : f32 to vector<16xf32>
        %parallel_loop3A_317 = vector.broadcast %parallel_loop3A_315 : f32 to vector<16xf32>
        %parallel_loop3A_318 = arith.select %parallel_loop3A_312, %parallel_loop3A_316, %parallel_loop3A_317 : vector<16xi1>, vector<16xf32>
        %parallel_loop3A_319 = arith.cmpf ogt, %parallel_loop3A_260, %parallel_loop3A_255 : vector<16xf32>
        %parallel_loop3A_320 = arith.select %parallel_loop3A_319, %parallel_loop3A_260, %parallel_loop3A_255 : vector<16xi1>, vector<16xf32>
        %parallel_loop3A_321 = arith.constant 9.000000e+00 : f32
        %parallel_loop3A_322 = arith.constant 8.000000e+00 : f32
        %parallel_loop3A_323 = vector.broadcast %parallel_loop3A_321 : f32 to vector<16xf32>
        %parallel_loop3A_324 = vector.broadcast %parallel_loop3A_322 : f32 to vector<16xf32>
        %parallel_loop3A_325 = arith.select %parallel_loop3A_319, %parallel_loop3A_323, %parallel_loop3A_324 : vector<16xi1>, vector<16xf32>
        %parallel_loop3A_326 = arith.cmpf ogt, %parallel_loop3A_270, %parallel_loop3A_265 : vector<16xf32>
        %parallel_loop3A_327 = arith.select %parallel_loop3A_326, %parallel_loop3A_270, %parallel_loop3A_265 : vector<16xi1>, vector<16xf32>
        %parallel_loop3A_328 = arith.constant 1.100000e+01 : f32
        %parallel_loop3A_329 = arith.constant 1.000000e+01 : f32
        %parallel_loop3A_330 = vector.broadcast %parallel_loop3A_328 : f32 to vector<16xf32>
        %parallel_loop3A_331 = vector.broadcast %parallel_loop3A_329 : f32 to vector<16xf32>
        %parallel_loop3A_332 = arith.select %parallel_loop3A_326, %parallel_loop3A_330, %parallel_loop3A_331 : vector<16xi1>, vector<16xf32>
        %parallel_loop3A_333 = arith.cmpf ogt, %parallel_loop3A_280, %parallel_loop3A_275 : vector<16xf32>
        %parallel_loop3A_334 = arith.select %parallel_loop3A_333, %parallel_loop3A_280, %parallel_loop3A_275 : vector<16xi1>, vector<16xf32>
        %parallel_loop3A_335 = arith.constant 1.300000e+01 : f32
        %parallel_loop3A_336 = arith.constant 1.200000e+01 : f32
        %parallel_loop3A_337 = vector.broadcast %parallel_loop3A_335 : f32 to vector<16xf32>
        %parallel_loop3A_338 = vector.broadcast %parallel_loop3A_336 : f32 to vector<16xf32>
        %parallel_loop3A_339 = arith.select %parallel_loop3A_333, %parallel_loop3A_337, %parallel_loop3A_338 : vector<16xi1>, vector<16xf32>
        %parallel_loop3A_340 = arith.cmpf ogt, %parallel_loop3A_290, %parallel_loop3A_285 : vector<16xf32>
        %parallel_loop3A_341 = arith.select %parallel_loop3A_340, %parallel_loop3A_290, %parallel_loop3A_285 : vector<16xi1>, vector<16xf32>
        %parallel_loop3A_342 = arith.constant 1.500000e+01 : f32
        %parallel_loop3A_343 = arith.constant 1.400000e+01 : f32
        %parallel_loop3A_344 = vector.broadcast %parallel_loop3A_342 : f32 to vector<16xf32>
        %parallel_loop3A_345 = vector.broadcast %parallel_loop3A_343 : f32 to vector<16xf32>
        %parallel_loop3A_346 = arith.select %parallel_loop3A_340, %parallel_loop3A_344, %parallel_loop3A_345 : vector<16xi1>, vector<16xf32>
        %parallel_loop3A_347 = arith.cmpf ogt, %parallel_loop3A_299, %parallel_loop3A_292 : vector<16xf32>
        %parallel_loop3A_348 = arith.select %parallel_loop3A_347, %parallel_loop3A_299, %parallel_loop3A_292 : vector<16xi1>, vector<16xf32>
        %parallel_loop3A_349 = arith.select %parallel_loop3A_347, %parallel_loop3A_304, %parallel_loop3A_297 : vector<16xi1>, vector<16xf32>
        %parallel_loop3A_350 = arith.cmpf ogt, %parallel_loop3A_313, %parallel_loop3A_306 : vector<16xf32>
        %parallel_loop3A_351 = arith.select %parallel_loop3A_350, %parallel_loop3A_313, %parallel_loop3A_306 : vector<16xi1>, vector<16xf32>
        %parallel_loop3A_352 = arith.select %parallel_loop3A_350, %parallel_loop3A_318, %parallel_loop3A_311 : vector<16xi1>, vector<16xf32>
        %parallel_loop3A_353 = arith.cmpf ogt, %parallel_loop3A_327, %parallel_loop3A_320 : vector<16xf32>
        %parallel_loop3A_354 = arith.select %parallel_loop3A_353, %parallel_loop3A_327, %parallel_loop3A_320 : vector<16xi1>, vector<16xf32>
        %parallel_loop3A_355 = arith.select %parallel_loop3A_353, %parallel_loop3A_332, %parallel_loop3A_325 : vector<16xi1>, vector<16xf32>
        %parallel_loop3A_356 = arith.cmpf ogt, %parallel_loop3A_341, %parallel_loop3A_334 : vector<16xf32>
        %parallel_loop3A_357 = arith.select %parallel_loop3A_356, %parallel_loop3A_341, %parallel_loop3A_334 : vector<16xi1>, vector<16xf32>
        %parallel_loop3A_358 = arith.select %parallel_loop3A_356, %parallel_loop3A_346, %parallel_loop3A_339 : vector<16xi1>, vector<16xf32>
        %parallel_loop3A_359 = arith.cmpf ogt, %parallel_loop3A_351, %parallel_loop3A_348 : vector<16xf32>
        %parallel_loop3A_360 = arith.select %parallel_loop3A_359, %parallel_loop3A_351, %parallel_loop3A_348 : vector<16xi1>, vector<16xf32>
        %parallel_loop3A_361 = arith.select %parallel_loop3A_359, %parallel_loop3A_352, %parallel_loop3A_349 : vector<16xi1>, vector<16xf32>
        %parallel_loop3A_362 = arith.cmpf ogt, %parallel_loop3A_357, %parallel_loop3A_354 : vector<16xf32>
        %parallel_loop3A_363 = arith.select %parallel_loop3A_362, %parallel_loop3A_357, %parallel_loop3A_354 : vector<16xi1>, vector<16xf32>
        %parallel_loop3A_364 = arith.select %parallel_loop3A_362, %parallel_loop3A_358, %parallel_loop3A_355 : vector<16xi1>, vector<16xf32>
        %parallel_loop3A_365 = arith.cmpf ogt, %parallel_loop3A_363, %parallel_loop3A_360 : vector<16xf32>
        %parallel_loop3A_366 = arith.select %parallel_loop3A_365, %parallel_loop3A_363, %parallel_loop3A_360 : vector<16xi1>, vector<16xf32>
        %parallel_loop3A_367 = arith.select %parallel_loop3A_365, %parallel_loop3A_364, %parallel_loop3A_361 : vector<16xi1>, vector<16xf32>
        %parallel_loop3A_368 = arith.constant 100 : i32
        %parallel_loop3A_369 = arith.addi %parallel_loop3A_368, %parallel_loop3A_206 : i32
        %parallel_loop3A_370 = vector.broadcast %parallel_loop3A_369 : i32 to vector<16xi32>
        %parallel_loop3A_371 = arith.addi %mul3A_100, %parallel_loop3A_370 : vector<16xi32>
        tpu.vector_store_idx %arg6[%parallel_loop3A_371], %parallel_loop3A_367 : memref<6400xf32, #tpu.memory_space<vmem>>[vector<16xi32>], vector<16xf32>,
      } {sc.loop_unroll_factor = 4 : i64, sc.parallel_access}
      %parallel_loop3A_107 = arith.constant 0 : i32
      %parallel_loop3A_108 = arith.constant 50 : i32
      %parallel_loop3A_109 = arith.constant 1 : i32
      scf.for %parallel_loop3A_206 = %parallel_loop3A_107 to %parallel_loop3A_108 step %parallel_loop3A_109  : i32 {
        %parallel_loop3A_207 = arith.constant 900 : i32
        %parallel_loop3A_208 = arith.addi %parallel_loop3A_207, %parallel_loop3A_206 : i32
        %parallel_loop3A_209 = vector.broadcast %parallel_loop3A_208 : i32 to vector<16xi32>
        %parallel_loop3A_210 = arith.addi %mul3A_97, %parallel_loop3A_209 : vector<16xi32>
        %parallel_loop3A_211 = tpu.vector_load_idx %arg4[%parallel_loop3A_210] : memref<30400xf32, #tpu.memory_space<vmem>>[vector<16xi32>], vector<16xf32>,
        %parallel_loop3A_212 = arith.constant 150 : i32
        %parallel_loop3A_213 = arith.addi %parallel_loop3A_212, %parallel_loop3A_206 : i32
        %parallel_loop3A_214 = arith.constant 0.000000e+00 : f32
        %parallel_loop3A_215 = vector.broadcast %parallel_loop3A_214 : f32 to vector<16xf32>
        %parallel_loop3A_216 = arith.cmpf ogt, %parallel_loop3A_211, %parallel_loop3A_215 : vector<16xf32>
        %parallel_loop3A_217 = arith.constant 1.000000e+00 : f32
        %parallel_loop3A_218 = arith.constant 0.000000e+00 : f32
        %parallel_loop3A_219 = vector.broadcast %parallel_loop3A_217 : f32 to vector<16xf32>
        %parallel_loop3A_220 = vector.broadcast %parallel_loop3A_218 : f32 to vector<16xf32>
        %parallel_loop3A_221 = arith.select %parallel_loop3A_216, %parallel_loop3A_219, %parallel_loop3A_220 : vector<16xi1>, vector<16xf32>
        %parallel_loop3A_222 = vector.broadcast %parallel_loop3A_213 : i32 to vector<16xi32>
        %parallel_loop3A_223 = arith.addi %mul3A_100, %parallel_loop3A_222 : vector<16xi32>
        tpu.vector_store_idx %arg6[%parallel_loop3A_223], %parallel_loop3A_221 : memref<6400xf32, #tpu.memory_space<vmem>>[vector<16xi32>], vector<16xf32>,
      } {sc.loop_unroll_factor = 8 : i64, sc.parallel_access}
      %mul3A_110 = arith.constant 32 : i32
      %mul3A_111 = arith.muli %add3A_51, %mul3A_110 : i32
      %add3A_112 = arith.addi %mul3A_2, %mul3A_111 : i32
      %mul3A_113 = arith.constant 200 : i32
      %mul3A_114 = arith.muli %add3A_112, %mul3A_113 : i32
      %dma_start3A_115 = arith.constant 2 : i32
      %dma_start3A_116 = arith.constant 0 : i32
      %dma_start3A_117 = tpu.memref_slice %arg6[%dma_start3A_116] : memref<6400xf32, #tpu.memory_space<vmem>> -> memref<6400xf32, #tpu.memory_space<vmem>>
      %dma_start3A_118 = tpu.memref_slice %arg3[%mul3A_114] : memref<3276800xf32, #tpu.memory_space<hbm>> -> memref<6400xf32, #tpu.memory_space<hbm>>
      %dma_start3A_119 = tpu.memref_slice %arg8[%dma_start3A_115] : memref<4x!tpu.dma_semaphore, #tpu.memory_space<semaphore_mem>> -> memref<1x!tpu.dma_semaphore, #tpu.memory_space<semaphore_mem>>
      %dma_start3A_120 = tpu.memref_squeeze %dma_start3A_119 : memref<1x!tpu.dma_semaphore, #tpu.memory_space<semaphore_mem>> -> memref<!tpu.dma_semaphore, #tpu.memory_space<semaphore_mem>>
      %dma_start3A_121 = tpu.memref_slice %arg3[%mul3A_114] : memref<3276800xf32, #tpu.memory_space<hbm>> -> memref<6400xf32, #tpu.memory_space<hbm>>
      %dma_start3A_122 = arith.constant 0 : i32
      %dma_start3A_123 = tpu.memref_slice %arg6[%dma_start3A_122] : memref<6400xf32, #tpu.memory_space<vmem>> -> memref<6400xf32, #tpu.memory_space<vmem>>
      tpu.enqueue_dma source(%dma_start3A_123 : memref<6400xf32, #tpu.memory_space<vmem>>) target(%dma_start3A_121 : memref<6400xf32, #tpu.memory_space<hbm>>) target_semaphore(%dma_start3A_120 : memref<!tpu.dma_semaphore, #tpu.memory_space<semaphore_mem>>)
      %mul3A_124 = arith.constant 2 : i32
      %mul3A_125 = arith.muli %mul3A_124, %scan3A_46 : i32
      %add3A_126 = arith.constant 1 : i32
      %add3A_127 = arith.addi %mul3A_125, %add3A_126 : i32
      %gt3A_128 = arith.constant 0 : i32
      %gt3A_129 = arith.cmpi sgt, %scan3A_46, %gt3A_128 : i32
      %convert_element_type3A_130 = arith.extui %gt3A_129 : i1 to i32
      %cond3A_131 = arith.constant 3 : i32
      %cond3A_132 = arith.constant 0 : i32
      %cond3A_133 = arith.cmpi ne, %convert_element_type3A_130, %cond3A_132 : i32
      scf.if %cond3A_133 {
        %sub3A = arith.constant 2 : i32
        %sub3A_206 = arith.subi %add3A_127, %sub3A : i32
        %mul3A_207 = arith.constant 32 : i32
        %mul3A_208 = arith.muli %sub3A_206, %mul3A_207 : i32
        %add3A_209 = arith.addi %mul3A_2, %mul3A_208 : i32
        %mul3A_210 = arith.constant 200 : i32
        %mul3A_211 = arith.muli %add3A_209, %mul3A_210 : i32
        %dma_wait3A_212 = arith.constant 0 : i32
        %dma_wait3A_213 = tpu.memref_slice %arg7[%dma_wait3A_212] : memref<6400xf32, #tpu.memory_space<vmem>> -> memref<6400xf32, #tpu.memory_space<vmem>>
        %dma_wait3A_214 = tpu.memref_slice %arg3[%mul3A_211] : memref<3276800xf32, #tpu.memory_space<hbm>> -> memref<6400xf32, #tpu.memory_space<hbm>>
        %dma_wait3A_215 = tpu.memref_slice %arg8[%cond3A_131] : memref<4x!tpu.dma_semaphore, #tpu.memory_space<semaphore_mem>> -> memref<1x!tpu.dma_semaphore, #tpu.memory_space<semaphore_mem>>
        %dma_wait3A_216 = tpu.memref_squeeze %dma_wait3A_215 : memref<1x!tpu.dma_semaphore, #tpu.memory_space<semaphore_mem>> -> memref<!tpu.dma_semaphore, #tpu.memory_space<semaphore_mem>>
        %dma_wait3A_217 = tpu.memref_slice %arg3[%mul3A_211] : memref<3276800xf32, #tpu.memory_space<hbm>> -> memref<6400xf32, #tpu.memory_space<hbm>>
        %dma_wait3A_218 = arith.constant 0 : i32
        %dma_wait3A_219 = tpu.memref_slice %arg7[%dma_wait3A_218] : memref<6400xf32, #tpu.memory_space<vmem>> -> memref<6400xf32, #tpu.memory_space<vmem>>
        tpu.wait_dma2 semaphore(%dma_wait3A_216 : memref<!tpu.dma_semaphore, #tpu.memory_space<semaphore_mem>>) src(%dma_wait3A_219 : memref<6400xf32, #tpu.memory_space<vmem>>) dst(%dma_wait3A_217 : memref<6400xf32, #tpu.memory_space<hbm>>)
      } else {
      }
      %add3A_134 = arith.constant 1 : i32
      %add3A_135 = arith.addi %add3A_127, %add3A_134 : i32
      %lt3A_136 = arith.constant 16 : i32
      %lt3A_137 = arith.cmpi slt, %add3A_135, %lt3A_136 : i32
      %convert_element_type3A_138 = arith.extui %lt3A_137 : i1 to i32
      %cond3A_139 = arith.constant 0 : i32
      %cond3A_140 = arith.cmpi ne, %convert_element_type3A_138, %cond3A_139 : i32
      scf.if %cond3A_140 {
        %add3A_206 = arith.constant 1 : i32
        %add3A_207 = arith.addi %add3A_127, %add3A_206 : i32
        %mul3A_208 = arith.constant 32 : i32
        %mul3A_209 = arith.muli %add3A_207, %mul3A_208 : i32
        %add3A_210 = arith.addi %mul3A_2, %mul3A_209 : i32
        %mul3A_211 = arith.constant 950 : i32
        %mul3A_212 = arith.muli %add3A_210, %mul3A_211 : i32
        %dma_start3A_213 = arith.constant 0 : i32
        %dma_start3A_214 = arith.constant 0 : i32
        %dma_start3A_215 = tpu.memref_slice %arg4[%dma_start3A_214] : memref<30400xf32, #tpu.memory_space<vmem>> -> memref<30400xf32, #tpu.memory_space<vmem>>
        %dma_start3A_216 = tpu.memref_slice %arg2[%mul3A_212] : memref<15564800xf32, #tpu.memory_space<hbm>> -> memref<30400xf32, #tpu.memory_space<hbm>>
        %dma_start3A_217 = tpu.memref_slice %arg8[%dma_start3A_213] : memref<4x!tpu.dma_semaphore, #tpu.memory_space<semaphore_mem>> -> memref<1x!tpu.dma_semaphore, #tpu.memory_space<semaphore_mem>>
        %dma_start3A_218 = tpu.memref_squeeze %dma_start3A_217 : memref<1x!tpu.dma_semaphore, #tpu.memory_space<semaphore_mem>> -> memref<!tpu.dma_semaphore, #tpu.memory_space<semaphore_mem>>
        %dma_start3A_219 = arith.constant 0 : i32
        %dma_start3A_220 = tpu.memref_slice %arg4[%dma_start3A_219] : memref<30400xf32, #tpu.memory_space<vmem>> -> memref<30400xf32, #tpu.memory_space<vmem>>
        %dma_start3A_221 = tpu.memref_slice %arg2[%mul3A_212] : memref<15564800xf32, #tpu.memory_space<hbm>> -> memref<30400xf32, #tpu.memory_space<hbm>>
        tpu.enqueue_dma source(%dma_start3A_221 : memref<30400xf32, #tpu.memory_space<hbm>>) target(%dma_start3A_220 : memref<30400xf32, #tpu.memory_space<vmem>>) target_semaphore(%dma_start3A_218 : memref<!tpu.dma_semaphore, #tpu.memory_space<semaphore_mem>>)
      } else {
      }
      %mul3A_141 = arith.constant 32 : i32
      %mul3A_142 = arith.muli %add3A_127, %mul3A_141 : i32
      %add3A_143 = arith.addi %mul3A_2, %mul3A_142 : i32
      %mul3A_144 = arith.constant 950 : i32
      %mul3A_145 = arith.muli %add3A_143, %mul3A_144 : i32
      %dma_wait3A_146 = arith.constant 1 : i32
      %dma_wait3A_147 = arith.constant 0 : i32
      %dma_wait3A_148 = tpu.memref_slice %arg5[%dma_wait3A_147] : memref<30400xf32, #tpu.memory_space<vmem>> -> memref<30400xf32, #tpu.memory_space<vmem>>
      %dma_wait3A_149 = tpu.memref_slice %arg2[%mul3A_145] : memref<15564800xf32, #tpu.memory_space<hbm>> -> memref<30400xf32, #tpu.memory_space<hbm>>
      %dma_wait3A_150 = tpu.memref_slice %arg8[%dma_wait3A_146] : memref<4x!tpu.dma_semaphore, #tpu.memory_space<semaphore_mem>> -> memref<1x!tpu.dma_semaphore, #tpu.memory_space<semaphore_mem>>
      %dma_wait3A_151 = tpu.memref_squeeze %dma_wait3A_150 : memref<1x!tpu.dma_semaphore, #tpu.memory_space<semaphore_mem>> -> memref<!tpu.dma_semaphore, #tpu.memory_space<semaphore_mem>>
      %dma_wait3A_152 = arith.constant 0 : i32
      %dma_wait3A_153 = tpu.memref_slice %arg5[%dma_wait3A_152] : memref<30400xf32, #tpu.memory_space<vmem>> -> memref<30400xf32, #tpu.memory_space<vmem>>
      %dma_wait3A_154 = tpu.memref_slice %arg2[%mul3A_145] : memref<15564800xf32, #tpu.memory_space<hbm>> -> memref<30400xf32, #tpu.memory_space<hbm>>
      tpu.wait_dma2 semaphore(%dma_wait3A_151 : memref<!tpu.dma_semaphore, #tpu.memory_space<semaphore_mem>>) src(%dma_wait3A_154 : memref<30400xf32, #tpu.memory_space<hbm>>) dst(%dma_wait3A_153 : memref<30400xf32, #tpu.memory_space<vmem>>)
      %add3A_155 = arith.constant 0 : i32
      %add3A_156 = vector.broadcast %add3A_155 : i32 to vector<16xi32>
      %add3A_157 = arith.addi %iota3A, %add3A_156 : vector<16xi32>
      %mul3A_158 = arith.constant 950 : i32
      %mul3A_159 = vector.broadcast %mul3A_158 : i32 to vector<16xi32>
      %mul3A_160 = arith.muli %add3A_157, %mul3A_159 : vector<16xi32>
      %mul3A_161 = arith.constant 200 : i32
      %mul3A_162 = vector.broadcast %mul3A_161 : i32 to vector<16xi32>
      %mul3A_163 = arith.muli %add3A_157, %mul3A_162 : vector<16xi32>
      %parallel_loop3A_164 = arith.constant 0 : i32
      %parallel_loop3A_165 = arith.constant 100 : i32
      %parallel_loop3A_166 = arith.constant 1 : i32
      scf.for %parallel_loop3A_206 = %parallel_loop3A_164 to %parallel_loop3A_165 step %parallel_loop3A_166  : i32 {
        %parallel_loop3A_207 = vector.broadcast %parallel_loop3A_206 : i32 to vector<16xi32>
        %parallel_loop3A_208 = arith.addi %mul3A_160, %parallel_loop3A_207 : vector<16xi32>
        %parallel_loop3A_209 = tpu.vector_load_idx %arg5[%parallel_loop3A_208] : memref<30400xf32, #tpu.memory_space<vmem>>[vector<16xi32>], vector<16xf32>,
        %parallel_loop3A_210 = arith.constant 0.000000e+00 : f32
        %parallel_loop3A_211 = vector.broadcast %parallel_loop3A_210 : f32 to vector<16xf32>
        %parallel_loop3A_212 = arith.subf %parallel_loop3A_211, %parallel_loop3A_209 : vector<16xf32>
        %parallel_loop3A_213 = math.exp %parallel_loop3A_212 : vector<16xf32>
        %parallel_loop3A_214 = arith.constant 1.000000e+00 : f32
        %parallel_loop3A_215 = vector.broadcast %parallel_loop3A_214 : f32 to vector<16xf32>
        %parallel_loop3A_216 = arith.addf %parallel_loop3A_215, %parallel_loop3A_213 : vector<16xf32>
        %parallel_loop3A_217 = arith.constant 1.000000e+00 : f32
        %parallel_loop3A_218 = vector.broadcast %parallel_loop3A_217 : f32 to vector<16xf32>
        %parallel_loop3A_219 = arith.divf %parallel_loop3A_218, %parallel_loop3A_216 : vector<16xf32>
        %parallel_loop3A_220 = vector.broadcast %parallel_loop3A_206 : i32 to vector<16xi32>
        %parallel_loop3A_221 = arith.addi %mul3A_163, %parallel_loop3A_220 : vector<16xi32>
        tpu.vector_store_idx %arg7[%parallel_loop3A_221], %parallel_loop3A_219 : memref<6400xf32, #tpu.memory_space<vmem>>[vector<16xi32>], vector<16xf32>,
      } {sc.loop_unroll_factor = 10 : i64, sc.parallel_access}
      %parallel_loop3A_167 = arith.constant 0 : i32
      %parallel_loop3A_168 = arith.constant 50 : i32
      %parallel_loop3A_169 = arith.constant 1 : i32
      scf.for %parallel_loop3A_206 = %parallel_loop3A_167 to %parallel_loop3A_168 step %parallel_loop3A_169  : i32 {
        %parallel_loop3A_207 = arith.constant 16 : i32
        %parallel_loop3A_208 = arith.muli %parallel_loop3A_207, %parallel_loop3A_206 : i32
        %parallel_loop3A_209 = arith.constant 100 : i32
        %parallel_loop3A_210 = arith.addi %parallel_loop3A_209, %parallel_loop3A_208 : i32
        %parallel_loop3A_211 = arith.constant 0 : i32
        %parallel_loop3A_212 = arith.addi %parallel_loop3A_210, %parallel_loop3A_211 : i32
        %parallel_loop3A_213 = vector.broadcast %parallel_loop3A_212 : i32 to vector<16xi32>
        %parallel_loop3A_214 = arith.addi %mul3A_160, %parallel_loop3A_213 : vector<16xi32>
        %parallel_loop3A_215 = tpu.vector_load_idx %arg5[%parallel_loop3A_214] : memref<30400xf32, #tpu.memory_space<vmem>>[vector<16xi32>], vector<16xf32>,
        %parallel_loop3A_216 = arith.constant 1 : i32
        %parallel_loop3A_217 = arith.addi %parallel_loop3A_210, %parallel_loop3A_216 : i32
        %parallel_loop3A_218 = vector.broadcast %parallel_loop3A_217 : i32 to vector<16xi32>
        %parallel_loop3A_219 = arith.addi %mul3A_160, %parallel_loop3A_218 : vector<16xi32>
        %parallel_loop3A_220 = tpu.vector_load_idx %arg5[%parallel_loop3A_219] : memref<30400xf32, #tpu.memory_space<vmem>>[vector<16xi32>], vector<16xf32>,
        %parallel_loop3A_221 = arith.constant 2 : i32
        %parallel_loop3A_222 = arith.addi %parallel_loop3A_210, %parallel_loop3A_221 : i32
        %parallel_loop3A_223 = vector.broadcast %parallel_loop3A_222 : i32 to vector<16xi32>
        %parallel_loop3A_224 = arith.addi %mul3A_160, %parallel_loop3A_223 : vector<16xi32>
        %parallel_loop3A_225 = tpu.vector_load_idx %arg5[%parallel_loop3A_224] : memref<30400xf32, #tpu.memory_space<vmem>>[vector<16xi32>], vector<16xf32>,
        %parallel_loop3A_226 = arith.constant 3 : i32
        %parallel_loop3A_227 = arith.addi %parallel_loop3A_210, %parallel_loop3A_226 : i32
        %parallel_loop3A_228 = vector.broadcast %parallel_loop3A_227 : i32 to vector<16xi32>
        %parallel_loop3A_229 = arith.addi %mul3A_160, %parallel_loop3A_228 : vector<16xi32>
        %parallel_loop3A_230 = tpu.vector_load_idx %arg5[%parallel_loop3A_229] : memref<30400xf32, #tpu.memory_space<vmem>>[vector<16xi32>], vector<16xf32>,
        %parallel_loop3A_231 = arith.constant 4 : i32
        %parallel_loop3A_232 = arith.addi %parallel_loop3A_210, %parallel_loop3A_231 : i32
        %parallel_loop3A_233 = vector.broadcast %parallel_loop3A_232 : i32 to vector<16xi32>
        %parallel_loop3A_234 = arith.addi %mul3A_160, %parallel_loop3A_233 : vector<16xi32>
        %parallel_loop3A_235 = tpu.vector_load_idx %arg5[%parallel_loop3A_234] : memref<30400xf32, #tpu.memory_space<vmem>>[vector<16xi32>], vector<16xf32>,
        %parallel_loop3A_236 = arith.constant 5 : i32
        %parallel_loop3A_237 = arith.addi %parallel_loop3A_210, %parallel_loop3A_236 : i32
        %parallel_loop3A_238 = vector.broadcast %parallel_loop3A_237 : i32 to vector<16xi32>
        %parallel_loop3A_239 = arith.addi %mul3A_160, %parallel_loop3A_238 : vector<16xi32>
        %parallel_loop3A_240 = tpu.vector_load_idx %arg5[%parallel_loop3A_239] : memref<30400xf32, #tpu.memory_space<vmem>>[vector<16xi32>], vector<16xf32>,
        %parallel_loop3A_241 = arith.constant 6 : i32
        %parallel_loop3A_242 = arith.addi %parallel_loop3A_210, %parallel_loop3A_241 : i32
        %parallel_loop3A_243 = vector.broadcast %parallel_loop3A_242 : i32 to vector<16xi32>
        %parallel_loop3A_244 = arith.addi %mul3A_160, %parallel_loop3A_243 : vector<16xi32>
        %parallel_loop3A_245 = tpu.vector_load_idx %arg5[%parallel_loop3A_244] : memref<30400xf32, #tpu.memory_space<vmem>>[vector<16xi32>], vector<16xf32>,
        %parallel_loop3A_246 = arith.constant 7 : i32
        %parallel_loop3A_247 = arith.addi %parallel_loop3A_210, %parallel_loop3A_246 : i32
        %parallel_loop3A_248 = vector.broadcast %parallel_loop3A_247 : i32 to vector<16xi32>
        %parallel_loop3A_249 = arith.addi %mul3A_160, %parallel_loop3A_248 : vector<16xi32>
        %parallel_loop3A_250 = tpu.vector_load_idx %arg5[%parallel_loop3A_249] : memref<30400xf32, #tpu.memory_space<vmem>>[vector<16xi32>], vector<16xf32>,
        %parallel_loop3A_251 = arith.constant 8 : i32
        %parallel_loop3A_252 = arith.addi %parallel_loop3A_210, %parallel_loop3A_251 : i32
        %parallel_loop3A_253 = vector.broadcast %parallel_loop3A_252 : i32 to vector<16xi32>
        %parallel_loop3A_254 = arith.addi %mul3A_160, %parallel_loop3A_253 : vector<16xi32>
        %parallel_loop3A_255 = tpu.vector_load_idx %arg5[%parallel_loop3A_254] : memref<30400xf32, #tpu.memory_space<vmem>>[vector<16xi32>], vector<16xf32>,
        %parallel_loop3A_256 = arith.constant 9 : i32
        %parallel_loop3A_257 = arith.addi %parallel_loop3A_210, %parallel_loop3A_256 : i32
        %parallel_loop3A_258 = vector.broadcast %parallel_loop3A_257 : i32 to vector<16xi32>
        %parallel_loop3A_259 = arith.addi %mul3A_160, %parallel_loop3A_258 : vector<16xi32>
        %parallel_loop3A_260 = tpu.vector_load_idx %arg5[%parallel_loop3A_259] : memref<30400xf32, #tpu.memory_space<vmem>>[vector<16xi32>], vector<16xf32>,
        %parallel_loop3A_261 = arith.constant 10 : i32
        %parallel_loop3A_262 = arith.addi %parallel_loop3A_210, %parallel_loop3A_261 : i32
        %parallel_loop3A_263 = vector.broadcast %parallel_loop3A_262 : i32 to vector<16xi32>
        %parallel_loop3A_264 = arith.addi %mul3A_160, %parallel_loop3A_263 : vector<16xi32>
        %parallel_loop3A_265 = tpu.vector_load_idx %arg5[%parallel_loop3A_264] : memref<30400xf32, #tpu.memory_space<vmem>>[vector<16xi32>], vector<16xf32>,
        %parallel_loop3A_266 = arith.constant 11 : i32
        %parallel_loop3A_267 = arith.addi %parallel_loop3A_210, %parallel_loop3A_266 : i32
        %parallel_loop3A_268 = vector.broadcast %parallel_loop3A_267 : i32 to vector<16xi32>
        %parallel_loop3A_269 = arith.addi %mul3A_160, %parallel_loop3A_268 : vector<16xi32>
        %parallel_loop3A_270 = tpu.vector_load_idx %arg5[%parallel_loop3A_269] : memref<30400xf32, #tpu.memory_space<vmem>>[vector<16xi32>], vector<16xf32>,
        %parallel_loop3A_271 = arith.constant 12 : i32
        %parallel_loop3A_272 = arith.addi %parallel_loop3A_210, %parallel_loop3A_271 : i32
        %parallel_loop3A_273 = vector.broadcast %parallel_loop3A_272 : i32 to vector<16xi32>
        %parallel_loop3A_274 = arith.addi %mul3A_160, %parallel_loop3A_273 : vector<16xi32>
        %parallel_loop3A_275 = tpu.vector_load_idx %arg5[%parallel_loop3A_274] : memref<30400xf32, #tpu.memory_space<vmem>>[vector<16xi32>], vector<16xf32>,
        %parallel_loop3A_276 = arith.constant 13 : i32
        %parallel_loop3A_277 = arith.addi %parallel_loop3A_210, %parallel_loop3A_276 : i32
        %parallel_loop3A_278 = vector.broadcast %parallel_loop3A_277 : i32 to vector<16xi32>
        %parallel_loop3A_279 = arith.addi %mul3A_160, %parallel_loop3A_278 : vector<16xi32>
        %parallel_loop3A_280 = tpu.vector_load_idx %arg5[%parallel_loop3A_279] : memref<30400xf32, #tpu.memory_space<vmem>>[vector<16xi32>], vector<16xf32>,
        %parallel_loop3A_281 = arith.constant 14 : i32
        %parallel_loop3A_282 = arith.addi %parallel_loop3A_210, %parallel_loop3A_281 : i32
        %parallel_loop3A_283 = vector.broadcast %parallel_loop3A_282 : i32 to vector<16xi32>
        %parallel_loop3A_284 = arith.addi %mul3A_160, %parallel_loop3A_283 : vector<16xi32>
        %parallel_loop3A_285 = tpu.vector_load_idx %arg5[%parallel_loop3A_284] : memref<30400xf32, #tpu.memory_space<vmem>>[vector<16xi32>], vector<16xf32>,
        %parallel_loop3A_286 = arith.constant 15 : i32
        %parallel_loop3A_287 = arith.addi %parallel_loop3A_210, %parallel_loop3A_286 : i32
        %parallel_loop3A_288 = vector.broadcast %parallel_loop3A_287 : i32 to vector<16xi32>
        %parallel_loop3A_289 = arith.addi %mul3A_160, %parallel_loop3A_288 : vector<16xi32>
        %parallel_loop3A_290 = tpu.vector_load_idx %arg5[%parallel_loop3A_289] : memref<30400xf32, #tpu.memory_space<vmem>>[vector<16xi32>], vector<16xf32>,
        %parallel_loop3A_291 = arith.cmpf ogt, %parallel_loop3A_220, %parallel_loop3A_215 : vector<16xf32>
        %parallel_loop3A_292 = arith.select %parallel_loop3A_291, %parallel_loop3A_220, %parallel_loop3A_215 : vector<16xi1>, vector<16xf32>
        %parallel_loop3A_293 = arith.constant 1.000000e+00 : f32
        %parallel_loop3A_294 = arith.constant 0.000000e+00 : f32
        %parallel_loop3A_295 = vector.broadcast %parallel_loop3A_293 : f32 to vector<16xf32>
        %parallel_loop3A_296 = vector.broadcast %parallel_loop3A_294 : f32 to vector<16xf32>
        %parallel_loop3A_297 = arith.select %parallel_loop3A_291, %parallel_loop3A_295, %parallel_loop3A_296 : vector<16xi1>, vector<16xf32>
        %parallel_loop3A_298 = arith.cmpf ogt, %parallel_loop3A_230, %parallel_loop3A_225 : vector<16xf32>
        %parallel_loop3A_299 = arith.select %parallel_loop3A_298, %parallel_loop3A_230, %parallel_loop3A_225 : vector<16xi1>, vector<16xf32>
        %parallel_loop3A_300 = arith.constant 3.000000e+00 : f32
        %parallel_loop3A_301 = arith.constant 2.000000e+00 : f32
        %parallel_loop3A_302 = vector.broadcast %parallel_loop3A_300 : f32 to vector<16xf32>
        %parallel_loop3A_303 = vector.broadcast %parallel_loop3A_301 : f32 to vector<16xf32>
        %parallel_loop3A_304 = arith.select %parallel_loop3A_298, %parallel_loop3A_302, %parallel_loop3A_303 : vector<16xi1>, vector<16xf32>
        %parallel_loop3A_305 = arith.cmpf ogt, %parallel_loop3A_240, %parallel_loop3A_235 : vector<16xf32>
        %parallel_loop3A_306 = arith.select %parallel_loop3A_305, %parallel_loop3A_240, %parallel_loop3A_235 : vector<16xi1>, vector<16xf32>
        %parallel_loop3A_307 = arith.constant 5.000000e+00 : f32
        %parallel_loop3A_308 = arith.constant 4.000000e+00 : f32
        %parallel_loop3A_309 = vector.broadcast %parallel_loop3A_307 : f32 to vector<16xf32>
        %parallel_loop3A_310 = vector.broadcast %parallel_loop3A_308 : f32 to vector<16xf32>
        %parallel_loop3A_311 = arith.select %parallel_loop3A_305, %parallel_loop3A_309, %parallel_loop3A_310 : vector<16xi1>, vector<16xf32>
        %parallel_loop3A_312 = arith.cmpf ogt, %parallel_loop3A_250, %parallel_loop3A_245 : vector<16xf32>
        %parallel_loop3A_313 = arith.select %parallel_loop3A_312, %parallel_loop3A_250, %parallel_loop3A_245 : vector<16xi1>, vector<16xf32>
        %parallel_loop3A_314 = arith.constant 7.000000e+00 : f32
        %parallel_loop3A_315 = arith.constant 6.000000e+00 : f32
        %parallel_loop3A_316 = vector.broadcast %parallel_loop3A_314 : f32 to vector<16xf32>
        %parallel_loop3A_317 = vector.broadcast %parallel_loop3A_315 : f32 to vector<16xf32>
        %parallel_loop3A_318 = arith.select %parallel_loop3A_312, %parallel_loop3A_316, %parallel_loop3A_317 : vector<16xi1>, vector<16xf32>
        %parallel_loop3A_319 = arith.cmpf ogt, %parallel_loop3A_260, %parallel_loop3A_255 : vector<16xf32>
        %parallel_loop3A_320 = arith.select %parallel_loop3A_319, %parallel_loop3A_260, %parallel_loop3A_255 : vector<16xi1>, vector<16xf32>
        %parallel_loop3A_321 = arith.constant 9.000000e+00 : f32
        %parallel_loop3A_322 = arith.constant 8.000000e+00 : f32
        %parallel_loop3A_323 = vector.broadcast %parallel_loop3A_321 : f32 to vector<16xf32>
        %parallel_loop3A_324 = vector.broadcast %parallel_loop3A_322 : f32 to vector<16xf32>
        %parallel_loop3A_325 = arith.select %parallel_loop3A_319, %parallel_loop3A_323, %parallel_loop3A_324 : vector<16xi1>, vector<16xf32>
        %parallel_loop3A_326 = arith.cmpf ogt, %parallel_loop3A_270, %parallel_loop3A_265 : vector<16xf32>
        %parallel_loop3A_327 = arith.select %parallel_loop3A_326, %parallel_loop3A_270, %parallel_loop3A_265 : vector<16xi1>, vector<16xf32>
        %parallel_loop3A_328 = arith.constant 1.100000e+01 : f32
        %parallel_loop3A_329 = arith.constant 1.000000e+01 : f32
        %parallel_loop3A_330 = vector.broadcast %parallel_loop3A_328 : f32 to vector<16xf32>
        %parallel_loop3A_331 = vector.broadcast %parallel_loop3A_329 : f32 to vector<16xf32>
        %parallel_loop3A_332 = arith.select %parallel_loop3A_326, %parallel_loop3A_330, %parallel_loop3A_331 : vector<16xi1>, vector<16xf32>
        %parallel_loop3A_333 = arith.cmpf ogt, %parallel_loop3A_280, %parallel_loop3A_275 : vector<16xf32>
        %parallel_loop3A_334 = arith.select %parallel_loop3A_333, %parallel_loop3A_280, %parallel_loop3A_275 : vector<16xi1>, vector<16xf32>
        %parallel_loop3A_335 = arith.constant 1.300000e+01 : f32
        %parallel_loop3A_336 = arith.constant 1.200000e+01 : f32
        %parallel_loop3A_337 = vector.broadcast %parallel_loop3A_335 : f32 to vector<16xf32>
        %parallel_loop3A_338 = vector.broadcast %parallel_loop3A_336 : f32 to vector<16xf32>
        %parallel_loop3A_339 = arith.select %parallel_loop3A_333, %parallel_loop3A_337, %parallel_loop3A_338 : vector<16xi1>, vector<16xf32>
        %parallel_loop3A_340 = arith.cmpf ogt, %parallel_loop3A_290, %parallel_loop3A_285 : vector<16xf32>
        %parallel_loop3A_341 = arith.select %parallel_loop3A_340, %parallel_loop3A_290, %parallel_loop3A_285 : vector<16xi1>, vector<16xf32>
        %parallel_loop3A_342 = arith.constant 1.500000e+01 : f32
        %parallel_loop3A_343 = arith.constant 1.400000e+01 : f32
        %parallel_loop3A_344 = vector.broadcast %parallel_loop3A_342 : f32 to vector<16xf32>
        %parallel_loop3A_345 = vector.broadcast %parallel_loop3A_343 : f32 to vector<16xf32>
        %parallel_loop3A_346 = arith.select %parallel_loop3A_340, %parallel_loop3A_344, %parallel_loop3A_345 : vector<16xi1>, vector<16xf32>
        %parallel_loop3A_347 = arith.cmpf ogt, %parallel_loop3A_299, %parallel_loop3A_292 : vector<16xf32>
        %parallel_loop3A_348 = arith.select %parallel_loop3A_347, %parallel_loop3A_299, %parallel_loop3A_292 : vector<16xi1>, vector<16xf32>
        %parallel_loop3A_349 = arith.select %parallel_loop3A_347, %parallel_loop3A_304, %parallel_loop3A_297 : vector<16xi1>, vector<16xf32>
        %parallel_loop3A_350 = arith.cmpf ogt, %parallel_loop3A_313, %parallel_loop3A_306 : vector<16xf32>
        %parallel_loop3A_351 = arith.select %parallel_loop3A_350, %parallel_loop3A_313, %parallel_loop3A_306 : vector<16xi1>, vector<16xf32>
        %parallel_loop3A_352 = arith.select %parallel_loop3A_350, %parallel_loop3A_318, %parallel_loop3A_311 : vector<16xi1>, vector<16xf32>
        %parallel_loop3A_353 = arith.cmpf ogt, %parallel_loop3A_327, %parallel_loop3A_320 : vector<16xf32>
        %parallel_loop3A_354 = arith.select %parallel_loop3A_353, %parallel_loop3A_327, %parallel_loop3A_320 : vector<16xi1>, vector<16xf32>
        %parallel_loop3A_355 = arith.select %parallel_loop3A_353, %parallel_loop3A_332, %parallel_loop3A_325 : vector<16xi1>, vector<16xf32>
        %parallel_loop3A_356 = arith.cmpf ogt, %parallel_loop3A_341, %parallel_loop3A_334 : vector<16xf32>
        %parallel_loop3A_357 = arith.select %parallel_loop3A_356, %parallel_loop3A_341, %parallel_loop3A_334 : vector<16xi1>, vector<16xf32>
        %parallel_loop3A_358 = arith.select %parallel_loop3A_356, %parallel_loop3A_346, %parallel_loop3A_339 : vector<16xi1>, vector<16xf32>
        %parallel_loop3A_359 = arith.cmpf ogt, %parallel_loop3A_351, %parallel_loop3A_348 : vector<16xf32>
        %parallel_loop3A_360 = arith.select %parallel_loop3A_359, %parallel_loop3A_351, %parallel_loop3A_348 : vector<16xi1>, vector<16xf32>
        %parallel_loop3A_361 = arith.select %parallel_loop3A_359, %parallel_loop3A_352, %parallel_loop3A_349 : vector<16xi1>, vector<16xf32>
        %parallel_loop3A_362 = arith.cmpf ogt, %parallel_loop3A_357, %parallel_loop3A_354 : vector<16xf32>
        %parallel_loop3A_363 = arith.select %parallel_loop3A_362, %parallel_loop3A_357, %parallel_loop3A_354 : vector<16xi1>, vector<16xf32>
        %parallel_loop3A_364 = arith.select %parallel_loop3A_362, %parallel_loop3A_358, %parallel_loop3A_355 : vector<16xi1>, vector<16xf32>
        %parallel_loop3A_365 = arith.cmpf ogt, %parallel_loop3A_363, %parallel_loop3A_360 : vector<16xf32>
        %parallel_loop3A_366 = arith.select %parallel_loop3A_365, %parallel_loop3A_363, %parallel_loop3A_360 : vector<16xi1>, vector<16xf32>
        %parallel_loop3A_367 = arith.select %parallel_loop3A_365, %parallel_loop3A_364, %parallel_loop3A_361 : vector<16xi1>, vector<16xf32>
        %parallel_loop3A_368 = arith.constant 100 : i32
        %parallel_loop3A_369 = arith.addi %parallel_loop3A_368, %parallel_loop3A_206 : i32
        %parallel_loop3A_370 = vector.broadcast %parallel_loop3A_369 : i32 to vector<16xi32>
        %parallel_loop3A_371 = arith.addi %mul3A_163, %parallel_loop3A_370 : vector<16xi32>
        tpu.vector_store_idx %arg7[%parallel_loop3A_371], %parallel_loop3A_367 : memref<6400xf32, #tpu.memory_space<vmem>>[vector<16xi32>], vector<16xf32>,
      } {sc.loop_unroll_factor = 4 : i64, sc.parallel_access}
      %parallel_loop3A_170 = arith.constant 0 : i32
      %parallel_loop3A_171 = arith.constant 50 : i32
      %parallel_loop3A_172 = arith.constant 1 : i32
      scf.for %parallel_loop3A_206 = %parallel_loop3A_170 to %parallel_loop3A_171 step %parallel_loop3A_172  : i32 {
        %parallel_loop3A_207 = arith.constant 900 : i32
        %parallel_loop3A_208 = arith.addi %parallel_loop3A_207, %parallel_loop3A_206 : i32
        %parallel_loop3A_209 = vector.broadcast %parallel_loop3A_208 : i32 to vector<16xi32>
        %parallel_loop3A_210 = arith.addi %mul3A_160, %parallel_loop3A_209 : vector<16xi32>
        %parallel_loop3A_211 = tpu.vector_load_idx %arg5[%parallel_loop3A_210] : memref<30400xf32, #tpu.memory_space<vmem>>[vector<16xi32>], vector<16xf32>,
        %parallel_loop3A_212 = arith.constant 150 : i32
        %parallel_loop3A_213 = arith.addi %parallel_loop3A_212, %parallel_loop3A_206 : i32
        %parallel_loop3A_214 = arith.constant 0.000000e+00 : f32
        %parallel_loop3A_215 = vector.broadcast %parallel_loop3A_214 : f32 to vector<16xf32>
        %parallel_loop3A_216 = arith.cmpf ogt, %parallel_loop3A_211, %parallel_loop3A_215 : vector<16xf32>
        %parallel_loop3A_217 = arith.constant 1.000000e+00 : f32
        %parallel_loop3A_218 = arith.constant 0.000000e+00 : f32
        %parallel_loop3A_219 = vector.broadcast %parallel_loop3A_217 : f32 to vector<16xf32>
        %parallel_loop3A_220 = vector.broadcast %parallel_loop3A_218 : f32 to vector<16xf32>
        %parallel_loop3A_221 = arith.select %parallel_loop3A_216, %parallel_loop3A_219, %parallel_loop3A_220 : vector<16xi1>, vector<16xf32>
        %parallel_loop3A_222 = vector.broadcast %parallel_loop3A_213 : i32 to vector<16xi32>
        %parallel_loop3A_223 = arith.addi %mul3A_163, %parallel_loop3A_222 : vector<16xi32>
        tpu.vector_store_idx %arg7[%parallel_loop3A_223], %parallel_loop3A_221 : memref<6400xf32, #tpu.memory_space<vmem>>[vector<16xi32>], vector<16xf32>,
      } {sc.loop_unroll_factor = 8 : i64, sc.parallel_access}
      %add3A_173 = arith.constant 16 : i32
      %add3A_174 = vector.broadcast %add3A_173 : i32 to vector<16xi32>
      %add3A_175 = arith.addi %iota3A, %add3A_174 : vector<16xi32>
      %mul3A_176 = arith.constant 950 : i32
      %mul3A_177 = vector.broadcast %mul3A_176 : i32 to vector<16xi32>
      %mul3A_178 = arith.muli %add3A_175, %mul3A_177 : vector<16xi32>
      %mul3A_179 = arith.constant 200 : i32
      %mul3A_180 = vector.broadcast %mul3A_179 : i32 to vector<16xi32>
      %mul3A_181 = arith.muli %add3A_175, %mul3A_180 : vector<16xi32>
      %parallel_loop3A_182 = arith.constant 0 : i32
      %parallel_loop3A_183 = arith.constant 100 : i32
      %parallel_loop3A_184 = arith.constant 1 : i32
      scf.for %parallel_loop3A_206 = %parallel_loop3A_182 to %parallel_loop3A_183 step %parallel_loop3A_184  : i32 {
        %parallel_loop3A_207 = vector.broadcast %parallel_loop3A_206 : i32 to vector<16xi32>
        %parallel_loop3A_208 = arith.addi %mul3A_178, %parallel_loop3A_207 : vector<16xi32>
        %parallel_loop3A_209 = tpu.vector_load_idx %arg5[%parallel_loop3A_208] : memref<30400xf32, #tpu.memory_space<vmem>>[vector<16xi32>], vector<16xf32>,
        %parallel_loop3A_210 = arith.constant 0.000000e+00 : f32
        %parallel_loop3A_211 = vector.broadcast %parallel_loop3A_210 : f32 to vector<16xf32>
        %parallel_loop3A_212 = arith.subf %parallel_loop3A_211, %parallel_loop3A_209 : vector<16xf32>
        %parallel_loop3A_213 = math.exp %parallel_loop3A_212 : vector<16xf32>
        %parallel_loop3A_214 = arith.constant 1.000000e+00 : f32
        %parallel_loop3A_215 = vector.broadcast %parallel_loop3A_214 : f32 to vector<16xf32>
        %parallel_loop3A_216 = arith.addf %parallel_loop3A_215, %parallel_loop3A_213 : vector<16xf32>
        %parallel_loop3A_217 = arith.constant 1.000000e+00 : f32
        %parallel_loop3A_218 = vector.broadcast %parallel_loop3A_217 : f32 to vector<16xf32>
        %parallel_loop3A_219 = arith.divf %parallel_loop3A_218, %parallel_loop3A_216 : vector<16xf32>
        %parallel_loop3A_220 = vector.broadcast %parallel_loop3A_206 : i32 to vector<16xi32>
        %parallel_loop3A_221 = arith.addi %mul3A_181, %parallel_loop3A_220 : vector<16xi32>
        tpu.vector_store_idx %arg7[%parallel_loop3A_221], %parallel_loop3A_219 : memref<6400xf32, #tpu.memory_space<vmem>>[vector<16xi32>], vector<16xf32>,
      } {sc.loop_unroll_factor = 10 : i64, sc.parallel_access}
      %parallel_loop3A_185 = arith.constant 0 : i32
      %parallel_loop3A_186 = arith.constant 50 : i32
      %parallel_loop3A_187 = arith.constant 1 : i32
      scf.for %parallel_loop3A_206 = %parallel_loop3A_185 to %parallel_loop3A_186 step %parallel_loop3A_187  : i32 {
        %parallel_loop3A_207 = arith.constant 16 : i32
        %parallel_loop3A_208 = arith.muli %parallel_loop3A_207, %parallel_loop3A_206 : i32
        %parallel_loop3A_209 = arith.constant 100 : i32
        %parallel_loop3A_210 = arith.addi %parallel_loop3A_209, %parallel_loop3A_208 : i32
        %parallel_loop3A_211 = arith.constant 0 : i32
        %parallel_loop3A_212 = arith.addi %parallel_loop3A_210, %parallel_loop3A_211 : i32
        %parallel_loop3A_213 = vector.broadcast %parallel_loop3A_212 : i32 to vector<16xi32>
        %parallel_loop3A_214 = arith.addi %mul3A_178, %parallel_loop3A_213 : vector<16xi32>
        %parallel_loop3A_215 = tpu.vector_load_idx %arg5[%parallel_loop3A_214] : memref<30400xf32, #tpu.memory_space<vmem>>[vector<16xi32>], vector<16xf32>,
        %parallel_loop3A_216 = arith.constant 1 : i32
        %parallel_loop3A_217 = arith.addi %parallel_loop3A_210, %parallel_loop3A_216 : i32
        %parallel_loop3A_218 = vector.broadcast %parallel_loop3A_217 : i32 to vector<16xi32>
        %parallel_loop3A_219 = arith.addi %mul3A_178, %parallel_loop3A_218 : vector<16xi32>
        %parallel_loop3A_220 = tpu.vector_load_idx %arg5[%parallel_loop3A_219] : memref<30400xf32, #tpu.memory_space<vmem>>[vector<16xi32>], vector<16xf32>,
        %parallel_loop3A_221 = arith.constant 2 : i32
        %parallel_loop3A_222 = arith.addi %parallel_loop3A_210, %parallel_loop3A_221 : i32
        %parallel_loop3A_223 = vector.broadcast %parallel_loop3A_222 : i32 to vector<16xi32>
        %parallel_loop3A_224 = arith.addi %mul3A_178, %parallel_loop3A_223 : vector<16xi32>
        %parallel_loop3A_225 = tpu.vector_load_idx %arg5[%parallel_loop3A_224] : memref<30400xf32, #tpu.memory_space<vmem>>[vector<16xi32>], vector<16xf32>,
        %parallel_loop3A_226 = arith.constant 3 : i32
        %parallel_loop3A_227 = arith.addi %parallel_loop3A_210, %parallel_loop3A_226 : i32
        %parallel_loop3A_228 = vector.broadcast %parallel_loop3A_227 : i32 to vector<16xi32>
        %parallel_loop3A_229 = arith.addi %mul3A_178, %parallel_loop3A_228 : vector<16xi32>
        %parallel_loop3A_230 = tpu.vector_load_idx %arg5[%parallel_loop3A_229] : memref<30400xf32, #tpu.memory_space<vmem>>[vector<16xi32>], vector<16xf32>,
        %parallel_loop3A_231 = arith.constant 4 : i32
        %parallel_loop3A_232 = arith.addi %parallel_loop3A_210, %parallel_loop3A_231 : i32
        %parallel_loop3A_233 = vector.broadcast %parallel_loop3A_232 : i32 to vector<16xi32>
        %parallel_loop3A_234 = arith.addi %mul3A_178, %parallel_loop3A_233 : vector<16xi32>
        %parallel_loop3A_235 = tpu.vector_load_idx %arg5[%parallel_loop3A_234] : memref<30400xf32, #tpu.memory_space<vmem>>[vector<16xi32>], vector<16xf32>,
        %parallel_loop3A_236 = arith.constant 5 : i32
        %parallel_loop3A_237 = arith.addi %parallel_loop3A_210, %parallel_loop3A_236 : i32
        %parallel_loop3A_238 = vector.broadcast %parallel_loop3A_237 : i32 to vector<16xi32>
        %parallel_loop3A_239 = arith.addi %mul3A_178, %parallel_loop3A_238 : vector<16xi32>
        %parallel_loop3A_240 = tpu.vector_load_idx %arg5[%parallel_loop3A_239] : memref<30400xf32, #tpu.memory_space<vmem>>[vector<16xi32>], vector<16xf32>,
        %parallel_loop3A_241 = arith.constant 6 : i32
        %parallel_loop3A_242 = arith.addi %parallel_loop3A_210, %parallel_loop3A_241 : i32
        %parallel_loop3A_243 = vector.broadcast %parallel_loop3A_242 : i32 to vector<16xi32>
        %parallel_loop3A_244 = arith.addi %mul3A_178, %parallel_loop3A_243 : vector<16xi32>
        %parallel_loop3A_245 = tpu.vector_load_idx %arg5[%parallel_loop3A_244] : memref<30400xf32, #tpu.memory_space<vmem>>[vector<16xi32>], vector<16xf32>,
        %parallel_loop3A_246 = arith.constant 7 : i32
        %parallel_loop3A_247 = arith.addi %parallel_loop3A_210, %parallel_loop3A_246 : i32
        %parallel_loop3A_248 = vector.broadcast %parallel_loop3A_247 : i32 to vector<16xi32>
        %parallel_loop3A_249 = arith.addi %mul3A_178, %parallel_loop3A_248 : vector<16xi32>
        %parallel_loop3A_250 = tpu.vector_load_idx %arg5[%parallel_loop3A_249] : memref<30400xf32, #tpu.memory_space<vmem>>[vector<16xi32>], vector<16xf32>,
        %parallel_loop3A_251 = arith.constant 8 : i32
        %parallel_loop3A_252 = arith.addi %parallel_loop3A_210, %parallel_loop3A_251 : i32
        %parallel_loop3A_253 = vector.broadcast %parallel_loop3A_252 : i32 to vector<16xi32>
        %parallel_loop3A_254 = arith.addi %mul3A_178, %parallel_loop3A_253 : vector<16xi32>
        %parallel_loop3A_255 = tpu.vector_load_idx %arg5[%parallel_loop3A_254] : memref<30400xf32, #tpu.memory_space<vmem>>[vector<16xi32>], vector<16xf32>,
        %parallel_loop3A_256 = arith.constant 9 : i32
        %parallel_loop3A_257 = arith.addi %parallel_loop3A_210, %parallel_loop3A_256 : i32
        %parallel_loop3A_258 = vector.broadcast %parallel_loop3A_257 : i32 to vector<16xi32>
        %parallel_loop3A_259 = arith.addi %mul3A_178, %parallel_loop3A_258 : vector<16xi32>
        %parallel_loop3A_260 = tpu.vector_load_idx %arg5[%parallel_loop3A_259] : memref<30400xf32, #tpu.memory_space<vmem>>[vector<16xi32>], vector<16xf32>,
        %parallel_loop3A_261 = arith.constant 10 : i32
        %parallel_loop3A_262 = arith.addi %parallel_loop3A_210, %parallel_loop3A_261 : i32
        %parallel_loop3A_263 = vector.broadcast %parallel_loop3A_262 : i32 to vector<16xi32>
        %parallel_loop3A_264 = arith.addi %mul3A_178, %parallel_loop3A_263 : vector<16xi32>
        %parallel_loop3A_265 = tpu.vector_load_idx %arg5[%parallel_loop3A_264] : memref<30400xf32, #tpu.memory_space<vmem>>[vector<16xi32>], vector<16xf32>,
        %parallel_loop3A_266 = arith.constant 11 : i32
        %parallel_loop3A_267 = arith.addi %parallel_loop3A_210, %parallel_loop3A_266 : i32
        %parallel_loop3A_268 = vector.broadcast %parallel_loop3A_267 : i32 to vector<16xi32>
        %parallel_loop3A_269 = arith.addi %mul3A_178, %parallel_loop3A_268 : vector<16xi32>
        %parallel_loop3A_270 = tpu.vector_load_idx %arg5[%parallel_loop3A_269] : memref<30400xf32, #tpu.memory_space<vmem>>[vector<16xi32>], vector<16xf32>,
        %parallel_loop3A_271 = arith.constant 12 : i32
        %parallel_loop3A_272 = arith.addi %parallel_loop3A_210, %parallel_loop3A_271 : i32
        %parallel_loop3A_273 = vector.broadcast %parallel_loop3A_272 : i32 to vector<16xi32>
        %parallel_loop3A_274 = arith.addi %mul3A_178, %parallel_loop3A_273 : vector<16xi32>
        %parallel_loop3A_275 = tpu.vector_load_idx %arg5[%parallel_loop3A_274] : memref<30400xf32, #tpu.memory_space<vmem>>[vector<16xi32>], vector<16xf32>,
        %parallel_loop3A_276 = arith.constant 13 : i32
        %parallel_loop3A_277 = arith.addi %parallel_loop3A_210, %parallel_loop3A_276 : i32
        %parallel_loop3A_278 = vector.broadcast %parallel_loop3A_277 : i32 to vector<16xi32>
        %parallel_loop3A_279 = arith.addi %mul3A_178, %parallel_loop3A_278 : vector<16xi32>
        %parallel_loop3A_280 = tpu.vector_load_idx %arg5[%parallel_loop3A_279] : memref<30400xf32, #tpu.memory_space<vmem>>[vector<16xi32>], vector<16xf32>,
        %parallel_loop3A_281 = arith.constant 14 : i32
        %parallel_loop3A_282 = arith.addi %parallel_loop3A_210, %parallel_loop3A_281 : i32
        %parallel_loop3A_283 = vector.broadcast %parallel_loop3A_282 : i32 to vector<16xi32>
        %parallel_loop3A_284 = arith.addi %mul3A_178, %parallel_loop3A_283 : vector<16xi32>
        %parallel_loop3A_285 = tpu.vector_load_idx %arg5[%parallel_loop3A_284] : memref<30400xf32, #tpu.memory_space<vmem>>[vector<16xi32>], vector<16xf32>,
        %parallel_loop3A_286 = arith.constant 15 : i32
        %parallel_loop3A_287 = arith.addi %parallel_loop3A_210, %parallel_loop3A_286 : i32
        %parallel_loop3A_288 = vector.broadcast %parallel_loop3A_287 : i32 to vector<16xi32>
        %parallel_loop3A_289 = arith.addi %mul3A_178, %parallel_loop3A_288 : vector<16xi32>
        %parallel_loop3A_290 = tpu.vector_load_idx %arg5[%parallel_loop3A_289] : memref<30400xf32, #tpu.memory_space<vmem>>[vector<16xi32>], vector<16xf32>,
        %parallel_loop3A_291 = arith.cmpf ogt, %parallel_loop3A_220, %parallel_loop3A_215 : vector<16xf32>
        %parallel_loop3A_292 = arith.select %parallel_loop3A_291, %parallel_loop3A_220, %parallel_loop3A_215 : vector<16xi1>, vector<16xf32>
        %parallel_loop3A_293 = arith.constant 1.000000e+00 : f32
        %parallel_loop3A_294 = arith.constant 0.000000e+00 : f32
        %parallel_loop3A_295 = vector.broadcast %parallel_loop3A_293 : f32 to vector<16xf32>
        %parallel_loop3A_296 = vector.broadcast %parallel_loop3A_294 : f32 to vector<16xf32>
        %parallel_loop3A_297 = arith.select %parallel_loop3A_291, %parallel_loop3A_295, %parallel_loop3A_296 : vector<16xi1>, vector<16xf32>
        %parallel_loop3A_298 = arith.cmpf ogt, %parallel_loop3A_230, %parallel_loop3A_225 : vector<16xf32>
        %parallel_loop3A_299 = arith.select %parallel_loop3A_298, %parallel_loop3A_230, %parallel_loop3A_225 : vector<16xi1>, vector<16xf32>
        %parallel_loop3A_300 = arith.constant 3.000000e+00 : f32
        %parallel_loop3A_301 = arith.constant 2.000000e+00 : f32
        %parallel_loop3A_302 = vector.broadcast %parallel_loop3A_300 : f32 to vector<16xf32>
        %parallel_loop3A_303 = vector.broadcast %parallel_loop3A_301 : f32 to vector<16xf32>
        %parallel_loop3A_304 = arith.select %parallel_loop3A_298, %parallel_loop3A_302, %parallel_loop3A_303 : vector<16xi1>, vector<16xf32>
        %parallel_loop3A_305 = arith.cmpf ogt, %parallel_loop3A_240, %parallel_loop3A_235 : vector<16xf32>
        %parallel_loop3A_306 = arith.select %parallel_loop3A_305, %parallel_loop3A_240, %parallel_loop3A_235 : vector<16xi1>, vector<16xf32>
        %parallel_loop3A_307 = arith.constant 5.000000e+00 : f32
        %parallel_loop3A_308 = arith.constant 4.000000e+00 : f32
        %parallel_loop3A_309 = vector.broadcast %parallel_loop3A_307 : f32 to vector<16xf32>
        %parallel_loop3A_310 = vector.broadcast %parallel_loop3A_308 : f32 to vector<16xf32>
        %parallel_loop3A_311 = arith.select %parallel_loop3A_305, %parallel_loop3A_309, %parallel_loop3A_310 : vector<16xi1>, vector<16xf32>
        %parallel_loop3A_312 = arith.cmpf ogt, %parallel_loop3A_250, %parallel_loop3A_245 : vector<16xf32>
        %parallel_loop3A_313 = arith.select %parallel_loop3A_312, %parallel_loop3A_250, %parallel_loop3A_245 : vector<16xi1>, vector<16xf32>
        %parallel_loop3A_314 = arith.constant 7.000000e+00 : f32
        %parallel_loop3A_315 = arith.constant 6.000000e+00 : f32
        %parallel_loop3A_316 = vector.broadcast %parallel_loop3A_314 : f32 to vector<16xf32>
        %parallel_loop3A_317 = vector.broadcast %parallel_loop3A_315 : f32 to vector<16xf32>
        %parallel_loop3A_318 = arith.select %parallel_loop3A_312, %parallel_loop3A_316, %parallel_loop3A_317 : vector<16xi1>, vector<16xf32>
        %parallel_loop3A_319 = arith.cmpf ogt, %parallel_loop3A_260, %parallel_loop3A_255 : vector<16xf32>
        %parallel_loop3A_320 = arith.select %parallel_loop3A_319, %parallel_loop3A_260, %parallel_loop3A_255 : vector<16xi1>, vector<16xf32>
        %parallel_loop3A_321 = arith.constant 9.000000e+00 : f32
        %parallel_loop3A_322 = arith.constant 8.000000e+00 : f32
        %parallel_loop3A_323 = vector.broadcast %parallel_loop3A_321 : f32 to vector<16xf32>
        %parallel_loop3A_324 = vector.broadcast %parallel_loop3A_322 : f32 to vector<16xf32>
        %parallel_loop3A_325 = arith.select %parallel_loop3A_319, %parallel_loop3A_323, %parallel_loop3A_324 : vector<16xi1>, vector<16xf32>
        %parallel_loop3A_326 = arith.cmpf ogt, %parallel_loop3A_270, %parallel_loop3A_265 : vector<16xf32>
        %parallel_loop3A_327 = arith.select %parallel_loop3A_326, %parallel_loop3A_270, %parallel_loop3A_265 : vector<16xi1>, vector<16xf32>
        %parallel_loop3A_328 = arith.constant 1.100000e+01 : f32
        %parallel_loop3A_329 = arith.constant 1.000000e+01 : f32
        %parallel_loop3A_330 = vector.broadcast %parallel_loop3A_328 : f32 to vector<16xf32>
        %parallel_loop3A_331 = vector.broadcast %parallel_loop3A_329 : f32 to vector<16xf32>
        %parallel_loop3A_332 = arith.select %parallel_loop3A_326, %parallel_loop3A_330, %parallel_loop3A_331 : vector<16xi1>, vector<16xf32>
        %parallel_loop3A_333 = arith.cmpf ogt, %parallel_loop3A_280, %parallel_loop3A_275 : vector<16xf32>
        %parallel_loop3A_334 = arith.select %parallel_loop3A_333, %parallel_loop3A_280, %parallel_loop3A_275 : vector<16xi1>, vector<16xf32>
        %parallel_loop3A_335 = arith.constant 1.300000e+01 : f32
        %parallel_loop3A_336 = arith.constant 1.200000e+01 : f32
        %parallel_loop3A_337 = vector.broadcast %parallel_loop3A_335 : f32 to vector<16xf32>
        %parallel_loop3A_338 = vector.broadcast %parallel_loop3A_336 : f32 to vector<16xf32>
        %parallel_loop3A_339 = arith.select %parallel_loop3A_333, %parallel_loop3A_337, %parallel_loop3A_338 : vector<16xi1>, vector<16xf32>
        %parallel_loop3A_340 = arith.cmpf ogt, %parallel_loop3A_290, %parallel_loop3A_285 : vector<16xf32>
        %parallel_loop3A_341 = arith.select %parallel_loop3A_340, %parallel_loop3A_290, %parallel_loop3A_285 : vector<16xi1>, vector<16xf32>
        %parallel_loop3A_342 = arith.constant 1.500000e+01 : f32
        %parallel_loop3A_343 = arith.constant 1.400000e+01 : f32
        %parallel_loop3A_344 = vector.broadcast %parallel_loop3A_342 : f32 to vector<16xf32>
        %parallel_loop3A_345 = vector.broadcast %parallel_loop3A_343 : f32 to vector<16xf32>
        %parallel_loop3A_346 = arith.select %parallel_loop3A_340, %parallel_loop3A_344, %parallel_loop3A_345 : vector<16xi1>, vector<16xf32>
        %parallel_loop3A_347 = arith.cmpf ogt, %parallel_loop3A_299, %parallel_loop3A_292 : vector<16xf32>
        %parallel_loop3A_348 = arith.select %parallel_loop3A_347, %parallel_loop3A_299, %parallel_loop3A_292 : vector<16xi1>, vector<16xf32>
        %parallel_loop3A_349 = arith.select %parallel_loop3A_347, %parallel_loop3A_304, %parallel_loop3A_297 : vector<16xi1>, vector<16xf32>
        %parallel_loop3A_350 = arith.cmpf ogt, %parallel_loop3A_313, %parallel_loop3A_306 : vector<16xf32>
        %parallel_loop3A_351 = arith.select %parallel_loop3A_350, %parallel_loop3A_313, %parallel_loop3A_306 : vector<16xi1>, vector<16xf32>
        %parallel_loop3A_352 = arith.select %parallel_loop3A_350, %parallel_loop3A_318, %parallel_loop3A_311 : vector<16xi1>, vector<16xf32>
        %parallel_loop3A_353 = arith.cmpf ogt, %parallel_loop3A_327, %parallel_loop3A_320 : vector<16xf32>
        %parallel_loop3A_354 = arith.select %parallel_loop3A_353, %parallel_loop3A_327, %parallel_loop3A_320 : vector<16xi1>, vector<16xf32>
        %parallel_loop3A_355 = arith.select %parallel_loop3A_353, %parallel_loop3A_332, %parallel_loop3A_325 : vector<16xi1>, vector<16xf32>
        %parallel_loop3A_356 = arith.cmpf ogt, %parallel_loop3A_341, %parallel_loop3A_334 : vector<16xf32>
        %parallel_loop3A_357 = arith.select %parallel_loop3A_356, %parallel_loop3A_341, %parallel_loop3A_334 : vector<16xi1>, vector<16xf32>
        %parallel_loop3A_358 = arith.select %parallel_loop3A_356, %parallel_loop3A_346, %parallel_loop3A_339 : vector<16xi1>, vector<16xf32>
        %parallel_loop3A_359 = arith.cmpf ogt, %parallel_loop3A_351, %parallel_loop3A_348 : vector<16xf32>
        %parallel_loop3A_360 = arith.select %parallel_loop3A_359, %parallel_loop3A_351, %parallel_loop3A_348 : vector<16xi1>, vector<16xf32>
        %parallel_loop3A_361 = arith.select %parallel_loop3A_359, %parallel_loop3A_352, %parallel_loop3A_349 : vector<16xi1>, vector<16xf32>
        %parallel_loop3A_362 = arith.cmpf ogt, %parallel_loop3A_357, %parallel_loop3A_354 : vector<16xf32>
        %parallel_loop3A_363 = arith.select %parallel_loop3A_362, %parallel_loop3A_357, %parallel_loop3A_354 : vector<16xi1>, vector<16xf32>
        %parallel_loop3A_364 = arith.select %parallel_loop3A_362, %parallel_loop3A_358, %parallel_loop3A_355 : vector<16xi1>, vector<16xf32>
        %parallel_loop3A_365 = arith.cmpf ogt, %parallel_loop3A_363, %parallel_loop3A_360 : vector<16xf32>
        %parallel_loop3A_366 = arith.select %parallel_loop3A_365, %parallel_loop3A_363, %parallel_loop3A_360 : vector<16xi1>, vector<16xf32>
        %parallel_loop3A_367 = arith.select %parallel_loop3A_365, %parallel_loop3A_364, %parallel_loop3A_361 : vector<16xi1>, vector<16xf32>
        %parallel_loop3A_368 = arith.constant 100 : i32
        %parallel_loop3A_369 = arith.addi %parallel_loop3A_368, %parallel_loop3A_206 : i32
        %parallel_loop3A_370 = vector.broadcast %parallel_loop3A_369 : i32 to vector<16xi32>
        %parallel_loop3A_371 = arith.addi %mul3A_181, %parallel_loop3A_370 : vector<16xi32>
        tpu.vector_store_idx %arg7[%parallel_loop3A_371], %parallel_loop3A_367 : memref<6400xf32, #tpu.memory_space<vmem>>[vector<16xi32>], vector<16xf32>,
      } {sc.loop_unroll_factor = 4 : i64, sc.parallel_access}
      %parallel_loop3A_188 = arith.constant 0 : i32
      %parallel_loop3A_189 = arith.constant 50 : i32
      %parallel_loop3A_190 = arith.constant 1 : i32
      scf.for %parallel_loop3A_206 = %parallel_loop3A_188 to %parallel_loop3A_189 step %parallel_loop3A_190  : i32 {
        %parallel_loop3A_207 = arith.constant 900 : i32
        %parallel_loop3A_208 = arith.addi %parallel_loop3A_207, %parallel_loop3A_206 : i32
        %parallel_loop3A_209 = vector.broadcast %parallel_loop3A_208 : i32 to vector<16xi32>
        %parallel_loop3A_210 = arith.addi %mul3A_178, %parallel_loop3A_209 : vector<16xi32>
        %parallel_loop3A_211 = tpu.vector_load_idx %arg5[%parallel_loop3A_210] : memref<30400xf32, #tpu.memory_space<vmem>>[vector<16xi32>], vector<16xf32>,
        %parallel_loop3A_212 = arith.constant 150 : i32
        %parallel_loop3A_213 = arith.addi %parallel_loop3A_212, %parallel_loop3A_206 : i32
        %parallel_loop3A_214 = arith.constant 0.000000e+00 : f32
        %parallel_loop3A_215 = vector.broadcast %parallel_loop3A_214 : f32 to vector<16xf32>
        %parallel_loop3A_216 = arith.cmpf ogt, %parallel_loop3A_211, %parallel_loop3A_215 : vector<16xf32>
        %parallel_loop3A_217 = arith.constant 1.000000e+00 : f32
        %parallel_loop3A_218 = arith.constant 0.000000e+00 : f32
        %parallel_loop3A_219 = vector.broadcast %parallel_loop3A_217 : f32 to vector<16xf32>
        %parallel_loop3A_220 = vector.broadcast %parallel_loop3A_218 : f32 to vector<16xf32>
        %parallel_loop3A_221 = arith.select %parallel_loop3A_216, %parallel_loop3A_219, %parallel_loop3A_220 : vector<16xi1>, vector<16xf32>
        %parallel_loop3A_222 = vector.broadcast %parallel_loop3A_213 : i32 to vector<16xi32>
        %parallel_loop3A_223 = arith.addi %mul3A_181, %parallel_loop3A_222 : vector<16xi32>
        tpu.vector_store_idx %arg7[%parallel_loop3A_223], %parallel_loop3A_221 : memref<6400xf32, #tpu.memory_space<vmem>>[vector<16xi32>], vector<16xf32>,
      } {sc.loop_unroll_factor = 8 : i64, sc.parallel_access}
      %mul3A_191 = arith.constant 32 : i32
      %mul3A_192 = arith.muli %add3A_127, %mul3A_191 : i32
      %add3A_193 = arith.addi %mul3A_2, %mul3A_192 : i32
      %mul3A_194 = arith.constant 200 : i32
      %mul3A_195 = arith.muli %add3A_193, %mul3A_194 : i32
      %dma_start3A_196 = arith.constant 3 : i32
      %dma_start3A_197 = arith.constant 0 : i32
      %dma_start3A_198 = tpu.memref_slice %arg7[%dma_start3A_197] : memref<6400xf32, #tpu.memory_space<vmem>> -> memref<6400xf32, #tpu.memory_space<vmem>>
      %dma_start3A_199 = tpu.memref_slice %arg3[%mul3A_195] : memref<3276800xf32, #tpu.memory_space<hbm>> -> memref<6400xf32, #tpu.memory_space<hbm>>
      %dma_start3A_200 = tpu.memref_slice %arg8[%dma_start3A_196] : memref<4x!tpu.dma_semaphore, #tpu.memory_space<semaphore_mem>> -> memref<1x!tpu.dma_semaphore, #tpu.memory_space<semaphore_mem>>
      %dma_start3A_201 = tpu.memref_squeeze %dma_start3A_200 : memref<1x!tpu.dma_semaphore, #tpu.memory_space<semaphore_mem>> -> memref<!tpu.dma_semaphore, #tpu.memory_space<semaphore_mem>>
      %dma_start3A_202 = tpu.memref_slice %arg3[%mul3A_195] : memref<3276800xf32, #tpu.memory_space<hbm>> -> memref<6400xf32, #tpu.memory_space<hbm>>
      %dma_start3A_203 = arith.constant 0 : i32
      %dma_start3A_204 = tpu.memref_slice %arg7[%dma_start3A_203] : memref<6400xf32, #tpu.memory_space<vmem>> -> memref<6400xf32, #tpu.memory_space<vmem>>
      tpu.enqueue_dma source(%dma_start3A_204 : memref<6400xf32, #tpu.memory_space<vmem>>) target(%dma_start3A_202 : memref<6400xf32, #tpu.memory_space<hbm>>) target_semaphore(%dma_start3A_201 : memref<!tpu.dma_semaphore, #tpu.memory_space<semaphore_mem>>)
      %scan3A_205 = arith.constant 0 : i32
      scf.yield %scan3A_205 : i32
    }
    %scan3A_20 = arith.constant 8 : i32
    %add3A_21 = arith.constant 448 : i32
    %add3A_22 = arith.addi %mul3A_2, %add3A_21 : i32
    %mul3A_23 = arith.constant 200 : i32
    %mul3A_24 = arith.muli %add3A_22, %mul3A_23 : i32
    %dma_wait3A = arith.constant 2 : i32
    %dma_wait3A_25 = arith.constant 0 : i32
    %dma_wait3A_26 = tpu.memref_slice %arg6[%dma_wait3A_25] : memref<6400xf32, #tpu.memory_space<vmem>> -> memref<6400xf32, #tpu.memory_space<vmem>>
    %dma_wait3A_27 = tpu.memref_slice %arg3[%mul3A_24] : memref<3276800xf32, #tpu.memory_space<hbm>> -> memref<6400xf32, #tpu.memory_space<hbm>>
    %dma_wait3A_28 = tpu.memref_slice %arg8[%dma_wait3A] : memref<4x!tpu.dma_semaphore, #tpu.memory_space<semaphore_mem>> -> memref<1x!tpu.dma_semaphore, #tpu.memory_space<semaphore_mem>>
    %dma_wait3A_29 = tpu.memref_squeeze %dma_wait3A_28 : memref<1x!tpu.dma_semaphore, #tpu.memory_space<semaphore_mem>> -> memref<!tpu.dma_semaphore, #tpu.memory_space<semaphore_mem>>
    %dma_wait3A_30 = tpu.memref_slice %arg3[%mul3A_24] : memref<3276800xf32, #tpu.memory_space<hbm>> -> memref<6400xf32, #tpu.memory_space<hbm>>
    %dma_wait3A_31 = arith.constant 0 : i32
    %dma_wait3A_32 = tpu.memref_slice %arg6[%dma_wait3A_31] : memref<6400xf32, #tpu.memory_space<vmem>> -> memref<6400xf32, #tpu.memory_space<vmem>>
    tpu.wait_dma2 semaphore(%dma_wait3A_29 : memref<!tpu.dma_semaphore, #tpu.memory_space<semaphore_mem>>) src(%dma_wait3A_32 : memref<6400xf32, #tpu.memory_space<vmem>>) dst(%dma_wait3A_30 : memref<6400xf32, #tpu.memory_space<hbm>>)
    %add3A_33 = arith.constant 480 : i32
    %add3A_34 = arith.addi %mul3A_2, %add3A_33 : i32
    %mul3A_35 = arith.constant 200 : i32
    %mul3A_36 = arith.muli %add3A_34, %mul3A_35 : i32
    %dma_wait3A_37 = arith.constant 3 : i32
    %dma_wait3A_38 = arith.constant 0 : i32
    %dma_wait3A_39 = tpu.memref_slice %arg7[%dma_wait3A_38] : memref<6400xf32, #tpu.memory_space<vmem>> -> memref<6400xf32, #tpu.memory_space<vmem>>
    %dma_wait3A_40 = tpu.memref_slice %arg3[%mul3A_36] : memref<3276800xf32, #tpu.memory_space<hbm>> -> memref<6400xf32, #tpu.memory_space<hbm>>
    %dma_wait3A_41 = tpu.memref_slice %arg8[%dma_wait3A_37] : memref<4x!tpu.dma_semaphore, #tpu.memory_space<semaphore_mem>> -> memref<1x!tpu.dma_semaphore, #tpu.memory_space<semaphore_mem>>
    %dma_wait3A_42 = tpu.memref_squeeze %dma_wait3A_41 : memref<1x!tpu.dma_semaphore, #tpu.memory_space<semaphore_mem>> -> memref<!tpu.dma_semaphore, #tpu.memory_space<semaphore_mem>>
    %dma_wait3A_43 = tpu.memref_slice %arg3[%mul3A_36] : memref<3276800xf32, #tpu.memory_space<hbm>> -> memref<6400xf32, #tpu.memory_space<hbm>>
    %dma_wait3A_44 = arith.constant 0 : i32
    %dma_wait3A_45 = tpu.memref_slice %arg7[%dma_wait3A_44] : memref<6400xf32, #tpu.memory_space<vmem>> -> memref<6400xf32, #tpu.memory_space<vmem>>
    tpu.wait_dma2 semaphore(%dma_wait3A_42 : memref<!tpu.dma_semaphore, #tpu.memory_space<semaphore_mem>>) src(%dma_wait3A_45 : memref<6400xf32, #tpu.memory_space<vmem>>) dst(%dma_wait3A_43 : memref<6400xf32, #tpu.memory_space<hbm>>)
    return
  }
}

</mosaic_0001>

<sc_bundles>
// kernel: kernel.3.cloned.1.call-start
scs
__scs_entry_jumppad:
0x0: {  	(pc) =	sbr.rel $0x88, $3  }
0x1: {  	(tag) =	ssettag $0x0;
	lr =	simm.s32 $0x1  }
0x2: {  	[smem:$0x3FA0] =	sst lr;
	_ =	strace $0xD0000000  }
0x3: {  	_ = 	snop  }
0x4: {  	_ = 	snop  }
0x5: {  	_ = 	snop  }
0x6: {  	_ = 	snop  }
0x7: {  	_ = 	snop  }
__scs_overlays_trampoline_lowered:
0x8: {  	[smem:$0x3FAF] =	sst s0  }
0x9: {  	[smem:$0x3FB0] =	sst s1  }
0xa: {  	[smem:$0x3FB1] =	sst s2  }
0xb: {  	[smem:$0x3FB2] =	sst s3  }
0xc: {  	[smem:$0x3FB3] =	sst s4  }
0xd: {  	[smem:$0x3FB4] =	sst s5  }
0xe: {  	[smem:$0x3FB5] =	sst s6  }
0xf: {  	[smem:$0x3FB6] =	sst s7  }
0x10: {  	[smem:$0x3FB7] =	sst s8  }
0x11: {  	[smem:$0x3FB8] =	sst s9;
	s0 =	simm.s32 @!p0 $0x0  }
0x12: {  	s1 =	sld [smem:$0x3F9E];
	s0 =	simm.s32 @p0 $0x1  }
0x13: {  	[smem:$0x3FB9] =	sst s0;
	s0 =	simm.s32 @!p1 $0x0  }
0x14: {  	s2 =	sld [smem:$0x3F9D];
	s0 =	simm.s32 @p1 $0x1  }
0x15: {  	[smem:$0x3FBA] =	sst s0;
	s0 =	simm.s32 @!p2 $0x0  }
0x16: {  	s3 =	sld [smem:$0x3FDB];
	s0 =	simm.s32 @p2 $0x1  }
0x17: {  	s4 =	simm.s32 $0x1BF5;
	[smem:$0x3FBC] =	sst s0  }
0x18: {  	s0 =	sld [smem:$0x3F9F];
	_ =	swait.ge [sflag:s4], $0x0  }
0x19: {  	s7 =	sld [smem:$0x3FA0]  }
0x1a: {  	s8 =	sadd.s32 $0xFFFFE003, lr  }
0x1b: {  	s9 =	sadd.s32 $0xFFFFFEF7, lr;
	s5 =	simm.s32 $0xFFFFFFFF;
	p2 =	slt.u32 s8, $0xFFFFF086  }
0x1c: {  	p1 =	slt.u32 s9, $0xF7A;
	s5 =	simm.s32 @!p2 $0x0  }
0x1d: {  	s5 =	simm.s32 @p1 $0x1;
	p0 =	seq.s32 s7, s2  }
0x1e: {  	s7 =	smul.u32 @!p0 $0xF7A, s2;
	p2 =	seq.s32 @!p0 s5, $0x0  }
0x1f: {  	s9 =	smul.u32 $0xF7A, s1;
	s8 =	simm.s32 @!p0 $0x1BF5;
	p2 =	por !p2, p0  }
0x20: {  	[sflag:s8] =	ssyncset.s32 @!p0 $0xFFFFF086;
	s6 =	sadd.s32 @!p0 s3, s7;
	s7 =	simm.s32 @!p0 $0x108  }
0x21: {  	s3 =	sadd.s32 s3, s9;
	s6 =	sadd.s32 @!p0 $0x88, s6;
	s7 =	simm.s32 @p2 $0x1082  }
0x22: {  	[simem:s7], [sflag:s8] =	dma.local @!p0 [hbm:s6], $0xF7A  }
0x23: {  	s9 =	sor.u32 $0xD0000000, s2;
	s6 =	simm.s32 $0x108;
	_ =	swait.ge @!p0 [sflag:s8], $0x0  }
0x24: {  	s3 =	sadd.s32 $0x88, s3;
	s6 =	simm.s32 @!p1 $0x1082;
	[sflag:s4] =	ssyncset.s32 $0xFFFFF086  }
0x25: {  	[simem:s6], [sflag:s4] =	dma.local [hbm:s3], $0xF7A  }
0x26: {  	[smem:$0x3FA0] =	sst s1;
	(tag) =	ssettag s2;
	_ =	strace s9  }
0x27: {  	s1 =	sld [smem:$0x3FB0]  }
0x28: {  	s2 =	sld [smem:$0x3FB1]  }
0x29: {  	s4 =	sld [smem:$0x3FB3]  }
0x2a: {  	p0 =	seq.s32 s5, $0x0;
	s5 =	sld [smem:$0x3FB4]  }
0x2b: {  	s6 =	sld [smem:$0x3FB5]  }
0x2c: {  	s7 =	sld [smem:$0x3FB6]  }
0x2d: {  	s3 =	simm.s32 $0x108;
	s8 =	sld [smem:$0x3FB7]  }
0x2e: {  	s3 =	simm.s32 @!p0 $0x1082;
	s9 =	sld [smem:$0x3FB8]  }
0x2f: {  	lr =	sadd.s32 s0, s3;
	s0 =	sld [smem:$0x3FAF]  }
0x30: {  	s3 =	sld [smem:$0x3FB2]  }
0x31: {  	[smem:$0x3FBB] =	sst s10  }
0x32: {  	s10 =	sld [smem:$0x3FB9];
	_ =	sdelay $0x3  }
0x33: {  	p0 =	seq.s32 s10, $0x1;
	s10 =	sld [smem:$0x3FBB];
	_ =	sdelay $0x3  }
0x34: {  	[smem:$0x3FBB] =	sst s10  }
0x35: {  	s10 =	sld [smem:$0x3FBA];
	_ =	sdelay $0x3  }
0x36: {  	p1 =	seq.s32 s10, $0x1;
	s10 =	sld [smem:$0x3FBB];
	_ =	sdelay $0x3  }
0x37: {  	[smem:$0x3FBB] =	sst s10  }
0x38: {  	s10 =	sld [smem:$0x3FBC]  }
0x39: {  	_ = 	snop;
	(pc) =	sbr.ind lr, $3  }
0x3a: {  	_ = 	snop  }
0x3b: {  	_ = 	snop  }
0x3c: {  	p2 =	seq.s32 s10, $0x1;
	s10 =	sld [smem:$0x3FBB]  }
0x3d: {  	_ =	shalt  }
0x3e: {  	_ =	shalt  }
0x3f: {  	_ =	shalt  }
0x40: {  	_ =	shalt  }
0x41: {  	_ =	shalt  }
0x42: {  	_ =	shalt  }
0x43: {  	_ =	shalt  }
0x44: {  	_ =	shalt  }
0x45: {  	_ =	shalt  }
0x46: {  	_ =	shalt  }
0x47: {  	_ =	shalt  }
0x48: {  	_ =	shalt  }
0x49: {  	_ =	shalt  }
0x4a: {  	_ =	shalt  }
0x4b: {  	_ =	shalt  }
0x4c: {  	_ =	shalt  }
0x4d: {  	_ =	shalt  }
0x4e: {  	_ =	shalt  }
0x4f: {  	_ =	shalt  }
0x50: {  	_ =	shalt  }
0x51: {  	_ =	shalt  }
0x52: {  	_ =	shalt  }
0x53: {  	_ =	shalt  }
0x54: {  	_ =	shalt  }
0x55: {  	_ =	shalt  }
0x56: {  	_ =	shalt  }
0x57: {  	_ =	shalt  }
0x58: {  	_ =	shalt  }
0x59: {  	_ =	shalt  }
0x5a: {  	_ =	shalt  }
0x5b: {  	_ =	shalt  }
0x5c: {  	_ =	shalt  }
0x5d: {  	_ =	shalt  }
0x5e: {  	_ =	shalt  }
0x5f: {  	_ =	shalt  }
0x60: {  	_ =	shalt  }
0x61: {  	_ =	shalt  }
0x62: {  	_ =	shalt  }
0x63: {  	_ =	shalt  }
0x64: {  	_ =	shalt  }
0x65: {  	_ =	shalt  }
0x66: {  	_ =	shalt  }
0x67: {  	_ =	shalt  }
0x68: {  	_ =	shalt  }
0x69: {  	_ =	shalt  }
0x6a: {  	_ =	shalt  }
0x6b: {  	_ =	shalt  }
0x6c: {  	_ =	shalt  }
0x6d: {  	_ =	shalt  }
0x6e: {  	_ =	shalt  }
0x6f: {  	_ =	shalt  }
0x70: {  	_ =	shalt  }
0x71: {  	_ =	shalt  }
0x72: {  	_ =	shalt  }
0x73: {  	_ =	shalt  }
0x74: {  	_ =	shalt  }
0x75: {  	_ =	shalt  }
0x76: {  	_ =	shalt  }
0x77: {  	_ =	shalt  }
0x78: {  	_ =	shalt  }
0x79: {  	_ =	shalt  }
0x7a: {  	_ =	shalt  }
0x7b: {  	_ =	shalt  }
0x7c: {  	_ =	shalt  }
0x7d: {  	_ =	shalt  }
0x7e: {  	_ =	shalt  }
0x7f: {  	_ =	shalt  }
0x80: {  	_ =	shalt  }
0x81: {  	_ =	shalt  }
0x82: {  	_ =	shalt  }
0x83: {  	_ =	shalt  }
0x84: {  	_ =	shalt  }
0x85: {  	_ =	shalt  }
0x86: {  	_ =	shalt  }
0x87: {  	_ =	shalt  }
.Lfunc_end0:
.L_simem_size_0:
called_computation_lowered:
.L_overlay_start_0:
0x88: {  	s2 =	sld [smem:$0x3FD9]  }
0x89: {  	s3 =	sld [smem:$0x3FFE];
	_ =	sdelay $0x1  }
0x8a: {  	s1 =	srdreg.scid  }
0x8b: {  	s0 =	sand.u32 $0x1, s1  }
0x8c: {  	s17 =	sshll.u32 s0, $0xA;
	s2 =	sadd.s32 s3, s2  }
0x8d: {  	s2 =	sadd.s32 s2, s17  }
0x8e: {  	[smem:$0x3FC7] =	sst s2  }
0x8f: {  	_ = 	snop  }
0x90: {  	s2 =	sld [smem:$0x3FD0];
	(tm) =	ssettm $0x1  }
0x91: {  	s18 =	sld [smem:$0x3FFB];
	_ =	sdelay $0x3  }
0x92: {  	_ =	strace s18  }
0x93: {  	s3 =	sld [smem:$0x3FFC];
	_ =	sdelay $0x3  }
0x94: {  	_ =	strace s3  }
0x95: {  	s3 =	sld [smem:$0x3FFD];
	_ =	sdelay $0x3  }
0x96: {  	_ =	strace s3  }
0x97: {  	_ =	strace $0x8FFFFFFF  }
0x98: {  	s19 =	sld [smem:$0x3FDB];
	_ =	sdelay $0x1  }
0x99: {  	s4 =	simm.s32 $_scs_section_size  }
0x9a: {  	s5 =	simm.s32 $_size__tile_overlayer_lowered;
	s6 =	simm.s32 $_tile_overlayer_lowered  }
0x9b: {  	s22 =	simm.s32 $0x1BFF;
	s21 =	sshll.u32 s6, $0x1;
	s3 =	sadd.s32 s4, s19  }
0x9c: {  	s7 =	simm.s32 $0x0;
	s20 =	sshll.u32 s5, $0x1;
	s5 =	sadd.s32 s21, s3  }
0x9d: {  	[timem:s7], [sflag:s22] =	dma.local [hbm:s5], s20  }
0x9e: {  	_ =	swait.ge [sflag:s22], s20  }
0x9f: {  	s4 =	ssub.s32 $0x0, s20;
	[sflag:s22] =	ssyncset.done $0x0  }
0xa0: {  	[sflag:s22] =	ssyncadd.s32 s4;
	_ =	sdelay $0x1  }
0xa1: {  	s23 =	simm.s32 $0x1B8B  }
0xa2: {  	_ =	swait.ge [sflag:s23], $0x1  }
0xa3: {  	[sflag:s23] =	ssyncset.done $0x0  }
0xa4: {  	s25 =	simm.s32 $0x1B8E;
	s24 =	sld [smem:$0x3FFE];
	[sflag:s23] =	ssyncadd.s32 $0xFFFFFFFF  }
0xa5: {  	s26 =	simm.s32 $execute0_lowered;
	[smem:$0x3FD2] =	sst s25  }
0xa6: {  	s5 =	sshll.u32 s26, $0x1;
	_ =	strace $0x80000046;
	[dreg:$0x1] =	wrdreg $0xFFFFFFFF  }
0xa7: {  	s28 =	simm.s32 $_size_execute0_lowered;
	s3 =	sadd.s32 s3, s5;
	[dreg:$0x0] =	wrdreg $0x0  }
0xa8: {  	s5 =	sshll.u32 s28, $0x1;
	[dreg:$0x2] =	wrdreg s3  }
0xa9: {  	[dreg:$0x3] =	wrdreg s5  }
0xaa: {  	[dreg:$0x4] =	wrdreg $0xC0  }
0xab: {  	_ =	task [dreg:s7], $0x5FFFF  }
0xac: {  	[dreg:$0x1] =	wrdreg $0xFFFFFFFF  }
0xad: {  	[dreg:$0x0] =	wrdreg $0x60  }
0xae: {  	[dreg:$0x2] =	wrdreg s24  }
0xaf: {  	[dreg:$0x3] =	wrdreg s2  }
0xb0: {  	[dreg:$0x4] =	wrdreg $0x9  }
0xb1: {  	_ =	task.clear_ibuf [dreg:s7], $0x5FFFF;
	_ =	strace $0x90000046  }
0xb2: {  	s29 =	simm.s32 $0x9;
	_ =	strace $0x80000048  }
0xb3: {  	_ =	swait.ge [sflag:s29], $0x1  }
0xb4: {  	[sflag:s29] =	ssyncadd.s32 $0xFFFFFFFF  }
0xb5: {  	_ =	strace $0x90000048  }
0xb6: {  	_ =	sfence  }
0xb7: {  	s30 =	sld [smem:$0x0];
	_ =	sdelay $0x2  }
0xb8: {  	s31 =	sshll.u32 s1, $0xD;
	s1 =	sshrl.u32 s1, $0x2  }
0xb9: {  	s3 =	sand.u32 $0x4000, s31;
	s1 =	sadd.s32 s1, s30  }
0xba: {  	s0 =	sor.u32 s3, s0;
	s1 =	sshll.u32 s1, $0x11  }
0xbb: {  	s0 =	sor.u32 s1, s0  }
0xbc: {  	s0 =	sadd.s32 $0x8F2B, s0  }
0xbd: {  	[sflag:s0] =	ssyncadd.remote.s32 $0x1  }
0xbe: {  	_ =	sfence.sel $0xFFFF  }
0xbf: {  	[dreg:$0x0] =	wrdreg $0xFFFFFFFF;
	(pc) =	sbr.abs _section_cstart, $3  }
0xc0: {  	[dreg:$0x1] =	wrdreg $0xFFFFFFFF  }
0xc1: {  	_ =	task.clear_ibuf [dreg:s7], $0x2FFFF;
	_ =	strace $0x9FFFFFFF  }
0xc2: {  	(tm) =	ssettm $0x7FFFFFFF  }
0xc3: {  	_ =	shalt  }
tec
execute0_lowered:
.L_overlay_start_1:
0x0: {  	(tag) =	ssettag $0x1  }
0x1: {  	s0 =	rddreg [dreg:$0x0];
	s1 =	srdreg.scid  }
0x2: {  	s2 =	stileid.u32;
	s3 =	simm.s32 $0x0;
	s1 =	sand.u32 $0x1, s1  }
0x3: {  	s2 =	sshll.u32 s2, $0x1;
	[smem:$0x7FF] =	sst s3;
	s6 =	sadd.s32 $0x200400, s0  }
0x4: {  	s4 =	ssub.s32 $0x2, s1;
	s1 =	sor.u32 s1, s2;
	_ =	strace $0x80000047  }
0x5: {  	[dreg:$0x3] =	wrdreg s6;
	s5 =	smul.u32 $0xED80, s1;
	s1 =	sshll.u32 s1, $0x9  }
0x6: {  	v1 =	vlaneseq.u32;
	s10 =	simm.s32 $0x76C0;
	s31 =	sor.u32 $0x20, s1;
	[dreg:$0x4] =	wrdreg s1  }
0x7: {  	v2 =	vimm.s32 $0x2040600;
	v0 =	vmul.u32 $0x3B6, v1;
	v1 =	vmul.u32 $0xC8, v1;
	s28 =	sshrl.u32 s4, $0x1;
	s1 =	sor.u32 $0x40, s1;
	[dreg:$0x6] =	wrdreg s31  }
0x8: {  	v3 =	vimm.f32 $0.0e+00;
	v2 =	vunpack.c.0.s8.s32 v2;
	s29 =	ssub.s32 s4, s28;
	s30 =	sadd.s32 s6, s5;
	[dreg:$0x7] =	wrdreg s1  }
0x9: {  	v5 =	vimm.f32 $2.000000000e+00;
	s12 =	simm.s32 $0xED80;
	v6 =	vimm.f32 $4.000000000e+00;
	v7 =	vimm.f32 $6.000000000e+00;
	[tilespmem:$0x1FFE0] =	vst v1;
	s0 =	smax.u32 s29, $0x1;
	[dreg:$0x5] =	wrdreg s30  }
0xa: {  	v8 =	vimm.f32 $8.000000000e+00;
	s14 =	simm.s32 $0x10680;
	v9 =	vimm.f32 $1.000000000e+01;
	v63 =	vimm.f32 $1.200000000e+01;
	s2 =	simm.s32 $0x0;
	[tilespmem:$0x1FFF0] =	vst v2;
	[dreg:$0x8] =	wrdreg s0  }
.LBB2_1:
0xb: {  	s0 =	rddreg [dreg:$0x5]  }
0xc: {  	[tilespmem:s3], [sflag:$0x1] =	stream.linear.gather [hbm4b:s0+s3], $0x76C0, $0x38;
	[tilespmem:$0x11F80] =	vst v63  }
0xd: {  	[dreg:$0x9] =	wrdreg s2;
	s0 =	simm.s32 $0x0  }
.LBB2_2:
0xe: {  	s1 =	sshll.u32 s0, $0x6;
	[dreg:$0xa] =	wrdreg s0  }
0xf: {  	p0 =	seq.s32 s0, $0x0;
	s16 =	rddreg [dreg:$0x6];
	s24 =	simm.s32 $0x0  }
0x10: {  	s6 =	simm.s32 $0x2;
	[dreg:$0xc] =	wrdreg s1;
	s1 =	sadd.s32 s16, s1  }
0x11: {  	s0 =	simm.s32 @!p0 $0x3;
	[dreg:$0xb] =	wrdreg s1;
	s1 =	smul.u32 $0x3B6, s1  }
0x12: {  	s4 =	simm.s32 $0x3;
	s5 =	simm.s32 $0x1;
	_ =	swait.ge @!p0 [sflag:s0], $0x1900  }
0x13: {  	[sflag:s0] =	ssyncset.done @!p0 $0x0;
	s1 =	sshrl.u32 s1, $0x3;
	s17 =	rddreg [dreg:$0x3]  }
0x14: {  	s18 =	simm.s32 $0x1;
	v11 =	vadd.s32 s6, v0;
	[sflag:s0] =	ssyncadd.s32 @!p0 $0xFFFFE700;
	s0 =	sadd.s32 s17, s1  }
0x15: {  	v12 =	vadd.s32 s4, v0;
	[tilespmem:s10], [sflag:$0x2] =	stream.linear.gather [hbm4b:s0+s24], $0x76C0, $0x38;
	[tilespmem:$0x11F80] =	vst v63  }
0x16: {  	s19 =	simm.s32 $0x7;
	v13 =	vadd.s32 s5, v0;
	_ =	swait.ge [sflag:s18], $0x76C0  }
0x17: {  	s7 =	simm.s32 $0x6;
	v14 =	vadd.s32 s19, v0;
	[sflag:s18] =	ssyncset.done $0x0  }
0x18: {  	s20 =	simm.s32 $0x5;
	v15 =	vadd.s32 s7, v0;
	v1 =	vld [tilespmem:$0x1FFE0];
	[sflag:s18] =	ssyncadd.s32 $0xFFFF8940  }
0x19: {  	s8 =	simm.s32 $0x4;
	v16 =	vadd.s32 s20, v0;
	v11 =	vld.idx.msk [tilespmem:v11+s3+$0x0], $0xffff  }
0x1a: {  	s23 =	simm.s32 $0x11;
	v17 =	vadd.s32 s8, v0;
	v12 =	vld.idx.msk [tilespmem:v12+s3+$0x0], $0xffff  }
0x1b: {  	s2 =	simm.s32 $0x9;
	s9 =	simm.s32 $0x8;
	s28 =	simm.s32 $0xD;
	v29 =	vadd.s32 s23, v0;
	v19 =	vld.idx.msk [tilespmem:v13+s3+$0x0], $0xffff  }
0x1c: {  	s29 =	simm.s32 $0xE;
	s22 =	simm.s32 $0xF;
	s30 =	simm.s32 $0x10;
	v18 =	vadd.s32 s2, v0;
	v20 =	vadd.s32 s9, v0;
	v23 =	vadd.s32 s28, v0;
	v21 =	vld.idx.msk [tilespmem:v14+s3+$0x0], $0xffff  }
0x1d: {  	s31 =	simm.s32 $0x12;
	s21 =	simm.s32 $0x13;
	v25 =	vadd.s32 s29, v0;
	v26 =	vadd.s32 s22, v0;
	v27 =	vadd.s32 s30, v0;
	v15 =	vld.idx.msk [tilespmem:v15+s3+$0x0], $0xffff  }
0x1e: {  	s26 =	simm.s32 $0xC;
	v30 =	vadd.s32 s31, v0;
	v33 =	vmov s29;
	v34 =	vadd.s32 s21, v0;
	s0 =	simm.s32 $0xA;
	v16 =	vld.idx.msk [tilespmem:v16+s3+$0x0], $0xffff  }
0x1f: {  	v50 =	vmov s31;
	v52 =	vmov s26;
	v58 =	vadd.s32 s0, v0;
	v17 =	vld.idx.msk [tilespmem:v17+s3+$0x0], $0xffff  }
0x20: {  	v13 =	vmov s8;
	v49 =	vld.idx.msk [tilespmem:v29+s3+$0x0], $0xffff;
	v29 =	vand.u32 $0x6, v50;
	v11 =	vsub.f32 $0.0e+00, v11  }
0x21: {  	v18 =	vld.idx.msk [tilespmem:v18+s3+$0x0], $0xffff;
	v13 =	vand.u32 $0x6, v13;
	v14 =	vadd.s32 s8, v1;
	v22 =	vadd.s32 s9, v1  }
0x22: {  	v19 =	vsub.f32 $0.0e+00, v19;
	v12 =	vsub.f32 $0.0e+00, v12;
	v11 =	vmul.f32 $1.442695020e+00, v11  }
0x23: {  	v20 =	vld.idx.msk [tilespmem:v20+s3+$0x0], $0xffff;
	v31 =	vadd.s32 s31, v1;
	v21 =	vsub.f32 $0.0e+00, v21;
	v16 =	vsub.f32 $0.0e+00, v16  }
0x24: {  	v15 =	vsub.f32 $0.0e+00, v15;
	v12 =	vmul.f32 $1.442695020e+00, v12;
	(erf) = vpow2.f32 v11  }
0x25: {  	v17 =	vsub.f32 $0.0e+00, v17;
	v11 =	vmul.f32 $1.442695020e+00, v19;
	v19 =	vmul.f32 $1.442695020e+00, v21  }
0x26: {  	v18 =	vsub.f32 $0.0e+00, v18;
	v16 =	vmul.f32 $1.442695020e+00, v16;
	(erf) = vpow2.f32 v12  }
0x27: {  	v17 =	vmul.f32 $1.442695020e+00, v17;
	(erf) = vpow2.f32 v19;
	v19 =	vadd.s32 s24, v0  }
0x28: {  	v18 =	vmul.f32 $1.442695020e+00, v18;
	v12 =	vsub.f32 $0.0e+00, v20;
	(erf) = vpow2.f32 v16  }
0x29: {  	v27 =	vld.idx.msk [tilespmem:v27+s3+$0x0], $0xffff;
	v35 =	vadd.s32 s29, v1;
	v15 =	vmul.f32 $1.442695020e+00, v15;
	(erf) = vpow2.f32 v17  }
0x2a: {  	v26 =	vld.idx.msk [tilespmem:v26+s3+$0x0], $0xffff;
	v51 =	vadd.s32 s19, v1;
	v12 =	vmul.f32 $1.442695020e+00, v12;
	(erf) = vpow2.f32 v18  }
0x2b: {  	v25 =	vld.idx.msk [tilespmem:v25+s3+$0x0], $0xffff;
	v54 =	vadd.s32 s2, v1;
	v14 =	vand.u32 $0x1FF8, v14;
	(erf) = vpow2.f32 v15  }
0x2c: {  	v14 =	vor.u32 v13, v14;
	v13 =	vmov s9;
	(erf) = vpow2.f32 v12;
	v12 =	vld.idx.msk [tilespmem:v19+s3+$0x0], $0xffff  }
0x2d: {  	v30 =	vld.idx.msk [tilespmem:v30+s3+$0x0], $0xffff;
	v55 =	vadd.s32 s20, v1;
	v22 =	vand.u32 $0x1FF8, v22;
	v13 =	vand.u32 $0x6, v13  }
0x2e: {  	v13 =	vor.u32 v13, v22;
	v22 =	vmov s6;
	(erf) = vpow2.f32 v11;
	v21 =	vpop (erf)  }
0x2f: {  	v19 =	vadd.f32 $1.000000000e+00, v21;
	v21 =	vand.u32 $0x6, v22;
	v11 =	vpop (erf);
	v22 =	vadd.s32 s26, v0  }
0x30: {  	v61 =	vadd.s32 s24, v1;
	v26 =	vsub.f32 $0.0e+00, v26;
	v27 =	vsub.f32 $0.0e+00, v27;
	v24 =	vpop (erf)  }
0x31: {  	v35 =	vand.u32 $0x1FF8, v35;
	v25 =	vsub.f32 $0.0e+00, v25;
	v28 =	vpop (erf);
	v12 =	vsub.f32 $0.0e+00, v12  }
0x32: {  	v31 =	vand.u32 $0x1FF8, v31;
	v30 =	vsub.f32 $0.0e+00, v30;
	v24 =	vadd.f32 $1.000000000e+00, v24;
	v32 =	vpop (erf)  }
0x33: {  	v16 =	vadd.s32 s6, v1;
	v37 =	vmul.f32 $1.442695020e+00, v12;
	v12 =	vadd.f32 $1.000000000e+00, v32  }
0x34: {  	s25 =	simm.s32 $0xB;
	v16 =	vand.u32 $0x1FF8, v16;
	v28 =	vadd.f32 $1.000000000e+00, v28;
	(erf) = vrcp.f32 v24;
	v22 =	vld.idx.msk [tilespmem:v22+s3+$0x0], $0xffff  }
0x35: {  	v16 =	vor.u32 v21, v16;
	v21 =	vadd.s32 s25, v0;
	v36 =	vpop (erf);
	(erf) = vrcp.f32 v12  }
0x36: {  	v26 =	vmul.f32 $1.442695020e+00, v26;
	v11 =	vadd.f32 $1.000000000e+00, v11;
	v46 =	vpop (erf);
	(erf) = vrcp.f32 v28  }
0x37: {  	v23 =	vld.idx.msk [tilespmem:v23+s3+$0x0], $0xffff;
	v59 =	vmul.f32 $1.442695020e+00, v30;
	v47 =	vpop (erf);
	v32 =	vadd.f32 $1.000000000e+00, v46;
	(erf) = vpow2.f32 v37  }
0x38: {  	v20 =	vadd.s32 s5, v1;
	v24 =	vadd.f32 $1.000000000e+00, v47;
	v38 =	vpop (erf);
	(erf) = vrcp.f32 v11  }
0x39: {  	v53 =	vld.idx.msk [tilespmem:v34+s3+$0x0], $0xffff;
	v48 =	vadd.f32 $1.000000000e+00, v38;
	(erf) = vrcp.f32 v32;
	v22 =	vsub.f32 $0.0e+00, v22  }
0x3a: {  	v17 =	vmov s7;
	v18 =	vadd.s32 s7, v1;
	v21 =	vld.idx.msk [tilespmem:v21+s3+$0x0], $0xffff;
	(erf) = vrcp.f32 v24  }
0x3b: {  	v18 =	vand.u32 $0x1FF8, v18;
	(erf) = vrcp.f32 v48;
	v22 =	vmul.f32 $1.442695020e+00, v22  }
0x3c: {  	v17 =	vand.u32 $0x6, v17;
	(erf) = vrcp.f32 v19;
	v19 =	vsub.f32 $0.0e+00, v23  }
0x3d: {  	v15 =	vadd.s32 s4, v1;
	v17 =	vor.u32 v17, v18;
	v36 =	vadd.f32 $1.000000000e+00, v36  }
0x3e: {  	v23 =	vsub.f32 $0.0e+00, v49;
	v18 =	vpop (erf);
	(erf) = vpow2.f32 v22;
	v19 =	vmul.f32 $1.442695020e+00, v19  }
0x3f: {  	v21 =	vsub.f32 $0.0e+00, v21;
	v24 =	vsub.f32 $0.0e+00, v53;
	v22 =	vpop (erf);
	(erf) = vrcp.f32 v36  }
0x40: {  	v12 =	vand.u32 $0x6, v33;
	v23 =	vmul.f32 $1.442695020e+00, v23;
	v56 =	vpop (erf);
	(erf) = vpow2.f32 v19  }
0x41: {  	v12 =	vor.u32 v12, v35;
	v21 =	vmul.f32 $1.442695020e+00, v21;
	v24 =	vmul.f32 $1.442695020e+00, v24;
	[tilespmem:v51+s12+$0x0] =	vst.idx.msk $0xffff, v18;
	v18 =	vpop (erf)  }
0x42: {  	v11 =	vor.u32 v29, v31;
	[tilespmem:v14+s12+$0x0] =	vst.idx.msk $0xffff, v22;
	v14 =	vmul.f32 $1.442695020e+00, v25;
	(erf) = vpow2.f32 v23;
	v22 =	vpop (erf)  }
0x43: {  	v19 =	vadd.s32 s26, v1;
	[tilespmem:v55+s12+$0x0] =	vst.idx.msk $0xffff, v56;
	v57 =	vadd.f32 $1.000000000e+00, v18;
	(erf) = vpow2.f32 v26;
	v18 =	vpop (erf)  }
0x44: {  	v23 =	vmul.f32 $1.442695020e+00, v27;
	(erf) = vpow2.f32 v14;
	[tilespmem:v17+s12+$0x0] =	vst.idx.msk $0xffff, v18;
	v60 =	vpop (erf);
	v17 =	vand.u32 $0x1FF8, v19  }
0x45: {  	v18 =	vmov s30;
	v19 =	vadd.s32 s30, v1;
	(erf) = vrcp.f32 v57;
	[tilespmem:v13+s12+$0x0] =	vst.idx.msk $0xffff, v60;
	v13 =	vpop (erf)  }
0x46: {  	(erf) = vpow2.f32 v24;
	[tilespmem:v20+s12+$0x0] =	vst.idx.msk $0xffff, v13;
	v14 =	vpop (erf);
	v13 =	vadd.s32 s28, v1;
	v20 =	vmov s24  }
0x47: {  	(erf) = vpow2.f32 v23;
	v23 =	vand.u32 $0x1FF8, v61;
	[tilespmem:v16+s12+$0x0] =	vst.idx.msk $0xffff, v14;
	v14 =	vadd.s32 s25, v1;
	v16 =	vpop (erf)  }
0x48: {  	[tilespmem:v15+s12+$0x0] =	vst.idx.msk $0xffff, v22;
	v20 =	vand.u32 $0x6, v20;
	(erf) = vpow2.f32 v59;
	v15 =	vadd.f32 $1.000000000e+00, v16;
	v62 =	vpop (erf)  }
0x49: {  	s1 =	simm.s32 $0x14;
	v22 =	vld.idx.msk [tilespmem:v58+s3+$0x0], $0xffff;
	v16 =	vand.u32 $0x6, v52;
	(erf) = vpow2.f32 v21;
	v20 =	vor.u32 v20, v23;
	v21 =	vpop (erf);
	[tilespmem:v54+s12+$0x0] =	vst.idx.msk $0xffff, v62  }
.LBB2_3:
0x4a: {  	v16 =	vor.u32 v16, v17  }
0x4b: {  	s6 =	sadd.s32 $0x1, s1;
	s15 =	sadd.s32 $0x2, s1;
	s9 =	sadd.s32 $0x3, s1;
	v17 =	vand.u32 $0x1FF8, v19;
	v18 =	vand.u32 $0x6, v18;
	v21 =	vadd.f32 $1.000000000e+00, v21  }
0x4c: {  	s7 =	sadd.s32 $0x4, s1;
	s4 =	sadd.s32 $0x5, s1;
	s2 =	sadd.s32 $0x6, s1;
	v19 =	vpop (erf);
	v23 =	vadd.s32 s6, v0;
	v24 =	vadd.s32 s15, v0;
	v25 =	vadd.s32 s9, v0  }
0x4d: {  	s11 =	sadd.s32 $0x7, s1;
	s13 =	sadd.s32 $0x8, s1;
	v1 =	vld [tilespmem:$0x1FFE0];
	v26 =	vadd.s32 s7, v0;
	v27 =	vadd.s32 s4, v0;
	v28 =	vadd.s32 s2, v0;
	v29 =	vpop (erf)  }
0x4e: {  	s5 =	sadd.s32 $0x9, s1;
	v30 =	vadd.s32 s11, v0;
	v31 =	vadd.s32 s13, v0;
	v34 =	vmov s7;
	v33 =	vpop (erf)  }
0x4f: {  	s8 =	smov.u32 s1;
	v35 =	vadd.s32 s5, v0;
	v49 =	vmov s13;
	v53 =	vmov s15;
	v36 =	vpop (erf)  }
0x50: {  	v17 =	vor.u32 v18, v17;
	v60 =	vadd.s32 s8, v0;
	v4 =	vadd.f32 $1.000000000e+00, v19;
	v38 =	vpop (erf)  }
0x51: {  	v47 =	vand.u32 $0x6, v34;
	v22 =	vsub.f32 $0.0e+00, v22;
	v33 =	vadd.f32 $1.000000000e+00, v33;
	v44 =	vpop (erf)  }
0x52: {  	v29 =	vadd.f32 $1.000000000e+00, v29;
	v32 =	vadd.s32 s13, v1;
	[tilespmem:v20+s12+$0x0] =	vst.idx.msk $0xffff, v36;
	v20 =	vld.idx.msk [tilespmem:v25+s3+$0x0], $0xffff;
	(erf) = vrcp.f32 v4;
	v19 =	vpop (erf)  }
0x53: {  	v37 =	vadd.s32 s7, v1;
	v22 =	vmul.f32 $1.442695020e+00, v22;
	v24 =	vld.idx.msk [tilespmem:v24+s3+$0x0], $0xffff;
	v46 =	vpop (erf);
	(erf) = vrcp.f32 v33  }
0x54: {  	v52 =	vadd.s32 s23, v1;
	v55 =	vadd.s32 s21, v1;
	v23 =	vld.idx.msk [tilespmem:v23+s3+$0x0], $0xffff;
	(erf) = vrcp.f32 v29  }
0x55: {  	v56 =	vadd.s32 s22, v1;
	v61 =	vadd.s32 s0, v1;
	v54 =	vld.idx.msk [tilespmem:v35+s3+$0x0], $0xffff;
	(erf) = vpow2.f32 v22  }
0x56: {  	v43 =	vand.u32 $0x1FF8, v37;
	v45 =	vadd.f32 $1.000000000e+00, v38;
	v30 =	vld.idx.msk [tilespmem:v30+s3+$0x0], $0xffff;
	v36 =	vadd.f32 $1.000000000e+00, v44  }
0x57: {  	v50 =	vand.u32 $0x1FF8, v32;
	v19 =	vadd.f32 $1.000000000e+00, v19;
	v22 =	vld.idx.msk [tilespmem:v27+s3+$0x0], $0xffff;
	(erf) = vrcp.f32 v21  }
0x58: {  	v25 =	vor.u32 v47, v43;
	v48 =	vadd.f32 $1.000000000e+00, v46;
	v21 =	vld.idx.msk [tilespmem:v26+s3+$0x0], $0xffff;
	(erf) = vrcp.f32 v36  }
0x59: {  	v24 =	vsub.f32 $0.0e+00, v24;
	(erf) = vrcp.f32 v19;
	v19 =	vsub.f32 $0.0e+00, v23;
	v23 =	vld.idx.msk [tilespmem:v31+s3+$0x0], $0xffff  }
0x5a: {  	v29 =	vand.u32 $0x6, v49;
	v58 =	vsub.f32 $0.0e+00, v54;
	(erf) = vrcp.f32 v48  }
0x5b: {  	v28 =	vld.idx.msk [tilespmem:v28+s3+$0x0], $0xffff;
	v24 =	vmul.f32 $1.442695020e+00, v24;
	(erf) = vrcp.f32 v15;
	v15 =	vsub.f32 $0.0e+00, v20;
	v20 =	vpop (erf)  }
0x5c: {  	v57 =	vmul.f32 $1.442695020e+00, v19;
	v19 =	vsub.f32 $0.0e+00, v30;
	v22 =	vsub.f32 $0.0e+00, v22;
	v18 =	vpop (erf)  }
0x5d: {  	[tilespmem:v52+s12+$0x0] =	vst.idx.msk $0xffff, v20;
	v20 =	vsub.f32 $0.0e+00, v21;
	v4 =	vmul.f32 $1.442695020e+00, v15;
	(erf) = vpow2.f32 v24;
	v21 =	vpop (erf)  }
0x5e: {  	v19 =	vmul.f32 $1.442695020e+00, v19;
	v23 =	vsub.f32 $0.0e+00, v23;
	v59 =	vpop (erf);
	(erf) = vrcp.f32 v45  }
0x5f: {  	v51 =	vor.u32 v29, v50;
	v22 =	vmul.f32 $1.442695020e+00, v22;
	[tilespmem:v12+s12+$0x0] =	vst.idx.msk $0xffff, v18;
	(erf) = vpow2.f32 v4  }
0x60: {  	v28 =	vsub.f32 $0.0e+00, v28;
	v24 =	vmul.f32 $1.442695020e+00, v58;
	[tilespmem:v56+s12+$0x0] =	vst.idx.msk $0xffff, v21;
	v15 =	vpop (erf);
	v23 =	vmul.f32 $1.442695020e+00, v23  }
0x61: {  	v12 =	vadd.s32 s15, v1;
	(erf) = vpow2.f32 v19;
	v18 =	vpop (erf);
	v19 =	vmul.f32 $1.442695020e+00, v20;
	[tilespmem:v13+s12+$0x0] =	vst.idx.msk $0xffff, v15  }
0x62: {  	v21 =	vadd.f32 $1.000000000e+00, v59;
	v20 =	vmul.f32 $1.442695020e+00, v28;
	[tilespmem:v17+s12+$0x0] =	vst.idx.msk $0xffff, v18;
	v17 =	vpop (erf);
	(erf) = vpow2.f32 v22  }
0x63: {  	p1 =	slt.u32 s1, $0x5A;
	v13 =	vadd.s32 s9, v1;
	v18 =	vmov s2;
	[tilespmem:v11+s12+$0x0] =	vst.idx.msk $0xffff, v17;
	v11 =	vpop (erf);
	(erf) = vpow2.f32 v19  }
.Ltmp0:
0x64: {  	v17 =	vand.u32 $0x1FF8, v12;
	v19 =	vadd.s32 s2, v1;
	[tilespmem:v14+s12+$0x0] =	vst.idx.msk $0xffff, v11;
	v11 =	vpop (erf);
	(erf) = vrcp.f32 v21;
	(pc) =	sbr.rel @p1 .LBB2_3-.Ltmp0, $4  }
0x65: {  	v12 =	vmovc v25;
	v14 =	vadd.s32 s6, v1;
	[tilespmem:v16+s12+$0x0] =	vst.idx.msk $0xffff, v11;
	(erf) = vpow2.f32 v24;
	v16 =	vmov s0  }
0x66: {  	v11 =	vmov v51;
	v15 =	vpop (erf);
	(erf) = vpow2.f32 v20;
	v20 =	vand.u32 $0x6, v16  }
0x67: {  	s1 =	sadd.s32 $0xA, s1;
	s23 =	smov.u32 s11;
	v16 =	vand.u32 $0x6, v53;
	(erf) = vpow2.f32 v23;
	v23 =	vand.u32 $0x1FF8, v61;
	v62 =	vpop (erf)  }
0x68: {  	s21 =	smov.u32 s5;
	s22 =	smov.u32 s4;
	v22 =	vld.idx.msk [tilespmem:v60+s3+$0x0], $0xffff;
	s0 =	smov.u32 s8;
	v15 =	vadd.f32 $1.000000000e+00, v15;
	(erf) = vpow2.f32 v57;
	v20 =	vor.u32 v20, v23;
	v21 =	vpop (erf);
	[tilespmem:v55+s12+$0x0] =	vst.idx.msk $0xffff, v62  }
0x69: {  	_ =	sdelay $0x2  }
0x6a: {  	v23 =	vpop (erf)  }
0x6b: {  	v24 =	vpop (erf);
	v22 =	vsub.f32 $0.0e+00, v22  }
0x6c: {  	v23 =	vadd.f32 $1.000000000e+00, v23;
	v25 =	vpop (erf)  }
0x6d: {  	v25 =	vadd.f32 $1.000000000e+00, v25;
	v22 =	vmul.f32 $1.442695020e+00, v22  }
0x6e: {  	v24 =	vadd.f32 $1.000000000e+00, v24;
	(erf) = vrcp.f32 v23  }
0x6f: {  	(erf) = vrcp.f32 v25  }
0x70: {  	(erf) = vrcp.f32 v24  }
0x71: {  	(erf) = vpow2.f32 v22;
	v22 =	vpop (erf)  }
0x72: {  	v23 =	vpop (erf)  }
0x73: {  	v55 =	vpop (erf)  }
0x74: {  	v21 =	vadd.f32 $1.000000000e+00, v21;
	v56 =	vpop (erf)  }
0x75: {  	v1 =	vld [tilespmem:$0x1FFE0];
	v26 =	vpop (erf)  }
0x76: {  	(erf) = vrcp.f32 v21;
	v24 =	vadd.f32 $1.000000000e+00, v55;
	v21 =	vadd.f32 $1.000000000e+00, v26  }
0x77: {  	v25 =	vadd.f32 $1.000000000e+00, v56  }
0x78: {  	(erf) = vrcp.f32 v24;
	v57 =	vpop (erf)  }
0x79: {  	(erf) = vrcp.f32 v25;
	v58 =	vpop (erf)  }
0x7a: {  	v59 =	vadd.s32 s23, v1;
	(erf) = vrcp.f32 v21;
	v21 =	vpop (erf)  }
0x7b: {  	v19 =	vand.u32 $0x1FF8, v19;
	v23 =	vadd.f32 $1.000000000e+00, v23;
	(erf) = vrcp.f32 v15;
	v15 =	vpop (erf)  }
0x7c: {  	v18 =	vand.u32 $0x6, v18;
	v27 =	vadd.s32 s22, v1;
	v15 =	vadd.f32 $1.000000000e+00, v15  }
0x7d: {  	v18 =	vor.u32 v18, v19;
	(erf) = vrcp.f32 v23  }
0x7e: {  	[tilespmem:v20+s12+$0x0] =	vst.idx.msk $0xffff, v22;
	(erf) = vrcp.f32 v15  }
0x7f: {  	[tilespmem:v59+s12+$0x0] =	vst.idx.msk $0xffff, v57  }
0x80: {  	[tilespmem:v12+s12+$0x0] =	vst.idx.msk $0xffff, v58;
	v12 =	vpop (erf);
	v15 =	vor.u32 v16, v17  }
0x81: {  	v19 =	vmov s0;
	[tilespmem:v27+s12+$0x0] =	vst.idx.msk $0xffff, v21;
	v17 =	vadd.s32 s0, v1;
	v16 =	vpop (erf)  }
0x82: {  	v20 =	vadd.s32 s21, v1;
	v17 =	vand.u32 $0x1FF8, v17;
	[tilespmem:v18+s12+$0x0] =	vst.idx.msk $0xffff, v16;
	v16 =	vpop (erf);
	v18 =	vand.u32 $0x6, v19  }
0x83: {  	s21 =	simm.s32 $0xA3;
	[tilespmem:v11+s12+$0x0] =	vst.idx.msk $0xffff, v16;
	v11 =	vpop (erf);
	v16 =	vor.u32 v18, v17  }
0x84: {  	s16 =	simm.s32 $0x94;
	[tilespmem:v14+s12+$0x0] =	vst.idx.msk $0xffff, v11;
	v14 =	vadd.s32 s21, v0;
	v11 =	vpop (erf)  }
0x85: {  	s17 =	simm.s32 $0x95;
	s24 =	simm.s32 $0x9C;
	[tilespmem:v15+s12+$0x0] =	vst.idx.msk $0xffff, v11;
	v11 =	vadd.s32 s16, v0  }
0x86: {  	s18 =	simm.s32 $0x96;
	s30 =	simm.s32 $0xA2;
	s4 =	simm.s32 $0x99;
	v10 =	vimm.f32 $1.400000000e+01;
	v61 =	vadd.s32 s24, v0;
	[tilespmem:v13+s12+$0x0] =	vst.idx.msk $0xffff, v12;
	v13 =	vadd.s32 s17, v0;
	v12 =	vpop (erf)  }
0x87: {  	s19 =	simm.s32 $0x97;
	s6 =	simm.s32 $0xA1;
	s7 =	simm.s32 $0x80;
	v28 =	vadd.s32 s30, v0;
	v30 =	vadd.s32 s4, v0;
	v15 =	vadd.s32 s18, v0;
	[tilespmem:v20+s12+$0x0] =	vst.idx.msk $0xffff, v12;
	v12 =	vpop (erf)  }
0x88: {  	s20 =	simm.s32 $0x9A;
	s9 =	simm.s32 $0x90;
	s11 =	simm.s32 $0x65;
	v32 =	vadd.s32 s6, v0;
	v33 =	vadd.s32 s7, v0;
	v17 =	vadd.s32 s19, v0;
	[tilespmem:v16+s12+$0x0] =	vst.idx.msk $0xffff, v12  }
0x89: {  	s13 =	simm.s32 $0x66;
	s15 =	simm.s32 $0x67;
	v35 =	vadd.s32 s9, v0;
	v38 =	vadd.s32 s11, v0;
	s23 =	simm.s32 $0x9B;
	v21 =	vadd.s32 s20, v0;
	v19 =	vld.idx.msk [tilespmem:v14+s3+$0x0], $0xffff  }
0x8a: {  	s4 =	simm.s32 $0x69;
	v39 =	vadd.s32 s13, v0;
	v41 =	vadd.s32 s15, v0;
	s22 =	simm.s32 $0x66;
	v23 =	vadd.s32 s23, v0;
	v22 =	vld.idx.msk [tilespmem:v11+s3+$0x0], $0xffff  }
0x8b: {  	s1 =	simm.s32 $0x64;
	s2 =	simm.s32 $0x65;
	v33 =	vand.u32 $0x7FF8, v33;
	v42 =	vadd.s32 s4, v0;
	v60 =	vadd.s32 s22, v1;
	s17 =	simm.s32 $0x6C;
	v25 =	vld.idx.msk [tilespmem:v13+s3+$0x0], $0xffff  }
0x8c: {  	v46 =	vadd.s32 s17, v0;
	v18 =	vmov s2;
	v16 =	vadd.s32 s1, v1;
	v27 =	vld.idx.msk [tilespmem:v15+s3+$0x0], $0xffff  }
0x8d: {  	v20 =	vadd.s32 s2, v1;
	v12 =	vmov s1;
	v14 =	vand.u32 $0x1FF8, v16;
	v62 =	vld.idx.msk [tilespmem:v17+s3+$0x0], $0xffff  }
0x8e: {  	s25 =	simm.s32 $0x9D;
	s26 =	simm.s32 $0x9E;
	v16 =	vmov s22;
	v11 =	vand.u32 $0x4, v12;
	v12 =	vand.u32 $0x1FF8, v20;
	v21 =	vld.idx.msk [tilespmem:v21+s3+$0x0], $0xffff  }
0x8f: {  	s28 =	simm.s32 $0x68;
	s29 =	simm.s32 $0x9F;
	v13 =	vand.u32 $0x5, v18;
	v15 =	vadd.s32 s25, v0;
	v17 =	vadd.s32 s26, v0;
	v23 =	vld.idx.msk [tilespmem:v23+s3+$0x0], $0xffff  }
0x90: {  	v18 =	vadd.s32 s28, v0;
	v20 =	vadd.s32 s29, v0;
	v26 =	vld.idx.msk [tilespmem:v61+s3+$0x0], $0xffff;
	v11 =	vor.u32 v11, v14  }
0x91: {  	s31 =	simm.s32 $0x70;
	v28 =	vld.idx.msk [tilespmem:v28+s3+$0x0], $0xffff;
	v14 =	vand.u32 $0x1FF8, v60;
	v16 =	vand.u32 $0x6, v16;
	v13 =	vor.u32 v13, v12  }
0x92: {  	s1 =	simm.s32 $0x78;
	v30 =	vld.idx.msk [tilespmem:v30+s3+$0x0], $0xffff;
	v18 =	vand.u32 $0x7FF8, v18;
	v12 =	vor.u32 v16, v14;
	v14 =	vadd.s32 s31, v0  }
0x93: {  	s2 =	simm.s32 $0x98;
	v32 =	vld.idx.msk [tilespmem:v32+s3+$0x0], $0xffff;
	v16 =	vor.u32 v2, v18;
	v18 =	vadd.s32 s1, v0;
	v14 =	vand.u32 $0x7FF8, v14  }
0x94: {  	v29 =	vadd.s32 s2, v0;
	v38 =	vld.idx.msk [tilespmem:v38+s3+$0x0], $0xffff;
	v18 =	vand.u32 $0x7FF8, v18;
	v14 =	vor.u32 v2, v14  }
0x95: {  	s5 =	simm.s32 $0xA0;
	v36 =	vor.u32 v2, v18;
	v18 =	vand.u32 $0x7FF8, v35;
	v31 =	vld.idx.msk [tilespmem:v15+s3+$0x0], $0xffff;
	v15 =	vand.u32 $0x7FF8, v29  }
0x96: {  	v29 =	vld.idx.msk [tilespmem:v17+s3+$0x0], $0xffff;
	v17 =	vadd.s32 s5, v0;
	v37 =	vor.u32 v2, v18;
	vm0 =	vgt.f32 v25, v22  }
0x97: {  	v39 =	vld.idx.msk [tilespmem:v39+s3+$0x0], $0xffff;
	vm1 =	vgt.f32 v62, v27;
	v15 =	vor.u32 v2, v15;
	v22 =	vsel vm0, v25, v22  }
0x98: {  	s8 =	simm.s32 $0x88;
	v34 =	vld.idx.msk [tilespmem:v20+s3+$0x0], $0xffff;
	s5 =	simm.s32 $0x6A;
	v25 =	vsel vm1, $0x40400000, v5;
	v24 =	vsel vm1, v62, v27;
	vm1 =	vgt.f32 v19, v28  }
0x99: {  	s6 =	simm.s32 $0x6D;
	s16 =	simm.s32 $0x6B;
	v20 =	vadd.s32 s8, v0;
	v43 =	vadd.s32 s5, v0;
	v19 =	vsel vm1, v19, v28;
	v28 =	vld.idx.msk [tilespmem:v46+s3+$0x0], $0xffff  }
0x9a: {  	s24 =	simm.s32 $0x74;
	v47 =	vadd.s32 s6, v0;
	v45 =	vadd.s32 s16, v0;
	v20 =	vand.u32 $0x7FF8, v20;
	v18 =	vld.idx.msk [tilespmem:v14+s3+$0x0], $0xffff  }
0x9b: {  	s30 =	simm.s32 $0x7A;
	v52 =	vadd.s32 s24, v0;
	v33 =	vor.u32 v2, v33;
	s18 =	simm.s32 $0x6E;
	s28 =	simm.s32 $0x77;
	v60 =	vor.u32 v2, v20;
	v20 =	vld.idx.msk [tilespmem:v36+s3+$0x0], $0xffff  }
0x9c: {  	v55 =	vadd.s32 s30, v0;
	v48 =	vadd.s32 s18, v0;
	v54 =	vadd.s32 s28, v0;
	v14 =	vld.idx.msk [tilespmem:v37+s3+$0x0], $0xffff  }
0x9d: {  	vm2 =	vgt.f32 v23, v21;
	v17 =	vand.u32 $0x7FF8, v17;
	v57 =	vsel vm0, $0x3F800000, v3;
	v40 =	vld.idx.msk [tilespmem:v15+s3+$0x0], $0xffff  }
0x9e: {  	v17 =	vor.u32 v2, v17;
	vm3 =	vgt.f32 v31, v26;
	vm0 =	vgt.f32 v34, v29;
	v43 =	vld.idx.msk [tilespmem:v43+s3+$0x0], $0xffff  }
0x9f: {  	s20 =	simm.s32 $0x71;
	s23 =	simm.s32 $0x73;
	s19 =	simm.s32 $0x6F;
	v21 =	vsel vm2, v23, v21;
	v23 =	vsel vm3, v31, v26;
	v26 =	vsel vm0, v34, v29;
	v29 =	vld.idx.msk [tilespmem:v45+s3+$0x0], $0xffff  }
0xa0: {  	v50 =	vadd.s32 s20, v0;
	v51 =	vadd.s32 s23, v0;
	v49 =	vadd.s32 s19, v0;
	s26 =	simm.s32 $0x76;
	s29 =	simm.s32 $0x79;
	s31 =	simm.s32 $0x7B;
	v31 =	vld.idx.msk [tilespmem:v47+s3+$0x0], $0xffff  }
0xa1: {  	s22 =	simm.s32 $0x72;
	v53 =	vadd.s32 s26, v0;
	v56 =	vadd.s32 s31, v0;
	v35 =	vadd.s32 s29, v0;
	s5 =	simm.s32 $0x64;
	v47 =	vld.idx.msk [tilespmem:v48+s3+$0x0], $0xffff  }
0xa2: {  	s4 =	simm.s32 $0x7C;
	s16 =	simm.s32 $0x84;
	v27 =	vsel vm2, $0x40E00000, v7;
	v61 =	vadd.s32 s5, v0;
	v36 =	vadd.s32 s22, v0;
	v48 =	vld.idx.msk [tilespmem:v54+s3+$0x0], $0xffff  }
0xa3: {  	s11 =	simm.s32 $0x81;
	v46 =	vadd.s32 s16, v0;
	v37 =	vadd.s32 s4, v0;
	v58 =	vsel vm3, $0x41100000, v8;
	v44 =	vld.idx.msk [tilespmem:v17+s3+$0x0], $0xffff  }
0xa4: {  	s15 =	simm.s32 $0x83;
	s23 =	simm.s32 $0x8B;
	s25 =	simm.s32 $0x75;
	v59 =	vsel vm0, $0x41300000, v9;
	vm0 =	vgt.f32 v24, v22;
	v34 =	vadd.s32 s11, v0;
	v17 =	vld.idx.msk [tilespmem:v33+s3+$0x0], $0xffff  }
0xa5: {  	v45 =	vadd.s32 s15, v0;
	v54 =	vadd.s32 s23, v0;
	v33 =	vadd.s32 s25, v0;
	v15 =	vld.idx.msk [tilespmem:v60+s3+$0x0], $0xffff  }
0xa6: {  	s18 =	simm.s32 $0x86;
	v60 =	vsel vm1, $0x41700000, v10;
	vm3 =	vgt.f32 v26, v23;
	v22 =	vsel vm0, v24, v22;
	v24 =	vld.idx.msk [tilespmem:v50+s3+$0x0], $0xffff  }
0xa7: {  	s24 =	simm.s32 $0x8C;
	s22 =	simm.s32 $0x8A;
	v25 =	vsel vm0, v25, v57;
	v50 =	vadd.s32 s18, v0;
	v23 =	vsel vm3, v26, v23;
	v26 =	vld.idx.msk [tilespmem:v36+s3+$0x0], $0xffff  }
0xa8: {  	v57 =	vadd.s32 s24, v0;
	v58 =	vsel vm3, v59, v58;
	v36 =	vld.idx.msk [tilespmem:v53+s3+$0x0], $0xffff;
	v53 =	vadd.s32 s22, v0  }
0xa9: {  	v41 =	vld.idx.msk [tilespmem:v41+s3+$0x0], $0xffff;
	vm1 =	vgt.f32 v30, v40;
	vm3 =	vgt.f32 v29, v43;
	vm4 =	vgt.f32 v31, v28  }
0xaa: {  	s13 =	simm.s32 $0x82;
	v42 =	vld.idx.msk [tilespmem:v42+s3+$0x0], $0xffff;
	vm2 =	vgt.f32 v32, v44;
	v62 =	vsel vm1, $0x40A00000, v6;
	v30 =	vsel vm1, v30, v40  }
0xab: {  	v16 =	vld.idx.msk [tilespmem:v16+s3+$0x0], $0xffff;
	v40 =	vadd.s32 s13, v0;
	v29 =	vsel vm3, v29, v43;
	v28 =	vsel vm4, v31, v28  }
0xac: {  	s17 =	simm.s32 $0x85;
	v43 =	vld.idx.msk [tilespmem:v46+s3+$0x0], $0xffff;
	v46 =	vsel vm3, $0x40E00000, v7;
	v32 =	vsel vm2, v32, v44;
	v59 =	vsel vm2, $0x41500000, v63  }
0xad: {  	s30 =	simm.s32 $0x92;
	v44 =	vld.idx.msk [tilespmem:v49+s3+$0x0], $0xffff;
	vm0 =	vgt.f32 v21, v30;
	v49 =	vadd.s32 s17, v0;
	vm1 =	vgt.f32 v19, v32  }
0xae: {  	v55 =	vld.idx.msk [tilespmem:v55+s3+$0x0], $0xffff;
	v21 =	vsel vm0, v21, v30;
	v27 =	vsel vm0, v27, v62;
	v62 =	vadd.s32 s30, v0  }
0xaf: {  	s6 =	simm.s32 $0x7D;
	s26 =	simm.s32 $0x8E;
	v56 =	vld.idx.msk [tilespmem:v56+s3+$0x0], $0xffff;
	v19 =	vsel vm1, v19, v32;
	vm0 =	vgt.f32 v21, v22;
	v60 =	vsel vm1, v60, v59  }
0xb0: {  	s19 =	simm.s32 $0x87;
	v35 =	vld.idx.msk [tilespmem:v35+s3+$0x0], $0xffff;
	v32 =	vadd.s32 s6, v0;
	v59 =	vadd.s32 s26, v0;
	vm1 =	vgt.f32 v42, v16  }
0xb1: {  	vm2 =	vgt.f32 v19, v23;
	v21 =	vsel vm0, v21, v22;
	v22 =	vld.idx.msk [tilespmem:v51+s3+$0x0], $0xffff;
	v51 =	vadd.s32 s19, v0  }
0xb2: {  	v37 =	vld.idx.msk [tilespmem:v37+s3+$0x0], $0xffff;
	v16 =	vsel vm1, v42, v16;
	v42 =	vsel vm1, $0x40A00000, v6;
	vm1 =	vgt.f32 v24, v18  }
0xb3: {  	s20 =	simm.s32 $0x89;
	s8 =	simm.s32 $0x7E;
	s25 =	simm.s32 $0x8D;
	v30 =	vld.idx.msk [tilespmem:v61+s3+$0x0], $0xffff;
	v19 =	vsel vm2, v19, v23;
	v23 =	vsel vm0, v27, v25;
	v61 =	vsel vm2, v60, v58  }
0xb4: {  	s28 =	simm.s32 $0x8F;
	v27 =	vld.idx.msk [tilespmem:v52+s3+$0x0], $0xffff;
	v25 =	vadd.s32 s8, v0;
	v52 =	vadd.s32 s20, v0;
	v58 =	vadd.s32 s25, v0  }
0xb5: {  	v34 =	vld.idx.msk [tilespmem:v34+s3+$0x0], $0xffff;
	v60 =	vadd.s32 s28, v0;
	v18 =	vsel vm1, v24, v18;
	v24 =	vsel vm1, $0x41500000, v63  }
0xb6: {  	s7 =	simm.s32 $0x67;
	v45 =	vld.idx.msk [tilespmem:v45+s3+$0x0], $0xffff;
	vm1 =	vgt.f32 v35, v20;
	vm2 =	vgt.f32 v29, v16;
	vm0 =	vgt.f32 v19, v21  }
0xb7: {  	s9 =	simm.s32 $0x7F;
	v54 =	vld.idx.msk [tilespmem:v54+s3+$0x0], $0xffff;
	v19 =	vadd.s32 s7, v1;
	v20 =	vsel vm1, v35, v20;
	v35 =	vsel vm1, $0x40A00000, v6  }
0xb8: {  	s29 =	simm.s32 $0x91;
	v16 =	vsel vm2, v29, v16;
	v21 =	vsel vm0, v61, v23;
	v23 =	vld.idx.msk [tilespmem:v33+s3+$0x0], $0xffff;
	v33 =	vadd.s32 s9, v0  }
0xb9: {  	v50 =	vld.idx.msk [tilespmem:v50+s3+$0x0], $0xffff;
	v61 =	vadd.s32 s29, v0;
	vm0 =	vgt.f32 v41, v39;
	vm1 =	vgt.f32 v38, v30  }
0xba: {  	s31 =	simm.s32 $0x93;
	v57 =	vld.idx.msk [tilespmem:v57+s3+$0x0], $0xffff;
	v30 =	vsel vm1, v38, v30;
	v38 =	vsel vm1, $0x3F800000, v3;
	vm1 =	vgt.f32 v44, v47  }
0xbb: {  	v53 =	vld.idx.msk [tilespmem:v53+s3+$0x0], $0xffff;
	v39 =	vsel vm0, v41, v39;
	v41 =	vadd.s32 s31, v0;
	v31 =	vsel vm1, v44, v47  }
0xbc: {  	v32 =	vld.idx.msk [tilespmem:v32+s3+$0x0], $0xffff;
	v44 =	vsel vm0, $0x40400000, v5;
	vm3 =	vgt.f32 v22, v26;
	vm0 =	vgt.f32 v31, v28  }
0xbd: {  	v47 =	vld.idx.msk [tilespmem:v49+s3+$0x0], $0xffff;
	v22 =	vsel vm3, v22, v26;
	v29 =	vsel vm3, $0x41700000, v10;
	vm3 =	vgt.f32 v34, v17  }
0xbe: {  	v25 =	vld.idx.msk [tilespmem:v25+s3+$0x0], $0xffff;
	v26 =	vsel vm1, $0x41300000, v9;
	vm1 =	vgt.f32 v39, v30;
	v17 =	vsel vm3, v34, v17  }
0xbf: {  	v49 =	vsel vm4, $0x41100000, v8;
	v34 =	vsel vm3, $0x41500000, v63;
	[tilespmem:v19+s12+$0x0] =	vst.idx.msk $0xffff, v21;
	v19 =	vsel vm1, v39, v30;
	v33 =	vld.idx.msk [tilespmem:v33+s3+$0x0], $0xffff  }
0xc0: {  	v40 =	vld.idx.msk [tilespmem:v40+s3+$0x0], $0xffff;
	v28 =	vsel vm0, v31, v28;
	v26 =	vsel vm0, v26, v49;
	vm3 =	vgt.f32 v23, v27  }
0xc1: {  	v62 =	vld.idx.msk [tilespmem:v62+s3+$0x0], $0xffff;
	v23 =	vsel vm3, v23, v27;
	v27 =	vsel vm3, $0x3F800000, v3;
	vm3 =	vgt.f32 v48, v36  }
0xc2: {  	v52 =	vld.idx.msk [tilespmem:v52+s3+$0x0], $0xffff;
	v36 =	vsel vm3, v48, v36;
	v48 =	vsel vm3, $0x40400000, v5;
	vm3 =	vgt.f32 v56, v55  }
0xc3: {  	v51 =	vld.idx.msk [tilespmem:v51+s3+$0x0], $0xffff;
	v55 =	vsel vm3, v56, v55;
	v56 =	vsel vm3, $0x40E00000, v7;
	vm3 =	vgt.f32 v32, v37  }
0xc4: {  	v59 =	vld.idx.msk [tilespmem:v59+s3+$0x0], $0xffff;
	v32 =	vsel vm3, v32, v37;
	v37 =	vsel vm3, $0x41100000, v8;
	vm3 =	vgt.f32 v33, v25  }
0xc5: {  	v58 =	vld.idx.msk [tilespmem:v58+s3+$0x0], $0xffff;
	v25 =	vsel vm3, v33, v25;
	v33 =	vsel vm3, $0x41300000, v9;
	vm3 =	vgt.f32 v45, v40  }
0xc6: {  	v60 =	vld.idx.msk [tilespmem:v60+s3+$0x0], $0xffff;
	v40 =	vsel vm3, v45, v40;
	v45 =	vsel vm3, $0x41700000, v10;
	vm3 =	vgt.f32 v47, v43  }
0xc7: {  	v61 =	vld.idx.msk [tilespmem:v61+s3+$0x0], $0xffff;
	v43 =	vsel vm3, v47, v43;
	v47 =	vsel vm3, $0x3F800000, v3;
	vm3 =	vgt.f32 v52, v15  }
0xc8: {  	v41 =	vld.idx.msk [tilespmem:v41+s3+$0x0], $0xffff;
	v15 =	vsel vm3, v52, v15;
	v52 =	vsel vm3, $0x40A00000, v6;
	vm3 =	vgt.f32 v51, v50  }
0xc9: {  	v50 =	vsel vm3, v51, v50;
	v51 =	vsel vm3, $0x40400000, v5;
	vm3 =	vgt.f32 v54, v53  }
0xca: {  	v53 =	vsel vm3, v54, v53;
	v54 =	vsel vm3, $0x40E00000, v7;
	vm3 =	vgt.f32 v58, v57  }
0xcb: {  	v57 =	vsel vm3, v58, v57;
	v58 =	vsel vm3, $0x41100000, v8;
	vm3 =	vgt.f32 v60, v59  }
0xcc: {  	v59 =	vsel vm3, v60, v59;
	v60 =	vsel vm3, $0x41300000, v9;
	vm3 =	vgt.f32 v61, v14  }
0xcd: {  	v14 =	vsel vm3, v61, v14;
	v61 =	vsel vm3, $0x41500000, v63;
	vm3 =	vgt.f32 v41, v62  }
0xce: {  	vm0 =	vgt.f32 v25, v32;
	v21 =	vsel vm3, v41, v62;
	v30 =	vsel vm3, $0x41700000, v10  }
0xcf: {  	vm3 =	vgt.f32 v22, v18;
	v62 =	vsel vm2, v46, v42;
	vm2 =	vgt.f32 v55, v20  }
0xd0: {  	v25 =	vsel vm0, v25, v32;
	v18 =	vsel vm3, v22, v18;
	v20 =	vsel vm2, v55, v20  }
0xd1: {  	v22 =	vsel vm3, v29, v24;
	vm3 =	vgt.f32 v40, v17;
	v41 =	vsel vm2, v56, v35  }
0xd2: {  	vm2 =	vgt.f32 v53, v15;
	v55 =	vsel vm0, v33, v37;
	vm0 =	vgt.f32 v59, v57  }
0xd3: {  	v42 =	vsel vm3, v40, v17;
	v46 =	vsel vm2, v53, v15;
	v34 =	vsel vm3, v45, v34  }
0xd4: {  	vm3 =	vgt.f32 v21, v14;
	v53 =	vsel vm2, v54, v52;
	vm2 =	vgt.f32 v16, v19  }
0xd5: {  	v17 =	vsel vm1, v44, v38;
	vm1 =	vgt.f32 v36, v23;
	v59 =	vsel vm0, v59, v57  }
0xd6: {  	v15 =	vsel vm0, v60, v58;
	v21 =	vsel vm3, v21, v14;
	v14 =	vsel vm3, v30, v61  }
0xd7: {  	vm3 =	vgt.f32 v18, v28;
	v23 =	vsel vm1, v36, v23;
	v27 =	vsel vm1, v48, v27  }
0xd8: {  	vm1 =	vgt.f32 v50, v43;
	vm5 =	vgt.f32 v42, v25;
	v61 =	vsel vm2, v16, v19  }
0xd9: {  	p1 =	por $0x1, $0x1;
	v16 =	vsel vm2, v62, v17;
	v54 =	vsel vm1, v50, v43;
	v56 =	vsel vm1, v51, v47  }
.Ltmp1:
0xda: {  	vm1 =	vgt.f32 v20, v23;
	v18 =	vsel vm3, v18, v28;
	v17 =	vsel vm3, v22, v26;
	(pc) =	sbr.rel @!p1 .LBB2_6-.Ltmp1, $4  }
0xdb: {  	vm4 =	vgt.f32 v21, v59;
	v22 =	vsel vm5, v42, v25;
	v23 =	vsel vm1, v20, v23  }
0xdc: {  	vm2 =	vgt.f32 v46, v54;
	v21 =	vsel vm4, v21, v59;
	v19 =	vsel vm1, v41, v27  }
0xdd: {  	vm0 =	vgt.f32 v18, v61;
	v20 =	vsel vm5, v34, v55;
	v62 =	vsel vm2, v46, v54  }
0xde: {  	s23 =	simm.s32 $0x94;
	s24 =	simm.s32 $0x0;
	s22 =	simm.s32 $0x364;
	vm5 =	vgt.f32 v22, v23;
	v18 =	vsel vm2, v53, v56;
	vm1 =	vgt.f32 v21, v62  }
.LBB2_5:
0xdf: {  	s21 =	sadd.s32 $0x40, s21  }
0xe0: {  	s28 =	sadd.s32 $0xFFFFFFF2, s21  }
0xe1: {  	s31 =	sadd.s32 $0xFFFFFFF3, s21;
	v21 =	vadd.s32 s28, v0  }
0xe2: {  	s9 =	sadd.s32 $0xFFFFFFF7, s21;
	v24 =	vadd.s32 s31, v0  }
0xe3: {  	s1 =	sadd.s32 $0x68, s24;
	v16 =	vsel vm0, v17, v16;
	v17 =	vsel vm5, v20, v19;
	s13 =	sadd.s32 $0xFFFFFFC3, s21;
	v26 =	vadd.s32 s9, v0  }
0xe4: {  	v14 =	vsel vm4, v14, v15;
	s2 =	sadd.s32 $0x69, s24;
	v15 =	vmov s1;
	s15 =	sadd.s32 $0xFFFFFFC6, s21;
	v40 =	vadd.s32 s13, v0  }
0xe5: {  	v1 =	vld [tilespmem:$0x1FFE0];
	[tilespmem:v11+s12+$0x0] =	vst.idx.msk $0xffff, v16;
	v11 =	vsel vm1, v14, v18;
	v16 =	vmov s2;
	s17 =	sadd.s32 $0xFFFFFFC8, s21;
	v43 =	vadd.s32 s15, v0  }
0xe6: {  	s26 =	sadd.s32 $0xFFFFFFDD, s21;
	s29 =	sadd.s32 $0xFFFFFFE5, s21;
	s7 =	sadd.s32 $0xFFFFFFD0, s21;
	[tilespmem:v12+s12+$0x0] =	vst.idx.msk $0xffff, v11;
	v11 =	vand.u32 $0x4, v15;
	v15 =	vand.u32 $0x5, v16;
	v31 =	vadd.s32 s17, v0;
	v32 =	vld.idx.msk [tilespmem:v21+s3+$0x0], $0xffff  }
0xe7: {  	s30 =	sadd.s32 $0xFFFFFFED, s21;
	v19 =	vadd.s32 s26, v0;
	v22 =	vadd.s32 s29, v0;
	s15 =	sadd.s32 $0xFFFFFFF6, s21;
	v29 =	vadd.s32 s7, v0;
	v35 =	vld.idx.msk [tilespmem:v24+s3+$0x0], $0xffff  }
0xe8: {  	v23 =	vadd.s32 s30, v0;
	s17 =	sadd.s32 $0xFFFFFFFE, s21;
	v19 =	vand.u32 $0x7FF8, v19;
	v63 =	vadd.s32 s15, v0;
	v41 =	vld.idx.msk [tilespmem:v26+s3+$0x0], $0xffff  }
0xe9: {  	s28 =	sadd.s32 $0xFFFFFFFB, s21;
	v22 =	vand.u32 $0x7FF8, v22;
	v23 =	vand.u32 $0x7FF8, v23;
	v49 =	vadd.s32 s17, v0;
	v40 =	vld.idx.msk [tilespmem:v40+s3+$0x0], $0xffff  }
0xea: {  	s29 =	sadd.s32 $0xFFFFFFFC, s21;
	v34 =	vor.u32 v2, v19;
	v36 =	vor.u32 v2, v22;
	v19 =	vadd.s32 s28, v0;
	v43 =	vld.idx.msk [tilespmem:v43+s3+$0x0], $0xffff  }
0xeb: {  	s18 =	sadd.s32 $0x6A, s24;
	[tilespmem:v13+s12+$0x0] =	vst.idx.msk $0xffff, v17;
	v37 =	vor.u32 v2, v23;
	v22 =	vadd.s32 s29, v0;
	s29 =	sadd.s32 $0xFFFFFFD4, s21;
	v14 =	vadd.s32 s1, v1;
	v31 =	vld.idx.msk [tilespmem:v31+s3+$0x0], $0xffff  }
0xec: {  	v18 =	vadd.s32 s2, v1;
	v17 =	vadd.s32 s18, v1;
	s2 =	sadd.s32 $0xFFFFFFF4, s21;
	v23 =	vadd.s32 s29, v0;
	v29 =	vld.idx.msk [tilespmem:v29+s3+$0x0], $0xffff  }
0xed: {  	s4 =	sadd.s32 $0xFFFFFFF1, s21;
	v13 =	vand.u32 $0x1FF8, v14;
	v14 =	vmov s18;
	v25 =	vadd.s32 s2, v0;
	s18 =	sadd.s32 $0xFFFFFFF9, s21;
	v57 =	vld.idx.msk [tilespmem:v63+s3+$0x0], $0xffff  }
0xee: {  	s25 =	sadd.s32 $0xFFFFFFD5, s21;
	v16 =	vand.u32 $0x1FF8, v17;
	v17 =	vadd.s32 s4, v0;
	s4 =	sadd.s32 $0xFFFFFFC4, s21;
	v21 =	vadd.s32 s18, v0;
	v49 =	vld.idx.msk [tilespmem:v49+s3+$0x0], $0xffff  }
0xef: {  	s13 =	sadd.s32 $0xFFFFFFD2, s21;
	v12 =	vand.u32 $0x1FF8, v18;
	v18 =	vadd.s32 s25, v0;
	v42 =	vadd.s32 s4, v0;
	v48 =	vld.idx.msk [tilespmem:v19+s3+$0x0], $0xffff  }
0xf0: {  	v11 =	vor.u32 v11, v13;
	v14 =	vand.u32 $0x6, v14;
	v26 =	vadd.s32 s13, v0;
	v52 =	vld.idx.msk [tilespmem:v22+s3+$0x0], $0xffff  }
0xf1: {  	s19 =	sadd.s32 $0xFFFFFFC5, s21;
	s20 =	sadd.s32 $0xFFFFFFCD, s21;
	v13 =	vor.u32 v15, v12;
	v12 =	vor.u32 v14, v16;
	v14 =	vadd.s32 s21, v0;
	v23 =	vld.idx.msk [tilespmem:v23+s3+$0x0], $0xffff  }
0xf2: {  	v15 =	vadd.s32 s19, v0;
	v18 =	vand.u32 $0x7FF8, v18;
	v16 =	vadd.s32 s20, v0;
	s20 =	sadd.s32 $0xFFFFFFFA, s21;
	v38 =	vld.idx.msk [tilespmem:v25+s3+$0x0], $0xffff  }
0xf3: {  	v15 =	vand.u32 $0x7FF8, v15;
	v33 =	vor.u32 v2, v18;
	v18 =	vadd.s32 s20, v0;
	v46 =	vld.idx.msk [tilespmem:v21+s3+$0x0], $0xffff  }
0xf4: {  	s8 =	sadd.s32 $0xFFFFFFC2, s21;
	v16 =	vand.u32 $0x7FF8, v16;
	v15 =	vor.u32 v2, v15;
	v42 =	vld.idx.msk [tilespmem:v42+s3+$0x0], $0xffff  }
0xf5: {  	s16 =	sadd.s32 $0xFFFFFFC7, s21;
	s6 =	sadd.s32 $0xFFFFFFCB, s21;
	s5 =	sadd.s32 $0xFFFFFFCC, s21;
	v39 =	vadd.s32 s8, v0;
	v16 =	vor.u32 v2, v16;
	v26 =	vld.idx.msk [tilespmem:v26+s3+$0x0], $0xffff  }
0xf6: {  	s9 =	sadd.s32 $0xFFFFFFCE, s21;
	s26 =	sadd.s32 $0xFFFFFFCF, s21;
	v45 =	vadd.s32 s16, v0;
	v50 =	vadd.s32 s6, v0;
	v53 =	vadd.s32 s5, v0;
	s28 =	sadd.s32 $0xFFFFFFD3, s21;
	v20 =	vld.idx.msk [tilespmem:v14+s3+$0x0], $0xffff  }
0xf7: {  	s11 =	sadd.s32 $0xFFFFFFF8, s21;
	s8 =	sadd.s32 $0xFFFFFFF5, s21;
	v54 =	vadd.s32 s9, v0;
	v56 =	vadd.s32 s26, v0;
	s25 =	sadd.s32 $0xFFFFFFCA, s21;
	v25 =	vadd.s32 s28, v0;
	v14 =	vld.idx.msk [tilespmem:v17+s3+$0x0], $0xffff  }
0xf8: {  	s0 =	smov.u32 s24;
	s31 =	sadd.s32 $0xFFFFFFD6, s21;
	s19 =	sadd.s32 $0xFFFFFFC9, s21;
	v30 =	vadd.s32 s25, v0;
	v21 =	vadd.s32 s8, v0;
	v17 =	vadd.s32 s11, v0;
	v47 =	vld.idx.msk [tilespmem:v18+s3+$0x0], $0xffff  }
0xf9: {  	s16 =	sadd.s32 $0xFFFFFFFD, s21;
	v24 =	vadd.s32 s31, v0;
	v28 =	vadd.s32 s19, v0;
	s20 =	sadd.s32 $0xFFFFFFD7, s21;
	s11 =	sadd.s32 $0xFFFFFFD1, s21;
	v18 =	vand.u32 $0x7FF8, v21;
	v21 =	vld.idx.msk [tilespmem:v15+s3+$0x0], $0xffff  }
0xfa: {  	v19 =	vadd.s32 s16, v0;
	v22 =	vadd.s32 s20, v0;
	s20 =	sadd.s32 $0x6B, s0;
	v27 =	vadd.s32 s11, v0;
	v60 =	vld.idx.msk [tilespmem:v16+s3+$0x0], $0xffff  }
0xfb: {  	v58 =	vadd.s32 s20, v1;
	vm4 =	vgt.f32 v52, v48;
	v51 =	vor.u32 v2, v18;
	v16 =	vld.idx.msk [tilespmem:v34+s3+$0x0], $0xffff  }
0xfc: {  	s18 =	sadd.s32 $0xFFFFFFD9, s21;
	v1 =	vimm.s32 $0x0;
	v18 =	vand.u32 $0x7FF8, v19;
	v34 =	vsel vm4, $0x41300000, v9;
	v25 =	vld.idx.msk [tilespmem:v25+s3+$0x0], $0xffff  }
0xfd: {  	v19 =	vor.u32 v2, v18;
	v18 =	vadd.s32 s18, v0;
	v44 =	vld.idx.msk [tilespmem:v17+s3+$0x0], $0xffff;
	vm0 =	vgt.f32 v32, v14  }
0xfe: {  	s30 =	sadd.s32 $0xFFFFFFFF, s21;
	vm1 =	vgt.f32 v38, v35;
	vm8 =	vgt.f32 v42, v40;
	v32 =	vsel vm0, v32, v14;
	v14 =	vld.idx.msk [tilespmem:v37+s3+$0x0], $0xffff  }
0xff: {  	v35 =	vsel vm1, v38, v35;
	v17 =	vadd.s32 s30, v0;
	v40 =	vsel vm8, v42, v40;
	v27 =	vld.idx.msk [tilespmem:v27+s3+$0x0], $0xffff  }
0x100: {  	vm3 =	vgt.f32 v47, v46;
	v61 =	vsel vm0, $0x3F800000, v3;
	v37 =	vsel vm4, v52, v48;
	v51 =	vld.idx.msk [tilespmem:v51+s3+$0x0], $0xffff  }
0x101: {  	s17 =	sadd.s32 $0xFFFFFFE2, s21;
	vm6 =	vgt.f32 v43, v21;
	v63 =	vsel vm3, $0x41100000, v8;
	v38 =	vsel vm3, v47, v46;
	v46 =	vld.idx.msk [tilespmem:v54+s3+$0x0], $0xffff  }
0x102: {  	vm0 =	vgt.f32 v35, v32;
	v47 =	vadd.s32 s17, v0;
	v21 =	vsel vm6, v43, v21;
	v59 =	vld.idx.msk [tilespmem:v19+s3+$0x0], $0xffff  }
0x103: {  	s16 =	sadd.s32 $0xFFFFFFE1, s21;
	v19 =	vld.idx.msk [tilespmem:v33+s3+$0x0], $0xffff;
	v33 =	vsel vm1, $0x40400000, v5;
	vm3 =	vgt.f32 v37, v38;
	v32 =	vsel vm0, v35, v32  }
0x104: {  	v35 =	vld.idx.msk [tilespmem:v45+s3+$0x0], $0xffff;
	v45 =	vadd.s32 s16, v0;
	vm13 =	vgt.f32 v23, v25;
	v33 =	vsel vm0, v33, v61  }
0x105: {  	s9 =	sadd.s32 $0xFFFFFFDF, s21;
	s31 =	sadd.s32 $0xFFFFFFEA, s21;
	v15 =	vld.idx.msk [tilespmem:v36+s3+$0x0], $0xffff;
	v34 =	vsel vm3, v34, v63;
	v63 =	vimm.f32 $1.200000000e+01;
	v37 =	vsel vm3, v37, v38  }
0x106: {  	s19 =	sadd.s32 $0xFFFFFFD8, s21;
	v38 =	vadd.s32 s9, v0;
	v61 =	vld.idx.msk [tilespmem:v56+s3+$0x0], $0xffff;
	v56 =	vadd.s32 s31, v0;
	vm2 =	vgt.f32 v44, v41  }
0x107: {  	s15 =	sadd.s32 $0xFFFFFFE0, s21;
	s18 =	sadd.s32 $0xFFFFFFEF, s21;
	v23 =	vsel vm13, v23, v25;
	v55 =	vld.idx.msk [tilespmem:v17+s3+$0x0], $0xffff;
	v17 =	vadd.s32 s19, v0;
	v62 =	vsel vm2, $0x40E00000, v7  }
0x108: {  	v36 =	vsel vm2, v44, v41;
	v41 =	vld.idx.msk [tilespmem:v28+s3+$0x0], $0xffff;
	v44 =	vadd.s32 s15, v0;
	v28 =	vadd.s32 s18, v0  }
0x109: {  	vm12 =	vgt.f32 v26, v27;
	vm1 =	vgt.f32 v57, v51;
	vm15 =	vgt.f32 v46, v60  }
0x10a: {  	v26 =	vsel vm12, v26, v27;
	vm2 =	vgt.f32 v49, v59;
	v48 =	vsel vm1, v57, v51  }
0x10b: {  	s26 =	sadd.s32 $0xFFFFFFE4, s21;
	v30 =	vld.idx.msk [tilespmem:v30+s3+$0x0], $0xffff;
	vm10 =	vgt.f32 v31, v35;
	v25 =	vsel vm15, $0x41500000, v63;
	v51 =	vsel vm2, v49, v59  }
0x10c: {  	v52 =	vsel vm2, $0x41500000, v63;
	vm0 =	vgt.f32 v36, v48;
	v49 =	vadd.s32 s26, v0  }
0x10d: {  	s25 =	sadd.s32 $0xFFFFFFE3, s21;
	v31 =	vsel vm10, v31, v35;
	vm11 =	vgt.f32 v29, v61;
	vm5 =	vgt.f32 v20, v55  }
0x10e: {  	v36 =	vsel vm0, v36, v48;
	v48 =	vadd.s32 s25, v0;
	vm4 =	vgt.f32 v31, v21  }
0x10f: {  	v29 =	vsel vm11, v29, v61;
	v4 =	vsel vm5, $0x41700000, v10;
	v20 =	vsel vm5, v20, v55  }
0x110: {  	v55 =	vsel vm1, $0x40A00000, v6;
	vm9 =	vgt.f32 v30, v41;
	v21 =	vsel vm4, v31, v21  }
0x111: {  	v39 =	vld.idx.msk [tilespmem:v39+s3+$0x0], $0xffff;
	vm1 =	vgt.f32 v20, v51;
	v55 =	vsel vm0, v62, v55;
	vm0 =	vgt.f32 v36, v32  }
0x112: {  	v24 =	vld.idx.msk [tilespmem:v24+s3+$0x0], $0xffff;
	v30 =	vsel vm9, v30, v41;
	v41 =	vsel vm15, v46, v60;
	v20 =	vsel vm1, v20, v51  }
0x113: {  	s2 =	sadd.s32 $0xFFFFFFDA, s21;
	v22 =	vld.idx.msk [tilespmem:v22+s3+$0x0], $0xffff;
	v4 =	vsel vm1, v4, v52;
	v57 =	vsel vm0, v36, v32;
	vm2 =	vgt.f32 v20, v37  }
0x114: {  	s13 =	sadd.s32 $0xFFFFFFC1, s21;
	v17 =	vld.idx.msk [tilespmem:v17+s3+$0x0], $0xffff;
	v20 =	vsel vm2, v20, v37;
	v4 =	vsel vm2, v4, v34;
	v34 =	vadd.s32 s2, v0  }
0x115: {  	s6 =	sadd.s32 $0xFFFFFFDC, s21;
	s1 =	sadd.s32 $0xFFFFFFDB, s21;
	v18 =	vld.idx.msk [tilespmem:v18+s3+$0x0], $0xffff;
	v59 =	vsel vm0, v55, v33;
	vm0 =	vgt.f32 v20, v57;
	v20 =	vadd.s32 s13, v0  }
0x116: {  	s29 =	sadd.s32 $0xFFFFFFE7, s21;
	s28 =	sadd.s32 $0xFFFFFFE6, s21;
	v33 =	vld.idx.msk [tilespmem:v50+s3+$0x0], $0xffff;
	v32 =	vadd.s32 s1, v0;
	v36 =	vadd.s32 s6, v0;
	v4 =	vsel vm0, v4, v59  }
0x117: {  	s7 =	sadd.s32 $0xFFFFFFE9, s21;
	v51 =	vadd.s32 s28, v0;
	v52 =	vadd.s32 s29, v0;
	vm5 =	vgt.f32 v29, v41;
	[tilespmem:v58+s12+$0x0] =	vst.idx.msk $0xffff, v4;
	v4 =	vld.idx.msk [tilespmem:v53+s3+$0x0], $0xffff  }
0x118: {  	s8 =	sadd.s32 $0xFFFFFFDE, s21;
	v55 =	vadd.s32 s7, v0;
	v50 =	vld.idx.msk [tilespmem:v44+s3+$0x0], $0xffff;
	v44 =	vsel vm13, $0x40400000, v5;
	v29 =	vsel vm5, v29, v41  }
0x119: {  	s11 =	sadd.s32 $0xFFFFFFEB, s21;
	v41 =	vsel vm11, $0x41700000, v10;
	v37 =	vadd.s32 s8, v0;
	vm15 =	vgt.f32 v17, v22;
	v43 =	vld.idx.msk [tilespmem:v34+s3+$0x0], $0xffff  }
0x11a: {  	s4 =	sadd.s32 $0xFFFFFFEE, s21;
	s30 =	sadd.s32 $0xFFFFFFE8, s21;
	v57 =	vadd.s32 s11, v0;
	v17 =	vsel vm15, v17, v22;
	v22 =	vsel vm10, $0x40E00000, v7;
	v62 =	vld.idx.msk [tilespmem:v20+s3+$0x0], $0xffff  }
0x11b: {  	v60 =	vld.idx.msk [tilespmem:v45+s3+$0x0], $0xffff;
	v45 =	vsel vm15, $0x40E00000, v7;
	v59 =	vadd.s32 s4, v0;
	v53 =	vadd.s32 s30, v0  }
0x11c: {  	s0 =	sadd.s32 $0xFFFFFFEC, s21;
	v54 =	vld.idx.msk [tilespmem:v32+s3+$0x0], $0xffff;
	v32 =	vsel vm6, $0x40A00000, v6;
	vm6 =	vgt.f32 v23, v26;
	vm7 =	vgt.f32 v4, v33  }
0x11d: {  	s20 =	sadd.s32 $0xFFFFFFF0, s21;
	v58 =	vadd.s32 s0, v0;
	v23 =	vsel vm6, v23, v26;
	v4 =	vsel vm7, v4, v33  }
0x11e: {  	v22 =	vsel vm4, v22, v32;
	v20 =	vadd.s32 s20, v0;
	vm0 =	vgt.f32 v4, v30  }
0x11f: {  	v46 =	vld.idx.msk [tilespmem:v37+s3+$0x0], $0xffff;
	vm10 =	vgt.f32 v43, v18;
	vm14 =	vgt.f32 v39, v62;
	v1 =	vsel vm0, $0xFFFFFFFF, v1  }
0x120: {  	v4 =	vsel vm0, v4, v30;
	vm0 =	vgt.f32 v24, v19;
	v18 =	vsel vm10, v43, v18  }
0x121: {  	v30 =	vsel vm7, $0x41300000, v9;
	v43 =	vsel vm12, $0x3F800000, v3;
	v42 =	vsel vm14, v39, v62;
	v62 =	vld.idx.msk [tilespmem:v36+s3+$0x0], $0xffff  }
0x122: {  	v56 =	vld.idx.msk [tilespmem:v56+s3+$0x0], $0xffff;
	vm3 =	vgt.f32 v29, v4;
	v19 =	vsel vm0, v24, v19;
	v35 =	vsel vm0, $0x40A00000, v6  }
0x123: {  	v24 =	vld.idx.msk [tilespmem:v38+s3+$0x0], $0xffff;
	v26 =	vsel vm14, $0x3F800000, v3;
	v36 =	vsel vm8, $0x40400000, v5;
	v39 =	vsel vm9, $0x41100000, v8  }
0x124: {  	v61 =	vld.idx.msk [tilespmem:v48+s3+$0x0], $0xffff;
	vm14 =	vgt.f32 v46, v16;
	vm1 =	vgt.f32 v40, v42;
	vm8 =	vgt.f32 v17, v19  }
0x125: {  	v57 =	vld.idx.msk [tilespmem:v57+s3+$0x0], $0xffff;
	v16 =	vsel vm14, v46, v16;
	v34 =	vsel vm14, $0x41500000, v63;
	v46 =	vsel vm10, $0x41100000, v8  }
0x126: {  	v31 =	vsel vm1, v40, v42;
	v17 =	vsel vm8, v17, v19;
	v19 =	vld.idx.msk [tilespmem:v47+s3+$0x0], $0xffff;
	vm0 =	vgt.f32 v62, v54  }
0x127: {  	v4 =	vsel vm3, v29, v4;
	vm2 =	vgt.f32 v21, v31;
	v27 =	vsel vm0, v62, v54;
	v62 =	vld.idx.msk [tilespmem:v49+s3+$0x0], $0xffff  }
0x128: {  	vm7 =	vgt.f32 v17, v23;
	v21 =	vsel vm2, v21, v31;
	vm12 =	vgt.f32 v50, v24;
	v54 =	vld.idx.msk [tilespmem:v51+s3+$0x0], $0xffff  }
0x129: {  	v37 =	vld.idx.msk [tilespmem:v53+s3+$0x0], $0xffff;
	v17 =	vsel vm7, v17, v23;
	v24 =	vsel vm12, v50, v24;
	vm9 =	vgt.f32 v27, v18  }
0x12a: {  	v48 =	vsel vm0, $0x41300000, v9;
	vm11 =	vgt.f32 v24, v16;
	v18 =	vsel vm9, v27, v18;
	v27 =	vld.idx.msk [tilespmem:v52+s3+$0x0], $0xffff  }
0x12b: {  	v47 =	vld.idx.msk [tilespmem:v55+s3+$0x0], $0xffff;
	v38 =	vsel vm12, $0x41700000, v10;
	vm13 =	vgt.f32 v19, v60;
	v16 =	vsel vm11, v24, v16  }
0x12c: {  	v19 =	vsel vm13, v19, v60;
	v51 =	vsel vm13, $0x3F800000, v3;
	v60 =	vld.idx.msk [tilespmem:v59+s3+$0x0], $0xffff;
	v59 =	vsel vm11, v38, v34  }
0x12d: {  	v58 =	vld.idx.msk [tilespmem:v58+s3+$0x0], $0xffff;
	vm10 =	vgt.f32 v16, v18;
	vm0 =	vgt.f32 v62, v61;
	vm12 =	vgt.f32 v54, v15  }
0x12e: {  	v33 =	vsel vm0, v62, v61;
	v15 =	vsel vm12, v54, v15;
	v61 =	vsel vm12, $0x40A00000, v6  }
0x12f: {  	v62 =	vsel vm0, $0x40400000, v5;
	vm12 =	vgt.f32 v33, v19;
	vm0 =	vgt.f32 v37, v27  }
0x130: {  	v16 =	vsel vm10, v16, v18;
	v19 =	vsel vm12, v33, v19;
	v27 =	vsel vm0, v37, v27  }
0x131: {  	v28 =	vld.idx.msk [tilespmem:v28+s3+$0x0], $0xffff;
	v53 =	vsel vm0, $0x40E00000, v7;
	vm0 =	vgt.f32 v56, v47;
	vm14 =	vgt.f32 v27, v15  }
0x132: {  	v20 =	vld.idx.msk [tilespmem:v20+s3+$0x0], $0xffff;
	v24 =	vsel vm0, v56, v47;
	v54 =	vsel vm0, $0x41100000, v8;
	vm0 =	vgt.f32 v58, v57  }
0x133: {  	v62 =	vsel vm12, v62, v51;
	v15 =	vsel vm14, v27, v15;
	v23 =	vsel vm0, v58, v57  }
0x134: {  	[tilespmem:$0x1FFD0] =	vst v1;
	v55 =	vsel vm0, $0x41300000, v9;
	vm0 =	vgt.f32 v60, v14;
	v57 =	vsel vm5, v41, v25  }
0x135: {  	v1 =	vld [tilespmem:$0x1FFD0];
	v58 =	vsel vm8, v45, v35;
	v31 =	vsel vm14, v53, v61;
	v61 =	vsel vm9, v48, v46  }
0x136: {  	vm5 =	vgt.f32 v16, v17;
	vm13 =	vgt.f32 v15, v19;
	v14 =	vsel vm0, v60, v14  }
0x137: {  	v56 =	vsel vm0, $0x41500000, v63;
	vm15 =	vgt.f32 v23, v24;
	vm0 =	vgt.f32 v20, v28  }
0x138: {  	s24 =	sadd.s32 $0x4, s24;
	v60 =	vsel vm6, v44, v43;
	v18 =	vsel vm15, v23, v24;
	v20 =	vsel vm0, v20, v28  }
0x139: {  	p1 =	slt.u32 s24, $0x2C;
	v23 =	vsel vm0, $0x41700000, v10;
	v19 =	vsel vm13, v15, v19;
	vm0 =	vgt.f32 v20, v14  }
.Ltmp2:
0x13a: {  	v15 =	vsel vm0, v20, v14;
	v14 =	vsel vm0, v23, v56;
	vm0 =	vnez.u8 v1;
	(pc) =	sbr.rel @p1 .LBB2_5-.Ltmp2, $4  }
0x13b: {  	v20 =	vsel vm1, v36, v26;
	vm4 =	vgt.f32 v15, v18;
	v23 =	vsel vm0, v30, v39  }
0x13c: {  	vm0 =	vgt.f32 v4, v21;
	v16 =	vsel vm2, v22, v20;
	v20 =	vsel vm10, v59, v61  }
0x13d: {  	v18 =	vsel vm4, v15, v18;
	v15 =	vsel vm15, v55, v54;
	v17 =	vsel vm3, v57, v23  }
0x13e: {  	vm1 =	vgt.f32 v18, v19;
	v19 =	vsel vm7, v58, v60;
	v18 =	vsel vm13, v31, v62  }
.LBB2_6:
0x13f: {  	_ =	sdelay $0x2  }
0x140: {  	v4 =	vsel vm0, v17, v16  }
0x141: {  	v62 =	vsel vm5, v20, v19;
	v14 =	vsel vm4, v14, v15;
	[tilespmem:v11+s12+$0x0] =	vst.idx.msk $0xffff, v4  }
0x142: {  	v4 =	vsel vm1, v14, v18;
	[tilespmem:v13+s12+$0x0] =	vst.idx.msk $0xffff, v62  }
0x143: {  	v10 =	vimm.f32 $1.400000000e+01;
	[tilespmem:v12+s12+$0x0] =	vst.idx.msk $0xffff, v4  }
.LBB2_7:
0x144: {  	v4 =	vadd.s32 s22, v0;
	s0 =	sadd.s32 $0x1, s22  }
0x145: {  	s16 =	sadd.s32 $0x2, s22;
	v11 =	vadd.s32 s0, v0  }
0x146: {  	s17 =	sadd.s32 $0x3, s22;
	v12 =	vadd.s32 s16, v0  }
0x147: {  	s19 =	sadd.s32 $0x6, s22;
	v14 =	vadd.s32 s17, v0  }
0x148: {  	s20 =	sadd.s32 $0x7, s22;
	v1 =	vld [tilespmem:$0x1FFE0];
	v16 =	vadd.s32 s19, v0  }
0x149: {  	s21 =	sadd.s32 $0x8, s22;
	v17 =	vadd.s32 s20, v0;
	v4 =	vld.idx.msk [tilespmem:v4+s3+$0x0], $0xffff  }
0x14a: {  	s24 =	sadd.s32 $0x9, s22;
	v18 =	vadd.s32 s21, v0;
	v11 =	vld.idx.msk [tilespmem:v11+s3+$0x0], $0xffff  }
0x14b: {  	s25 =	sadd.s32 $0xA, s22;
	v19 =	vadd.s32 s24, v0;
	v12 =	vld.idx.msk [tilespmem:v12+s3+$0x0], $0xffff  }
0x14c: {  	s28 =	sadd.s32 $0xB, s22;
	v20 =	vadd.s32 s25, v0;
	v14 =	vld.idx.msk [tilespmem:v14+s3+$0x0], $0xffff  }
0x14d: {  	s1 =	sadd.s32 $0x4, s22;
	s18 =	sadd.s32 $0x5, s22;
	v22 =	vadd.s32 s28, v0;
	v16 =	vld.idx.msk [tilespmem:v16+s3+$0x0], $0xffff  }
0x14e: {  	s26 =	sadd.s32 $0xC, s22;
	s29 =	sadd.s32 $0xD, s22;
	v13 =	vadd.s32 s1, v0;
	v15 =	vadd.s32 s18, v0;
	v17 =	vld.idx.msk [tilespmem:v17+s3+$0x0], $0xffff  }
0x14f: {  	v21 =	vadd.s32 s26, v0;
	v23 =	vadd.s32 s29, v0;
	v13 =	vand.u32 $0x7FF8, v13;
	v18 =	vld.idx.msk [tilespmem:v18+s3+$0x0], $0xffff  }
0x150: {  	v21 =	vand.u32 $0x7FF8, v21;
	v13 =	vor.u32 v2, v13;
	v19 =	vld.idx.msk [tilespmem:v19+s3+$0x0], $0xffff  }
0x151: {  	s30 =	sadd.s32 $0xE, s22;
	v21 =	vor.u32 v2, v21;
	v20 =	vld.idx.msk [tilespmem:v20+s3+$0x0], $0xffff  }
0x152: {  	s31 =	sadd.s32 $0xF, s22;
	v24 =	vadd.s32 s30, v0;
	v22 =	vld.idx.msk [tilespmem:v22+s3+$0x0], $0xffff  }
0x153: {  	v25 =	vadd.s32 s31, v0;
	v15 =	vld.idx.msk [tilespmem:v15+s3+$0x0], $0xffff  }
0x154: {  	v23 =	vld.idx.msk [tilespmem:v23+s3+$0x0], $0xffff  }
0x155: {  	v60 =	vadd.s32 s23, v1;
	v13 =	vld.idx.msk [tilespmem:v13+s3+$0x0], $0xffff;
	vm0 =	vgt.f32 v11, v4  }
0x156: {  	v21 =	vld.idx.msk [tilespmem:v21+s3+$0x0], $0xffff;
	vm1 =	vgt.f32 v14, v12;
	vm4 =	vgt.f32 v17, v16;
	vm5 =	vgt.f32 v19, v18  }
0x157: {  	v24 =	vld.idx.msk [tilespmem:v24+s3+$0x0], $0xffff;
	vm6 =	vgt.f32 v22, v20;
	v4 =	vsel vm0, v11, v4;
	v12 =	vsel vm1, v14, v12  }
0x158: {  	v11 =	vld.idx.msk [tilespmem:v25+s3+$0x0], $0xffff;
	v50 =	vsel vm0, $0x3F800000, v3;
	v51 =	vsel vm1, $0x40400000, v5;
	v16 =	vsel vm4, v17, v16  }
0x159: {  	v18 =	vsel vm5, v19, v18;
	v53 =	vsel vm4, $0x40E00000, v7;
	v20 =	vsel vm6, v22, v20  }
0x15a: {  	v54 =	vsel vm5, $0x41100000, v8;
	v55 =	vsel vm6, $0x41300000, v9;
	vm2 =	vgt.f32 v15, v13  }
0x15b: {  	vm7 =	vgt.f32 v23, v21;
	vm9 =	vgt.f32 v12, v4;
	vm11 =	vgt.f32 v20, v18  }
0x15c: {  	v13 =	vsel vm2, v15, v13;
	v52 =	vsel vm2, $0x40A00000, v6;
	v21 =	vsel vm7, v23, v21  }
0x15d: {  	v56 =	vsel vm7, $0x41500000, v63;
	v4 =	vsel vm9, v12, v4;
	vm8 =	vgt.f32 v11, v24  }
0x15e: {  	v14 =	vsel vm9, v51, v50;
	v59 =	vsel vm11, v20, v18;
	v11 =	vsel vm8, v11, v24  }
0x15f: {  	v61 =	vsel vm11, v55, v54;
	vm10 =	vgt.f32 v16, v13;
	vm12 =	vgt.f32 v11, v21  }
0x160: {  	p1 =	sne.s32 s22, $0x374;
	v13 =	vsel vm10, v16, v13;
	v58 =	vsel vm10, v53, v52;
	v11 =	vsel vm12, v11, v21  }
.Ltmp3:
0x161: {  	vm13 =	vgt.f32 v13, v4;
	v57 =	vsel vm8, $0x41700000, v10;
	vm14 =	vgt.f32 v11, v59;
	(pc) =	sbr.rel @p1 .LBB2_7-.Ltmp3, $4  }
0x162: {  	v4 =	vsel vm13, v13, v4;
	v12 =	vsel vm12, v57, v56;
	v11 =	vsel vm14, v11, v59  }
0x163: {  	v62 =	vsel vm13, v58, v14;
	v12 =	vsel vm14, v12, v61;
	vm15 =	vgt.f32 v11, v4  }
0x164: {  	v4 =	vsel vm15, v12, v62  }
0x165: {  	s22 =	sadd.s32 $0x10, s22;
	s23 =	sadd.s32 $0x1, s23;
	[tilespmem:v60+s12+$0x0] =	vst.idx.msk $0xffff, v4  }
0x166: {  	s0 =	simm.s32 $0x38B  }
0x167: {  	s1 =	simm.s32 $0x38A;
	v4 =	vadd.s32 s0, v0  }
0x168: {  	s7 =	simm.s32 $0x389;
	v11 =	vadd.s32 s1, v0  }
0x169: {  	s8 =	simm.s32 $0x387;
	v1 =	vld [tilespmem:$0x1FFE0];
	v12 =	vadd.s32 s7, v0  }
0x16a: {  	s11 =	simm.s32 $0x385;
	v13 =	vadd.s32 s8, v0  }
0x16b: {  	s9 =	simm.s32 $0x386;
	s13 =	simm.s32 $0x388;
	v15 =	vadd.s32 s11, v0  }
0x16c: {  	s15 =	simm.s32 $0x384;
	v14 =	vadd.s32 s9, v0;
	v16 =	vadd.s32 s13, v0;
	v4 =	vld.idx.msk [tilespmem:v4+s3+$0x0], $0xffff  }
0x16d: {  	s16 =	simm.s32 $0x9D;
	v17 =	vadd.s32 s15, v0;
	v16 =	vand.u32 $0x7FF8, v16;
	v11 =	vld.idx.msk [tilespmem:v11+s3+$0x0], $0xffff  }
0x16e: {  	s2 =	simm.s32 $0x9C;
	s18 =	simm.s32 $0x392;
	s21 =	simm.s32 $0x391;
	v16 =	vor.u32 v2, v16;
	v18 =	vadd.s32 s16, v1;
	v12 =	vld.idx.msk [tilespmem:v12+s3+$0x0], $0xffff  }
0x16f: {  	s19 =	simm.s32 $0x9B;
	s20 =	simm.s32 $0x99;
	s23 =	simm.s32 $0x38F;
	v21 =	vadd.s32 s18, v0;
	v25 =	vadd.s32 s21, v0;
	v19 =	vadd.s32 s2, v1;
	v13 =	vld.idx.msk [tilespmem:v13+s3+$0x0], $0xffff  }
0x170: {  	s22 =	simm.s32 $0x98;
	s24 =	simm.s32 $0x97;
	v28 =	vadd.s32 s23, v0;
	v22 =	vadd.s32 s19, v1;
	v23 =	vadd.s32 s20, v1;
	v15 =	vld.idx.msk [tilespmem:v15+s3+$0x0], $0xffff  }
0x171: {  	s17 =	simm.s32 $0x393;
	v26 =	vadd.s32 s22, v1;
	v29 =	vadd.s32 s24, v1;
	v14 =	vld.idx.msk [tilespmem:v14+s3+$0x0], $0xffff;
	vm0 =	vgt.f32 v4, $0.0e+00  }
0x172: {  	s29 =	simm.s32 $0x38D;
	v24 =	vld.idx.msk [tilespmem:v17+s3+$0x0], $0xffff;
	v4 =	vadd.s32 s17, v0;
	vm10 =	vgt.f32 v11, $0.0e+00;
	v20 =	vsel vm0, $0x3F800000, v3  }
0x173: {  	s26 =	simm.s32 $0x96;
	v17 =	vadd.s32 s29, v0;
	v27 =	vld.idx.msk [tilespmem:v16+s3+$0x0], $0xffff;
	vm1 =	vgt.f32 v12, $0.0e+00;
	v12 =	vsel vm10, $0x3F800000, v3;
	[tilespmem:v18+s12+$0x0] =	vst.idx.msk $0xffff, v20  }
0x174: {  	s25 =	simm.s32 $0x38E;
	vm11 =	vgt.f32 v13, $0.0e+00;
	v16 =	vsel vm1, $0x3F800000, v3;
	v20 =	vadd.s32 s26, v1;
	[tilespmem:v19+s12+$0x0] =	vst.idx.msk $0xffff, v12  }
0x175: {  	s28 =	simm.s32 $0x9A;
	v11 =	vadd.s32 s25, v0;
	vm12 =	vgt.f32 v15, $0.0e+00;
	v13 =	vsel vm11, $0x3F800000, v3;
	[tilespmem:v22+s12+$0x0] =	vst.idx.msk $0xffff, v16  }
0x176: {  	s30 =	simm.s32 $0x390;
	vm13 =	vgt.f32 v14, $0.0e+00;
	v15 =	vadd.s32 s28, v1;
	v14 =	vsel vm12, $0x3F800000, v3;
	[tilespmem:v23+s12+$0x0] =	vst.idx.msk $0xffff, v13;
	v13 =	vld.idx.msk [tilespmem:v21+s3+$0x0], $0xffff  }
0x177: {  	vm14 =	vgt.f32 v24, $0.0e+00;
	v18 =	vadd.s32 s30, v0;
	[tilespmem:v29+s12+$0x0] =	vst.idx.msk $0xffff, v14;
	v12 =	vld.idx.msk [tilespmem:v4+s3+$0x0], $0xffff;
	v4 =	vsel vm13, $0x3F800000, v3  }
0x178: {  	s31 =	simm.s32 $0x38C;
	v16 =	vld.idx.msk [tilespmem:v25+s3+$0x0], $0xffff;
	v21 =	vsel vm14, $0x3F800000, v3;
	vm15 =	vgt.f32 v27, $0.0e+00;
	[tilespmem:v26+s12+$0x0] =	vst.idx.msk $0xffff, v4;
	v4 =	vand.u32 $0x7FF8, v18  }
0x179: {  	s4 =	simm.s32 $0xA5;
	s1 =	simm.s32 $0x0;
	s2 =	simm.s32 $0x8;
	v14 =	vld.idx.msk [tilespmem:v28+s3+$0x0], $0xffff;
	v18 =	vadd.s32 s31, v0;
	v19 =	vor.u32 v2, v4;
	[tilespmem:v20+s12+$0x0] =	vst.idx.msk $0xffff, v21;
	v20 =	vsel vm15, $0x3F800000, v3  }
.LBB2_9:
0x17a: {  	v1 =	vld [tilespmem:$0x1FFE0];
	_ =	sdelay $0x4  }
0x17b: {  	v4 =	vld.idx.msk [tilespmem:v11+s3+$0x0], $0xffff;
	s6 =	sadd.s32 $0xA4, s1;
	s18 =	sadd.s32 $0x392, s2;
	v11 =	vadd.s32 s4, v1  }
0x17c: {  	[tilespmem:v15+s12+$0x0] =	vst.idx.msk $0xffff, v20;
	v15 =	vld.idx.msk [tilespmem:v17+s3+$0x0], $0xffff;
	s19 =	sadd.s32 $0xA3, s1;
	s23 =	sadd.s32 $0x38F, s2;
	v21 =	vadd.s32 s18, v0;
	vm10 =	vgt.f32 v13, $0.0e+00;
	v17 =	vadd.s32 s6, v1  }
0x17d: {  	s5 =	sadd.s32 $0x393, s2;
	s20 =	sadd.s32 $0xA1, s1;
	v23 =	vld.idx.msk [tilespmem:v18+s3+$0x0], $0xffff;
	v26 =	vadd.s32 s23, v0;
	v13 =	vsel vm10, $0x3F800000, v3;
	v22 =	vadd.s32 s19, v1  }
0x17e: {  	s21 =	sadd.s32 $0x391, s2;
	s22 =	sadd.s32 $0xA0, s1;
	s24 =	sadd.s32 $0x9F, s1;
	v19 =	vld.idx.msk [tilespmem:v19+s3+$0x0], $0xffff;
	vm0 =	vgt.f32 v12, $0.0e+00;
	v12 =	vadd.s32 s5, v0;
	v18 =	vadd.s32 s20, v1  }
0x17f: {  	s25 =	sadd.s32 $0x38E, s2;
	s26 =	sadd.s32 $0x9E, s1;
	s28 =	sadd.s32 $0xA2, s1;
	vm1 =	vgt.f32 v16, $0.0e+00;
	v20 =	vsel vm0, $0x3F800000, v3;
	v27 =	vadd.s32 s24, v1  }
0x180: {  	s1 =	smov.u32 s2;
	s29 =	sadd.s32 $0x38D, s2;
	s2 =	sadd.s32 $0x8, s2;
	v16 =	vadd.s32 s21, v0;
	vm11 =	vgt.f32 v14, $0.0e+00;
	v24 =	vadd.s32 s22, v1;
	[tilespmem:v11+s12+$0x0] =	vst.idx.msk $0xffff, v20  }
0x181: {  	p1 =	slt.u32 s2, $0x28;
	v25 =	vsel vm1, $0x3F800000, v3;
	v14 =	vsel vm11, $0x3F800000, v3;
	v20 =	vadd.s32 s26, v1;
	[tilespmem:v17+s12+$0x0] =	vst.idx.msk $0xffff, v13  }
.Ltmp4:
0x182: {  	vm12 =	vgt.f32 v15, $0.0e+00;
	vm13 =	vgt.f32 v4, $0.0e+00;
	v15 =	vadd.s32 s28, v1;
	[tilespmem:v22+s12+$0x0] =	vst.idx.msk $0xffff, v25;
	(pc) =	sbr.rel @p1 .LBB2_9-.Ltmp4, $4  }
0x183: {  	s31 =	sadd.s32 $0x390, s1;
	vm14 =	vgt.f32 v23, $0.0e+00;
	v4 =	vsel vm12, $0x3F800000, v3;
	vm15 =	vgt.f32 v19, $0.0e+00;
	[tilespmem:v18+s12+$0x0] =	vst.idx.msk $0xffff, v14;
	v12 =	vld.idx.msk [tilespmem:v12+s3+$0x0], $0xffff  }
0x184: {  	v11 =	vadd.s32 s25, v0;
	v14 =	vadd.s32 s31, v0;
	[tilespmem:v27+s12+$0x0] =	vst.idx.msk $0xffff, v4;
	v13 =	vld.idx.msk [tilespmem:v21+s3+$0x0], $0xffff;
	v21 =	vsel vm13, $0x3F800000, v3  }
0x185: {  	s30 =	sadd.s32 $0x38C, s1;
	v17 =	vadd.s32 s29, v0;
	v22 =	vsel vm14, $0x3F800000, v3;
	v16 =	vld.idx.msk [tilespmem:v16+s3+$0x0], $0xffff;
	[tilespmem:v24+s12+$0x0] =	vst.idx.msk $0xffff, v21;
	v21 =	vand.u32 $0x7FF8, v14  }
0x186: {  	s0 =	simm.s32 $0x3B4;
	s4 =	sadd.s32 $0xA5, s1;
	v18 =	vadd.s32 s30, v0;
	v14 =	vld.idx.msk [tilespmem:v26+s3+$0x0], $0xffff;
	v19 =	vor.u32 v2, v21;
	[tilespmem:v20+s12+$0x0] =	vst.idx.msk $0xffff, v22;
	v20 =	vsel vm15, $0x3F800000, v3  }
0x187: {  	v1 =	vld [tilespmem:$0x1FFE0];
	_ =	sdelay $0x4  }
0x188: {  	s2 =	sadd.s32 $0xA4, s1;
	v4 =	vadd.s32 s4, v1  }
0x189: {  	s26 =	sadd.s32 $0xA1, s1;
	v54 =	vld.idx.msk [tilespmem:v17+s3+$0x0], $0xffff;
	v21 =	vadd.s32 s2, v1  }
0x18a: {  	v11 =	vld.idx.msk [tilespmem:v11+s3+$0x0], $0xffff;
	s29 =	sadd.s32 $0x9F, s1;
	vm0 =	vgt.f32 v12, $0.0e+00;
	v55 =	vadd.s32 s26, v1  }
0x18b: {  	s25 =	sadd.s32 $0xA3, s1;
	v56 =	vsel vm0, $0x3F800000, v3;
	v60 =	vadd.s32 s29, v1  }
0x18c: {  	s28 =	sadd.s32 $0xA0, s1;
	[tilespmem:v15+s12+$0x0] =	vst.idx.msk $0xffff, v20;
	v57 =	vld.idx.msk [tilespmem:v18+s3+$0x0], $0xffff;
	vm10 =	vgt.f32 v13, $0.0e+00;
	vm1 =	vgt.f32 v16, $0.0e+00;
	v22 =	vadd.s32 s25, v1  }
0x18d: {  	v19 =	vld.idx.msk [tilespmem:v19+s3+$0x0], $0xffff;
	s30 =	sadd.s32 $0x9E, s1;
	v59 =	vsel vm10, $0x3F800000, v3;
	vm11 =	vgt.f32 v14, $0.0e+00;
	v58 =	vadd.s32 s28, v1;
	[tilespmem:v4+s12+$0x0] =	vst.idx.msk $0xffff, v56  }
0x18e: {  	s31 =	sadd.s32 $0xA2, s1;
	v61 =	vadd.s32 s30, v1;
	v62 =	vsel vm11, $0x3F800000, v3;
	vm13 =	vgt.f32 v54, $0.0e+00;
	[tilespmem:v21+s12+$0x0] =	vst.idx.msk $0xffff, v59  }
0x18f: {  	vm12 =	vgt.f32 v11, $0.0e+00;
	v11 =	vadd.s32 s31, v1;
	v12 =	vsel vm13, $0x3F800000, v3;
	[tilespmem:v55+s12+$0x0] =	vst.idx.msk $0xffff, v62  }
0x190: {  	v4 =	vsel vm1, $0x3F800000, v3;
	[tilespmem:v60+s12+$0x0] =	vst.idx.msk $0xffff, v12  }
0x191: {  	vm14 =	vgt.f32 v57, $0.0e+00;
	[tilespmem:v22+s12+$0x0] =	vst.idx.msk $0xffff, v4;
	v4 =	vsel vm12, $0x3F800000, v3  }
0x192: {  	vm15 =	vgt.f32 v19, $0.0e+00;
	[tilespmem:v58+s12+$0x0] =	vst.idx.msk $0xffff, v4;
	v4 =	vsel vm14, $0x3F800000, v3  }
0x193: {  	[tilespmem:v61+s12+$0x0] =	vst.idx.msk $0xffff, v4;
	v4 =	vsel vm15, $0x3F800000, v3  }
0x194: {  	[tilespmem:v11+s12+$0x0] =	vst.idx.msk $0xffff, v4  }
.LBB2_11:
0x195: {  	v4 =	vadd.s32 s0, v0;
	_ =	sdelay $0x1  }
0x196: {  	v1 =	vld [tilespmem:$0x1FFE0];
	_ =	sdelay $0x1  }
0x197: {  	s26 =	simm.s32 $0x0  }
0x198: {  	v4 =	vld.idx.msk [tilespmem:v4+s26+$0x0], $0xffff  }
0x199: {  	s1 =	sadd.s32 $0xFFFFFD12, s0  }
0x19a: {  	p1 =	sne.s32 s0, $0x3B5;
	v11 =	vadd.s32 s1, v1  }
.Ltmp5:
0x19b: {  	_ = 	snop;
	(pc) =	sbr.rel @p1 .LBB2_11-.Ltmp5, $4  }
0x19c: {  	_ = 	snop  }
0x19d: {  	vm0 =	vgt.f32 v4, $0.0e+00  }
0x19e: {  	v4 =	vsel vm0, $0x3F800000, v3  }
0x19f: {  	s0 =	sadd.s32 $0x1, s0;
	[tilespmem:v11+s12+$0x0] =	vst.idx.msk $0xffff, v4  }
0x1a0: {  	v11 =	vadd.s32 $0x3B60, v0;
	s0 =	simm.s32 $0x9  }
0x1a1: {  	v4 =	vadd.s32 s0, v11  }
0x1a2: {  	s21 =	simm.s32 $0x1;
	v12 =	vadd.s32 s26, v11  }
0x1a3: {  	s28 =	simm.s32 $0x2;
	v13 =	vadd.s32 s21, v11  }
0x1a4: {  	s22 =	simm.s32 $0x3;
	v14 =	vadd.s32 s28, v11  }
0x1a5: {  	s29 =	simm.s32 $0x4;
	v15 =	vadd.s32 s22, v11  }
0x1a6: {  	s23 =	simm.s32 $0x5;
	v16 =	vadd.s32 s29, v11;
	v4 =	vld.idx.msk [tilespmem:v4+s3+$0x0], $0xffff  }
0x1a7: {  	s31 =	simm.s32 $0x6;
	v17 =	vadd.s32 s23, v11;
	v12 =	vld.idx.msk [tilespmem:v12+s3+$0x0], $0xffff  }
0x1a8: {  	s24 =	simm.s32 $0x7;
	v18 =	vadd.s32 s31, v11;
	v13 =	vld.idx.msk [tilespmem:v13+s3+$0x0], $0xffff  }
0x1a9: {  	v19 =	vadd.s32 s24, v11;
	v14 =	vld.idx.msk [tilespmem:v14+s3+$0x0], $0xffff  }
0x1aa: {  	v15 =	vld.idx.msk [tilespmem:v15+s3+$0x0], $0xffff  }
0x1ab: {  	v16 =	vld.idx.msk [tilespmem:v16+s3+$0x0], $0xffff;
	v4 =	vsub.f32 $0.0e+00, v4  }
0x1ac: {  	s30 =	simm.s32 $0x8;
	v17 =	vld.idx.msk [tilespmem:v17+s3+$0x0], $0xffff;
	v12 =	vsub.f32 $0.0e+00, v12  }
0x1ad: {  	v20 =	vadd.s32 s30, v11;
	v18 =	vld.idx.msk [tilespmem:v18+s3+$0x0], $0xffff;
	v13 =	vsub.f32 $0.0e+00, v13;
	v4 =	vmul.f32 $1.442695020e+00, v4  }
0x1ae: {  	v19 =	vld.idx.msk [tilespmem:v19+s3+$0x0], $0xffff;
	v14 =	vsub.f32 $0.0e+00, v14;
	v12 =	vmul.f32 $1.442695020e+00, v12  }
0x1af: {  	v15 =	vsub.f32 $0.0e+00, v15;
	v13 =	vmul.f32 $1.442695020e+00, v13;
	(erf) = vpow2.f32 v4  }
0x1b0: {  	v16 =	vsub.f32 $0.0e+00, v16;
	v14 =	vmul.f32 $1.442695020e+00, v14;
	(erf) = vpow2.f32 v12  }
0x1b1: {  	v12 =	vmul.f32 $1.442695020e+00, v15;
	v15 =	vsub.f32 $0.0e+00, v17;
	(erf) = vpow2.f32 v13  }
0x1b2: {  	v4 =	vld.idx.msk [tilespmem:v20+s3+$0x0], $0xffff;
	v13 =	vmul.f32 $1.442695020e+00, v16;
	(erf) = vpow2.f32 v14;
	v14 =	vsub.f32 $0.0e+00, v18  }
0x1b3: {  	v15 =	vmul.f32 $1.442695020e+00, v15;
	(erf) = vpow2.f32 v12;
	v12 =	vsub.f32 $0.0e+00, v19  }
0x1b4: {  	(erf) = vpow2.f32 v13;
	v13 =	vmul.f32 $1.442695020e+00, v14  }
0x1b5: {  	(erf) = vpow2.f32 v15;
	v12 =	vmul.f32 $1.442695020e+00, v12  }
0x1b6: {  	(erf) = vpow2.f32 v13  }
0x1b7: {  	v4 =	vsub.f32 $0.0e+00, v4;
	(erf) = vpow2.f32 v12;
	v12 =	vmov s28  }
0x1b8: {  	v14 =	vpop (erf)  }
0x1b9: {  	v4 =	vmul.f32 $1.442695020e+00, v4;
	v15 =	vadd.f32 $1.000000000e+00, v14;
	v14 =	vpop (erf)  }
0x1ba: {  	v17 =	vadd.f32 $1.000000000e+00, v14;
	v14 =	vand.u32 $0x6, v12;
	v12 =	vpop (erf)  }
0x1bb: {  	(erf) = vpow2.f32 v4;
	v12 =	vadd.f32 $1.000000000e+00, v12  }
0x1bc: {  	v16 =	vmov s31;
	v4 =	vmov s29;
	v18 =	vpop (erf);
	(erf) = vrcp.f32 v15  }
0x1bd: {  	v15 =	vand.u32 $0x6, v4;
	v4 =	vadd.f32 $1.000000000e+00, v18;
	(erf) = vrcp.f32 v17  }
0x1be: {  	v16 =	vand.u32 $0x6, v16;
	v13 =	vmov s26;
	(erf) = vrcp.f32 v12;
	v17 =	vpop (erf)  }
0x1bf: {  	v19 =	vmov s30;
	v13 =	vand.u32 $0x6, v13;
	(erf) = vrcp.f32 v4;
	v12 =	vpop (erf)  }
0x1c0: {  	s25 =	simm.s32 $0xA;
	s6 =	simm.s32 $0x13;
	s1 =	simm.s32 $0x14;
	v18 =	vadd.f32 $1.000000000e+00, v17;
	v17 =	vand.u32 $0x6, v19;
	v19 =	vadd.f32 $1.000000000e+00, v12;
	v20 =	vpop (erf)  }
.LBB2_13:
0x1c1: {  	v1 =	vld [tilespmem:$0x1FFE0];
	_ =	sdelay $0x3  }
0x1c2: {  	v21 =	vadd.s32 s6, v11  }
0x1c3: {  	v4 =	vadd.s32 s25, v11;
	s4 =	sadd.s32 $0x1, s25;
	s7 =	sadd.s32 $0x2, s25;
	v20 =	vadd.f32 $1.000000000e+00, v20;
	v12 =	vadd.s32 $0xC80, v1  }
0x1c4: {  	s5 =	sadd.s32 $0x3, s25;
	s9 =	sadd.s32 $0x4, s25;
	s2 =	sadd.s32 $0x5, s25;
	v23 =	vadd.s32 s4, v11;
	v24 =	vadd.s32 s7, v11;
	v25 =	vadd.s32 s0, v12  }
0x1c5: {  	s11 =	sadd.s32 $0x6, s25;
	s8 =	sadd.s32 $0x7, s25;
	s13 =	sadd.s32 $0x8, s25;
	v27 =	vadd.s32 s5, v11;
	v28 =	vadd.s32 s9, v11;
	v29 =	vadd.s32 s2, v11;
	v22 =	vpop (erf)  }
0x1c6: {  	v31 =	vadd.s32 s11, v11;
	v32 =	vadd.s32 s8, v11;
	v33 =	vadd.s32 s13, v11;
	v26 =	vpop (erf)  }
0x1c7: {  	v22 =	vadd.f32 $1.000000000e+00, v22;
	v30 =	vpop (erf);
	(erf) = vrcp.f32 v18;
	v18 =	vld.idx.msk [tilespmem:v21+s3+$0x0], $0xffff;
	v21 =	vadd.f32 $1.000000000e+00, v26  }
0x1c8: {  	v46 =	vadd.f32 $1.000000000e+00, v30;
	(erf) = vrcp.f32 v19;
	v19 =	vpop (erf);
	v47 =	vadd.s32 s26, v12  }
0x1c9: {  	v4 =	vld.idx.msk [tilespmem:v4+s3+$0x0], $0xffff;
	v34 =	vadd.s32 s28, v12;
	v48 =	vadd.s32 s31, v12;
	[tilespmem:v25+s12+$0x0] =	vst.idx.msk $0xffff, v19;
	v19 =	vpop (erf);
	(erf) = vrcp.f32 v20  }
0x1ca: {  	v50 =	vadd.s32 s30, v12;
	v49 =	vand.u32 $0x3FF8, v47;
	v20 =	vld.idx.msk [tilespmem:v23+s3+$0x0], $0xffff;
	v35 =	vpop (erf);
	(erf) = vrcp.f32 v22  }
0x1cb: {  	v51 =	vand.u32 $0x3FF8, v34;
	v53 =	vand.u32 $0x3FF8, v48;
	v22 =	vld.idx.msk [tilespmem:v24+s3+$0x0], $0xffff;
	v36 =	vpop (erf);
	(erf) = vrcp.f32 v21  }
0x1cc: {  	v54 =	vand.u32 $0x3FF8, v50;
	v13 =	vor.u32 v13, v49;
	v21 =	vld.idx.msk [tilespmem:v27+s3+$0x0], $0xffff;
	(erf) = vrcp.f32 v46  }
0x1cd: {  	v52 =	vld.idx.msk [tilespmem:v28+s3+$0x0], $0xffff;
	v14 =	vor.u32 v14, v51;
	v18 =	vsub.f32 $0.0e+00, v18;
	v23 =	vadd.s32 s29, v12  }
0x1ce: {  	v55 =	vld.idx.msk [tilespmem:v29+s3+$0x0], $0xffff;
	v16 =	vor.u32 v16, v53;
	v4 =	vsub.f32 $0.0e+00, v4;
	v23 =	vand.u32 $0x3FF8, v23  }
0x1cf: {  	v1 =	vmul.f32 $1.442695020e+00, v18;
	v15 =	vor.u32 v15, v23;
	v23 =	vld.idx.msk [tilespmem:v31+s3+$0x0], $0xffff;
	v20 =	vsub.f32 $0.0e+00, v20  }
0x1d0: {  	v17 =	vor.u32 v17, v54;
	v10 =	vmul.f32 $1.442695020e+00, v4;
	v58 =	vpop (erf);
	v22 =	vsub.f32 $0.0e+00, v22  }
0x1d1: {  	v56 =	vld.idx.msk [tilespmem:v32+s3+$0x0], $0xffff;
	v61 =	vpop (erf);
	(erf) = vpow2.f32 v1;
	v62 =	vmul.f32 $1.442695020e+00, v20;
	v21 =	vsub.f32 $0.0e+00, v21  }
0x1d2: {  	v59 =	vld.idx.msk [tilespmem:v33+s3+$0x0], $0xffff;
	[tilespmem:v13+s12+$0x0] =	vst.idx.msk $0xffff, v19;
	v19 =	vsub.f32 $0.0e+00, v52;
	v1 =	vmul.f32 $1.442695020e+00, v22;
	v18 =	vpop (erf);
	(erf) = vpow2.f32 v10  }
0x1d3: {  	[tilespmem:v14+s12+$0x0] =	vst.idx.msk $0xffff, v36;
	v14 =	vmul.f32 $1.442695020e+00, v21;
	v21 =	vsub.f32 $0.0e+00, v55;
	v4 =	vpop (erf);
	(erf) = vpow2.f32 v62  }
0x1d4: {  	[tilespmem:v15+s12+$0x0] =	vst.idx.msk $0xffff, v61;
	v15 =	vmul.f32 $1.442695020e+00, v19;
	v19 =	vsub.f32 $0.0e+00, v23;
	v20 =	vpop (erf);
	(erf) = vpow2.f32 v1  }
0x1d5: {  	v57 =	vadd.s32 s21, v12;
	v21 =	vmul.f32 $1.442695020e+00, v21;
	v13 =	vpop (erf);
	(erf) = vpow2.f32 v14  }
0x1d6: {  	v22 =	vsub.f32 $0.0e+00, v56;
	v14 =	vmul.f32 $1.442695020e+00, v19;
	(erf) = vpow2.f32 v15  }
0x1d7: {  	v60 =	vadd.s32 s22, v12;
	[tilespmem:v16+s12+$0x0] =	vst.idx.msk $0xffff, v4;
	v19 =	vsub.f32 $0.0e+00, v59;
	(erf) = vpow2.f32 v21  }
0x1d8: {  	s26 =	smov.u32 s25;
	v4 =	vmul.f32 $1.442695020e+00, v22;
	v15 =	vadd.s32 s23, v12;
	[tilespmem:v17+s12+$0x0] =	vst.idx.msk $0xffff, v13;
	v17 =	vadd.s32 s24, v12  }
0x1d9: {  	s29 =	smov.u32 s9;
	v13 =	vmov s26;
	v16 =	vmul.f32 $1.442695020e+00, v19;
	(erf) = vpow2.f32 v14  }
0x1da: {  	s28 =	smov.u32 s7;
	v1 =	vmov s29;
	v13 =	vand.u32 $0x6, v13;
	(erf) = vpow2.f32 v4;
	v14 =	vpop (erf)  }
0x1db: {  	p1 =	slt.u32 s1, $0x5A;
	s30 =	smov.u32 s13;
	v4 =	vmov s28;
	(erf) = vpow2.f32 v16;
	v21 =	vadd.f32 $1.000000000e+00, v14;
	v14 =	vpop (erf)  }
.Ltmp6:
0x1dc: {  	s31 =	smov.u32 s11;
	v22 =	vadd.f32 $1.000000000e+00, v14;
	v14 =	vand.u32 $0x6, v4;
	v4 =	vmov s30;
	v23 =	vpop (erf);
	(pc) =	sbr.rel @p1 .LBB2_13-.Ltmp6, $4  }
0x1dd: {  	v19 =	vmov s31;
	[tilespmem:v15+s12+$0x0] =	vst.idx.msk $0xffff, v18;
	v23 =	vadd.f32 $1.000000000e+00, v23;
	v16 =	vpop (erf);
	(erf) = vrcp.f32 v21  }
0x1de: {  	s0 =	smov.u32 s6;
	s25 =	smov.u32 s1;
	v15 =	vand.u32 $0x6, v1;
	[tilespmem:v17+s12+$0x0] =	vst.idx.msk $0xffff, v20;
	v1 =	vadd.f32 $1.000000000e+00, v16;
	(erf) = vrcp.f32 v22;
	v17 =	vpop (erf)  }
0x1df: {  	s21 =	smov.u32 s4;
	s22 =	smov.u32 s5;
	s1 =	sadd.s32 $0xA, s1;
	[tilespmem:v57+s12+$0x0] =	vst.idx.msk $0xffff, v35;
	v18 =	vadd.f32 $1.000000000e+00, v17;
	v17 =	vand.u32 $0x6, v4;
	(erf) = vrcp.f32 v23;
	v4 =	vpop (erf)  }
0x1e0: {  	s6 =	sadd.s32 $0x9, s25;
	[tilespmem:v60+s12+$0x0] =	vst.idx.msk $0xffff, v58;
	s23 =	smov.u32 s2;
	s24 =	smov.u32 s8;
	v16 =	vand.u32 $0x6, v19;
	v19 =	vadd.f32 $1.000000000e+00, v4;
	(erf) = vrcp.f32 v1;
	v20 =	vpop (erf)  }
0x1e1: {  	v4 =	vadd.s32 s6, v11  }
0x1e2: {  	v21 =	vadd.s32 s25, v11;
	s15 =	sadd.s32 $0x1, s25  }
0x1e3: {  	s8 =	sadd.s32 $0x2, s25;
	v24 =	vadd.s32 s0, v12;
	v22 =	vadd.s32 s15, v11  }
0x1e4: {  	v20 =	vadd.f32 $1.000000000e+00, v20;
	v59 =	vadd.s32 s28, v12;
	v23 =	vadd.s32 s8, v11  }
0x1e5: {  	s9 =	sadd.s32 $0x3, s25;
	v34 =	vadd.s32 s31, v12;
	v61 =	vadd.s32 s30, v12;
	v49 =	vadd.s32 s22, v12  }
0x1e6: {  	s2 =	sadd.s32 $0x4, s25;
	v50 =	vadd.s32 s23, v12;
	v52 =	vadd.s32 s24, v12;
	v25 =	vadd.s32 s9, v11;
	v4 =	vld.idx.msk [tilespmem:v4+s3+$0x0], $0xffff  }
0x1e7: {  	s1 =	sadd.s32 $0x5, s25;
	s16 =	sadd.s32 $0x6, s25;
	s7 =	sadd.s32 $0x7, s25;
	v35 =	vmov s25;
	v57 =	vadd.s32 s6, v12;
	v26 =	vpop (erf);
	v27 =	vadd.s32 s2, v11;
	v21 =	vld.idx.msk [tilespmem:v21+s3+$0x0], $0xffff  }
0x1e8: {  	s17 =	sadd.s32 $0x8, s25;
	v28 =	vadd.s32 s1, v11;
	v29 =	vadd.s32 s16, v11;
	v31 =	vadd.s32 s7, v11;
	v30 =	vpop (erf);
	v22 =	vld.idx.msk [tilespmem:v22+s3+$0x0], $0xffff  }
0x1e9: {  	v32 =	vadd.s32 s17, v11;
	v45 =	vand.u32 $0x3FF8, v59;
	v26 =	vadd.f32 $1.000000000e+00, v26;
	v33 =	vpop (erf);
	v23 =	vld.idx.msk [tilespmem:v23+s3+$0x0], $0xffff  }
0x1ea: {  	(erf) = vrcp.f32 v18;
	v18 =	vadd.f32 $1.000000000e+00, v30;
	v58 =	vadd.f32 $1.000000000e+00, v33  }
0x1eb: {  	(erf) = vrcp.f32 v19;
	v19 =	vadd.s32 s26, v12;
	v25 =	vld.idx.msk [tilespmem:v25+s3+$0x0], $0xffff;
	v4 =	vsub.f32 $0.0e+00, v4  }
0x1ec: {  	(erf) = vrcp.f32 v20;
	v20 =	vadd.s32 s29, v12;
	v60 =	vld.idx.msk [tilespmem:v27+s3+$0x0], $0xffff;
	v21 =	vsub.f32 $0.0e+00, v21  }
0x1ed: {  	(erf) = vrcp.f32 v26;
	v28 =	vld.idx.msk [tilespmem:v28+s3+$0x0], $0xffff;
	v22 =	vsub.f32 $0.0e+00, v22;
	v4 =	vmul.f32 $1.442695020e+00, v4  }
0x1ee: {  	(erf) = vrcp.f32 v18;
	v18 =	vld.idx.msk [tilespmem:v29+s3+$0x0], $0xffff;
	v23 =	vsub.f32 $0.0e+00, v23;
	v21 =	vmul.f32 $1.442695020e+00, v21  }
0x1ef: {  	v19 =	vand.u32 $0x3FF8, v19;
	v62 =	vpop (erf);
	v42 =	vld.idx.msk [tilespmem:v31+s3+$0x0], $0xffff;
	(erf) = vrcp.f32 v58;
	v22 =	vmul.f32 $1.442695020e+00, v22  }
0x1f0: {  	v43 =	vpop (erf);
	v25 =	vsub.f32 $0.0e+00, v25;
	v23 =	vmul.f32 $1.442695020e+00, v23;
	(erf) = vpow2.f32 v4  }
0x1f1: {  	v32 =	vld.idx.msk [tilespmem:v32+s3+$0x0], $0xffff;
	v20 =	vand.u32 $0x3FF8, v20;
	v26 =	vsub.f32 $0.0e+00, v60;
	v4 =	vpop (erf);
	(erf) = vpow2.f32 v21  }
0x1f2: {  	v28 =	vsub.f32 $0.0e+00, v28;
	v25 =	vmul.f32 $1.442695020e+00, v25;
	v21 =	vpop (erf);
	(erf) = vpow2.f32 v22  }
0x1f3: {  	v18 =	vsub.f32 $0.0e+00, v18;
	v26 =	vmul.f32 $1.442695020e+00, v26;
	v22 =	vpop (erf);
	(erf) = vpow2.f32 v23  }
0x1f4: {  	v30 =	vsub.f32 $0.0e+00, v42;
	v28 =	vmul.f32 $1.442695020e+00, v28;
	v23 =	vpop (erf);
	(erf) = vpow2.f32 v25  }
0x1f5: {  	v13 =	vor.u32 v13, v19;
	v18 =	vmul.f32 $1.442695020e+00, v18;
	v44 =	vpop (erf);
	(erf) = vpow2.f32 v26  }
0x1f6: {  	v32 =	vsub.f32 $0.0e+00, v32;
	v30 =	vmul.f32 $1.442695020e+00, v30;
	v46 =	vpop (erf);
	(erf) = vpow2.f32 v28  }
0x1f7: {  	v15 =	vor.u32 v15, v20;
	v47 =	vpop (erf);
	(erf) = vpow2.f32 v18;
	v18 =	vand.u32 $0x3FF8, v34  }
0x1f8: {  	v20 =	vadd.s32 s21, v12;
	v32 =	vmul.f32 $1.442695020e+00, v32;
	v19 =	vpop (erf);
	(erf) = vpow2.f32 v30  }
0x1f9: {  	v35 =	vand.u32 $0x6, v35;
	v37 =	vmov s8;
	v39 =	vmov s2;
	v48 =	vpop (erf)  }
0x1fa: {  	v14 =	vor.u32 v14, v45;
	v16 =	vor.u32 v16, v18;
	(erf) = vpow2.f32 v32;
	v18 =	vpop (erf)  }
0x1fb: {  	v27 =	vand.u32 $0x3FF8, v61;
	v26 =	vadd.f32 $1.000000000e+00, v48;
	v51 =	vpop (erf);
	v18 =	vadd.f32 $1.000000000e+00, v18  }
0x1fc: {  	v37 =	vand.u32 $0x6, v37;
	v54 =	vand.u32 $0x6, v39;
	v17 =	vor.u32 v17, v27;
	v36 =	vpop (erf)  }
0x1fd: {  	[tilespmem:v20+s12+$0x0] =	vst.idx.msk $0xffff, v4;
	v4 =	vadd.s32 s25, v12;
	v32 =	vadd.f32 $1.000000000e+00, v51;
	(erf) = vrcp.f32 v26;
	v38 =	vpop (erf)  }
0x1fe: {  	v4 =	vand.u32 $0x3FF8, v4;
	v36 =	vadd.f32 $1.000000000e+00, v36;
	(erf) = vrcp.f32 v18;
	v53 =	vpop (erf)  }
0x1ff: {  	[tilespmem:v13+s12+$0x0] =	vst.idx.msk $0xffff, v43;
	v4 =	vor.u32 v35, v4;
	v55 =	vadd.f32 $1.000000000e+00, v38;
	(erf) = vrcp.f32 v32;
	v18 =	vpop (erf)  }
0x200: {  	[tilespmem:v15+s12+$0x0] =	vst.idx.msk $0xffff, v23;
	v23 =	vadd.s32 s9, v12;
	v13 =	vadd.f32 $1.000000000e+00, v53;
	(erf) = vrcp.f32 v36;
	v56 =	vpop (erf)  }
0x201: {  	[tilespmem:v17+s12+$0x0] =	vst.idx.msk $0xffff, v19;
	v19 =	vadd.s32 s16, v12;
	v18 =	vadd.f32 $1.000000000e+00, v18;
	v58 =	vpop (erf);
	(erf) = vrcp.f32 v55  }
0x202: {  	[tilespmem:v14+s12+$0x0] =	vst.idx.msk $0xffff, v21;
	v21 =	vadd.f32 $1.000000000e+00, v56;
	v15 =	vadd.f32 $1.000000000e+00, v58;
	(erf) = vrcp.f32 v13  }
0x203: {  	[tilespmem:v24+s12+$0x0] =	vst.idx.msk $0xffff, v62;
	v19 =	vand.u32 $0x3FF8, v19;
	v14 =	vpop (erf);
	v13 =	vadd.s32 s8, v12;
	(erf) = vrcp.f32 v18  }
0x204: {  	[tilespmem:v49+s12+$0x0] =	vst.idx.msk $0xffff, v22;
	v14 =	vadd.f32 $1.000000000e+00, v14;
	v18 =	vadd.s32 s2, v12;
	(erf) = vrcp.f32 v21  }
0x205: {  	[tilespmem:v50+s12+$0x0] =	vst.idx.msk $0xffff, v44;
	v13 =	vand.u32 $0x3FF8, v13;
	v21 =	vadd.s32 s15, v12;
	(erf) = vrcp.f32 v15  }
0x206: {  	[tilespmem:v16+s12+$0x0] =	vst.idx.msk $0xffff, v46;
	v16 =	vand.u32 $0x3FF8, v18;
	v13 =	vor.u32 v37, v13;
	v15 =	vpop (erf);
	(erf) = vrcp.f32 v14  }
0x207: {  	v16 =	vor.u32 v54, v16;
	v14 =	vmov s16;
	v18 =	vpop (erf);
	[tilespmem:v57+s12+$0x0] =	vst.idx.msk $0xffff, v15;
	v15 =	vadd.s32 s17, v12  }
0x208: {  	[tilespmem:v52+s12+$0x0] =	vst.idx.msk $0xffff, v47;
	v17 =	vmov s17;
	v14 =	vand.u32 $0x6, v14;
	v20 =	vpop (erf);
	v15 =	vand.u32 $0x3FF8, v15  }
0x209: {  	v17 =	vand.u32 $0x6, v17;
	v14 =	vor.u32 v14, v19;
	[tilespmem:v4+s12+$0x0] =	vst.idx.msk $0xffff, v18;
	v22 =	vpop (erf)  }
0x20a: {  	v4 =	vor.u32 v17, v15;
	[tilespmem:v21+s12+$0x0] =	vst.idx.msk $0xffff, v20;
	v17 =	vadd.s32 s7, v12;
	v19 =	vpop (erf)  }
0x20b: {  	[tilespmem:v13+s12+$0x0] =	vst.idx.msk $0xffff, v22;
	v15 =	vpop (erf)  }
0x20c: {  	s21 =	simm.s32 $0xA3;
	v13 =	vpop (erf);
	[tilespmem:v16+s12+$0x0] =	vst.idx.msk $0xffff, v15;
	v15 =	vadd.s32 s1, v12  }
0x20d: {  	s17 =	simm.s32 $0x9A;
	[tilespmem:v23+s12+$0x0] =	vst.idx.msk $0xffff, v19;
	v19 =	vadd.s32 s21, v11;
	v16 =	vpop (erf)  }
0x20e: {  	s20 =	simm.s32 $0x9C;
	v22 =	vadd.s32 s17, v11;
	v18 =	vpop (erf);
	[tilespmem:v14+s12+$0x0] =	vst.idx.msk $0xffff, v16  }
0x20f: {  	s18 =	simm.s32 $0x66;
	s22 =	simm.s32 $0x9D;
	v1 =	vimm.f32 $1.400000000e+01;
	v10 =	vimm.f32 $1.200000000e+01;
	v60 =	vadd.s32 s20, v11;
	s20 =	simm.s32 $0x71;
	v20 =	vpop (erf);
	[tilespmem:v17+s12+$0x0] =	vst.idx.msk $0xffff, v18  }
0x210: {  	s30 =	simm.s32 $0x98;
	s31 =	simm.s32 $0x99;
	v59 =	vadd.s32 s18, v12;
	v61 =	vadd.s32 s22, v11;
	s22 =	simm.s32 $0x72;
	v50 =	vadd.s32 s20, v11;
	[tilespmem:v4+s12+$0x0] =	vst.idx.msk $0xffff, v20  }
0x211: {  	s5 =	simm.s32 $0xA1;
	s6 =	simm.s32 $0x80;
	v51 =	vadd.s32 s22, v11;
	v55 =	vadd.s32 s30, v11;
	v56 =	vadd.s32 s31, v11;
	[tilespmem:v15+s12+$0x0] =	vst.idx.msk $0xffff, v13  }
0x212: {  	s24 =	simm.s32 $0x68;
	v30 =	vand.u32 $0xFFF8, v55;
	v58 =	vadd.s32 s6, v11;
	v57 =	vadd.s32 s5, v11;
	v21 =	vld.idx.msk [tilespmem:v19+s3+$0x0], $0xffff  }
0x213: {  	v30 =	vor.u32 v2, v30;
	v34 =	vand.u32 $0xFFF8, v58;
	v54 =	vadd.s32 s24, v11;
	s24 =	simm.s32 $0x74;
	s5 =	simm.s32 $0x6A;
	v29 =	vld.idx.msk [tilespmem:v22+s3+$0x0], $0xffff  }
0x214: {  	s13 =	simm.s32 $0x64;
	s8 =	simm.s32 $0x94;
	v34 =	vor.u32 v2, v34;
	v53 =	vadd.s32 s24, v11;
	v43 =	vadd.s32 s5, v11;
	s17 =	simm.s32 $0x6D;
	v25 =	vld.idx.msk [tilespmem:v60+s3+$0x0], $0xffff  }
0x215: {  	s15 =	simm.s32 $0x97;
	s16 =	simm.s32 $0x65;
	v47 =	vadd.s32 s17, v11;
	v14 =	vadd.s32 s8, v11;
	v16 =	vadd.s32 s13, v12;
	v27 =	vld.idx.msk [tilespmem:v61+s3+$0x0], $0xffff  }
0x216: {  	s9 =	simm.s32 $0x95;
	v17 =	vadd.s32 s15, v11;
	v18 =	vmov s16;
	v16 =	vand.u32 $0x3FF8, v16;
	v31 =	vld.idx.msk [tilespmem:v56+s3+$0x0], $0xffff  }
0x217: {  	s11 =	simm.s32 $0x96;
	s15 =	simm.s32 $0x6B;
	v4 =	vadd.s32 s9, v11;
	v20 =	vadd.s32 s16, v12;
	v18 =	vand.u32 $0x5, v18;
	v33 =	vld.idx.msk [tilespmem:v57+s3+$0x0], $0xffff  }
0x218: {  	s25 =	simm.s32 $0x9F;
	s16 =	simm.s32 $0x6C;
	v45 =	vadd.s32 s15, v11;
	v13 =	vadd.s32 s11, v11;
	v15 =	vmov s13;
	v30 =	vld.idx.msk [tilespmem:v30+s3+$0x0], $0xffff  }
0x219: {  	s9 =	simm.s32 $0x65;
	v20 =	vand.u32 $0x3FF8, v20;
	v46 =	vadd.s32 s16, v11;
	v22 =	vadd.s32 s25, v11;
	v43 =	vld.idx.msk [tilespmem:v43+s3+$0x0], $0xffff  }
0x21a: {  	s19 =	simm.s32 $0x9B;
	s11 =	simm.s32 $0x66;
	s13 =	simm.s32 $0x67;
	v19 =	vmov s18;
	v15 =	vand.u32 $0x4, v15;
	v61 =	vadd.s32 s9, v11;
	v23 =	vld.idx.msk [tilespmem:v14+s3+$0x0], $0xffff  }
0x21b: {  	s30 =	simm.s32 $0x7A;
	s31 =	simm.s32 $0x7B;
	v40 =	vadd.s32 s11, v11;
	v41 =	vadd.s32 s13, v11;
	v14 =	vadd.s32 s19, v11;
	v62 =	vld.idx.msk [tilespmem:v17+s3+$0x0], $0xffff  }
0x21c: {  	s23 =	simm.s32 $0x9E;
	s18 =	simm.s32 $0x6E;
	v56 =	vadd.s32 s30, v11;
	v57 =	vadd.s32 s31, v11;
	v19 =	vand.u32 $0x6, v19;
	s19 =	simm.s32 $0x6F;
	v4 =	vld.idx.msk [tilespmem:v4+s3+$0x0], $0xffff  }
0x21d: {  	v48 =	vadd.s32 s18, v11;
	v17 =	vadd.s32 s23, v11;
	s23 =	simm.s32 $0x73;
	v49 =	vadd.s32 s19, v11;
	v26 =	vld.idx.msk [tilespmem:v13+s3+$0x0], $0xffff  }
0x21e: {  	s26 =	simm.s32 $0xA2;
	v52 =	vadd.s32 s23, v11;
	v13 =	vor.u32 v15, v16;
	v16 =	vand.u32 $0x3FF8, v59;
	v35 =	vld.idx.msk [tilespmem:v22+s3+$0x0], $0xffff  }
0x21f: {  	s29 =	simm.s32 $0x78;
	v15 =	vor.u32 v18, v20;
	v18 =	vand.u32 $0xFFF8, v54;
	v20 =	vadd.s32 s26, v11;
	v39 =	vld.idx.msk [tilespmem:v61+s3+$0x0], $0xffff  }
0x220: {  	s7 =	simm.s32 $0x88;
	s26 =	simm.s32 $0x76;
	v18 =	vor.u32 v2, v18;
	v28 =	vld.idx.msk [tilespmem:v14+s3+$0x0], $0xffff;
	v14 =	vor.u32 v19, v16;
	v19 =	vadd.s32 s29, v11  }
0x221: {  	s28 =	simm.s32 $0x70;
	v22 =	vadd.s32 s7, v11;
	v54 =	vadd.s32 s26, v11;
	v40 =	vld.idx.msk [tilespmem:v40+s3+$0x0], $0xffff;
	v19 =	vand.u32 $0xFFF8, v19  }
0x222: {  	s4 =	simm.s32 $0xA0;
	vm3 =	vgt.f32 v27, v25;
	v41 =	vld.idx.msk [tilespmem:v41+s3+$0x0], $0xffff;
	v16 =	vadd.s32 s28, v11;
	v19 =	vor.u32 v2, v19  }
0x223: {  	v22 =	vand.u32 $0xFFF8, v22;
	s28 =	simm.s32 $0x77;
	v25 =	vsel vm3, v27, v25;
	v32 =	vld.idx.msk [tilespmem:v17+s3+$0x0], $0xffff;
	v17 =	vadd.s32 s4, v11  }
0x224: {  	v56 =	vld.idx.msk [tilespmem:v56+s3+$0x0], $0xffff;
	s29 =	simm.s32 $0x79;
	v16 =	vand.u32 $0xFFF8, v16;
	v59 =	vor.u32 v2, v22;
	v55 =	vadd.s32 s28, v11  }
0x225: {  	s4 =	simm.s32 $0x69;
	v37 =	vadd.s32 s29, v11;
	v17 =	vand.u32 $0xFFF8, v17;
	v36 =	vld.idx.msk [tilespmem:v20+s3+$0x0], $0xffff;
	vm2 =	vgt.f32 v28, v29  }
0x226: {  	s8 =	simm.s32 $0x90;
	v16 =	vor.u32 v2, v16;
	v42 =	vadd.s32 s4, v11;
	v28 =	vsel vm2, v28, v29;
	v29 =	vld.idx.msk [tilespmem:v45+s3+$0x0], $0xffff  }
0x227: {  	vm0 =	vgt.f32 v4, v23;
	v17 =	vor.u32 v2, v17;
	v20 =	vadd.s32 s8, v11;
	v22 =	vld.idx.msk [tilespmem:v19+s3+$0x0], $0xffff  }
0x228: {  	s4 =	simm.s32 $0x7C;
	v58 =	vsel vm0, $0x3F800000, v3;
	v4 =	vsel vm0, v4, v23;
	vm0 =	vgt.f32 v35, v32;
	v19 =	vld.idx.msk [tilespmem:v34+s3+$0x0], $0xffff  }
0x229: {  	v38 =	vadd.s32 s4, v11;
	vm1 =	vgt.f32 v62, v26;
	v27 =	vsel vm0, v35, v32;
	v32 =	vld.idx.msk [tilespmem:v46+s3+$0x0], $0xffff  }
0x22a: {  	s13 =	simm.s32 $0x82;
	v20 =	vand.u32 $0xFFF8, v20;
	v23 =	vsel vm1, $0x40400000, v5;
	v24 =	vsel vm1, v62, v26;
	v35 =	vld.idx.msk [tilespmem:v47+s3+$0x0], $0xffff  }
0x22b: {  	s15 =	simm.s32 $0x83;
	s16 =	simm.s32 $0x84;
	s25 =	simm.s32 $0x75;
	v60 =	vor.u32 v2, v20;
	v26 =	vsel vm2, $0x40E00000, v7;
	v45 =	vadd.s32 s13, v11;
	v47 =	vld.idx.msk [tilespmem:v48+s3+$0x0], $0xffff  }
0x22c: {  	v34 =	vadd.s32 s25, v11;
	v46 =	vadd.s32 s15, v11;
	v48 =	vadd.s32 s16, v11;
	v44 =	vld.idx.msk [tilespmem:v17+s3+$0x0], $0xffff  }
0x22d: {  	v17 =	vld.idx.msk [tilespmem:v59+s3+$0x0], $0xffff;
	vm1 =	vgt.f32 v21, v36;
	v59 =	vsel vm3, $0x41100000, v8;
	vm3 =	vgt.f32 v27, v25  }
0x22e: {  	s5 =	simm.s32 $0x64;
	s18 =	simm.s32 $0x86;
	v20 =	vld.idx.msk [tilespmem:v16+s3+$0x0], $0xffff;
	v61 =	vsel vm1, $0x41700000, v1;
	v21 =	vsel vm1, v21, v36;
	vm1 =	vgt.f32 v31, v30  }
0x22f: {  	v36 =	vadd.s32 s5, v11;
	v25 =	vsel vm3, v27, v25;
	v27 =	vld.idx.msk [tilespmem:v51+s3+$0x0], $0xffff;
	v51 =	vadd.s32 s18, v11  }
0x230: {  	s8 =	simm.s32 $0x7E;
	v16 =	vld.idx.msk [tilespmem:v60+s3+$0x0], $0xffff;
	v60 =	vsel vm0, $0x41300000, v9;
	vm0 =	vgt.f32 v24, v4;
	v62 =	vsel vm1, $0x40A00000, v6  }
0x231: {  	v18 =	vld.idx.msk [tilespmem:v18+s3+$0x0], $0xffff;
	v30 =	vsel vm1, v31, v30;
	v31 =	vadd.s32 s8, v11;
	v23 =	vsel vm0, v23, v58  }
0x232: {  	s17 =	simm.s32 $0x85;
	v37 =	vld.idx.msk [tilespmem:v37+s3+$0x0], $0xffff;
	v58 =	vsel vm3, v60, v59;
	v4 =	vsel vm0, v24, v4;
	vm0 =	vgt.f32 v28, v30  }
0x233: {  	v24 =	vld.idx.msk [tilespmem:v50+s3+$0x0], $0xffff;
	v50 =	vadd.s32 s17, v11;
	vm3 =	vgt.f32 v29, v43;
	v28 =	vsel vm0, v28, v30  }
0x234: {  	v42 =	vld.idx.msk [tilespmem:v42+s3+$0x0], $0xffff;
	v26 =	vsel vm0, v26, v62;
	vm4 =	vgt.f32 v35, v32;
	vm2 =	vgt.f32 v33, v44  }
0x235: {  	v29 =	vsel vm3, v29, v43;
	vm0 =	vgt.f32 v28, v4;
	v59 =	vsel vm2, v33, v44;
	v44 =	vld.idx.msk [tilespmem:v49+s3+$0x0], $0xffff  }
0x236: {  	s6 =	simm.s32 $0x7D;
	s9 =	simm.s32 $0x7F;
	v32 =	vsel vm4, v35, v32;
	v60 =	vsel vm2, $0x41500000, v63;
	v30 =	vld.idx.msk [tilespmem:v36+s3+$0x0], $0xffff;
	v4 =	vsel vm0, v28, v4  }
0x237: {  	s22 =	simm.s32 $0x8A;
	s11 =	simm.s32 $0x81;
	v23 =	vsel vm0, v26, v23;
	v28 =	vadd.s32 s6, v11;
	v26 =	vld.idx.msk [tilespmem:v34+s3+$0x0], $0xffff;
	v33 =	vadd.s32 s9, v11  }
0x238: {  	s30 =	simm.s32 $0x92;
	s23 =	simm.s32 $0x8B;
	v34 =	vadd.s32 s11, v11;
	v36 =	vld.idx.msk [tilespmem:v54+s3+$0x0], $0xffff;
	v54 =	vadd.s32 s22, v11;
	vm1 =	vgt.f32 v21, v59  }
0x239: {  	s26 =	simm.s32 $0x8E;
	s25 =	simm.s32 $0x8D;
	v49 =	vld.idx.msk [tilespmem:v55+s3+$0x0], $0xffff;
	v55 =	vadd.s32 s23, v11;
	v63 =	vadd.s32 s30, v11;
	v21 =	vsel vm1, v21, v59  }
0x23a: {  	v43 =	vld.idx.msk [tilespmem:v48+s3+$0x0], $0xffff;
	v61 =	vsel vm1, v61, v60;
	v59 =	vadd.s32 s25, v11;
	v60 =	vadd.s32 s26, v11  }
0x23b: {  	vm1 =	vgt.f32 v42, v18;
	v48 =	vld.idx.msk [tilespmem:v50+s3+$0x0], $0xffff;
	v50 =	vsel vm4, $0x41100000, v8;
	vm2 =	vgt.f32 v21, v25  }
0x23c: {  	s19 =	simm.s32 $0x87;
	v57 =	vld.idx.msk [tilespmem:v57+s3+$0x0], $0xffff;
	v18 =	vsel vm1, v42, v18;
	v42 =	vsel vm1, $0x40A00000, v6;
	vm1 =	vgt.f32 v24, v20  }
0x23d: {  	s24 =	simm.s32 $0x8C;
	s28 =	simm.s32 $0x8F;
	v21 =	vsel vm2, v21, v25;
	v25 =	vld.idx.msk [tilespmem:v52+s3+$0x0], $0xffff;
	v62 =	vsel vm2, v61, v58;
	v52 =	vadd.s32 s19, v11  }
0x23e: {  	v38 =	vld.idx.msk [tilespmem:v38+s3+$0x0], $0xffff;
	v58 =	vadd.s32 s24, v11;
	v61 =	vadd.s32 s28, v11;
	v20 =	vsel vm1, v24, v20  }
0x23f: {  	s20 =	simm.s32 $0x89;
	s7 =	simm.s32 $0x67;
	v45 =	vld.idx.msk [tilespmem:v45+s3+$0x0], $0xffff;
	v24 =	vsel vm1, $0x41500000, v10;
	vm1 =	vgt.f32 v37, v22;
	vm2 =	vgt.f32 v29, v18  }
0x240: {  	vm0 =	vgt.f32 v21, v4;
	v4 =	vld.idx.msk [tilespmem:v53+s3+$0x0], $0xffff;
	v21 =	vadd.s32 s7, v12;
	v53 =	vadd.s32 s20, v11  }
0x241: {  	s29 =	simm.s32 $0x91;
	v46 =	vld.idx.msk [tilespmem:v46+s3+$0x0], $0xffff;
	v22 =	vsel vm1, v37, v22;
	v37 =	vsel vm1, $0x40A00000, v6;
	vm1 =	vgt.f32 v39, v30  }
0x242: {  	v34 =	vld.idx.msk [tilespmem:v34+s3+$0x0], $0xffff;
	v18 =	vsel vm2, v29, v18;
	v23 =	vsel vm0, v62, v23;
	v62 =	vadd.s32 s29, v11  }
0x243: {  	s31 =	simm.s32 $0x93;
	v51 =	vld.idx.msk [tilespmem:v51+s3+$0x0], $0xffff;
	vm0 =	vgt.f32 v41, v40;
	v30 =	vsel vm1, v39, v30;
	v39 =	vsel vm1, $0x3F800000, v3  }
0x244: {  	v31 =	vld.idx.msk [tilespmem:v31+s3+$0x0], $0xffff;
	vm1 =	vgt.f32 v44, v47;
	v40 =	vsel vm0, v41, v40;
	v41 =	vadd.s32 s31, v11  }
0x245: {  	v28 =	vld.idx.msk [tilespmem:v28+s3+$0x0], $0xffff;
	v35 =	vsel vm1, v44, v47;
	v47 =	vsel vm3, $0x40E00000, v7;
	vm3 =	vgt.f32 v25, v27  }
0x246: {  	v33 =	vld.idx.msk [tilespmem:v33+s3+$0x0], $0xffff;
	v44 =	vsel vm0, $0x40400000, v5;
	vm0 =	vgt.f32 v35, v32;
	v25 =	vsel vm3, v25, v27  }
0x247: {  	v54 =	vld.idx.msk [tilespmem:v54+s3+$0x0], $0xffff;
	v27 =	vsel vm1, $0x41300000, v9;
	v29 =	vsel vm3, $0x41700000, v1;
	vm3 =	vgt.f32 v34, v19  }
0x248: {  	vm1 =	vgt.f32 v40, v30;
	[tilespmem:v21+s12+$0x0] =	vst.idx.msk $0xffff, v23;
	v19 =	vsel vm3, v34, v19;
	v34 =	vsel vm3, $0x41500000, v10  }
0x249: {  	v55 =	vld.idx.msk [tilespmem:v55+s3+$0x0], $0xffff;
	vm3 =	vgt.f32 v26, v4;
	v21 =	vsel vm1, v40, v30;
	v27 =	vsel vm0, v27, v50  }
0x24a: {  	v59 =	vld.idx.msk [tilespmem:v59+s3+$0x0], $0xffff;
	v4 =	vsel vm3, v26, v4;
	v26 =	vsel vm3, $0x3F800000, v3;
	vm3 =	vgt.f32 v49, v36  }
0x24b: {  	v53 =	vld.idx.msk [tilespmem:v53+s3+$0x0], $0xffff;
	v36 =	vsel vm3, v49, v36;
	v49 =	vsel vm3, $0x40400000, v5;
	vm3 =	vgt.f32 v57, v56  }
0x24c: {  	v52 =	vld.idx.msk [tilespmem:v52+s3+$0x0], $0xffff;
	v56 =	vsel vm3, v57, v56;
	v57 =	vsel vm3, $0x40E00000, v7;
	vm3 =	vgt.f32 v28, v38  }
0x24d: {  	v60 =	vld.idx.msk [tilespmem:v60+s3+$0x0], $0xffff;
	v28 =	vsel vm3, v28, v38;
	v38 =	vsel vm3, $0x41100000, v8;
	vm3 =	vgt.f32 v33, v31  }
0x24e: {  	v58 =	vld.idx.msk [tilespmem:v58+s3+$0x0], $0xffff;
	v31 =	vsel vm3, v33, v31;
	v33 =	vsel vm3, $0x41300000, v9;
	vm3 =	vgt.f32 v46, v45  }
0x24f: {  	v61 =	vld.idx.msk [tilespmem:v61+s3+$0x0], $0xffff;
	v45 =	vsel vm3, v46, v45;
	v46 =	vsel vm3, $0x41700000, v1;
	vm3 =	vgt.f32 v48, v43  }
0x250: {  	v62 =	vld.idx.msk [tilespmem:v62+s3+$0x0], $0xffff;
	v43 =	vsel vm3, v48, v43;
	v48 =	vsel vm3, $0x3F800000, v3;
	vm3 =	vgt.f32 v53, v17  }
0x251: {  	v63 =	vld.idx.msk [tilespmem:v63+s3+$0x0], $0xffff;
	v17 =	vsel vm3, v53, v17;
	v53 =	vsel vm3, $0x40A00000, v6;
	vm3 =	vgt.f32 v52, v51  }
0x252: {  	v41 =	vld.idx.msk [tilespmem:v41+s3+$0x0], $0xffff;
	v51 =	vsel vm3, v52, v51;
	v52 =	vsel vm3, $0x40400000, v5;
	vm3 =	vgt.f32 v55, v54  }
0x253: {  	v54 =	vsel vm3, v55, v54;
	v55 =	vsel vm3, $0x40E00000, v7;
	vm3 =	vgt.f32 v59, v58  }
0x254: {  	v58 =	vsel vm3, v59, v58;
	v59 =	vsel vm3, $0x41100000, v8;
	vm3 =	vgt.f32 v61, v60  }
0x255: {  	v60 =	vsel vm3, v61, v60;
	v61 =	vsel vm3, $0x41300000, v9;
	vm3 =	vgt.f32 v62, v16  }
0x256: {  	v8 =	vimm.f32 $4.000000000e+00;
	v9 =	vimm.f32 $1.000000000e+01;
	v16 =	vsel vm3, v62, v16  }
0x257: {  	v62 =	vsel vm3, $0x41500000, v10;
	vm3 =	vgt.f32 v41, v63;
	v10 =	vimm.f32 $8.000000000e+00  }
0x258: {  	v23 =	vsel vm3, v41, v63;
	v30 =	vsel vm3, $0x41700000, v1;
	vm3 =	vgt.f32 v25, v20  }
0x259: {  	v63 =	vsel vm2, v47, v42;
	vm2 =	vgt.f32 v56, v22;
	v42 =	vsel vm0, v35, v32  }
0x25a: {  	vm0 =	vgt.f32 v31, v28;
	v1 =	vimm.f32 $1.200000000e+01;
	v20 =	vsel vm3, v25, v20  }
0x25b: {  	v22 =	vsel vm2, v56, v22;
	v24 =	vsel vm3, v29, v24;
	vm3 =	vgt.f32 v45, v19  }
0x25c: {  	v41 =	vsel vm2, v57, v37;
	vm2 =	vgt.f32 v54, v17;
	v28 =	vsel vm0, v31, v28  }
0x25d: {  	v56 =	vsel vm0, v33, v38;
	vm0 =	vgt.f32 v60, v58;
	v45 =	vsel vm3, v45, v19  }
0x25e: {  	v47 =	vsel vm2, v54, v17;
	v34 =	vsel vm3, v46, v34;
	vm3 =	vgt.f32 v23, v16  }
0x25f: {  	v54 =	vsel vm2, v55, v53;
	vm2 =	vgt.f32 v18, v21;
	v19 =	vsel vm1, v44, v39  }
0x260: {  	vm1 =	vgt.f32 v36, v4;
	v60 =	vsel vm0, v60, v58;
	v17 =	vsel vm0, v61, v59  }
0x261: {  	v23 =	vsel vm3, v23, v16;
	v16 =	vsel vm3, v30, v62;
	vm3 =	vgt.f32 v20, v42  }
0x262: {  	v4 =	vsel vm1, v36, v4;
	v26 =	vsel vm1, v49, v26;
	vm1 =	vgt.f32 v51, v43  }
0x263: {  	vm0 =	vgt.f32 v45, v28;
	v61 =	vsel vm2, v18, v21;
	v18 =	vsel vm2, v63, v19  }
0x264: {  	v55 =	vsel vm1, v51, v43;
	v57 =	vsel vm1, v52, v48;
	vm1 =	vgt.f32 v22, v4  }
0x265: {  	v20 =	vsel vm3, v20, v42;
	v19 =	vsel vm3, v24, v27;
	vm4 =	vgt.f32 v23, v60  }
0x266: {  	v62 =	vsel vm0, v45, v28;
	v4 =	vsel vm1, v22, v4;
	vm2 =	vgt.f32 v47, v55  }
0x267: {  	v23 =	vsel vm4, v23, v60;
	v21 =	vsel vm1, v41, v26;
	vm1 =	vgt.f32 v20, v61  }
0x268: {  	v22 =	vsel vm0, v34, v56;
	v63 =	vsel vm2, v47, v55;
	vm5 =	vgt.f32 v62, v4  }
0x269: {  	s22 =	simm.s32 $0x0;
	v20 =	vsel vm2, v54, v57;
	vm0 =	vgt.f32 v23, v63;
	v63 =	vimm.f32 $2.000000000e+00  }
.LBB2_15:
0x26a: {  	s1 =	sadd.s32 $0x68, s22;
	v4 =	vsel vm1, v19, v18;
	v18 =	vsel vm5, v22, v21;
	v16 =	vsel vm4, v16, v17;
	s21 =	sadd.s32 $0x40, s21  }
0x26b: {  	v5 =	vimm.f32 $6.000000000e+00;
	v7 =	vimm.f32 $1.400000000e+01;
	v17 =	vmov s1;
	s28 =	sadd.s32 $0xFFFFFFF2, s21  }
0x26c: {  	s2 =	sadd.s32 $0x69, s22;
	[tilespmem:v13+s12+$0x0] =	vst.idx.msk $0xffff, v4;
	v4 =	vsel vm0, v16, v20;
	v13 =	vadd.s32 s1, v12;
	s31 =	sadd.s32 $0xFFFFFFF3, s21;
	v21 =	vadd.s32 s28, v11  }
0x26d: {  	s20 =	sadd.s32 $0x6A, s22;
	v16 =	vmov s2;
	v19 =	vadd.s32 s2, v12;
	s2 =	sadd.s32 $0xFFFFFFF4, s21;
	v25 =	vadd.s32 s31, v11  }
0x26e: {  	[tilespmem:v15+s12+$0x0] =	vst.idx.msk $0xffff, v18;
	v15 =	vmov s20;
	v18 =	vadd.s32 s20, v12;
	s19 =	sadd.s32 $0xFFFFFFF7, s21;
	v27 =	vadd.s32 s2, v11  }
0x26f: {  	s15 =	sadd.s32 $0xFFFFFFC6, s21;
	v13 =	vand.u32 $0x3FF8, v13;
	[tilespmem:v14+s12+$0x0] =	vst.idx.msk $0xffff, v4;
	v4 =	vand.u32 $0x4, v17;
	v28 =	vadd.s32 s19, v11  }
0x270: {  	s25 =	sadd.s32 $0xFFFFFFD5, s21;
	s18 =	sadd.s32 $0xFFFFFFC9, s21;
	v14 =	vand.u32 $0x3FF8, v19;
	v16 =	vand.u32 $0x5, v16;
	v45 =	vadd.s32 s15, v11  }
0x271: {  	s26 =	sadd.s32 $0xFFFFFFDD, s21;
	s29 =	sadd.s32 $0xFFFFFFE5, s21;
	s9 =	sadd.s32 $0xFFFFFFCE, s21;
	v17 =	vand.u32 $0x6, v15;
	v19 =	vadd.s32 s25, v11;
	v31 =	vadd.s32 s18, v11;
	v35 =	vld.idx.msk [tilespmem:v21+s3+$0x0], $0xffff  }
0x272: {  	s30 =	sadd.s32 $0xFFFFFFED, s21;
	s8 =	sadd.s32 $0xFFFFFFC2, s21;
	s11 =	sadd.s32 $0xFFFFFFD1, s21;
	v20 =	vadd.s32 s26, v11;
	v22 =	vadd.s32 s29, v11;
	v34 =	vadd.s32 s9, v11;
	v38 =	vld.idx.msk [tilespmem:v25+s3+$0x0], $0xffff  }
0x273: {  	s4 =	sadd.s32 $0xFFFFFFF1, s21;
	v23 =	vadd.s32 s30, v11;
	v41 =	vadd.s32 s8, v11;
	v29 =	vadd.s32 s11, v11;
	v40 =	vld.idx.msk [tilespmem:v27+s3+$0x0], $0xffff  }
0x274: {  	s23 =	sadd.s32 $0xFFFFFFC5, s21;
	s15 =	sadd.s32 $0xFFFFFFF6, s21;
	v13 =	vor.u32 v4, v13;
	v4 =	vand.u32 $0x3FF8, v18;
	v18 =	vadd.s32 s4, v11;
	v43 =	vld.idx.msk [tilespmem:v28+s3+$0x0], $0xffff  }
0x275: {  	s19 =	sadd.s32 $0xFFFFFFCA, s21;
	v15 =	vor.u32 v16, v14;
	v16 =	vadd.s32 s23, v11;
	v62 =	vadd.s32 s15, v11;
	v45 =	vld.idx.msk [tilespmem:v45+s3+$0x0], $0xffff  }
0x276: {  	s24 =	sadd.s32 $0xFFFFFFCD, s21;
	v19 =	vand.u32 $0xFFF8, v19;
	v20 =	vand.u32 $0xFFF8, v20;
	v32 =	vadd.s32 s19, v11;
	v31 =	vld.idx.msk [tilespmem:v31+s3+$0x0], $0xffff  }
0x277: {  	s26 =	sadd.s32 $0xFFFFFFFB, s21;
	v14 =	vor.u32 v17, v4;
	v4 =	vadd.s32 s21, v11;
	v17 =	vadd.s32 s24, v11;
	v34 =	vld.idx.msk [tilespmem:v34+s3+$0x0], $0xffff  }
0x278: {  	v26 =	vand.u32 $0xFFF8, v16;
	s24 =	sadd.s32 $0xFFFFFFFA, s21;
	v37 =	vor.u32 v2, v20;
	v20 =	vadd.s32 s26, v11;
	v29 =	vld.idx.msk [tilespmem:v29+s3+$0x0], $0xffff  }
0x279: {  	s13 =	sadd.s32 $0xFFFFFFC3, s21;
	s16 =	sadd.s32 $0xFFFFFFC7, s21;
	v36 =	vor.u32 v2, v19;
	v17 =	vand.u32 $0xFFF8, v17;
	v19 =	vadd.s32 s24, v11;
	v16 =	vld.idx.msk [tilespmem:v18+s3+$0x0], $0xffff  }
0x27a: {  	s17 =	sadd.s32 $0xFFFFFFC8, s21;
	s6 =	sadd.s32 $0xFFFFFFCB, s21;
	v42 =	vadd.s32 s13, v11;
	v47 =	vadd.s32 s16, v11;
	s23 =	sadd.s32 $0xFFFFFFF9, s21;
	v17 =	vor.u32 v2, v17;
	v58 =	vld.idx.msk [tilespmem:v62+s3+$0x0], $0xffff  }
0x27b: {  	s5 =	sadd.s32 $0xFFFFFFCC, s21;
	s7 =	sadd.s32 $0xFFFFFFD0, s21;
	s29 =	sadd.s32 $0xFFFFFFD2, s21;
	v33 =	vadd.s32 s17, v11;
	v51 =	vadd.s32 s6, v11;
	v21 =	vadd.s32 s23, v11;
	v32 =	vld.idx.msk [tilespmem:v32+s3+$0x0], $0xffff  }
0x27c: {  	s20 =	sadd.s32 $0xFFFFFFF8, s21;
	s25 =	sadd.s32 $0xFFFFFFCF, s21;
	v54 =	vadd.s32 s5, v11;
	v30 =	vadd.s32 s7, v11;
	s4 =	sadd.s32 $0xFFFFFFC4, s21;
	v28 =	vadd.s32 s29, v11;
	v24 =	vld.idx.msk [tilespmem:v4+s3+$0x0], $0xffff  }
0x27d: {  	v57 =	vadd.s32 s25, v11;
	v44 =	vadd.s32 s4, v11;
	s23 =	sadd.s32 $0xFFFFFFD4, s21;
	v18 =	vadd.s32 s20, v11;
	v50 =	vld.idx.msk [tilespmem:v20+s3+$0x0], $0xffff  }
0x27e: {  	s0 =	smov.u32 s22;
	s28 =	sadd.s32 $0xFFFFFFFC, s21;
	v25 =	vadd.s32 s23, v11;
	v4 =	vand.u32 $0xFFF8, v22;
	v22 =	vand.u32 $0xFFF8, v23;
	v49 =	vld.idx.msk [tilespmem:v19+s3+$0x0], $0xffff  }
0x27f: {  	s16 =	sadd.s32 $0xFFFFFFFD, s21;
	s24 =	sadd.s32 $0xFFFFFFD6, s21;
	s20 =	sadd.s32 $0xFFFFFFD3, s21;
	v23 =	vor.u32 v2, v26;
	v39 =	vor.u32 v2, v22;
	v22 =	vadd.s32 s28, v11;
	v61 =	vld.idx.msk [tilespmem:v17+s3+$0x0], $0xffff  }
0x280: {  	s8 =	sadd.s32 $0xFFFFFFF5, s21;
	v20 =	vadd.s32 s16, v11;
	v27 =	vadd.s32 s20, v11;
	v26 =	vadd.s32 s24, v11;
	s24 =	sadd.s32 $0x6B, s0;
	v48 =	vld.idx.msk [tilespmem:v21+s3+$0x0], $0xffff  }
0x281: {  	s30 =	sadd.s32 $0xFFFFFFFF, s21;
	v4 =	vor.u32 v2, v4;
	v60 =	vadd.s32 s24, v12;
	v21 =	vadd.s32 s8, v11;
	v28 =	vld.idx.msk [tilespmem:v28+s3+$0x0], $0xffff  }
0x282: {  	s17 =	sadd.s32 $0xFFFFFFFE, s21;
	vm1 =	vgt.f32 v40, v38;
	v46 =	vld.idx.msk [tilespmem:v18+s3+$0x0], $0xffff;
	v18 =	vadd.s32 s30, v11;
	v19 =	vand.u32 $0xFFF8, v21  }
0x283: {  	s19 =	sadd.s32 $0xFFFFFFD9, s21;
	v21 =	vadd.s32 s17, v11;
	vm0 =	vgt.f32 v35, v16;
	vm9 =	vgt.f32 v32, v31;
	v25 =	vld.idx.msk [tilespmem:v25+s3+$0x0], $0xffff  }
0x284: {  	v52 =	vor.u32 v2, v19;
	v19 =	vand.u32 $0xFFF8, v20;
	v20 =	vadd.s32 s19, v11;
	v53 =	vld.idx.msk [tilespmem:v22+s3+$0x0], $0xffff  }
0x285: {  	s31 =	sadd.s32 $0xFFFFFFD7, s21;
	v62 =	vsel vm0, $0x3F800000, v3;
	v35 =	vsel vm0, v35, v16;
	v31 =	vsel vm9, v32, v31;
	v22 =	vld.idx.msk [tilespmem:v23+s3+$0x0], $0xffff  }
0x286: {  	s18 =	sadd.s32 $0xFFFFFFD8, s21;
	v55 =	vor.u32 v2, v19;
	v23 =	vadd.s32 s31, v11;
	v17 =	vld.idx.msk [tilespmem:v4+s3+$0x0], $0xffff;
	v4 =	vsel vm1, v40, v38  }
0x287: {  	s17 =	sadd.s32 $0xFFFFFFE2, s21;
	v27 =	vld.idx.msk [tilespmem:v27+s3+$0x0], $0xffff;
	v19 =	vadd.s32 s18, v11;
	vm0 =	vgt.f32 v4, v35;
	vm15 =	vgt.f32 v34, v61  }
0x288: {  	vm3 =	vgt.f32 v49, v48;
	v4 =	vsel vm0, v4, v35;
	v35 =	vld.idx.msk [tilespmem:v47+s3+$0x0], $0xffff;
	v47 =	vadd.s32 s17, v11  }
0x289: {  	s25 =	sadd.s32 $0xFFFFFFE3, s21;
	v61 =	vsel vm15, v34, v61;
	vm12 =	vgt.f32 v28, v29;
	v59 =	vld.idx.msk [tilespmem:v21+s3+$0x0], $0xffff;
	vm2 =	vgt.f32 v46, v43  }
0x28a: {  	s26 =	sadd.s32 $0xFFFFFFE4, s21;
	v21 =	vld.idx.msk [tilespmem:v36+s3+$0x0], $0xffff;
	v36 =	vsel vm1, $0x40400000, v63;
	v40 =	vsel vm3, v49, v48;
	v48 =	vadd.s32 s25, v11  }
0x28b: {  	v33 =	vld.idx.msk [tilespmem:v33+s3+$0x0], $0xffff;
	v49 =	vadd.s32 s26, v11;
	v28 =	vsel vm12, v28, v29;
	v63 =	vsel vm2, $0x40E00000, v5  }
0x28c: {  	s16 =	sadd.s32 $0xFFFFFFE1, s21;
	v16 =	vld.idx.msk [tilespmem:v39+s3+$0x0], $0xffff;
	v5 =	vsel vm3, $0x41100000, v10;
	v38 =	vsel vm2, v46, v43;
	v36 =	vsel vm0, v36, v62  }
0x28d: {  	v56 =	vld.idx.msk [tilespmem:v18+s3+$0x0], $0xffff;
	v62 =	vimm.f32 $6.000000000e+00;
	v46 =	vadd.s32 s16, v11;
	vm13 =	vgt.f32 v25, v27  }
0x28e: {  	v18 =	vld.idx.msk [tilespmem:v37+s3+$0x0], $0xffff;
	vm4 =	vgt.f32 v53, v50;
	vm6 =	vgt.f32 v45, v22;
	v25 =	vsel vm13, v25, v27  }
0x28f: {  	v52 =	vld.idx.msk [tilespmem:v52+s3+$0x0], $0xffff;
	v27 =	vsel vm15, $0x41500000, v1;
	v37 =	vsel vm4, $0x41300000, v9;
	v39 =	vsel vm4, v53, v50  }
0x290: {  	v55 =	vld.idx.msk [tilespmem:v55+s3+$0x0], $0xffff;
	v22 =	vsel vm6, v45, v22;
	v32 =	vsel vm6, $0x40A00000, v8;
	vm6 =	vgt.f32 v25, v28  }
0x291: {  	vm3 =	vgt.f32 v39, v40;
	vm10 =	vgt.f32 v33, v35;
	v25 =	vsel vm6, v25, v28  }
0x292: {  	s15 =	sadd.s32 $0xFFFFFFE0, s21;
	s8 =	sadd.s32 $0xFFFFFFDE, s21;
	vm5 =	vgt.f32 v24, v56;
	v5 =	vsel vm3, v37, v5;
	v39 =	vsel vm3, v39, v40  }
0x293: {  	v37 =	vld.idx.msk [tilespmem:v44+s3+$0x0], $0xffff;
	v40 =	vadd.s32 s8, v11;
	v44 =	vadd.s32 s15, v11;
	v33 =	vsel vm10, v33, v35  }
0x294: {  	v6 =	vsel vm5, $0x41700000, v7;
	v24 =	vsel vm5, v24, v56;
	vm1 =	vgt.f32 v58, v52  }
0x295: {  	vm4 =	vgt.f32 v33, v22;
	vm2 =	vgt.f32 v59, v55;
	v53 =	vsel vm1, v58, v52  }
0x296: {  	v41 =	vld.idx.msk [tilespmem:v41+s3+$0x0], $0xffff;
	v43 =	vsel vm1, $0x40A00000, v8;
	v56 =	vsel vm2, v59, v55;
	vm0 =	vgt.f32 v38, v53  }
0x297: {  	v23 =	vld.idx.msk [tilespmem:v23+s3+$0x0], $0xffff;
	v58 =	vsel vm2, $0x41500000, v1;
	vm1 =	vgt.f32 v24, v56;
	v38 =	vsel vm0, v38, v53  }
0x298: {  	v19 =	vld.idx.msk [tilespmem:v19+s3+$0x0], $0xffff;
	v59 =	vsel vm0, v63, v43;
	v24 =	vsel vm1, v24, v56;
	vm0 =	vgt.f32 v38, v4  }
0x299: {  	s2 =	sadd.s32 $0xFFFFFFDA, s21;
	v42 =	vld.idx.msk [tilespmem:v42+s3+$0x0], $0xffff;
	v6 =	vsel vm1, v6, v58;
	vm2 =	vgt.f32 v24, v39;
	v4 =	vsel vm0, v38, v4  }
0x29a: {  	s13 =	sadd.s32 $0xFFFFFFC1, s21;
	v20 =	vld.idx.msk [tilespmem:v20+s3+$0x0], $0xffff;
	v36 =	vsel vm0, v59, v36;
	v38 =	vadd.s32 s2, v11;
	v24 =	vsel vm2, v24, v39  }
0x29b: {  	v50 =	vld.idx.msk [tilespmem:v57+s3+$0x0], $0xffff;
	v5 =	vsel vm2, v6, v5;
	vm0 =	vgt.f32 v24, v4;
	v4 =	vadd.s32 s13, v11  }
0x29c: {  	s7 =	sadd.s32 $0xFFFFFFEA, s21;
	s29 =	sadd.s32 $0xFFFFFFE7, s21;
	v35 =	vimm.s32 $0x0;
	v22 =	vsel vm4, v33, v22;
	v6 =	vld.idx.msk [tilespmem:v51+s3+$0x0], $0xffff;
	v5 =	vsel vm0, v5, v36  }
0x29d: {  	v52 =	vadd.s32 s29, v11;
	vm15 =	vgt.f32 v19, v23;
	v55 =	vadd.s32 s7, v11;
	[tilespmem:v60+s12+$0x0] =	vst.idx.msk $0xffff, v5;
	v5 =	vld.idx.msk [tilespmem:v54+s3+$0x0], $0xffff  }
0x29e: {  	s9 =	sadd.s32 $0xFFFFFFDF, s21;
	v19 =	vsel vm15, v19, v23;
	v23 =	vsel vm10, $0x40E00000, v62;
	vm8 =	vgt.f32 v37, v42;
	v60 =	vld.idx.msk [tilespmem:v30+s3+$0x0], $0xffff  }
0x29f: {  	s11 =	sadd.s32 $0xFFFFFFEB, s21;
	s0 =	sadd.s32 $0xFFFFFFEC, s21;
	s30 =	sadd.s32 $0xFFFFFFE8, s21;
	v63 =	vimm.f32 $2.000000000e+00;
	v43 =	vadd.s32 s9, v11;
	v37 =	vsel vm8, v37, v42;
	v42 =	vld.idx.msk [tilespmem:v38+s3+$0x0], $0xffff  }
0x2a0: {  	s6 =	sadd.s32 $0xFFFFFFDC, s21;
	s5 =	sadd.s32 $0xFFFFFFEE, s21;
	s28 =	sadd.s32 $0xFFFFFFE6, s21;
	v53 =	vadd.s32 s30, v11;
	v56 =	vadd.s32 s11, v11;
	v58 =	vadd.s32 s0, v11;
	v4 =	vld.idx.msk [tilespmem:v4+s3+$0x0], $0xffff  }
0x2a1: {  	s1 =	sadd.s32 $0xFFFFFFDB, s21;
	s20 =	sadd.s32 $0xFFFFFFF0, s21;
	v59 =	vadd.s32 s5, v11;
	v39 =	vadd.s32 s6, v11;
	v51 =	vadd.s32 s28, v11  }
0x2a2: {  	s31 =	sadd.s32 $0xFFFFFFE9, s21;
	s18 =	sadd.s32 $0xFFFFFFEF, s21;
	v24 =	vadd.s32 s20, v11;
	v36 =	vadd.s32 s1, v11;
	vm7 =	vgt.f32 v5, v6  }
0x2a3: {  	v45 =	vld.idx.msk [tilespmem:v40+s3+$0x0], $0xffff;
	v54 =	vadd.s32 s31, v11;
	v30 =	vadd.s32 s18, v11;
	v5 =	vsel vm7, v5, v6  }
0x2a4: {  	v57 =	vld.idx.msk [tilespmem:v46+s3+$0x0], $0xffff;
	vm11 =	vgt.f32 v60, v50;
	vm10 =	vgt.f32 v42, v20;
	vm0 =	vgt.f32 v5, v31  }
0x2a5: {  	v6 =	vld.idx.msk [tilespmem:v26+s3+$0x0], $0xffff;
	v20 =	vsel vm10, v42, v20;
	v46 =	vsel vm10, $0x41100000, v10;
	vm14 =	vgt.f32 v41, v4  }
0x2a6: {  	v40 =	vld.idx.msk [tilespmem:v48+s3+$0x0], $0xffff;
	v26 =	vsel vm0, $0xFFFFFFFF, v35;
	v5 =	vsel vm0, v5, v31;
	v31 =	vsel vm7, $0x41300000, v9  }
0x2a7: {  	v4 =	vsel vm14, v41, v4;
	v41 =	vsel vm11, v60, v50;
	v60 =	vld.idx.msk [tilespmem:v36+s3+$0x0], $0xffff;
	v28 =	vsel vm14, $0x3F800000, v3  }
0x2a8: {  	v36 =	vsel vm8, $0x40400000, v63;
	v50 =	vld.idx.msk [tilespmem:v44+s3+$0x0], $0xffff;
	vm14 =	vgt.f32 v45, v18;
	vm5 =	vgt.f32 v41, v61  }
0x2a9: {  	[tilespmem:$0x1FFC0] =	vst v26;
	v44 =	vsel vm13, $0x40400000, v63;
	vm1 =	vgt.f32 v37, v4;
	v26 =	vsel vm5, v41, v61;
	v61 =	vld.idx.msk [tilespmem:v39+s3+$0x0], $0xffff  }
0x2aa: {  	v58 =	vld.idx.msk [tilespmem:v58+s3+$0x0], $0xffff;
	v18 =	vsel vm14, v45, v18;
	v34 =	vsel vm14, $0x41500000, v1;
	vm0 =	vgt.f32 v6, v21  }
0x2ab: {  	v45 =	vsel vm15, $0x40E00000, v62;
	v4 =	vsel vm1, v37, v4;
	v6 =	vsel vm0, v6, v21;
	v21 =	vld.idx.msk [tilespmem:v43+s3+$0x0], $0xffff  }
0x2ac: {  	v30 =	vld.idx.msk [tilespmem:v30+s3+$0x0], $0xffff;
	v39 =	vsel vm9, $0x41100000, v10;
	v41 =	vsel vm11, $0x41700000, v7;
	vm2 =	vgt.f32 v22, v4  }
0x2ad: {  	vm3 =	vgt.f32 v26, v5;
	vm8 =	vgt.f32 v19, v6;
	v4 =	vsel vm2, v22, v4;
	v22 =	vld.idx.msk [tilespmem:v24+s3+$0x0], $0xffff  }
0x2ae: {  	v35 =	vsel vm0, $0x40A00000, v8;
	v6 =	vsel vm8, v19, v6;
	v19 =	vld.idx.msk [tilespmem:v47+s3+$0x0], $0xffff;
	vm0 =	vgt.f32 v61, v60  }
0x2af: {  	v43 =	vsel vm12, $0x3F800000, v3;
	vm7 =	vgt.f32 v6, v25;
	v29 =	vsel vm0, v61, v60;
	v60 =	vld.idx.msk [tilespmem:v49+s3+$0x0], $0xffff  }
0x2b0: {  	v5 =	vsel vm3, v26, v5;
	v6 =	vsel vm7, v6, v25;
	v61 =	vld.idx.msk [tilespmem:v51+s3+$0x0], $0xffff;
	vm12 =	vgt.f32 v50, v21  }
0x2b1: {  	v37 =	vld.idx.msk [tilespmem:v53+s3+$0x0], $0xffff;
	v48 =	vsel vm0, $0x41300000, v9;
	vm9 =	vgt.f32 v29, v20;
	v21 =	vsel vm12, v50, v21  }
0x2b2: {  	v38 =	vsel vm12, $0x41700000, v7;
	v20 =	vsel vm9, v29, v20;
	v29 =	vld.idx.msk [tilespmem:v52+s3+$0x0], $0xffff;
	vm11 =	vgt.f32 v21, v18  }
0x2b3: {  	v47 =	vld.idx.msk [tilespmem:v54+s3+$0x0], $0xffff;
	vm15 =	vgt.f32 v22, v30;
	vm13 =	vgt.f32 v19, v57;
	v18 =	vsel vm11, v21, v18  }
0x2b4: {  	v21 =	vld.idx.msk [tilespmem:v55+s3+$0x0], $0xffff;
	v19 =	vsel vm13, v19, v57;
	v51 =	vsel vm13, $0x3F800000, v3;
	vm10 =	vgt.f32 v18, v20  }
0x2b5: {  	v57 =	vld.idx.msk [tilespmem:v56+s3+$0x0], $0xffff;
	vm0 =	vgt.f32 v60, v40;
	vm12 =	vgt.f32 v61, v17;
	v18 =	vsel vm10, v18, v20  }
0x2b6: {  	v33 =	vsel vm0, v60, v40;
	v17 =	vsel vm12, v61, v17;
	v60 =	vsel vm12, $0x40A00000, v8  }
0x2b7: {  	v59 =	vld.idx.msk [tilespmem:v59+s3+$0x0], $0xffff;
	v61 =	vsel vm0, $0x40400000, v63;
	vm12 =	vgt.f32 v33, v19;
	vm0 =	vgt.f32 v37, v29  }
0x2b8: {  	v19 =	vsel vm12, v33, v19;
	v33 =	vsel vm0, v37, v29;
	v37 =	vsel vm0, $0x40E00000, v62  }
0x2b9: {  	vm0 =	vgt.f32 v21, v47;
	v61 =	vsel vm12, v61, v51;
	vm14 =	vgt.f32 v33, v17  }
0x2ba: {  	v21 =	vsel vm0, v21, v47;
	v47 =	vsel vm0, $0x41100000, v10;
	vm0 =	vgt.f32 v58, v57  }
0x2bb: {  	v17 =	vsel vm14, v33, v17;
	v53 =	vsel vm0, v58, v57;
	v54 =	vsel vm0, $0x41300000, v9  }
0x2bc: {  	vm0 =	vgt.f32 v59, v16;
	v57 =	vsel vm8, v45, v35;
	v58 =	vsel vm11, v38, v34  }
0x2bd: {  	v29 =	vsel vm14, v37, v60;
	v60 =	vsel vm9, v48, v46;
	vm13 =	vgt.f32 v17, v19  }
0x2be: {  	v16 =	vsel vm0, v59, v16;
	v55 =	vsel vm0, $0x41500000, v1;
	vm0 =	vgt.f32 v53, v21  }
0x2bf: {  	v20 =	vsel vm0, v53, v21;
	v21 =	vsel vm15, v22, v30;
	v22 =	vsel vm15, $0x41700000, v7;
	v7 =	vld [tilespmem:$0x1FFC0]  }
0x2c0: {  	s22 =	sadd.s32 $0x4, s22;
	v59 =	vsel vm6, v44, v43;
	v56 =	vsel vm13, v17, v19;
	v19 =	vsel vm4, v23, v32  }
0x2c1: {  	p1 =	slt.u32 s22, $0x2C;
	v23 =	vsel vm5, v41, v27;
	vm5 =	vgt.f32 v18, v6;
	vm4 =	vgt.f32 v21, v16  }
.Ltmp7:
0x2c2: {  	v17 =	vsel vm4, v21, v16;
	v16 =	vsel vm4, v22, v55;
	v21 =	vsel vm1, v36, v28;
	(pc) =	sbr.rel @p1 .LBB2_15-.Ltmp7, $4  }
0x2c3: {  	vm4 =	vgt.f32 v17, v20;
	v18 =	vsel vm2, v19, v21;
	v21 =	vsel vm7, v57, v59  }
0x2c4: {  	v20 =	vsel vm4, v17, v20;
	v17 =	vsel vm0, v54, v47;
	vm1 =	vnez.u8 v7  }
0x2c5: {  	vm0 =	vgt.f32 v20, v56;
	v20 =	vsel vm13, v29, v61;
	v22 =	vsel vm1, v31, v39  }
0x2c6: {  	s23 =	simm.s32 $0x364;
	s24 =	simm.s32 $0x94;
	vm1 =	vgt.f32 v5, v4;
	v19 =	vsel vm3, v23, v22;
	v22 =	vsel vm10, v58, v60  }
0x2c7: {  	_ =	sdelay $0x2  }
0x2c8: {  	v4 =	vsel vm1, v19, v18  }
0x2c9: {  	v5 =	vsel vm5, v22, v21;
	v6 =	vsel vm4, v16, v17;
	[tilespmem:v13+s12+$0x0] =	vst.idx.msk $0xffff, v4  }
0x2ca: {  	v4 =	vsel vm0, v6, v20;
	[tilespmem:v15+s12+$0x0] =	vst.idx.msk $0xffff, v5  }
0x2cb: {  	v26 =	vimm.f32 $1.400000000e+01;
	[tilespmem:v14+s12+$0x0] =	vst.idx.msk $0xffff, v4  }
.LBB2_17:
0x2cc: {  	v4 =	vadd.s32 s23, v11;
	s0 =	sadd.s32 $0x1, s23  }
0x2cd: {  	s16 =	sadd.s32 $0x2, s23;
	v5 =	vadd.s32 s0, v11  }
0x2ce: {  	s17 =	sadd.s32 $0x3, s23;
	v6 =	vadd.s32 s16, v11  }
0x2cf: {  	s18 =	sadd.s32 $0x5, s23;
	v14 =	vadd.s32 s17, v11  }
0x2d0: {  	s19 =	sadd.s32 $0x6, s23;
	v15 =	vadd.s32 s18, v11  }
0x2d1: {  	s20 =	sadd.s32 $0x7, s23;
	v16 =	vadd.s32 s19, v11;
	v4 =	vld.idx.msk [tilespmem:v4+s3+$0x0], $0xffff  }
0x2d2: {  	s21 =	sadd.s32 $0x8, s23;
	v17 =	vadd.s32 s20, v11;
	v5 =	vld.idx.msk [tilespmem:v5+s3+$0x0], $0xffff  }
0x2d3: {  	s22 =	sadd.s32 $0x9, s23;
	v18 =	vadd.s32 s21, v11;
	v6 =	vld.idx.msk [tilespmem:v6+s3+$0x0], $0xffff  }
0x2d4: {  	s25 =	sadd.s32 $0xA, s23;
	v19 =	vadd.s32 s22, v11;
	v14 =	vld.idx.msk [tilespmem:v14+s3+$0x0], $0xffff  }
0x2d5: {  	s1 =	sadd.s32 $0x4, s23;
	s28 =	sadd.s32 $0xB, s23;
	v20 =	vadd.s32 s25, v11;
	v15 =	vld.idx.msk [tilespmem:v15+s3+$0x0], $0xffff  }
0x2d6: {  	s26 =	sadd.s32 $0xC, s23;
	s29 =	sadd.s32 $0xD, s23;
	v13 =	vadd.s32 s1, v11;
	v22 =	vadd.s32 s28, v11;
	v16 =	vld.idx.msk [tilespmem:v16+s3+$0x0], $0xffff  }
0x2d7: {  	v21 =	vadd.s32 s26, v11;
	v23 =	vadd.s32 s29, v11;
	v13 =	vand.u32 $0xFFF8, v13;
	v17 =	vld.idx.msk [tilespmem:v17+s3+$0x0], $0xffff  }
0x2d8: {  	v21 =	vand.u32 $0xFFF8, v21;
	v13 =	vor.u32 v2, v13;
	v18 =	vld.idx.msk [tilespmem:v18+s3+$0x0], $0xffff  }
0x2d9: {  	v21 =	vor.u32 v2, v21;
	v19 =	vld.idx.msk [tilespmem:v19+s3+$0x0], $0xffff  }
0x2da: {  	s30 =	sadd.s32 $0xE, s23;
	v20 =	vld.idx.msk [tilespmem:v20+s3+$0x0], $0xffff  }
0x2db: {  	s31 =	sadd.s32 $0xF, s23;
	v24 =	vadd.s32 s30, v11;
	v22 =	vld.idx.msk [tilespmem:v22+s3+$0x0], $0xffff  }
0x2dc: {  	v25 =	vadd.s32 s31, v11;
	v23 =	vld.idx.msk [tilespmem:v23+s3+$0x0], $0xffff  }
0x2dd: {  	v13 =	vld.idx.msk [tilespmem:v13+s3+$0x0], $0xffff  }
0x2de: {  	v60 =	vadd.s32 s24, v12;
	v21 =	vld.idx.msk [tilespmem:v21+s3+$0x0], $0xffff;
	vm0 =	vgt.f32 v5, v4  }
0x2df: {  	vm1 =	vgt.f32 v14, v6;
	vm4 =	vgt.f32 v17, v16;
	vm5 =	vgt.f32 v19, v18  }
0x2e0: {  	v24 =	vld.idx.msk [tilespmem:v24+s3+$0x0], $0xffff;
	vm6 =	vgt.f32 v22, v20;
	v4 =	vsel vm0, v5, v4;
	v6 =	vsel vm1, v14, v6  }
0x2e1: {  	v5 =	vld.idx.msk [tilespmem:v25+s3+$0x0], $0xffff;
	v14 =	vsel vm0, $0x3F800000, v3;
	v16 =	vsel vm4, v17, v16;
	v18 =	vsel vm5, v19, v18  }
0x2e2: {  	v56 =	vsel vm4, $0x40E00000, v62;
	v20 =	vsel vm6, v22, v20;
	v57 =	vsel vm5, $0x41100000, v10  }
0x2e3: {  	v58 =	vsel vm6, $0x41300000, v9;
	vm2 =	vgt.f32 v15, v13;
	vm7 =	vgt.f32 v23, v21  }
0x2e4: {  	vm9 =	vgt.f32 v6, v4;
	vm11 =	vgt.f32 v20, v18;
	v13 =	vsel vm2, v15, v13  }
0x2e5: {  	v15 =	vsel vm1, $0x40400000, v63;
	v55 =	vsel vm2, $0x40A00000, v8;
	v21 =	vsel vm7, v23, v21  }
0x2e6: {  	v4 =	vsel vm9, v6, v4;
	v59 =	vsel vm11, v20, v18;
	vm8 =	vgt.f32 v5, v24  }
0x2e7: {  	v61 =	vsel vm11, v58, v57;
	vm10 =	vgt.f32 v16, v13;
	v5 =	vsel vm8, v5, v24  }
0x2e8: {  	v14 =	vsel vm9, v15, v14;
	v13 =	vsel vm10, v16, v13;
	vm12 =	vgt.f32 v5, v21  }
0x2e9: {  	p1 =	sne.s32 s23, $0x374;
	v15 =	vsel vm10, v56, v55;
	vm13 =	vgt.f32 v13, v4;
	v5 =	vsel vm12, v5, v21  }
.Ltmp8:
0x2ea: {  	v24 =	vsel vm7, $0x41500000, v1;
	v6 =	vsel vm8, $0x41700000, v26;
	vm14 =	vgt.f32 v5, v59;
	(pc) =	sbr.rel @p1 .LBB2_17-.Ltmp8, $4  }
0x2eb: {  	v4 =	vsel vm13, v13, v4;
	v6 =	vsel vm12, v6, v24;
	v5 =	vsel vm14, v5, v59  }
0x2ec: {  	v13 =	vsel vm13, v15, v14;
	v6 =	vsel vm14, v6, v61;
	vm15 =	vgt.f32 v5, v4  }
0x2ed: {  	v4 =	vsel vm15, v6, v13  }
0x2ee: {  	s24 =	sadd.s32 $0x1, s24;
	s23 =	sadd.s32 $0x10, s23;
	[tilespmem:v60+s12+$0x0] =	vst.idx.msk $0xffff, v4  }
0x2ef: {  	s0 =	simm.s32 $0x38B  }
0x2f0: {  	s1 =	simm.s32 $0x38A;
	v4 =	vadd.s32 s0, v11  }
0x2f1: {  	s7 =	simm.s32 $0x389;
	v5 =	vadd.s32 s1, v11  }
0x2f2: {  	s8 =	simm.s32 $0x387;
	v6 =	vadd.s32 s7, v11  }
0x2f3: {  	s15 =	simm.s32 $0x384;
	v13 =	vadd.s32 s8, v11  }
0x2f4: {  	s9 =	simm.s32 $0x386;
	v17 =	vadd.s32 s15, v11  }
0x2f5: {  	s13 =	simm.s32 $0x388;
	v14 =	vadd.s32 s9, v11;
	v4 =	vld.idx.msk [tilespmem:v4+s3+$0x0], $0xffff  }
0x2f6: {  	s11 =	simm.s32 $0x385;
	v16 =	vadd.s32 s13, v11;
	v5 =	vld.idx.msk [tilespmem:v5+s3+$0x0], $0xffff  }
0x2f7: {  	s16 =	simm.s32 $0x9D;
	s2 =	simm.s32 $0x9C;
	v15 =	vadd.s32 s11, v11;
	v16 =	vand.u32 $0xFFF8, v16;
	v6 =	vld.idx.msk [tilespmem:v6+s3+$0x0], $0xffff  }
0x2f8: {  	s18 =	simm.s32 $0x392;
	s19 =	simm.s32 $0x9B;
	s21 =	simm.s32 $0x391;
	v18 =	vadd.s32 s16, v12;
	v19 =	vadd.s32 s2, v12;
	v16 =	vor.u32 v2, v16;
	v13 =	vld.idx.msk [tilespmem:v13+s3+$0x0], $0xffff  }
0x2f9: {  	s17 =	simm.s32 $0x393;
	s22 =	simm.s32 $0x98;
	v21 =	vadd.s32 s18, v11;
	v22 =	vadd.s32 s19, v12;
	v23 =	vadd.s32 s21, v11;
	v63 =	vld.idx.msk [tilespmem:v17+s3+$0x0], $0xffff  }
0x2fa: {  	s23 =	simm.s32 $0x38F;
	s24 =	simm.s32 $0x97;
	s26 =	simm.s32 $0x96;
	v24 =	vadd.s32 s22, v12;
	v14 =	vld.idx.msk [tilespmem:v14+s3+$0x0], $0xffff;
	vm0 =	vgt.f32 v4, $0.0e+00;
	v4 =	vadd.s32 s17, v11  }
0x2fb: {  	s20 =	simm.s32 $0x99;
	v26 =	vadd.s32 s23, v11;
	v27 =	vadd.s32 s24, v12;
	v28 =	vadd.s32 s26, v12  }
0x2fc: {  	v15 =	vld.idx.msk [tilespmem:v15+s3+$0x0], $0xffff;
	vm10 =	vgt.f32 v5, $0.0e+00;
	v5 =	vadd.s32 s20, v12;
	v20 =	vsel vm0, $0x3F800000, v3  }
0x2fd: {  	s25 =	simm.s32 $0x38E;
	v16 =	vld.idx.msk [tilespmem:v16+s3+$0x0], $0xffff;
	vm1 =	vgt.f32 v6, $0.0e+00;
	vm11 =	vgt.f32 v13, $0.0e+00;
	v17 =	vsel vm10, $0x3F800000, v3;
	[tilespmem:v18+s12+$0x0] =	vst.idx.msk $0xffff, v20  }
0x2fe: {  	s28 =	simm.s32 $0x9A;
	v13 =	vadd.s32 s25, v11;
	vm14 =	vgt.f32 v63, $0.0e+00;
	v25 =	vsel vm1, $0x3F800000, v3;
	[tilespmem:v19+s12+$0x0] =	vst.idx.msk $0xffff, v17  }
0x2ff: {  	s29 =	simm.s32 $0x38D;
	vm13 =	vgt.f32 v14, $0.0e+00;
	v6 =	vsel vm14, $0x3F800000, v3;
	[tilespmem:v22+s12+$0x0] =	vst.idx.msk $0xffff, v25;
	v17 =	vadd.s32 s28, v12;
	v14 =	vld.idx.msk [tilespmem:v4+s3+$0x0], $0xffff  }
0x300: {  	s30 =	simm.s32 $0x390;
	v18 =	vsel vm11, $0x3F800000, v3;
	v19 =	vadd.s32 s29, v11;
	[tilespmem:v28+s12+$0x0] =	vst.idx.msk $0xffff, v6  }
0x301: {  	vm12 =	vgt.f32 v15, $0.0e+00;
	v15 =	vld.idx.msk [tilespmem:v21+s3+$0x0], $0xffff;
	v20 =	vadd.s32 s30, v11;
	v4 =	vsel vm13, $0x3F800000, v3;
	[tilespmem:v5+s12+$0x0] =	vst.idx.msk $0xffff, v18  }
0x302: {  	s31 =	simm.s32 $0x38C;
	vm15 =	vgt.f32 v16, $0.0e+00;
	v5 =	vsel vm12, $0x3F800000, v3;
	v18 =	vld.idx.msk [tilespmem:v23+s3+$0x0], $0xffff;
	[tilespmem:v24+s12+$0x0] =	vst.idx.msk $0xffff, v4;
	v4 =	vand.u32 $0xFFF8, v20  }
0x303: {  	s0 =	simm.s32 $0x0;
	s1 =	simm.s32 $0x8;
	s2 =	simm.s32 $0xA5;
	v16 =	vld.idx.msk [tilespmem:v26+s3+$0x0], $0xffff;
	v22 =	vsel vm15, $0x3F800000, v3;
	[tilespmem:v27+s12+$0x0] =	vst.idx.msk $0xffff, v5;
	v20 =	vadd.s32 s31, v11;
	v21 =	vor.u32 v2, v4  }
.LBB2_19:
0x304: {  	s4 =	sadd.s32 $0x393, s1;
	v4 =	vld.idx.msk [tilespmem:v13+s3+$0x0], $0xffff;
	s5 =	sadd.s32 $0xA4, s0;
	vm0 =	vgt.f32 v14, $0.0e+00;
	v5 =	vadd.s32 s2, v12;
	[tilespmem:v17+s12+$0x0] =	vst.idx.msk $0xffff, v22  }
0x305: {  	s2 =	sadd.s32 $0x392, s1;
	v6 =	vadd.s32 s4, v11;
	v17 =	vld.idx.msk [tilespmem:v19+s3+$0x0], $0xffff;
	v19 =	vadd.s32 s5, v12  }
0x306: {  	s4 =	sadd.s32 $0xA3, s0;
	v13 =	vsel vm0, $0x3F800000, v3;
	v22 =	vadd.s32 s2, v11;
	vm0 =	vgt.f32 v15, $0.0e+00  }
0x307: {  	s2 =	sadd.s32 $0xA1, s0;
	s5 =	sadd.s32 $0xA0, s0;
	v23 =	vadd.s32 s4, v12;
	s4 =	sadd.s32 $0x391, s1;
	vm1 =	vgt.f32 v18, $0.0e+00;
	v15 =	vsel vm0, $0x3F800000, v3  }
0x308: {  	v25 =	vadd.s32 s5, v12;
	v24 =	vld.idx.msk [tilespmem:v20+s3+$0x0], $0xffff;
	v20 =	vadd.s32 s2, v12;
	s2 =	sadd.s32 $0x38F, s1;
	v18 =	vadd.s32 s4, v11;
	s4 =	sadd.s32 $0x9F, s0  }
0x309: {  	s5 =	sadd.s32 $0x38E, s1;
	v26 =	vsel vm1, $0x3F800000, v3;
	v21 =	vld.idx.msk [tilespmem:v21+s3+$0x0], $0xffff;
	v27 =	vadd.s32 s2, v11;
	s2 =	sadd.s32 $0x9E, s0;
	v28 =	vadd.s32 s4, v12;
	s4 =	sadd.s32 $0x38D, s1  }
0x30a: {  	vm0 =	vgt.f32 v16, $0.0e+00;
	[tilespmem:v5+s12+$0x0] =	vst.idx.msk $0xffff, v13;
	v5 =	vadd.s32 s2, v12;
	s2 =	sadd.s32 $0xA2, s0;
	s0 =	smov.u32 s1;
	s1 =	sadd.s32 $0x8, s1  }
0x30b: {  	v13 =	vadd.s32 s5, v11;
	v14 =	vld.idx.msk [tilespmem:v6+s3+$0x0], $0xffff;
	v6 =	vsel vm0, $0x3F800000, v3;
	[tilespmem:v19+s12+$0x0] =	vst.idx.msk $0xffff, v15;
	p1 =	slt.u32 s1, $0x28  }
.Ltmp9:
0x30c: {  	vm1 =	vgt.f32 v4, $0.0e+00;
	vm0 =	vgt.f32 v17, $0.0e+00;
	v17 =	vadd.s32 s2, v12;
	[tilespmem:v23+s12+$0x0] =	vst.idx.msk $0xffff, v26;
	(pc) =	sbr.rel @p1 .LBB2_19-.Ltmp9, $4  }
0x30d: {  	s2 =	sadd.s32 $0x38C, s0;
	v19 =	vadd.s32 s4, v11;
	s4 =	sadd.s32 $0x390, s0;
	v16 =	vsel vm1, $0x3F800000, v3;
	v4 =	vsel vm0, $0x3F800000, v3;
	v15 =	vld.idx.msk [tilespmem:v22+s3+$0x0], $0xffff;
	[tilespmem:v20+s12+$0x0] =	vst.idx.msk $0xffff, v6  }
0x30e: {  	v20 =	vadd.s32 s2, v11;
	v6 =	vadd.s32 s4, v11;
	vm0 =	vgt.f32 v24, $0.0e+00;
	v18 =	vld.idx.msk [tilespmem:v18+s3+$0x0], $0xffff;
	[tilespmem:v25+s12+$0x0] =	vst.idx.msk $0xffff, v16  }
0x30f: {  	v6 =	vand.u32 $0xFFF8, v6;
	v22 =	vsel vm0, $0x3F800000, v3;
	vm0 =	vgt.f32 v21, $0.0e+00;
	[tilespmem:v28+s12+$0x0] =	vst.idx.msk $0xffff, v4  }
0x310: {  	s2 =	sadd.s32 $0xA5, s0;
	v21 =	vor.u32 v2, v6;
	v16 =	vld.idx.msk [tilespmem:v27+s3+$0x0], $0xffff;
	[tilespmem:v5+s12+$0x0] =	vst.idx.msk $0xffff, v22;
	v22 =	vsel vm0, $0x3F800000, v3  }
0x311: {  	_ =	sdelay $0x1  }
0x312: {  	s1 =	sadd.s32 $0xA4, s0;
	v4 =	vadd.s32 s2, v12  }
0x313: {  	s25 =	sadd.s32 $0xA3, s0;
	v5 =	vadd.s32 s1, v12  }
0x314: {  	v6 =	vld.idx.msk [tilespmem:v13+s3+$0x0], $0xffff;
	s26 =	sadd.s32 $0xA1, s0;
	v13 =	vadd.s32 s25, v12  }
0x315: {  	vm0 =	vgt.f32 v14, $0.0e+00;
	v14 =	vld.idx.msk [tilespmem:v19+s3+$0x0], $0xffff;
	s28 =	sadd.s32 $0xA0, s0;
	v57 =	vadd.s32 s26, v12  }
0x316: {  	[tilespmem:v17+s12+$0x0] =	vst.idx.msk $0xffff, v22;
	s29 =	sadd.s32 $0x9F, s0;
	v58 =	vsel vm0, $0x3F800000, v3;
	vm10 =	vgt.f32 v15, $0.0e+00;
	v15 =	vld.idx.msk [tilespmem:v20+s3+$0x0], $0xffff;
	v59 =	vadd.s32 s28, v12  }
0x317: {  	v21 =	vld.idx.msk [tilespmem:v21+s3+$0x0], $0xffff;
	s30 =	sadd.s32 $0x9E, s0;
	v61 =	vadd.s32 s29, v12;
	vm1 =	vgt.f32 v18, $0.0e+00;
	v60 =	vsel vm10, $0x3F800000, v3;
	[tilespmem:v4+s12+$0x0] =	vst.idx.msk $0xffff, v58  }
0x318: {  	s31 =	sadd.s32 $0xA2, s0;
	v62 =	vadd.s32 s30, v12;
	vm11 =	vgt.f32 v16, $0.0e+00;
	v4 =	vsel vm1, $0x3F800000, v3;
	[tilespmem:v5+s12+$0x0] =	vst.idx.msk $0xffff, v60  }
0x319: {  	v63 =	vadd.s32 s31, v12;
	vm12 =	vgt.f32 v6, $0.0e+00;
	v5 =	vsel vm11, $0x3F800000, v3;
	[tilespmem:v13+s12+$0x0] =	vst.idx.msk $0xffff, v4  }
0x31a: {  	vm13 =	vgt.f32 v14, $0.0e+00;
	v4 =	vsel vm12, $0x3F800000, v3;
	[tilespmem:v57+s12+$0x0] =	vst.idx.msk $0xffff, v5  }
0x31b: {  	vm14 =	vgt.f32 v15, $0.0e+00;
	v5 =	vsel vm13, $0x3F800000, v3;
	[tilespmem:v59+s12+$0x0] =	vst.idx.msk $0xffff, v4  }
0x31c: {  	vm15 =	vgt.f32 v21, $0.0e+00;
	v4 =	vsel vm14, $0x3F800000, v3;
	[tilespmem:v61+s12+$0x0] =	vst.idx.msk $0xffff, v5  }
0x31d: {  	[tilespmem:v62+s12+$0x0] =	vst.idx.msk $0xffff, v4;
	v4 =	vsel vm15, $0x3F800000, v3  }
0x31e: {  	s0 =	simm.s32 $0x3B4;
	[tilespmem:v63+s12+$0x0] =	vst.idx.msk $0xffff, v4  }
.LBB2_21:
0x31f: {  	v4 =	vadd.s32 s0, v11;
	_ =	sdelay $0x4  }
0x320: {  	v4 =	vld.idx.msk [tilespmem:v4+s3+$0x0], $0xffff  }
0x321: {  	s1 =	sadd.s32 $0xFFFFFD12, s0  }
0x322: {  	p1 =	sne.s32 s0, $0x3B5;
	v5 =	vadd.s32 s1, v12  }
.Ltmp10:
0x323: {  	_ = 	snop;
	(pc) =	sbr.rel @p1 .LBB2_21-.Ltmp10, $4  }
0x324: {  	_ = 	snop  }
0x325: {  	vm0 =	vgt.f32 v4, $0.0e+00  }
0x326: {  	v4 =	vsel vm0, $0x3F800000, v3  }
0x327: {  	s0 =	sadd.s32 $0x1, s0;
	[tilespmem:v5+s12+$0x0] =	vst.idx.msk $0xffff, v4  }
0x328: {  	s0 =	rddreg [dreg:$0x4]  }
0x329: {  	s2 =	rddreg [dreg:$0xc]  }
0x32a: {  	s0 =	sadd.s32 s0, s2  }
0x32b: {  	s0 =	smul.u32 $0x19, s0  }
0x32c: {  	s1 =	rddreg [dreg:$0x1]  }
0x32d: {  	s0 =	sadd.s32 s1, s0  }
0x32e: {  	[hbm4b:s0+s3] =	stream.linear.scatter [tilespmem:s12], [sflag:$0x3], $0x1900, $0x38;
	[tilespmem:$0x11F80] =	vst v63  }
0x32f: {  	s0 =	simm.s32 @!p0 $0x4  }
0x330: {  	_ =	swait.ge @!p0 [sflag:s0], $0x1900  }
0x331: {  	s1 =	rddreg [dreg:$0xa]  }
0x332: {  	p1 =	seq.s32 @!p0 s1, $0x7  }
0x333: {  	[sflag:s0] =	ssyncset.done @!p0 $0x0;
	p1 =	por p0, !p1  }
0x334: {  	[sflag:s0] =	ssyncadd.s32 @!p0 $0xFFFFE700;
	s0 =	rddreg @p1 [dreg:$0x7]  }
0x335: {  	s0 =	sadd.s32 @p1 s2, s0  }
0x336: {  	s0 =	smul.u32 @p1 $0x3B6, s0  }
0x337: {  	s7 =	simm.s32 $0x2  }
0x338: {  	s4 =	simm.s32 $0x3;
	s1 =	rddreg @p1 [dreg:$0x3];
	s0 =	sshrl.u32 @p1 s0, $0x3  }
0x339: {  	s18 =	simm.s32 $0x2;
	s19 =	simm.s32 $0x7;
	v4 =	vadd.s32 s7, v0;
	s0 =	sadd.s32 @p1 s1, s0  }
0x33a: {  	v5 =	vadd.s32 s4, v0;
	[tilespmem:s3], [sflag:$0x1] =	stream.linear.gather @p1 [hbm4b:s0+s3], $0x76C0, $0x38;
	[tilespmem:$0x11F80] =	vst v63  }
0x33b: {  	s5 =	simm.s32 $0x1;
	v13 =	vadd.s32 s19, v0;
	_ =	swait.ge [sflag:s18], $0x76C0  }
0x33c: {  	s23 =	simm.s32 $0x5;
	v6 =	vadd.s32 s5, v0;
	[sflag:s18] =	ssyncset.done $0x0  }
0x33d: {  	s24 =	simm.s32 $0x4;
	v15 =	vadd.s32 s23, v0;
	v1 =	vld [tilespmem:$0x1FFE0];
	[sflag:s18] =	ssyncadd.s32 $0xFFFF8940  }
0x33e: {  	s8 =	simm.s32 $0x6;
	s6 =	simm.s32 $0x9;
	v17 =	vadd.s32 s24, v0;
	v4 =	vld.idx.msk [tilespmem:v4+s10+$0x0], $0xffff  }
0x33f: {  	s9 =	simm.s32 $0x8;
	s30 =	simm.s32 $0xE;
	v14 =	vadd.s32 s8, v0;
	v18 =	vadd.s32 s6, v0;
	v5 =	vld.idx.msk [tilespmem:v5+s10+$0x0], $0xffff  }
0x340: {  	s21 =	simm.s32 $0xF;
	s31 =	simm.s32 $0x10;
	s22 =	simm.s32 $0x11;
	v19 =	vadd.s32 s9, v0;
	v16 =	vmov s24;
	v24 =	vadd.s32 s30, v0;
	v13 =	vld.idx.msk [tilespmem:v13+s10+$0x0], $0xffff  }
0x341: {  	s11 =	simm.s32 $0x12;
	s20 =	simm.s32 $0x13;
	v25 =	vadd.s32 s21, v0;
	v26 =	vadd.s32 s31, v0;
	v28 =	vadd.s32 s22, v0;
	v6 =	vld.idx.msk [tilespmem:v6+s10+$0x0], $0xffff  }
0x342: {  	s28 =	simm.s32 $0xC;
	v29 =	vadd.s32 s11, v0;
	v32 =	vmov s30;
	v33 =	vadd.s32 s20, v0;
	v21 =	vld.idx.msk [tilespmem:v15+s10+$0x0], $0xffff  }
0x343: {  	v55 =	vmov s11;
	v56 =	vmov s28;
	v16 =	vand.u32 $0x6, v16;
	v17 =	vld.idx.msk [tilespmem:v17+s10+$0x0], $0xffff  }
0x344: {  	v20 =	vadd.s32 s24, v1;
	v15 =	vadd.s32 s9, v1;
	v4 =	vsub.f32 $0.0e+00, v4  }
0x345: {  	v18 =	vld.idx.msk [tilespmem:v18+s10+$0x0], $0xffff;
	v51 =	vadd.s32 s7, v1;
	v5 =	vsub.f32 $0.0e+00, v5;
	v13 =	vsub.f32 $0.0e+00, v13  }
0x346: {  	v14 =	vld.idx.msk [tilespmem:v14+s10+$0x0], $0xffff;
	v22 =	vadd.s32 s5, v1;
	v6 =	vsub.f32 $0.0e+00, v6;
	v4 =	vmul.f32 $1.442695020e+00, v4  }
0x347: {  	v50 =	vsub.f32 $0.0e+00, v21;
	v5 =	vmul.f32 $1.442695020e+00, v5;
	v13 =	vmul.f32 $1.442695020e+00, v13  }
0x348: {  	v19 =	vld.idx.msk [tilespmem:v19+s10+$0x0], $0xffff;
	v17 =	vsub.f32 $0.0e+00, v17;
	(erf) = vpow2.f32 v4;
	v4 =	vmul.f32 $1.442695020e+00, v6  }
0x349: {  	v20 =	vand.u32 $0x1FF8, v20;
	v6 =	vmul.f32 $1.442695020e+00, v50;
	(erf) = vpow2.f32 v5  }
0x34a: {  	v18 =	vsub.f32 $0.0e+00, v18;
	(erf) = vpow2.f32 v13;
	v13 =	vmul.f32 $1.442695020e+00, v17  }
0x34b: {  	s25 =	simm.s32 $0x0;
	v16 =	vor.u32 v16, v20;
	v14 =	vsub.f32 $0.0e+00, v14;
	(erf) = vpow2.f32 v6  }
0x34c: {  	v17 =	vmul.f32 $1.442695020e+00, v18;
	v18 =	vadd.s32 s25, v0;
	(erf) = vpow2.f32 v13  }
0x34d: {  	v20 =	vmov s9;
	v14 =	vmul.f32 $1.442695020e+00, v14;
	v5 =	vsub.f32 $0.0e+00, v19  }
0x34e: {  	v30 =	vadd.s32 s11, v1;
	v15 =	vand.u32 $0x1FF8, v15;
	v20 =	vand.u32 $0x6, v20  }
0x34f: {  	v5 =	vmul.f32 $1.442695020e+00, v5;
	v13 =	vmov s8;
	(erf) = vpow2.f32 v17  }
0x350: {  	v34 =	vadd.s32 s30, v1;
	v15 =	vor.u32 v20, v15;
	(erf) = vpow2.f32 v14  }
0x351: {  	v20 =	vmov s7;
	v19 =	vadd.s32 s8, v1;
	(erf) = vpow2.f32 v5;
	v5 =	vld.idx.msk [tilespmem:v18+s10+$0x0], $0xffff;
	v14 =	vpop (erf)  }
0x352: {  	v52 =	vand.u32 $0x1FF8, v19;
	v19 =	vand.u32 $0x6, v13;
	(erf) = vpow2.f32 v4;
	v13 =	vpop (erf)  }
0x353: {  	v25 =	vld.idx.msk [tilespmem:v25+s10+$0x0], $0xffff;
	v18 =	vadd.f32 $1.000000000e+00, v14;
	v14 =	vand.u32 $0x6, v20;
	v20 =	vadd.s32 s28, v0;
	v23 =	vpop (erf)  }
0x354: {  	s29 =	simm.s32 $0xD;
	v24 =	vld.idx.msk [tilespmem:v24+s10+$0x0], $0xffff;
	v58 =	vadd.s32 s6, v1;
	v59 =	vadd.s32 s23, v1;
	v6 =	vand.u32 $0x1FF8, v51;
	v27 =	vpop (erf)  }
0x355: {  	s26 =	simm.s32 $0xB;
	v29 =	vld.idx.msk [tilespmem:v29+s10+$0x0], $0xffff;
	v21 =	vadd.s32 s29, v0;
	v4 =	vor.u32 v14, v6;
	v23 =	vadd.f32 $1.000000000e+00, v23;
	v31 =	vpop (erf)  }
0x356: {  	v14 =	vadd.s32 s26, v0;
	v5 =	vsub.f32 $0.0e+00, v5;
	v31 =	vadd.f32 $1.000000000e+00, v31  }
0x357: {  	v34 =	vand.u32 $0x1FF8, v34;
	v27 =	vadd.f32 $1.000000000e+00, v27;
	(erf) = vrcp.f32 v23  }
0x358: {  	v25 =	vsub.f32 $0.0e+00, v25;
	v35 =	vpop (erf);
	v5 =	vmul.f32 $1.442695020e+00, v5;
	v20 =	vld.idx.msk [tilespmem:v20+s10+$0x0], $0xffff;
	(erf) = vrcp.f32 v31  }
0x359: {  	v24 =	vsub.f32 $0.0e+00, v24;
	v13 =	vadd.f32 $1.000000000e+00, v13;
	v36 =	vpop (erf);
	(erf) = vrcp.f32 v27  }
0x35a: {  	v29 =	vsub.f32 $0.0e+00, v29;
	v21 =	vld.idx.msk [tilespmem:v21+s10+$0x0], $0xffff;
	v23 =	vpop (erf);
	v36 =	vadd.f32 $1.000000000e+00, v36;
	(erf) = vpow2.f32 v5  }
0x35b: {  	v25 =	vmul.f32 $1.442695020e+00, v25;
	v53 =	vld.idx.msk [tilespmem:v14+s10+$0x0], $0xffff;
	v23 =	vadd.f32 $1.000000000e+00, v23;
	v37 =	vpop (erf);
	(erf) = vrcp.f32 v13  }
0x35c: {  	v27 =	vld.idx.msk [tilespmem:v28+s10+$0x0], $0xffff;
	v28 =	vand.u32 $0x6, v55;
	v54 =	vadd.f32 $1.000000000e+00, v37;
	(erf) = vrcp.f32 v36  }
0x35d: {  	v5 =	vld.idx.msk [tilespmem:v26+s10+$0x0], $0xffff;
	v26 =	vand.u32 $0x1FF8, v30;
	v20 =	vsub.f32 $0.0e+00, v20;
	(erf) = vrcp.f32 v23  }
0x35e: {  	v13 =	vor.u32 v28, v26;
	v26 =	vadd.s32 s19, v1;
	(erf) = vrcp.f32 v54  }
0x35f: {  	v20 =	vmul.f32 $1.442695020e+00, v20;
	(erf) = vrcp.f32 v18;
	v18 =	vsub.f32 $0.0e+00, v21  }
0x360: {  	v17 =	vadd.s32 s4, v1;
	v6 =	vor.u32 v19, v52;
	v35 =	vadd.f32 $1.000000000e+00, v35;
	v23 =	vld.idx.msk [tilespmem:v33+s10+$0x0], $0xffff  }
0x361: {  	v14 =	vand.u32 $0x6, v32;
	v57 =	vsub.f32 $0.0e+00, v53;
	v18 =	vmul.f32 $1.442695020e+00, v18  }
0x362: {  	v14 =	vor.u32 v14, v34;
	v21 =	vsub.f32 $0.0e+00, v27;
	v19 =	vpop (erf);
	(erf) = vpow2.f32 v20  }
0x363: {  	v30 =	vmul.f32 $1.442695020e+00, v57;
	v5 =	vsub.f32 $0.0e+00, v5;
	v20 =	vpop (erf);
	(erf) = vrcp.f32 v35  }
0x364: {  	[tilespmem:v26+s14+$0x0] =	vst.idx.msk $0xffff, v19;
	v19 =	vadd.s32 s28, v1;
	v21 =	vmul.f32 $1.442695020e+00, v21;
	v27 =	vpop (erf);
	(erf) = vpow2.f32 v18  }
0x365: {  	s0 =	simm.s32 $0xA;
	v5 =	vmul.f32 $1.442695020e+00, v5;
	v19 =	vand.u32 $0x1FF8, v19;
	v23 =	vsub.f32 $0.0e+00, v23;
	v18 =	vpop (erf)  }
0x366: {  	[tilespmem:v16+s14+$0x0] =	vst.idx.msk $0xffff, v20;
	v16 =	vmul.f32 $1.442695020e+00, v24;
	v24 =	vadd.s32 s0, v0;
	(erf) = vpow2.f32 v21;
	v26 =	vpop (erf)  }
0x367: {  	v23 =	vmul.f32 $1.442695020e+00, v23;
	[tilespmem:v59+s14+$0x0] =	vst.idx.msk $0xffff, v27;
	(erf) = vpow2.f32 v25;
	v18 =	vadd.f32 $1.000000000e+00, v18;
	v20 =	vpop (erf)  }
0x368: {  	v27 =	vmul.f32 $1.442695020e+00, v29;
	v21 =	vadd.s32 s31, v1;
	(erf) = vpow2.f32 v16;
	[tilespmem:v17+s14+$0x0] =	vst.idx.msk $0xffff, v26;
	v60 =	vpop (erf)  }
0x369: {  	v25 =	vadd.s32 s25, v1;
	v16 =	vadd.s32 s26, v1;
	[tilespmem:v6+s14+$0x0] =	vst.idx.msk $0xffff, v20;
	(erf) = vrcp.f32 v18;
	v61 =	vpop (erf)  }
0x36a: {  	v20 =	vmov s31;
	v18 =	vmov s25;
	[tilespmem:v15+s14+$0x0] =	vst.idx.msk $0xffff, v60;
	(erf) = vpow2.f32 v23;
	v62 =	vpop (erf)  }
0x36b: {  	v15 =	vadd.s32 s29, v1;
	(erf) = vpow2.f32 v5;
	v5 =	vand.u32 $0x6, v18;
	[tilespmem:v4+s14+$0x0] =	vst.idx.msk $0xffff, v62;
	v4 =	vpop (erf)  }
0x36c: {  	[tilespmem:v22+s14+$0x0] =	vst.idx.msk $0xffff, v61;
	(erf) = vpow2.f32 v27;
	v17 =	vadd.f32 $1.000000000e+00, v4;
	v4 =	vand.u32 $0x1FF8, v25;
	v63 =	vpop (erf)  }
0x36d: {  	s1 =	simm.s32 $0x14;
	v24 =	vld.idx.msk [tilespmem:v24+s10+$0x0], $0xffff;
	v18 =	vand.u32 $0x6, v56;
	(erf) = vpow2.f32 v30;
	v23 =	vpop (erf);
	v22 =	vor.u32 v5, v4;
	[tilespmem:v58+s14+$0x0] =	vst.idx.msk $0xffff, v63  }
.LBB2_23:
0x36e: {  	s6 =	sadd.s32 $0x1, s1;
	s15 =	sadd.s32 $0x2, s1;
	v18 =	vor.u32 v18, v19;
	v4 =	vand.u32 $0x1FF8, v21;
	v5 =	vand.u32 $0x6, v20  }
0x36f: {  	s9 =	sadd.s32 $0x3, s1;
	s7 =	sadd.s32 $0x4, s1;
	s4 =	sadd.s32 $0x5, s1;
	v23 =	vadd.f32 $1.000000000e+00, v23;
	v6 =	vpop (erf);
	v19 =	vadd.s32 s6, v0;
	v20 =	vadd.s32 s15, v0  }
0x370: {  	s2 =	sadd.s32 $0x6, s1;
	s11 =	sadd.s32 $0x7, s1;
	s13 =	sadd.s32 $0x8, s1;
	v1 =	vld [tilespmem:$0x1FFE0];
	v21 =	vadd.s32 s9, v0;
	v25 =	vadd.s32 s7, v0;
	v26 =	vadd.s32 s4, v0;
	v28 =	vpop (erf)  }
0x371: {  	s5 =	sadd.s32 $0x9, s1;
	v27 =	vadd.s32 s2, v0;
	v29 =	vadd.s32 s11, v0;
	v30 =	vadd.s32 s13, v0;
	v32 =	vpop (erf)  }
0x372: {  	v33 =	vmov s7;
	v34 =	vadd.s32 s5, v0;
	v53 =	vmov s13;
	v35 =	vpop (erf)  }
0x373: {  	v54 =	vmov s15;
	v4 =	vor.u32 v5, v4;
	v7 =	vadd.f32 $1.000000000e+00, v6;
	v37 =	vpop (erf)  }
0x374: {  	v51 =	vand.u32 $0x6, v33;
	v24 =	vsub.f32 $0.0e+00, v24;
	v32 =	vadd.f32 $1.000000000e+00, v32;
	v47 =	vpop (erf)  }
0x375: {  	v28 =	vadd.f32 $1.000000000e+00, v28;
	v31 =	vadd.s32 s13, v1;
	v21 =	vld.idx.msk [tilespmem:v21+s10+$0x0], $0xffff;
	(erf) = vrcp.f32 v7;
	v49 =	vpop (erf)  }
0x376: {  	v36 =	vadd.s32 s7, v1;
	v24 =	vmul.f32 $1.442695020e+00, v24;
	v20 =	vld.idx.msk [tilespmem:v20+s10+$0x0], $0xffff;
	v50 =	vpop (erf);
	(erf) = vrcp.f32 v32  }
0x377: {  	v57 =	vadd.s32 s20, v1;
	v59 =	vadd.s32 s21, v1;
	v19 =	vld.idx.msk [tilespmem:v19+s10+$0x0], $0xffff;
	(erf) = vrcp.f32 v28  }
0x378: {  	[tilespmem:v22+s14+$0x0] =	vst.idx.msk $0xffff, v35;
	v63 =	vadd.s32 s0, v1;
	v29 =	vld.idx.msk [tilespmem:v29+s10+$0x0], $0xffff;
	v35 =	vadd.f32 $1.000000000e+00, v47;
	(erf) = vpow2.f32 v24  }
0x379: {  	v22 =	vand.u32 $0x1FF8, v36;
	v27 =	vld.idx.msk [tilespmem:v27+s10+$0x0], $0xffff;
	v6 =	vadd.f32 $1.000000000e+00, v49;
	v52 =	vadd.f32 $1.000000000e+00, v50  }
0x37a: {  	v28 =	vand.u32 $0x6, v53;
	v24 =	vld.idx.msk [tilespmem:v26+s10+$0x0], $0xffff;
	v26 =	vand.u32 $0x1FF8, v31;
	(erf) = vrcp.f32 v23  }
0x37b: {  	v23 =	vld.idx.msk [tilespmem:v25+s10+$0x0], $0xffff;
	v25 =	vor.u32 v28, v26;
	v26 =	vadd.s32 s22, v1;
	(erf) = vrcp.f32 v35  }
0x37c: {  	v20 =	vsub.f32 $0.0e+00, v20;
	v56 =	vsub.f32 $0.0e+00, v19;
	v19 =	vld.idx.msk [tilespmem:v30+s10+$0x0], $0xffff;
	(erf) = vrcp.f32 v6  }
0x37d: {  	v48 =	vadd.f32 $1.000000000e+00, v37;
	v55 =	vld.idx.msk [tilespmem:v34+s10+$0x0], $0xffff;
	v22 =	vor.u32 v51, v22;
	(erf) = vrcp.f32 v52  }
0x37e: {  	v58 =	vmul.f32 $1.442695020e+00, v20;
	(erf) = vrcp.f32 v17;
	v17 =	vsub.f32 $0.0e+00, v21;
	v60 =	vpop (erf)  }
0x37f: {  	v27 =	vsub.f32 $0.0e+00, v27;
	v6 =	vmul.f32 $1.442695020e+00, v56;
	v21 =	vsub.f32 $0.0e+00, v29;
	v5 =	vpop (erf)  }
0x380: {  	v24 =	vsub.f32 $0.0e+00, v24;
	v17 =	vmul.f32 $1.442695020e+00, v17;
	(erf) = vpow2.f32 v58;
	v20 =	vpop (erf)  }
0x381: {  	[tilespmem:v26+s14+$0x0] =	vst.idx.msk $0xffff, v60;
	v23 =	vsub.f32 $0.0e+00, v23;
	v19 =	vsub.f32 $0.0e+00, v19;
	v61 =	vpop (erf);
	(erf) = vrcp.f32 v48  }
0x382: {  	v26 =	vsub.f32 $0.0e+00, v55;
	v21 =	vmul.f32 $1.442695020e+00, v21;
	[tilespmem:v14+s14+$0x0] =	vst.idx.msk $0xffff, v5;
	(erf) = vpow2.f32 v17  }
0x383: {  	v24 =	vmul.f32 $1.442695020e+00, v24;
	v14 =	vadd.s32 s15, v1;
	v62 =	vmul.f32 $1.442695020e+00, v19;
	[tilespmem:v59+s14+$0x0] =	vst.idx.msk $0xffff, v20;
	v5 =	vpop (erf)  }
0x384: {  	v19 =	vand.u32 $0x1FF8, v14;
	(erf) = vpow2.f32 v21;
	v20 =	vpop (erf);
	v21 =	vmul.f32 $1.442695020e+00, v23;
	[tilespmem:v15+s14+$0x0] =	vst.idx.msk $0xffff, v5  }
0x385: {  	s8 =	smov.u32 s1;
	v17 =	vmul.f32 $1.442695020e+00, v26;
	v26 =	vadd.f32 $1.000000000e+00, v61;
	[tilespmem:v4+s14+$0x0] =	vst.idx.msk $0xffff, v20;
	v4 =	vpop (erf);
	(erf) = vpow2.f32 v24  }
0x386: {  	p0 =	slt.u32 s1, $0x5A;
	v23 =	vmul.f32 $1.442695020e+00, v27;
	v27 =	vadd.s32 s8, v0;
	[tilespmem:v13+s14+$0x0] =	vst.idx.msk $0xffff, v4;
	v4 =	vpop (erf);
	(erf) = vpow2.f32 v21  }
.Ltmp11:
0x387: {  	v15 =	vadd.s32 s9, v1;
	v20 =	vmov s2;
	[tilespmem:v16+s14+$0x0] =	vst.idx.msk $0xffff, v4;
	v4 =	vpop (erf);
	(erf) = vrcp.f32 v26;
	(pc) =	sbr.rel @p0 .LBB2_23-.Ltmp11, $4  }
0x388: {  	v14 =	vmovc v22;
	v21 =	vadd.s32 s2, v1;
	v13 =	vmovc v25;
	[tilespmem:v18+s14+$0x0] =	vst.idx.msk $0xffff, v4;
	(erf) = vpow2.f32 v17;
	v4 =	vmov s0  }
0x389: {  	v16 =	vadd.s32 s6, v1;
	v5 =	vpop (erf);
	(erf) = vpow2.f32 v23;
	v4 =	vand.u32 $0x6, v4  }
0x38a: {  	s1 =	sadd.s32 $0xA, s1;
	s20 =	smov.u32 s5;
	v17 =	vadd.f32 $1.000000000e+00, v5;
	(erf) = vpow2.f32 v62;
	v5 =	vand.u32 $0x1FF8, v63;
	v25 =	vpop (erf)  }
0x38b: {  	s21 =	smov.u32 s4;
	s22 =	smov.u32 s11;
	s0 =	smov.u32 s8;
	v18 =	vand.u32 $0x6, v54;
	v24 =	vld.idx.msk [tilespmem:v27+s10+$0x0], $0xffff;
	(erf) = vpow2.f32 v6;
	v22 =	vor.u32 v4, v5;
	v23 =	vpop (erf);
	[tilespmem:v57+s14+$0x0] =	vst.idx.msk $0xffff, v25  }
0x38c: {  	_ = 	snop  }
0x38d: {  	v4 =	vpop (erf)  }
0x38e: {  	v5 =	vpop (erf)  }
0x38f: {  	v4 =	vadd.f32 $1.000000000e+00, v4;
	v6 =	vpop (erf)  }
0x390: {  	v24 =	vsub.f32 $0.0e+00, v24;
	v6 =	vadd.f32 $1.000000000e+00, v6  }
0x391: {  	v5 =	vadd.f32 $1.000000000e+00, v5;
	(erf) = vrcp.f32 v4  }
0x392: {  	v35 =	vmul.f32 $1.442695020e+00, v24;
	(erf) = vrcp.f32 v6  }
0x393: {  	v36 =	vpop (erf);
	(erf) = vrcp.f32 v5  }
0x394: {  	v37 =	vpop (erf);
	(erf) = vpow2.f32 v35  }
0x395: {  	v38 =	vadd.f32 $1.000000000e+00, v23;
	v23 =	vpop (erf)  }
0x396: {  	v23 =	vadd.f32 $1.000000000e+00, v23  }
0x397: {  	v1 =	vld [tilespmem:$0x1FFE0]  }
0x398: {  	v39 =	vpop (erf)  }
0x399: {  	v24 =	vadd.f32 $1.000000000e+00, v39;
	v25 =	vpop (erf);
	(erf) = vrcp.f32 v38  }
0x39a: {  	v40 =	vadd.f32 $1.000000000e+00, v25;
	(erf) = vrcp.f32 v23;
	v23 =	vpop (erf)  }
0x39b: {  	(erf) = vrcp.f32 v24;
	v41 =	vpop (erf)  }
0x39c: {  	v42 =	vadd.s32 s22, v1;
	(erf) = vrcp.f32 v40;
	v43 =	vpop (erf)  }
0x39d: {  	v5 =	vadd.f32 $1.000000000e+00, v37;
	(erf) = vrcp.f32 v17;
	v17 =	vpop (erf)  }
0x39e: {  	v26 =	vadd.s32 s21, v1;
	v17 =	vadd.f32 $1.000000000e+00, v17  }
0x39f: {  	(erf) = vrcp.f32 v5  }
0x3a0: {  	v21 =	vand.u32 $0x1FF8, v21;
	v20 =	vand.u32 $0x6, v20;
	[tilespmem:v22+s14+$0x0] =	vst.idx.msk $0xffff, v36;
	(erf) = vrcp.f32 v17  }
0x3a1: {  	v20 =	vor.u32 v20, v21;
	[tilespmem:v42+s14+$0x0] =	vst.idx.msk $0xffff, v23  }
0x3a2: {  	[tilespmem:v14+s14+$0x0] =	vst.idx.msk $0xffff, v41;
	v45 =	vpop (erf)  }
0x3a3: {  	v44 =	vor.u32 v18, v19;
	v14 =	vadd.s32 s0, v1;
	[tilespmem:v26+s14+$0x0] =	vst.idx.msk $0xffff, v43;
	v46 =	vpop (erf);
	v17 =	vmov s0  }
0x3a4: {  	v18 =	vadd.s32 s20, v1;
	v14 =	vand.u32 $0x1FF8, v14;
	[tilespmem:v15+s14+$0x0] =	vst.idx.msk $0xffff, v45;
	v17 =	vand.u32 $0x6, v17;
	v47 =	vpop (erf)  }
0x3a5: {  	v7 =	vimm.f32 $2.000000000e+00;
	s20 =	simm.s32 $0xA3;
	[tilespmem:v13+s14+$0x0] =	vst.idx.msk $0xffff, v47;
	v13 =	vor.u32 v17, v14  }
0x3a6: {  	s16 =	simm.s32 $0x94;
	s17 =	simm.s32 $0x95;
	v10 =	vimm.f32 $6.000000000e+00;
	v8 =	vimm.f32 $8.000000000e+00;
	[tilespmem:v20+s14+$0x0] =	vst.idx.msk $0xffff, v46;
	v14 =	vadd.s32 s20, v0;
	v48 =	vpop (erf)  }
0x3a7: {  	s1 =	simm.s32 $0x64;
	s25 =	simm.s32 $0x9D;
	s31 =	simm.s32 $0x70;
	v9 =	vimm.f32 $1.000000000e+01;
	v50 =	vadd.s32 s16, v0;
	v52 =	vadd.s32 s17, v0;
	[tilespmem:v16+s14+$0x0] =	vst.idx.msk $0xffff, v48;
	v49 =	vpop (erf)  }
0x3a8: {  	s18 =	simm.s32 $0x96;
	s4 =	simm.s32 $0x99;
	s6 =	simm.s32 $0xA1;
	v54 =	vmov s1;
	v55 =	vadd.s32 s25, v0;
	v57 =	vadd.s32 s31, v0;
	[tilespmem:v44+s14+$0x0] =	vst.idx.msk $0xffff, v49;
	v51 =	vpop (erf)  }
0x3a9: {  	s19 =	simm.s32 $0x97;
	s7 =	simm.s32 $0x80;
	v29 =	vadd.s32 s4, v0;
	v31 =	vadd.s32 s6, v0;
	s22 =	simm.s32 $0x66;
	v15 =	vadd.s32 s18, v0;
	[tilespmem:v18+s14+$0x0] =	vst.idx.msk $0xffff, v51;
	v53 =	vpop (erf)  }
0x3aa: {  	s28 =	simm.s32 $0x68;
	v32 =	vadd.s32 s7, v0;
	s21 =	simm.s32 $0x9A;
	v22 =	vadd.s32 s22, v1;
	v16 =	vadd.s32 s19, v0;
	[tilespmem:v13+s14+$0x0] =	vst.idx.msk $0xffff, v53  }
0x3ab: {  	s23 =	simm.s32 $0x9B;
	s9 =	simm.s32 $0x90;
	s11 =	simm.s32 $0x65;
	v19 =	vadd.s32 s21, v0;
	v56 =	vand.u32 $0x1FF8, v22;
	v22 =	vadd.s32 s28, v0;
	v21 =	vld.idx.msk [tilespmem:v14+s10+$0x0], $0xffff  }
0x3ac: {  	s24 =	simm.s32 $0x9C;
	s13 =	simm.s32 $0x66;
	s15 =	simm.s32 $0x67;
	v37 =	vadd.s32 s11, v0;
	v35 =	vadd.s32 s9, v0;
	v20 =	vadd.s32 s23, v0;
	v4 =	vld.idx.msk [tilespmem:v50+s10+$0x0], $0xffff  }
0x3ad: {  	s2 =	simm.s32 $0x65;
	s4 =	simm.s32 $0x69;
	v38 =	vadd.s32 s13, v0;
	v23 =	vadd.s32 s24, v0;
	v40 =	vadd.s32 s15, v0;
	v6 =	vld.idx.msk [tilespmem:v52+s10+$0x0], $0xffff  }
0x3ae: {  	s17 =	simm.s32 $0x6C;
	s6 =	simm.s32 $0x6D;
	v41 =	vadd.s32 s4, v0;
	v5 =	vand.u32 $0x4, v54;
	v17 =	vmov s2;
	v24 =	vld.idx.msk [tilespmem:v15+s10+$0x0], $0xffff  }
0x3af: {  	s16 =	simm.s32 $0x6B;
	s21 =	simm.s32 $0x71;
	v45 =	vadd.s32 s17, v0;
	v46 =	vadd.s32 s6, v0;
	v17 =	vand.u32 $0x5, v17;
	s19 =	simm.s32 $0x6F;
	v26 =	vld.idx.msk [tilespmem:v16+s10+$0x0], $0xffff  }
0x3b0: {  	s25 =	simm.s32 $0x75;
	s23 =	simm.s32 $0x73;
	v48 =	vadd.s32 s21, v0;
	v44 =	vadd.s32 s16, v0;
	v47 =	vadd.s32 s19, v0;
	v27 =	vld.idx.msk [tilespmem:v19+s10+$0x0], $0xffff  }
0x3b1: {  	s28 =	simm.s32 $0x77;
	v49 =	vadd.s32 s23, v0;
	v18 =	vadd.s32 s2, v1;
	v51 =	vadd.s32 s25, v0;
	v28 =	vld.idx.msk [tilespmem:v20+s10+$0x0], $0xffff  }
0x3b2: {  	s26 =	simm.s32 $0x9E;
	v18 =	vand.u32 $0x1FF8, v18;
	v13 =	vadd.s32 s1, v1;
	v53 =	vadd.s32 s28, v0;
	v23 =	vld.idx.msk [tilespmem:v23+s10+$0x0], $0xffff  }
0x3b3: {  	s29 =	simm.s32 $0x9F;
	v13 =	vand.u32 $0x1FF8, v13;
	v14 =	vmov s22;
	v16 =	vadd.s32 s26, v0;
	v25 =	vld.idx.msk [tilespmem:v55+s10+$0x0], $0xffff  }
0x3b4: {  	s30 =	simm.s32 $0xA2;
	s2 =	simm.s32 $0x98;
	s1 =	simm.s32 $0x78;
	v19 =	vadd.s32 s29, v0;
	v15 =	vor.u32 v17, v18;
	v17 =	vand.u32 $0x7FF8, v22;
	v29 =	vld.idx.msk [tilespmem:v29+s10+$0x0], $0xffff  }
0x3b5: {  	s31 =	simm.s32 $0x7B;
	s24 =	simm.s32 $0x74;
	v18 =	vadd.s32 s30, v0;
	v20 =	vadd.s32 s1, v0;
	v22 =	vadd.s32 s2, v0;
	v31 =	vld.idx.msk [tilespmem:v31+s10+$0x0], $0xffff  }
0x3b6: {  	v50 =	vadd.s32 s24, v0;
	v55 =	vadd.s32 s31, v0;
	v37 =	vld.idx.msk [tilespmem:v37+s10+$0x0], $0xffff;
	v62 =	vor.u32 v5, v13  }
0x3b7: {  	s26 =	simm.s32 $0x76;
	v38 =	vld.idx.msk [tilespmem:v38+s10+$0x0], $0xffff;
	v14 =	vand.u32 $0x6, v14;
	v17 =	vor.u32 v2, v17;
	v22 =	vand.u32 $0x7FF8, v22  }
0x3b8: {  	s30 =	simm.s32 $0x7A;
	v40 =	vld.idx.msk [tilespmem:v40+s10+$0x0], $0xffff;
	v5 =	vand.u32 $0x7FF8, v57;
	v20 =	vand.u32 $0x7FF8, v20;
	v52 =	vadd.s32 s26, v0  }
0x3b9: {  	v41 =	vld.idx.msk [tilespmem:v41+s10+$0x0], $0xffff;
	v54 =	vadd.s32 s30, v0;
	v13 =	vimm.f32 $1.400000000e+01;
	v63 =	vor.u32 v14, v56  }
0x3ba: {  	s29 =	simm.s32 $0x79;
	v22 =	vor.u32 v2, v22;
	v5 =	vor.u32 v2, v5;
	v58 =	vor.u32 v2, v20;
	v30 =	vld.idx.msk [tilespmem:v16+s10+$0x0], $0xffff  }
0x3bb: {  	s5 =	simm.s32 $0xA0;
	s8 =	simm.s32 $0x88;
	v20 =	vand.u32 $0x7FF8, v35;
	v35 =	vadd.s32 s29, v0;
	v14 =	vimm.f32 $4.000000000e+00;
	v33 =	vld.idx.msk [tilespmem:v19+s10+$0x0], $0xffff  }
0x3bc: {  	v36 =	vor.u32 v2, v20;
	v16 =	vadd.s32 s5, v0;
	v19 =	vadd.s32 s8, v0;
	v34 =	vld.idx.msk [tilespmem:v18+s10+$0x0], $0xffff  }
0x3bd: {  	vm0 =	vgt.f32 v6, v4;
	vm1 =	vgt.f32 v26, v24;
	vm2 =	vgt.f32 v28, v27;
	v55 =	vld.idx.msk [tilespmem:v55+s10+$0x0], $0xffff  }
0x3be: {  	s5 =	simm.s32 $0x6A;
	vm3 =	vgt.f32 v25, v23;
	v16 =	vand.u32 $0x7FF8, v16;
	v18 =	vld.idx.msk [tilespmem:v17+s10+$0x0], $0xffff;
	v17 =	vand.u32 $0x7FF8, v32  }
0x3bf: {  	s22 =	simm.s32 $0x72;
	v19 =	vand.u32 $0x7FF8, v19;
	v42 =	vadd.s32 s5, v0;
	v27 =	vsel vm2, v28, v27;
	v28 =	vld.idx.msk [tilespmem:v44+s10+$0x0], $0xffff  }
0x3c0: {  	v32 =	vadd.s32 s22, v0;
	v56 =	vsel vm0, $0x3F800000, v3;
	v16 =	vor.u32 v2, v16;
	v39 =	vld.idx.msk [tilespmem:v22+s10+$0x0], $0xffff  }
0x3c1: {  	v4 =	vsel vm0, v6, v4;
	v6 =	vsel vm1, $0x40400000, v7;
	v17 =	vor.u32 v2, v17;
	v20 =	vld.idx.msk [tilespmem:v5+s10+$0x0], $0xffff  }
0x3c2: {  	v24 =	vsel vm1, v26, v24;
	v59 =	vor.u32 v2, v19;
	v22 =	vld.idx.msk [tilespmem:v58+s10+$0x0], $0xffff;
	vm0 =	vgt.f32 v33, v30  }
0x3c3: {  	s13 =	simm.s32 $0x82;
	v26 =	vsel vm2, $0x40E00000, v10;
	v23 =	vsel vm3, v25, v23;
	v25 =	vsel vm0, v33, v30;
	v30 =	vld.idx.msk [tilespmem:v45+s10+$0x0], $0xffff  }
0x3c4: {  	s18 =	simm.s32 $0x6E;
	v57 =	vsel vm3, $0x41100000, v8;
	s5 =	simm.s32 $0x64;
	v3 =	vimm.f32 $1.200000000e+01;
	v44 =	vadd.s32 s13, v0;
	v33 =	vld.idx.msk [tilespmem:v46+s10+$0x0], $0xffff  }
0x3c5: {  	v5 =	vadd.s32 s18, v0;
	v60 =	vadd.s32 s5, v0;
	vm1 =	vgt.f32 v21, v34;
	v43 =	vld.idx.msk [tilespmem:v16+s10+$0x0], $0xffff  }
0x3c6: {  	s11 =	simm.s32 $0x81;
	s15 =	simm.s32 $0x83;
	s16 =	simm.s32 $0x84;
	v58 =	vsel vm0, $0x41300000, v9;
	v21 =	vsel vm1, v21, v34;
	vm0 =	vgt.f32 v24, v4;
	v19 =	vld.idx.msk [tilespmem:v17+s10+$0x0], $0xffff  }
0x3c7: {  	s4 =	simm.s32 $0x7C;
	v34 =	vadd.s32 s11, v0;
	v45 =	vadd.s32 s15, v0;
	v46 =	vadd.s32 s16, v0;
	v17 =	vld.idx.msk [tilespmem:v59+s10+$0x0], $0xffff  }
0x3c8: {  	v16 =	vld.idx.msk [tilespmem:v36+s10+$0x0], $0xffff;
	v36 =	vadd.s32 s4, v0;
	v59 =	vsel vm1, $0x41700000, v13;
	vm1 =	vgt.f32 v29, v39  }
0x3c9: {  	s17 =	simm.s32 $0x85;
	s24 =	simm.s32 $0x8C;
	v42 =	vld.idx.msk [tilespmem:v42+s10+$0x0], $0xffff;
	vm3 =	vgt.f32 v25, v23;
	v6 =	vsel vm0, v6, v56;
	v4 =	vsel vm0, v24, v4  }
0x3ca: {  	v24 =	vld.idx.msk [tilespmem:v48+s10+$0x0], $0xffff;
	v48 =	vadd.s32 s17, v0;
	v56 =	vadd.s32 s24, v0;
	v29 =	vsel vm1, v29, v39  }
0x3cb: {  	s9 =	simm.s32 $0x7F;
	v35 =	vld.idx.msk [tilespmem:v35+s10+$0x0], $0xffff;
	v61 =	vsel vm1, $0x40A00000, v14;
	v57 =	vsel vm3, v58, v57;
	vm0 =	vgt.f32 v27, v29  }
0x3cc: {  	s22 =	simm.s32 $0x8A;
	v23 =	vsel vm3, v25, v23;
	v25 =	vld.idx.msk [tilespmem:v32+s10+$0x0], $0xffff;
	v32 =	vadd.s32 s9, v0;
	v27 =	vsel vm0, v27, v29  }
0x3cd: {  	s30 =	simm.s32 $0x92;
	v39 =	vld.idx.msk [tilespmem:v52+s10+$0x0], $0xffff;
	v52 =	vadd.s32 s22, v0;
	v26 =	vsel vm0, v26, v61;
	vm0 =	vgt.f32 v27, v4  }
0x3ce: {  	v61 =	vadd.s32 s30, v0;
	vm4 =	vgt.f32 v33, v30;
	v4 =	vsel vm0, v27, v4;
	v27 =	vld.idx.msk [tilespmem:v49+s10+$0x0], $0xffff  }
0x3cf: {  	s6 =	simm.s32 $0x7D;
	s18 =	simm.s32 $0x86;
	vm3 =	vgt.f32 v28, v42;
	vm2 =	vgt.f32 v31, v43;
	v30 =	vsel vm4, v33, v30;
	v33 =	vld.idx.msk [tilespmem:v46+s10+$0x0], $0xffff  }
0x3d0: {  	v6 =	vsel vm0, v26, v6;
	v26 =	vadd.s32 s6, v0;
	v49 =	vadd.s32 s18, v0;
	v46 =	vld.idx.msk [tilespmem:v48+s10+$0x0], $0xffff  }
0x3d1: {  	s23 =	simm.s32 $0x8B;
	v28 =	vsel vm3, v28, v42;
	v48 =	vsel vm4, $0x41100000, v8;
	v31 =	vsel vm2, v31, v43;
	v43 =	vld.idx.msk [tilespmem:v47+s10+$0x0], $0xffff  }
0x3d2: {  	s8 =	simm.s32 $0x7E;
	v58 =	vsel vm2, $0x41500000, v3;
	v47 =	vld.idx.msk [tilespmem:v53+s10+$0x0], $0xffff;
	v53 =	vadd.s32 s23, v0;
	vm1 =	vgt.f32 v21, v31  }
0x3d3: {  	s28 =	simm.s32 $0x8F;
	s26 =	simm.s32 $0x8E;
	v29 =	vld.idx.msk [tilespmem:v60+s10+$0x0], $0xffff;
	v21 =	vsel vm1, v21, v31;
	v60 =	vsel vm1, v59, v58;
	v31 =	vadd.s32 s8, v0  }
0x3d4: {  	v54 =	vld.idx.msk [tilespmem:v54+s10+$0x0], $0xffff;
	v58 =	vadd.s32 s26, v0;
	v59 =	vadd.s32 s28, v0;
	vm1 =	vgt.f32 v41, v18  }
0x3d5: {  	v44 =	vld.idx.msk [tilespmem:v44+s10+$0x0], $0xffff;
	vm2 =	vgt.f32 v21, v23;
	v18 =	vsel vm1, v41, v18;
	v41 =	vsel vm1, $0x40A00000, v14  }
0x3d6: {  	s25 =	simm.s32 $0x8D;
	s29 =	simm.s32 $0x91;
	v5 =	vld.idx.msk [tilespmem:v5+s10+$0x0], $0xffff;
	vm1 =	vgt.f32 v24, v20;
	v21 =	vsel vm2, v21, v23;
	v23 =	vsel vm2, v60, v57  }
0x3d7: {  	v34 =	vld.idx.msk [tilespmem:v34+s10+$0x0], $0xffff;
	v57 =	vadd.s32 s25, v0;
	v60 =	vadd.s32 s29, v0;
	v20 =	vsel vm1, v24, v20  }
0x3d8: {  	s7 =	simm.s32 $0x67;
	s19 =	simm.s32 $0x87;
	v45 =	vld.idx.msk [tilespmem:v45+s10+$0x0], $0xffff;
	v24 =	vsel vm1, $0x41500000, v3;
	vm1 =	vgt.f32 v35, v22;
	vm2 =	vgt.f32 v28, v18  }
0x3d9: {  	vm0 =	vgt.f32 v21, v4;
	v4 =	vld.idx.msk [tilespmem:v50+s10+$0x0], $0xffff;
	v21 =	vadd.s32 s7, v1;
	v50 =	vadd.s32 s19, v0  }
0x3da: {  	v36 =	vld.idx.msk [tilespmem:v36+s10+$0x0], $0xffff;
	v22 =	vsel vm1, v35, v22;
	v35 =	vsel vm1, $0x40A00000, v14;
	vm1 =	vgt.f32 v37, v29  }
0x3db: {  	s21 =	simm.s32 $0x89;
	v56 =	vld.idx.msk [tilespmem:v56+s10+$0x0], $0xffff;
	v1 =	vimm.f32 $0.0e+00;
	v18 =	vsel vm2, v28, v18;
	v23 =	vsel vm0, v23, v6  }
0x3dc: {  	v6 =	vld.idx.msk [tilespmem:v51+s10+$0x0], $0xffff;
	v51 =	vadd.s32 s21, v0;
	vm0 =	vgt.f32 v40, v38;
	v29 =	vsel vm1, v37, v29  }
0x3dd: {  	v32 =	vld.idx.msk [tilespmem:v32+s10+$0x0], $0xffff;
	v37 =	vsel vm1, $0x3F800000, v1;
	vm1 =	vgt.f32 v43, v5;
	v38 =	vsel vm0, v40, v38  }
0x3de: {  	v52 =	vld.idx.msk [tilespmem:v52+s10+$0x0], $0xffff;
	v5 =	vsel vm1, v43, v5;
	v43 =	vsel vm3, $0x40E00000, v10;
	vm3 =	vgt.f32 v27, v25  }
0x3df: {  	v61 =	vld.idx.msk [tilespmem:v61+s10+$0x0], $0xffff;
	v42 =	vsel vm0, $0x40400000, v7;
	vm0 =	vgt.f32 v5, v30;
	v25 =	vsel vm3, v27, v25  }
0x3e0: {  	v26 =	vld.idx.msk [tilespmem:v26+s10+$0x0], $0xffff;
	v27 =	vsel vm1, $0x41300000, v9;
	v28 =	vsel vm3, $0x41700000, v13;
	vm3 =	vgt.f32 v34, v19  }
0x3e1: {  	v49 =	vld.idx.msk [tilespmem:v49+s10+$0x0], $0xffff;
	vm1 =	vgt.f32 v38, v29;
	v19 =	vsel vm3, v34, v19;
	v34 =	vsel vm3, $0x41500000, v3  }
0x3e2: {  	s31 =	simm.s32 $0x93;
	v31 =	vld.idx.msk [tilespmem:v31+s10+$0x0], $0xffff;
	v5 =	vsel vm0, v5, v30;
	v27 =	vsel vm0, v27, v48;
	vm3 =	vgt.f32 v6, v4  }
0x3e3: {  	v40 =	vadd.s32 s31, v0;
	[tilespmem:v21+s14+$0x0] =	vst.idx.msk $0xffff, v23;
	v21 =	vsel vm1, v38, v29;
	v4 =	vsel vm3, v6, v4  }
0x3e4: {  	v53 =	vld.idx.msk [tilespmem:v53+s10+$0x0], $0xffff;
	v6 =	vsel vm3, $0x3F800000, v1;
	v1 =	vimm.f32 $0.0e+00;
	vm3 =	vgt.f32 v47, v39  }
0x3e5: {  	v51 =	vld.idx.msk [tilespmem:v51+s10+$0x0], $0xffff;
	v39 =	vsel vm3, v47, v39;
	v47 =	vsel vm3, $0x40400000, v7;
	vm3 =	vgt.f32 v55, v54  }
0x3e6: {  	v50 =	vld.idx.msk [tilespmem:v50+s10+$0x0], $0xffff;
	v54 =	vsel vm3, v55, v54;
	v55 =	vsel vm3, $0x40E00000, v10;
	vm3 =	vgt.f32 v26, v36  }
0x3e7: {  	v58 =	vld.idx.msk [tilespmem:v58+s10+$0x0], $0xffff;
	v26 =	vsel vm3, v26, v36;
	v36 =	vsel vm3, $0x41100000, v8;
	vm3 =	vgt.f32 v32, v31  }
0x3e8: {  	v57 =	vld.idx.msk [tilespmem:v57+s10+$0x0], $0xffff;
	v31 =	vsel vm3, v32, v31;
	v32 =	vsel vm3, $0x41300000, v9;
	vm3 =	vgt.f32 v45, v44  }
0x3e9: {  	v59 =	vld.idx.msk [tilespmem:v59+s10+$0x0], $0xffff;
	v44 =	vsel vm3, v45, v44;
	v45 =	vsel vm3, $0x41700000, v13;
	vm3 =	vgt.f32 v46, v33  }
0x3ea: {  	v60 =	vld.idx.msk [tilespmem:v60+s10+$0x0], $0xffff;
	v33 =	vsel vm3, v46, v33;
	v46 =	vsel vm3, $0x3F800000, v1;
	vm3 =	vgt.f32 v51, v17  }
0x3eb: {  	v40 =	vld.idx.msk [tilespmem:v40+s10+$0x0], $0xffff;
	v17 =	vsel vm3, v51, v17;
	v51 =	vsel vm3, $0x40A00000, v14;
	vm3 =	vgt.f32 v50, v49  }
0x3ec: {  	v49 =	vsel vm3, v50, v49;
	v50 =	vsel vm3, $0x40400000, v7;
	vm3 =	vgt.f32 v53, v52  }
0x3ed: {  	v52 =	vsel vm3, v53, v52;
	v53 =	vsel vm3, $0x40E00000, v10;
	vm3 =	vgt.f32 v57, v56  }
0x3ee: {  	v56 =	vsel vm3, v57, v56;
	v57 =	vsel vm3, $0x41100000, v8;
	vm3 =	vgt.f32 v59, v58  }
0x3ef: {  	v58 =	vsel vm3, v59, v58;
	v59 =	vsel vm3, $0x41300000, v9;
	vm3 =	vgt.f32 v60, v16  }
0x3f0: {  	v16 =	vsel vm3, v60, v16;
	v60 =	vsel vm3, $0x41500000, v3;
	vm3 =	vgt.f32 v40, v61  }
0x3f1: {  	vm0 =	vgt.f32 v31, v26;
	v23 =	vsel vm3, v40, v61;
	v61 =	vsel vm3, $0x41700000, v13  }
0x3f2: {  	vm3 =	vgt.f32 v25, v20;
	v40 =	vsel vm2, v43, v41;
	vm2 =	vgt.f32 v54, v22  }
0x3f3: {  	v26 =	vsel vm0, v31, v26;
	v20 =	vsel vm3, v25, v20;
	v22 =	vsel vm2, v54, v22  }
0x3f4: {  	v24 =	vsel vm3, v28, v24;
	vm3 =	vgt.f32 v44, v19;
	v41 =	vsel vm2, v55, v35  }
0x3f5: {  	vm2 =	vgt.f32 v52, v17;
	v54 =	vsel vm0, v32, v36;
	vm0 =	vgt.f32 v58, v56  }
0x3f6: {  	v43 =	vsel vm3, v44, v19;
	v44 =	vsel vm2, v52, v17;
	v34 =	vsel vm3, v45, v34  }
0x3f7: {  	vm3 =	vgt.f32 v23, v16;
	v52 =	vsel vm2, v53, v51;
	vm2 =	vgt.f32 v18, v21  }
0x3f8: {  	v19 =	vsel vm1, v42, v37;
	vm1 =	vgt.f32 v39, v4;
	v58 =	vsel vm0, v58, v56  }
0x3f9: {  	v17 =	vsel vm0, v59, v57;
	v23 =	vsel vm3, v23, v16;
	v16 =	vsel vm3, v61, v60  }
0x3fa: {  	vm3 =	vgt.f32 v20, v5;
	v4 =	vsel vm1, v39, v4;
	v6 =	vsel vm1, v47, v6  }
0x3fb: {  	vm1 =	vgt.f32 v49, v33;
	vm5 =	vgt.f32 v43, v26;
	v60 =	vsel vm2, v18, v21  }
0x3fc: {  	p0 =	por $0x1, $0x1;
	v18 =	vsel vm2, v40, v19;
	v53 =	vsel vm1, v49, v33;
	v55 =	vsel vm1, v50, v46  }
.Ltmp12:
0x3fd: {  	vm1 =	vgt.f32 v22, v4;
	v5 =	vsel vm3, v20, v5;
	v19 =	vsel vm3, v24, v27;
	(pc) =	sbr.rel @!p0 .LBB2_26-.Ltmp12, $4  }
0x3fe: {  	vm4 =	vgt.f32 v23, v58;
	v20 =	vsel vm5, v43, v26;
	v4 =	vsel vm1, v22, v4  }
0x3ff: {  	vm2 =	vgt.f32 v44, v53;
	v23 =	vsel vm4, v23, v58;
	v21 =	vsel vm1, v41, v6  }
0x400: {  	vm0 =	vgt.f32 v5, v60;
	v22 =	vsel vm5, v34, v54;
	v61 =	vsel vm2, v44, v53  }
0x401: {  	s22 =	simm.s32 $0x94;
	s23 =	simm.s32 $0x0;
	s21 =	simm.s32 $0x364;
	vm5 =	vgt.f32 v20, v4;
	v20 =	vsel vm2, v52, v55;
	vm1 =	vgt.f32 v23, v61  }
.LBB2_25:
0x402: {  	v4 =	vsel vm0, v19, v18  }
0x403: {  	v5 =	vsel vm5, v22, v21;
	v6 =	vsel vm4, v16, v17;
	v7 =	vimm.f32 $2.000000000e+00  }
0x404: {  	s1 =	sadd.s32 $0x68, s23;
	s2 =	sadd.s32 $0x69, s23;
	v10 =	vimm.f32 $6.000000000e+00;
	v8 =	vimm.f32 $8.000000000e+00;
	v9 =	vimm.f32 $1.000000000e+01  }
0x405: {  	s7 =	sadd.s32 $0x6A, s23;
	s20 =	sadd.s32 $0x40, s20;
	v16 =	vmov s1;
	v49 =	vsel vm1, v6, v20;
	v13 =	vmov s2  }
0x406: {  	v52 =	vmov s7;
	v56 =	vadd.s32 s20, v0;
	s15 =	sadd.s32 $0xFFFFFFF2, s20;
	v53 =	vand.u32 $0x4, v16  }
0x407: {  	s8 =	sadd.s32 $0xFFFFFFC5, s20;
	s9 =	sadd.s32 $0xFFFFFFCD, s20;
	s18 =	sadd.s32 $0xFFFFFFF3, s20;
	v16 =	vand.u32 $0x5, v13;
	v55 =	vand.u32 $0x6, v52;
	v19 =	vadd.s32 s15, v0  }
0x408: {  	s13 =	sadd.s32 $0xFFFFFFDD, s20;
	s16 =	sadd.s32 $0xFFFFFFE5, s20;
	s19 =	sadd.s32 $0xFFFFFFF4, s20;
	v57 =	vadd.s32 s8, v0;
	v58 =	vadd.s32 s9, v0;
	v23 =	vadd.s32 s18, v0  }
0x409: {  	v1 =	vld [tilespmem:$0x1FFE0];
	s17 =	sadd.s32 $0xFFFFFFED, s20;
	s25 =	sadd.s32 $0xFFFFFFF7, s20;
	s31 =	sadd.s32 $0xFFFFFFFC, s20;
	v18 =	vadd.s32 s13, v0;
	v20 =	vadd.s32 s16, v0;
	v24 =	vadd.s32 s19, v0  }
0x40a: {  	s24 =	sadd.s32 $0xFFFFFFC4, s20;
	s6 =	sadd.s32 $0xFFFFFFCB, s20;
	s5 =	sadd.s32 $0xFFFFFFCC, s20;
	[tilespmem:v63+s14+$0x0] =	vst.idx.msk $0xffff, v49;
	v21 =	vadd.s32 s17, v0;
	v25 =	vadd.s32 s25, v0;
	v60 =	vadd.s32 s31, v0  }
0x40b: {  	v41 =	vadd.s32 s24, v0;
	v49 =	vadd.s32 s6, v0;
	v52 =	vadd.s32 s5, v0;
	v22 =	vld.idx.msk [tilespmem:v56+s10+$0x0], $0xffff  }
0x40c: {  	s26 =	sadd.s32 $0xFFFFFFF8, s20;
	v13 =	vimm.f32 $0.0e+00;
	v6 =	vand.u32 $0x7FF8, v58;
	v18 =	vand.u32 $0x7FF8, v18;
	v34 =	vld.idx.msk [tilespmem:v19+s10+$0x0], $0xffff  }
0x40d: {  	s8 =	sadd.s32 $0xFFFFFFC2, s20;
	s24 =	sadd.s32 $0xFFFFFFF6, s20;
	v59 =	vand.u32 $0x7FF8, v20;
	v20 =	vand.u32 $0x7FF8, v21;
	v21 =	vadd.s32 s26, v0;
	v35 =	vld.idx.msk [tilespmem:v23+s10+$0x0], $0xffff  }
0x40e: {  	s13 =	sadd.s32 $0xFFFFFFC3, s20;
	s15 =	sadd.s32 $0xFFFFFFC6, s20;
	v38 =	vadd.s32 s8, v0;
	v26 =	vadd.s32 s24, v0;
	v50 =	vadd.s32 s1, v1;
	v37 =	vld.idx.msk [tilespmem:v24+s10+$0x0], $0xffff  }
0x40f: {  	s16 =	sadd.s32 $0xFFFFFFC7, s20;
	s17 =	sadd.s32 $0xFFFFFFC8, s20;
	v39 =	vadd.s32 s13, v0;
	v42 =	vadd.s32 s15, v0;
	v51 =	vand.u32 $0x1FF8, v50;
	v40 =	vld.idx.msk [tilespmem:v25+s10+$0x0], $0xffff  }
0x410: {  	s30 =	sadd.s32 $0xFFFFFFFB, s20;
	s18 =	sadd.s32 $0xFFFFFFC9, s20;
	v44 =	vadd.s32 s16, v0;
	v33 =	vadd.s32 s17, v0;
	[tilespmem:v62+s14+$0x0] =	vst.idx.msk $0xffff, v4;
	v3 =	vor.u32 v53, v51;
	v51 =	vld.idx.msk [tilespmem:v60+s10+$0x0], $0xffff  }
0x411: {  	s19 =	sadd.s32 $0xFFFFFFCA, s20;
	s13 =	sadd.s32 $0xFFFFFFD2, s20;
	v30 =	vadd.s32 s18, v0;
	v36 =	vor.u32 v2, v20;
	v20 =	vadd.s32 s30, v0;
	v41 =	vld.idx.msk [tilespmem:v41+s10+$0x0], $0xffff  }
0x412: {  	s28 =	sadd.s32 $0xFFFFFFF9, s20;
	v32 =	vadd.s32 s19, v0;
	[tilespmem:v15+s14+$0x0] =	vst.idx.msk $0xffff, v5;
	v5 =	vand.u32 $0x7FF8, v57;
	v28 =	vadd.s32 s13, v0;
	v43 =	vld.idx.msk [tilespmem:v21+s10+$0x0], $0xffff  }
0x413: {  	s29 =	sadd.s32 $0xFFFFFFFA, s20;
	v6 =	vor.u32 v2, v6;
	v18 =	vor.u32 v2, v18;
	v19 =	vadd.s32 s28, v0;
	v56 =	vld.idx.msk [tilespmem:v26+s10+$0x0], $0xffff  }
0x414: {  	s11 =	sadd.s32 $0xFFFFFFD5, s20;
	v4 =	vor.u32 v2, v59;
	v17 =	vadd.s32 s2, v1;
	v23 =	vadd.s32 s29, v0;
	v39 =	vld.idx.msk [tilespmem:v39+s10+$0x0], $0xffff  }
0x415: {  	s26 =	sadd.s32 $0xFFFFFFD3, s20;
	v5 =	vor.u32 v2, v5;
	v14 =	vand.u32 $0x1FF8, v17;
	v17 =	vadd.s32 s11, v0;
	s11 =	sadd.s32 $0xFFFFFFD1, s20;
	v42 =	vld.idx.msk [tilespmem:v42+s10+$0x0], $0xffff  }
0x416: {  	s4 =	sadd.s32 $0xFFFFFFF1, s20;
	v27 =	vadd.s32 s26, v0;
	v15 =	vadd.s32 s7, v1;
	v29 =	vadd.s32 s11, v0;
	v47 =	vld.idx.msk [tilespmem:v20+s10+$0x0], $0xffff  }
0x417: {  	s8 =	sadd.s32 $0xFFFFFFFF, s20;
	s7 =	sadd.s32 $0xFFFFFFD0, s20;
	v54 =	vand.u32 $0x1FF8, v15;
	[tilespmem:$0x1FF90] =	vst v3;
	v3 =	vor.u32 v16, v14;
	v16 =	vadd.s32 s4, v0;
	v28 =	vld.idx.msk [tilespmem:v28+s10+$0x0], $0xffff  }
0x418: {  	s0 =	smov.u32 s23;
	s9 =	sadd.s32 $0xFFFFFFCE, s20;
	v31 =	vadd.s32 s7, v0;
	v17 =	vand.u32 $0x7FF8, v17;
	v21 =	vadd.s32 s8, v0;
	v45 =	vld.idx.msk [tilespmem:v19+s10+$0x0], $0xffff  }
0x419: {  	s31 =	sadd.s32 $0xFFFFFFD7, s20;
	v15 =	vor.u32 v55, v54;
	s28 =	sadd.s32 $0xFFFFFFD4, s20;
	s29 =	sadd.s32 $0xFFFFFFFE, s20;
	v53 =	vadd.s32 s9, v0;
	v17 =	vor.u32 v2, v17;
	v46 =	vld.idx.msk [tilespmem:v23+s10+$0x0], $0xffff  }
0x41a: {  	s30 =	sadd.s32 $0xFFFFFFD6, s20;
	v24 =	vadd.s32 s31, v0;
	s31 =	sadd.s32 $0x6B, s0;
	v48 =	vadd.s32 s29, v0;
	v25 =	vadd.s32 s28, v0;
	v23 =	vld.idx.msk [tilespmem:v5+s10+$0x0], $0xffff  }
0x41b: {  	s25 =	sadd.s32 $0xFFFFFFFD, s20;
	v26 =	vadd.s32 s30, v0;
	v57 =	vadd.s32 s31, v1;
	v14 =	vimm.f32 $4.000000000e+00;
	v29 =	vld.idx.msk [tilespmem:v29+s10+$0x0], $0xffff  }
0x41c: {  	s17 =	sadd.s32 $0xFFFFFFF5, s20;
	s4 =	sadd.s32 $0xFFFFFFCF, s20;
	v1 =	vimm.f32 $1.200000000e+01;
	[tilespmem:$0x1FFA0] =	vst v3;
	v20 =	vadd.s32 s25, v0;
	v3 =	vimm.f32 $1.400000000e+01;
	v16 =	vld.idx.msk [tilespmem:v16+s10+$0x0], $0xffff  }
0x41d: {  	v19 =	vadd.s32 s17, v0;
	v5 =	vadd.s32 s4, v0;
	vm1 =	vgt.f32 v37, v35;
	v55 =	vld.idx.msk [tilespmem:v21+s10+$0x0], $0xffff  }
0x41e: {  	v19 =	vand.u32 $0x7FF8, v19;
	vm2 =	vgt.f32 v43, v40;
	v21 =	vld.idx.msk [tilespmem:v17+s10+$0x0], $0xffff;
	v59 =	vsel vm1, $0x40400000, v7  }
0x41f: {  	s19 =	sadd.s32 $0xFFFFFFD9, s20;
	v17 =	vld.idx.msk [tilespmem:v4+s10+$0x0], $0xffff;
	v4 =	vsel vm1, v37, v35;
	vm8 =	vgt.f32 v41, v39;
	v50 =	vor.u32 v2, v19  }
0x420: {  	v27 =	vld.idx.msk [tilespmem:v27+s10+$0x0], $0xffff;
	v19 =	vand.u32 $0x7FF8, v20;
	v20 =	vadd.s32 s19, v0;
	vm4 =	vgt.f32 v51, v47  }
0x421: {  	s18 =	sadd.s32 $0xFFFFFFD8, s20;
	v25 =	vld.idx.msk [tilespmem:v25+s10+$0x0], $0xffff;
	v60 =	vsel vm2, $0x40E00000, v10;
	v35 =	vsel vm2, v43, v40;
	v39 =	vsel vm8, v41, v39  }
0x422: {  	v41 =	vimm.s32 $0x0;
	v54 =	vor.u32 v2, v19;
	v19 =	vadd.s32 s18, v0  }
0x423: {  	v31 =	vld.idx.msk [tilespmem:v31+s10+$0x0], $0xffff;
	v62 =	vsel vm4, $0x41300000, v9;
	vm3 =	vgt.f32 v46, v45;
	vm6 =	vgt.f32 v42, v23  }
0x424: {  	s9 =	sadd.s32 $0xFFFFFFDF, s20;
	v48 =	vld.idx.msk [tilespmem:v48+s10+$0x0], $0xffff;
	vm12 =	vgt.f32 v28, v29;
	vm0 =	vgt.f32 v34, v16;
	vm5 =	vgt.f32 v22, v55  }
0x425: {  	v5 =	vld.idx.msk [tilespmem:v5+s10+$0x0], $0xffff;
	v61 =	vsel vm3, $0x41100000, v8;
	v37 =	vsel vm3, v46, v45;
	v46 =	vadd.s32 s9, v0  }
0x426: {  	v23 =	vsel vm6, v42, v23;
	v28 =	vsel vm12, v28, v29;
	vm13 =	vgt.f32 v25, v27;
	v50 =	vld.idx.msk [tilespmem:v50+s10+$0x0], $0xffff  }
0x427: {  	s15 =	sadd.s32 $0xFFFFFFE0, s20;
	v58 =	vsel vm0, $0x3F800000, v13;
	v34 =	vsel vm0, v34, v16;
	v63 =	vsel vm5, $0x41700000, v3;
	v16 =	vld.idx.msk [tilespmem:v36+s10+$0x0], $0xffff  }
0x428: {  	s24 =	sadd.s32 $0xFFFFFFE3, s20;
	v36 =	vsel vm4, v51, v47;
	v22 =	vsel vm5, v22, v55;
	v47 =	vadd.s32 s15, v0;
	v54 =	vld.idx.msk [tilespmem:v54+s10+$0x0], $0xffff  }
0x429: {  	v51 =	vadd.s32 s24, v0;
	vm0 =	vgt.f32 v4, v34;
	vm3 =	vgt.f32 v36, v37  }
0x42a: {  	s2 =	sadd.s32 $0xFFFFFFDA, s20;
	v33 =	vld.idx.msk [tilespmem:v33+s10+$0x0], $0xffff;
	v25 =	vsel vm13, v25, v27;
	v43 =	vsel vm0, v59, v58;
	v45 =	vsel vm3, v62, v61  }
0x42b: {  	s8 =	sadd.s32 $0xFFFFFFDE, s20;
	v4 =	vsel vm0, v4, v34;
	v34 =	vld.idx.msk [tilespmem:v44+s10+$0x0], $0xffff;
	v36 =	vsel vm3, v36, v37;
	v37 =	vadd.s32 s2, v0  }
0x42c: {  	v44 =	vadd.s32 s8, v0;
	vm11 =	vgt.f32 v31, v5;
	vm1 =	vgt.f32 v56, v50  }
0x42d: {  	s17 =	sadd.s32 $0xFFFFFFE2, s20;
	v5 =	vsel vm11, v31, v5;
	vm2 =	vgt.f32 v48, v54;
	v40 =	vsel vm1, $0x40A00000, v14  }
0x42e: {  	s16 =	sadd.s32 $0xFFFFFFE1, s20;
	v61 =	vsel vm1, v56, v50;
	v50 =	vadd.s32 s17, v0;
	v55 =	vsel vm2, v48, v54  }
0x42f: {  	s28 =	sadd.s32 $0xFFFFFFE7, s20;
	v38 =	vld.idx.msk [tilespmem:v38+s10+$0x0], $0xffff;
	v56 =	vsel vm2, $0x41500000, v1;
	vm0 =	vgt.f32 v35, v61;
	v48 =	vadd.s32 s16, v0  }
0x430: {  	s13 =	sadd.s32 $0xFFFFFFC1, s20;
	v32 =	vld.idx.msk [tilespmem:v32+s10+$0x0], $0xffff;
	v54 =	vadd.s32 s28, v0;
	vm10 =	vgt.f32 v33, v34;
	vm1 =	vgt.f32 v22, v55  }
0x431: {  	v6 =	vld.idx.msk [tilespmem:v6+s10+$0x0], $0xffff;
	v35 =	vsel vm0, v35, v61;
	v58 =	vsel vm0, v60, v40;
	v61 =	vadd.s32 s13, v0  }
0x432: {  	s29 =	sadd.s32 $0xFFFFFFE8, s20;
	v24 =	vld.idx.msk [tilespmem:v24+s10+$0x0], $0xffff;
	v33 =	vsel vm10, v33, v34;
	v22 =	vsel vm1, v22, v55;
	vm0 =	vgt.f32 v35, v4  }
0x433: {  	s5 =	sadd.s32 $0xFFFFFFE9, s20;
	v40 =	vld.idx.msk [tilespmem:v30+s10+$0x0], $0xffff;
	v59 =	vsel vm1, v63, v56;
	v55 =	vadd.s32 s29, v0;
	vm2 =	vgt.f32 v22, v36  }
0x434: {  	v56 =	vadd.s32 s5, v0;
	vm4 =	vgt.f32 v33, v23;
	v22 =	vsel vm2, v22, v36;
	v36 =	vld.idx.msk [tilespmem:v49+s10+$0x0], $0xffff  }
0x435: {  	s6 =	sadd.s32 $0xFFFFFFDC, s20;
	s1 =	sadd.s32 $0xFFFFFFDB, s20;
	s30 =	sadd.s32 $0xFFFFFFEB, s20;
	v4 =	vsel vm0, v35, v4;
	v60 =	vsel vm0, v58, v43;
	v30 =	vsel vm2, v59, v45;
	v45 =	vld.idx.msk [tilespmem:v52+s10+$0x0], $0xffff  }
0x436: {  	s25 =	sadd.s32 $0xFFFFFFE4, s20;
	v35 =	vadd.s32 s1, v0;
	v43 =	vadd.s32 s6, v0;
	v58 =	vadd.s32 s30, v0;
	v49 =	vld.idx.msk [tilespmem:v53+s10+$0x0], $0xffff  }
0x437: {  	s26 =	sadd.s32 $0xFFFFFFE6, s20;
	s0 =	sadd.s32 $0xFFFFFFEC, s20;
	v19 =	vld.idx.msk [tilespmem:v19+s10+$0x0], $0xffff;
	v23 =	vsel vm4, v33, v23;
	v52 =	vadd.s32 s25, v0;
	vm0 =	vgt.f32 v22, v4  }
0x438: {  	s4 =	sadd.s32 $0xFFFFFFEE, s20;
	s18 =	sadd.s32 $0xFFFFFFEF, s20;
	v53 =	vadd.s32 s26, v0;
	v59 =	vadd.s32 s0, v0;
	v22 =	vsel vm0, v30, v60;
	v4 =	vld.idx.msk [tilespmem:v61+s10+$0x0], $0xffff  }
0x439: {  	s7 =	sadd.s32 $0xFFFFFFEA, s20;
	s31 =	sadd.s32 $0xFFFFFFF0, s20;
	v20 =	vld.idx.msk [tilespmem:v20+s10+$0x0], $0xffff;
	v60 =	vadd.s32 s4, v0;
	v30 =	vadd.s32 s18, v0;
	vm9 =	vgt.f32 v32, v40  }
0x43a: {  	v42 =	vld.idx.msk [tilespmem:v37+s10+$0x0], $0xffff;
	[tilespmem:v57+s14+$0x0] =	vst.idx.msk $0xffff, v22;
	v57 =	vadd.s32 s7, v0;
	v22 =	vadd.s32 s31, v0;
	v32 =	vsel vm9, v32, v40  }
0x43b: {  	v61 =	vld.idx.msk [tilespmem:v43+s10+$0x0], $0xffff;
	v43 =	vsel vm12, $0x3F800000, v13;
	vm7 =	vgt.f32 v45, v36;
	vm15 =	vgt.f32 v49, v6  }
0x43c: {  	v26 =	vld.idx.msk [tilespmem:v26+s10+$0x0], $0xffff;
	v6 =	vsel vm15, v49, v6;
	v40 =	vsel vm7, v45, v36;
	v27 =	vsel vm15, $0x41500000, v1  }
0x43d: {  	v45 =	vld.idx.msk [tilespmem:v44+s10+$0x0], $0xffff;
	vm15 =	vgt.f32 v19, v24;
	v44 =	vsel vm13, $0x40400000, v7;
	vm14 =	vgt.f32 v38, v4  }
0x43e: {  	vm0 =	vgt.f32 v40, v32;
	vm5 =	vgt.f32 v5, v6;
	v19 =	vsel vm15, v19, v24  }
0x43f: {  	v24 =	vsel vm10, $0x40E00000, v10;
	vm10 =	vgt.f32 v42, v20;
	v4 =	vsel vm14, v38, v4  }
0x440: {  	v29 =	vld.idx.msk [tilespmem:v35+s10+$0x0], $0xffff;
	v36 =	vsel vm0, $0xFFFFFFFF, v41;
	v31 =	vsel vm0, v40, v32;
	v5 =	vsel vm5, v5, v6  }
0x441: {  	v18 =	vld.idx.msk [tilespmem:v18+s10+$0x0], $0xffff;
	v32 =	vsel vm6, $0x40A00000, v14;
	vm0 =	vgt.f32 v26, v21;
	vm6 =	vgt.f32 v25, v28  }
0x442: {  	v33 =	vld.idx.msk [tilespmem:v52+s10+$0x0], $0xffff;
	v6 =	vsel vm10, v42, v20;
	v41 =	vsel vm11, $0x41700000, v3;
	vm1 =	vgt.f32 v39, v4  }
0x443: {  	v49 =	vld.idx.msk [tilespmem:v47+s10+$0x0], $0xffff;
	vm3 =	vgt.f32 v5, v31;
	v21 =	vsel vm0, v26, v21;
	v35 =	vsel vm0, $0x40A00000, v14  }
0x444: {  	v38 =	vld.idx.msk [tilespmem:v48+s10+$0x0], $0xffff;
	[tilespmem:$0x1FFB0] =	vst v36;
	v25 =	vsel vm6, v25, v28;
	v28 =	vsel vm14, $0x3F800000, v13;
	v36 =	vsel vm8, $0x40400000, v7  }
0x445: {  	v26 =	vld.idx.msk [tilespmem:v46+s10+$0x0], $0xffff;
	vm0 =	vgt.f32 v61, v29;
	v46 =	vsel vm10, $0x41100000, v8;
	v24 =	vsel vm4, v24, v32  }
0x446: {  	v20 =	vld.idx.msk [tilespmem:v50+s10+$0x0], $0xffff;
	v4 =	vsel vm1, v39, v4;
	vm8 =	vgt.f32 v19, v21;
	v39 =	vsel vm9, $0x41100000, v8  }
0x447: {  	v40 =	vld.idx.msk [tilespmem:v51+s10+$0x0], $0xffff;
	v29 =	vsel vm0, v61, v29;
	v48 =	vsel vm0, $0x41300000, v9;
	v5 =	vsel vm3, v5, v31  }
0x448: {  	v37 =	vld.idx.msk [tilespmem:v55+s10+$0x0], $0xffff;
	vm2 =	vgt.f32 v23, v4;
	v19 =	vsel vm8, v19, v21;
	v21 =	vsel vm7, $0x41300000, v9  }
0x449: {  	v61 =	vld.idx.msk [tilespmem:v53+s10+$0x0], $0xffff;
	vm14 =	vgt.f32 v45, v18;
	vm9 =	vgt.f32 v29, v6;
	vm7 =	vgt.f32 v19, v25  }
0x44a: {  	v47 =	vld.idx.msk [tilespmem:v56+s10+$0x0], $0xffff;
	v18 =	vsel vm14, v45, v18;
	v34 =	vsel vm14, $0x41500000, v1;
	v6 =	vsel vm9, v29, v6  }
0x44b: {  	v56 =	vld.idx.msk [tilespmem:v57+s10+$0x0], $0xffff;
	v45 =	vsel vm15, $0x40E00000, v10;
	v4 =	vsel vm2, v23, v4;
	vm13 =	vgt.f32 v20, v38  }
0x44c: {  	v29 =	vld.idx.msk [tilespmem:v54+s10+$0x0], $0xffff;
	vm0 =	vgt.f32 v33, v40;
	v19 =	vsel vm7, v19, v25;
	vm12 =	vgt.f32 v49, v26  }
0x44d: {  	v57 =	vld.idx.msk [tilespmem:v58+s10+$0x0], $0xffff;
	v20 =	vsel vm13, v20, v38;
	v51 =	vsel vm13, $0x3F800000, v13;
	v33 =	vsel vm0, v33, v40  }
0x44e: {  	v58 =	vld.idx.msk [tilespmem:v59+s10+$0x0], $0xffff;
	v26 =	vsel vm12, v49, v26;
	v38 =	vsel vm12, $0x41700000, v3;
	vm12 =	vgt.f32 v61, v17  }
0x44f: {  	v59 =	vld.idx.msk [tilespmem:v60+s10+$0x0], $0xffff;
	vm11 =	vgt.f32 v26, v18;
	v17 =	vsel vm12, v61, v17;
	v60 =	vsel vm12, $0x40A00000, v14  }
0x450: {  	vm12 =	vgt.f32 v33, v20;
	v61 =	vsel vm0, $0x40400000, v7;
	v18 =	vsel vm11, v26, v18  }
0x451: {  	vm0 =	vgt.f32 v37, v29;
	v20 =	vsel vm12, v33, v20;
	v61 =	vsel vm12, v61, v51  }
0x452: {  	v30 =	vld.idx.msk [tilespmem:v30+s10+$0x0], $0xffff;
	v23 =	vsel vm0, v37, v29;
	v37 =	vsel vm0, $0x40E00000, v10;
	vm0 =	vgt.f32 v56, v47  }
0x453: {  	v22 =	vld.idx.msk [tilespmem:v22+s10+$0x0], $0xffff;
	vm10 =	vgt.f32 v18, v6;
	vm14 =	vgt.f32 v23, v17;
	v26 =	vsel vm0, v56, v47  }
0x454: {  	v53 =	vsel vm0, $0x41100000, v8;
	vm0 =	vgt.f32 v58, v57;
	v6 =	vsel vm10, v18, v6  }
0x455: {  	v56 =	vsel vm5, v41, v27;
	v17 =	vsel vm14, v23, v17;
	v23 =	vsel vm0, v58, v57  }
0x456: {  	v54 =	vsel vm0, $0x41300000, v9;
	vm0 =	vgt.f32 v59, v16;
	v57 =	vsel vm8, v45, v35  }
0x457: {  	v58 =	vsel vm11, v38, v34;
	v29 =	vsel vm14, v37, v60;
	v60 =	vsel vm9, v48, v46  }
0x458: {  	v16 =	vsel vm0, v59, v16;
	v55 =	vsel vm0, $0x41500000, v1;
	vm0 =	vgt.f32 v22, v30;
	v1 =	vld [tilespmem:$0x1FFB0]  }
0x459: {  	vm13 =	vgt.f32 v17, v20;
	vm15 =	vgt.f32 v23, v26;
	v22 =	vsel vm0, v22, v30  }
0x45a: {  	s23 =	sadd.s32 $0x4, s23;
	v18 =	vsel vm15, v23, v26;
	v23 =	vsel vm0, $0x41700000, v3;
	vm0 =	vgt.f32 v22, v16  }
0x45b: {  	p0 =	slt.u32 s23, $0x2C;
	vm5 =	vgt.f32 v6, v19;
	v20 =	vsel vm13, v17, v20;
	v17 =	vsel vm0, v22, v16  }
.Ltmp13:
0x45c: {  	v59 =	vsel vm6, v44, v43;
	v16 =	vsel vm0, v23, v55;
	vm4 =	vgt.f32 v17, v18;
	(pc) =	sbr.rel @p0 .LBB2_25-.Ltmp13, $4  }
0x45d: {  	v22 =	vsel vm1, v36, v28;
	vm0 =	vnez.u8 v1;
	v23 =	vsel vm4, v17, v18  }
0x45e: {  	v17 =	vsel vm15, v54, v53;
	v18 =	vsel vm2, v24, v22;
	v22 =	vsel vm10, v58, v60  }
0x45f: {  	v62 =	vld [tilespmem:$0x1FF90];
	v21 =	vsel vm0, v21, v39;
	vm0 =	vgt.f32 v5, v4;
	vm1 =	vgt.f32 v23, v20  }
0x460: {  	v63 =	vmovc v15;
	v15 =	vld [tilespmem:$0x1FFA0];
	v20 =	vsel vm13, v29, v61;
	v19 =	vsel vm3, v56, v21;
	v21 =	vsel vm7, v57, v59  }
.LBB2_26:
0x461: {  	_ =	sdelay $0x5  }
0x462: {  	v4 =	vsel vm0, v19, v18  }
0x463: {  	v5 =	vsel vm5, v22, v21;
	v6 =	vsel vm4, v16, v17;
	[tilespmem:v62+s14+$0x0] =	vst.idx.msk $0xffff, v4  }
0x464: {  	v7 =	vimm.f32 $2.000000000e+00;
	v8 =	vimm.f32 $4.000000000e+00;
	v4 =	vsel vm1, v6, v20;
	[tilespmem:v15+s14+$0x0] =	vst.idx.msk $0xffff, v5  }
0x465: {  	v9 =	vimm.f32 $6.000000000e+00;
	v10 =	vimm.f32 $8.000000000e+00;
	v26 =	vimm.f32 $1.000000000e+01;
	[tilespmem:v63+s14+$0x0] =	vst.idx.msk $0xffff, v4  }
0x466: {  	v27 =	vimm.f32 $1.200000000e+01;
	v28 =	vimm.f32 $1.400000000e+01;
	v3 =	vimm.f32 $0.0e+00;
	v2 =	vld [tilespmem:$0x1FFF0]  }
.LBB2_27:
0x467: {  	v4 =	vadd.s32 s21, v0;
	s0 =	sadd.s32 $0x1, s21  }
0x468: {  	s16 =	sadd.s32 $0x2, s21;
	v5 =	vadd.s32 s0, v0  }
0x469: {  	s17 =	sadd.s32 $0x3, s21;
	v6 =	vadd.s32 s16, v0  }
0x46a: {  	s18 =	sadd.s32 $0x5, s21;
	v14 =	vadd.s32 s17, v0  }
0x46b: {  	s19 =	sadd.s32 $0x6, s21;
	v1 =	vld [tilespmem:$0x1FFE0];
	v15 =	vadd.s32 s18, v0  }
0x46c: {  	s20 =	sadd.s32 $0x7, s21;
	v16 =	vadd.s32 s19, v0;
	v4 =	vld.idx.msk [tilespmem:v4+s10+$0x0], $0xffff  }
0x46d: {  	s23 =	sadd.s32 $0x8, s21;
	v17 =	vadd.s32 s20, v0;
	v5 =	vld.idx.msk [tilespmem:v5+s10+$0x0], $0xffff  }
0x46e: {  	s24 =	sadd.s32 $0x9, s21;
	v18 =	vadd.s32 s23, v0;
	v6 =	vld.idx.msk [tilespmem:v6+s10+$0x0], $0xffff  }
0x46f: {  	s25 =	sadd.s32 $0xA, s21;
	v19 =	vadd.s32 s24, v0;
	v14 =	vld.idx.msk [tilespmem:v14+s10+$0x0], $0xffff  }
0x470: {  	s1 =	sadd.s32 $0x4, s21;
	s28 =	sadd.s32 $0xB, s21;
	v20 =	vadd.s32 s25, v0;
	v15 =	vld.idx.msk [tilespmem:v15+s10+$0x0], $0xffff  }
0x471: {  	s26 =	sadd.s32 $0xC, s21;
	s29 =	sadd.s32 $0xD, s21;
	v13 =	vadd.s32 s1, v0;
	v22 =	vadd.s32 s28, v0;
	v16 =	vld.idx.msk [tilespmem:v16+s10+$0x0], $0xffff  }
0x472: {  	v21 =	vadd.s32 s26, v0;
	v23 =	vadd.s32 s29, v0;
	v13 =	vand.u32 $0x7FF8, v13;
	v17 =	vld.idx.msk [tilespmem:v17+s10+$0x0], $0xffff  }
0x473: {  	v21 =	vand.u32 $0x7FF8, v21;
	v13 =	vor.u32 v2, v13;
	v18 =	vld.idx.msk [tilespmem:v18+s10+$0x0], $0xffff  }
0x474: {  	v21 =	vor.u32 v2, v21;
	v19 =	vld.idx.msk [tilespmem:v19+s10+$0x0], $0xffff  }
0x475: {  	s30 =	sadd.s32 $0xE, s21;
	v20 =	vld.idx.msk [tilespmem:v20+s10+$0x0], $0xffff  }
0x476: {  	s31 =	sadd.s32 $0xF, s21;
	v24 =	vadd.s32 s30, v0;
	v22 =	vld.idx.msk [tilespmem:v22+s10+$0x0], $0xffff  }
0x477: {  	v25 =	vadd.s32 s31, v0;
	v23 =	vld.idx.msk [tilespmem:v23+s10+$0x0], $0xffff  }
0x478: {  	v13 =	vld.idx.msk [tilespmem:v13+s10+$0x0], $0xffff  }
0x479: {  	v62 =	vadd.s32 s22, v1;
	v21 =	vld.idx.msk [tilespmem:v21+s10+$0x0], $0xffff;
	vm0 =	vgt.f32 v5, v4  }
0x47a: {  	vm1 =	vgt.f32 v14, v6;
	vm4 =	vgt.f32 v17, v16;
	vm5 =	vgt.f32 v19, v18  }
0x47b: {  	v24 =	vld.idx.msk [tilespmem:v24+s10+$0x0], $0xffff;
	vm6 =	vgt.f32 v22, v20;
	v4 =	vsel vm0, v5, v4;
	v6 =	vsel vm1, v14, v6  }
0x47c: {  	v5 =	vld.idx.msk [tilespmem:v25+s10+$0x0], $0xffff;
	v14 =	vsel vm0, $0x3F800000, v3;
	v16 =	vsel vm4, v17, v16;
	v18 =	vsel vm5, v19, v18  }
0x47d: {  	v58 =	vsel vm4, $0x40E00000, v9;
	v20 =	vsel vm6, v22, v20;
	v59 =	vsel vm5, $0x41100000, v10  }
0x47e: {  	v60 =	vsel vm6, $0x41300000, v26;
	vm2 =	vgt.f32 v15, v13;
	vm7 =	vgt.f32 v23, v21  }
0x47f: {  	vm9 =	vgt.f32 v6, v4;
	vm11 =	vgt.f32 v20, v18;
	v13 =	vsel vm2, v15, v13  }
0x480: {  	v15 =	vsel vm1, $0x40400000, v7;
	v57 =	vsel vm2, $0x40A00000, v8;
	v21 =	vsel vm7, v23, v21  }
0x481: {  	v4 =	vsel vm9, v6, v4;
	v61 =	vsel vm11, v20, v18;
	vm8 =	vgt.f32 v5, v24  }
0x482: {  	v63 =	vsel vm11, v60, v59;
	vm10 =	vgt.f32 v16, v13;
	v5 =	vsel vm8, v5, v24  }
0x483: {  	v14 =	vsel vm9, v15, v14;
	v13 =	vsel vm10, v16, v13;
	vm12 =	vgt.f32 v5, v21  }
0x484: {  	p0 =	sne.s32 s21, $0x374;
	v15 =	vsel vm10, v58, v57;
	vm13 =	vgt.f32 v13, v4;
	v5 =	vsel vm12, v5, v21  }
.Ltmp14:
0x485: {  	v24 =	vsel vm7, $0x41500000, v27;
	v6 =	vsel vm8, $0x41700000, v28;
	vm14 =	vgt.f32 v5, v61;
	(pc) =	sbr.rel @p0 .LBB2_27-.Ltmp14, $4  }
0x486: {  	v4 =	vsel vm13, v13, v4;
	v6 =	vsel vm12, v6, v24;
	v5 =	vsel vm14, v5, v61  }
0x487: {  	v13 =	vsel vm13, v15, v14;
	v6 =	vsel vm14, v6, v63;
	vm15 =	vgt.f32 v5, v4  }
0x488: {  	v4 =	vsel vm15, v6, v13  }
0x489: {  	s21 =	sadd.s32 $0x10, s21;
	s22 =	sadd.s32 $0x1, s22;
	[tilespmem:v62+s14+$0x0] =	vst.idx.msk $0xffff, v4  }
0x48a: {  	s0 =	simm.s32 $0x38B  }
0x48b: {  	s1 =	simm.s32 $0x38A;
	v4 =	vadd.s32 s0, v0  }
0x48c: {  	s7 =	simm.s32 $0x389;
	v5 =	vadd.s32 s1, v0  }
0x48d: {  	s8 =	simm.s32 $0x387;
	v6 =	vadd.s32 s7, v0  }
0x48e: {  	s15 =	simm.s32 $0x384;
	v1 =	vld [tilespmem:$0x1FFE0];
	v13 =	vadd.s32 s8, v0  }
0x48f: {  	s11 =	simm.s32 $0x385;
	v17 =	vadd.s32 s15, v0  }
0x490: {  	s9 =	simm.s32 $0x386;
	s13 =	simm.s32 $0x388;
	v15 =	vadd.s32 s11, v0;
	v4 =	vld.idx.msk [tilespmem:v4+s10+$0x0], $0xffff  }
0x491: {  	v14 =	vadd.s32 s9, v0;
	v16 =	vadd.s32 s13, v0;
	v5 =	vld.idx.msk [tilespmem:v5+s10+$0x0], $0xffff  }
0x492: {  	s16 =	simm.s32 $0x9D;
	v16 =	vand.u32 $0x7FF8, v16;
	v6 =	vld.idx.msk [tilespmem:v6+s10+$0x0], $0xffff  }
0x493: {  	s2 =	simm.s32 $0x9C;
	s18 =	simm.s32 $0x392;
	s21 =	simm.s32 $0x391;
	v16 =	vor.u32 v2, v16;
	v18 =	vadd.s32 s16, v1;
	v13 =	vld.idx.msk [tilespmem:v13+s10+$0x0], $0xffff  }
0x494: {  	s19 =	simm.s32 $0x9B;
	s22 =	simm.s32 $0x98;
	s23 =	simm.s32 $0x38F;
	v21 =	vadd.s32 s18, v0;
	v23 =	vadd.s32 s21, v0;
	v19 =	vadd.s32 s2, v1;
	v63 =	vld.idx.msk [tilespmem:v17+s10+$0x0], $0xffff  }
0x495: {  	s17 =	simm.s32 $0x393;
	s26 =	simm.s32 $0x96;
	v26 =	vadd.s32 s23, v0;
	v22 =	vadd.s32 s19, v1;
	v24 =	vadd.s32 s22, v1;
	v15 =	vld.idx.msk [tilespmem:v15+s10+$0x0], $0xffff  }
0x496: {  	s20 =	simm.s32 $0x99;
	v28 =	vadd.s32 s26, v1;
	v14 =	vld.idx.msk [tilespmem:v14+s10+$0x0], $0xffff;
	vm0 =	vgt.f32 v4, $0.0e+00;
	v4 =	vadd.s32 s17, v0  }
0x497: {  	s24 =	simm.s32 $0x97;
	vm10 =	vgt.f32 v5, $0.0e+00;
	v5 =	vadd.s32 s20, v1;
	v20 =	vsel vm0, $0x3F800000, v3  }
0x498: {  	v27 =	vadd.s32 s24, v1;
	v16 =	vld.idx.msk [tilespmem:v16+s10+$0x0], $0xffff;
	vm1 =	vgt.f32 v6, $0.0e+00;
	v17 =	vsel vm10, $0x3F800000, v3;
	[tilespmem:v18+s14+$0x0] =	vst.idx.msk $0xffff, v20  }
0x499: {  	s25 =	simm.s32 $0x38E;
	vm11 =	vgt.f32 v13, $0.0e+00;
	vm14 =	vgt.f32 v63, $0.0e+00;
	v25 =	vsel vm1, $0x3F800000, v3;
	[tilespmem:v19+s14+$0x0] =	vst.idx.msk $0xffff, v17  }
0x49a: {  	s28 =	simm.s32 $0x9A;
	v13 =	vadd.s32 s25, v0;
	vm12 =	vgt.f32 v15, $0.0e+00;
	v6 =	vsel vm14, $0x3F800000, v3;
	[tilespmem:v22+s14+$0x0] =	vst.idx.msk $0xffff, v25  }
0x49b: {  	s29 =	simm.s32 $0x38D;
	s30 =	simm.s32 $0x390;
	vm13 =	vgt.f32 v14, $0.0e+00;
	v15 =	vld.idx.msk [tilespmem:v21+s10+$0x0], $0xffff;
	v18 =	vsel vm11, $0x3F800000, v3;
	v17 =	vadd.s32 s28, v1;
	[tilespmem:v28+s14+$0x0] =	vst.idx.msk $0xffff, v6  }
0x49c: {  	v19 =	vadd.s32 s29, v0;
	v20 =	vadd.s32 s30, v0;
	v14 =	vld.idx.msk [tilespmem:v4+s10+$0x0], $0xffff;
	v4 =	vsel vm13, $0x3F800000, v3;
	[tilespmem:v5+s14+$0x0] =	vst.idx.msk $0xffff, v18  }
0x49d: {  	s31 =	simm.s32 $0x38C;
	vm15 =	vgt.f32 v16, $0.0e+00;
	v16 =	vld.idx.msk [tilespmem:v26+s10+$0x0], $0xffff;
	v5 =	vsel vm12, $0x3F800000, v3;
	[tilespmem:v24+s14+$0x0] =	vst.idx.msk $0xffff, v4;
	v4 =	vand.u32 $0x7FF8, v20  }
0x49e: {  	s0 =	simm.s32 $0x0;
	s1 =	simm.s32 $0x8;
	s2 =	simm.s32 $0xA5;
	v22 =	vsel vm15, $0x3F800000, v3;
	v18 =	vld.idx.msk [tilespmem:v23+s10+$0x0], $0xffff;
	[tilespmem:v27+s14+$0x0] =	vst.idx.msk $0xffff, v5;
	v20 =	vadd.s32 s31, v0;
	v21 =	vor.u32 v2, v4  }
.LBB2_29:
0x49f: {  	v1 =	vld [tilespmem:$0x1FFE0];
	_ =	sdelay $0x1  }
0x4a0: {  	s4 =	sadd.s32 $0x393, s1  }
0x4a1: {  	s5 =	sadd.s32 $0xA4, s0;
	s18 =	sadd.s32 $0x392, s1;
	s19 =	sadd.s32 $0xA3, s0  }
0x4a2: {  	s20 =	sadd.s32 $0xA1, s0;
	s22 =	sadd.s32 $0xA0, s0;
	s24 =	sadd.s32 $0x9F, s0  }
0x4a3: {  	[tilespmem:v17+s14+$0x0] =	vst.idx.msk $0xffff, v22;
	s26 =	sadd.s32 $0x9E, s0;
	s28 =	sadd.s32 $0xA2, s0;
	s0 =	smov.u32 s1;
	v5 =	vadd.s32 s2, v1  }
0x4a4: {  	v17 =	vld.idx.msk [tilespmem:v19+s10+$0x0], $0xffff;
	s23 =	sadd.s32 $0x38F, s1;
	v6 =	vadd.s32 s4, v0;
	v22 =	vadd.s32 s18, v0;
	s31 =	sadd.s32 $0x390, s0;
	v19 =	vadd.s32 s5, v1  }
0x4a5: {  	v4 =	vld.idx.msk [tilespmem:v13+s10+$0x0], $0xffff;
	v27 =	vadd.s32 s23, v0;
	v63 =	vadd.s32 s31, v0;
	v23 =	vadd.s32 s19, v1  }
0x4a6: {  	v24 =	vld.idx.msk [tilespmem:v20+s10+$0x0], $0xffff;
	vm0 =	vgt.f32 v14, $0.0e+00;
	vm10 =	vgt.f32 v15, $0.0e+00;
	v20 =	vadd.s32 s20, v1  }
0x4a7: {  	s21 =	sadd.s32 $0x391, s1;
	v21 =	vld.idx.msk [tilespmem:v21+s10+$0x0], $0xffff;
	v13 =	vsel vm0, $0x3F800000, v3;
	vm1 =	vgt.f32 v18, $0.0e+00;
	v25 =	vadd.s32 s22, v1  }
0x4a8: {  	s25 =	sadd.s32 $0x38E, s1;
	s29 =	sadd.s32 $0x38D, s1;
	s1 =	sadd.s32 $0x8, s1;
	v15 =	vsel vm10, $0x3F800000, v3;
	v18 =	vadd.s32 s21, v0;
	v28 =	vadd.s32 s24, v1;
	[tilespmem:v5+s14+$0x0] =	vst.idx.msk $0xffff, v13  }
0x4a9: {  	p0 =	slt.u32 s1, $0x28;
	vm11 =	vgt.f32 v16, $0.0e+00;
	v26 =	vsel vm1, $0x3F800000, v3;
	v5 =	vadd.s32 s26, v1;
	[tilespmem:v19+s14+$0x0] =	vst.idx.msk $0xffff, v15  }
.Ltmp15:
0x4aa: {  	v62 =	vsel vm11, $0x3F800000, v3;
	vm12 =	vgt.f32 v17, $0.0e+00;
	vm13 =	vgt.f32 v4, $0.0e+00;
	[tilespmem:v23+s14+$0x0] =	vst.idx.msk $0xffff, v26;
	(pc) =	sbr.rel @p0 .LBB2_29-.Ltmp15, $4  }
0x4ab: {  	v17 =	vadd.s32 s28, v1;
	vm14 =	vgt.f32 v24, $0.0e+00;
	v16 =	vsel vm13, $0x3F800000, v3;
	[tilespmem:v20+s14+$0x0] =	vst.idx.msk $0xffff, v62;
	v14 =	vld.idx.msk [tilespmem:v6+s10+$0x0], $0xffff  }
0x4ac: {  	v4 =	vsel vm12, $0x3F800000, v3;
	vm15 =	vgt.f32 v21, $0.0e+00;
	v13 =	vadd.s32 s25, v0;
	[tilespmem:v25+s14+$0x0] =	vst.idx.msk $0xffff, v16;
	v15 =	vld.idx.msk [tilespmem:v22+s10+$0x0], $0xffff  }
0x4ad: {  	s30 =	sadd.s32 $0x38C, s0;
	v19 =	vadd.s32 s29, v0;
	[tilespmem:v28+s14+$0x0] =	vst.idx.msk $0xffff, v4;
	v18 =	vld.idx.msk [tilespmem:v18+s10+$0x0], $0xffff;
	v6 =	vand.u32 $0x7FF8, v63;
	v22 =	vsel vm14, $0x3F800000, v3  }
0x4ae: {  	s2 =	sadd.s32 $0xA5, s0;
	v20 =	vadd.s32 s30, v0;
	v16 =	vld.idx.msk [tilespmem:v27+s10+$0x0], $0xffff;
	v21 =	vor.u32 v2, v6;
	[tilespmem:v5+s14+$0x0] =	vst.idx.msk $0xffff, v22;
	v22 =	vsel vm15, $0x3F800000, v3  }
0x4af: {  	v1 =	vld [tilespmem:$0x1FFE0];
	_ =	sdelay $0x4  }
0x4b0: {  	s1 =	sadd.s32 $0xA4, s0;
	v4 =	vadd.s32 s2, v1  }
0x4b1: {  	s25 =	sadd.s32 $0xA3, s0;
	v5 =	vadd.s32 s1, v1  }
0x4b2: {  	v6 =	vld.idx.msk [tilespmem:v13+s10+$0x0], $0xffff;
	s26 =	sadd.s32 $0xA1, s0;
	v13 =	vadd.s32 s25, v1  }
0x4b3: {  	s28 =	sadd.s32 $0xA0, s0;
	vm0 =	vgt.f32 v14, $0.0e+00;
	v14 =	vld.idx.msk [tilespmem:v19+s10+$0x0], $0xffff;
	v57 =	vadd.s32 s26, v1  }
0x4b4: {  	[tilespmem:v17+s14+$0x0] =	vst.idx.msk $0xffff, v22;
	s29 =	sadd.s32 $0x9F, s0;
	v58 =	vsel vm0, $0x3F800000, v3;
	vm10 =	vgt.f32 v15, $0.0e+00;
	v15 =	vld.idx.msk [tilespmem:v20+s10+$0x0], $0xffff;
	v59 =	vadd.s32 s28, v1  }
0x4b5: {  	v21 =	vld.idx.msk [tilespmem:v21+s10+$0x0], $0xffff;
	s30 =	sadd.s32 $0x9E, s0;
	vm1 =	vgt.f32 v18, $0.0e+00;
	v60 =	vsel vm10, $0x3F800000, v3;
	v61 =	vadd.s32 s29, v1;
	[tilespmem:v4+s14+$0x0] =	vst.idx.msk $0xffff, v58  }
0x4b6: {  	s31 =	sadd.s32 $0xA2, s0;
	vm11 =	vgt.f32 v16, $0.0e+00;
	v62 =	vadd.s32 s30, v1;
	v4 =	vsel vm1, $0x3F800000, v3;
	[tilespmem:v5+s14+$0x0] =	vst.idx.msk $0xffff, v60  }
0x4b7: {  	vm12 =	vgt.f32 v6, $0.0e+00;
	v63 =	vadd.s32 s31, v1;
	v5 =	vsel vm11, $0x3F800000, v3;
	[tilespmem:v13+s14+$0x0] =	vst.idx.msk $0xffff, v4  }
0x4b8: {  	vm13 =	vgt.f32 v14, $0.0e+00;
	v4 =	vsel vm12, $0x3F800000, v3;
	[tilespmem:v57+s14+$0x0] =	vst.idx.msk $0xffff, v5  }
0x4b9: {  	vm14 =	vgt.f32 v15, $0.0e+00;
	v5 =	vsel vm13, $0x3F800000, v3;
	[tilespmem:v59+s14+$0x0] =	vst.idx.msk $0xffff, v4  }
0x4ba: {  	vm15 =	vgt.f32 v21, $0.0e+00;
	v4 =	vsel vm14, $0x3F800000, v3;
	[tilespmem:v61+s14+$0x0] =	vst.idx.msk $0xffff, v5  }
0x4bb: {  	[tilespmem:v62+s14+$0x0] =	vst.idx.msk $0xffff, v4;
	v4 =	vsel vm15, $0x3F800000, v3  }
0x4bc: {  	s0 =	simm.s32 $0x3B4;
	[tilespmem:v63+s14+$0x0] =	vst.idx.msk $0xffff, v4  }
.LBB2_31:
0x4bd: {  	v4 =	vadd.s32 s0, v0;
	_ =	sdelay $0x1  }
0x4be: {  	v1 =	vld [tilespmem:$0x1FFE0];
	_ =	sdelay $0x2  }
0x4bf: {  	v4 =	vld.idx.msk [tilespmem:v4+s10+$0x0], $0xffff  }
0x4c0: {  	s1 =	sadd.s32 $0xFFFFFD12, s0  }
0x4c1: {  	p0 =	sne.s32 s0, $0x3B5;
	v5 =	vadd.s32 s1, v1  }
.Ltmp16:
0x4c2: {  	_ = 	snop;
	(pc) =	sbr.rel @p0 .LBB2_31-.Ltmp16, $4  }
0x4c3: {  	_ = 	snop  }
0x4c4: {  	vm0 =	vgt.f32 v4, $0.0e+00  }
0x4c5: {  	v4 =	vsel vm0, $0x3F800000, v3  }
0x4c6: {  	s0 =	sadd.s32 $0x1, s0;
	[tilespmem:v5+s14+$0x0] =	vst.idx.msk $0xffff, v4  }
0x4c7: {  	s7 =	simm.s32 $0x2  }
0x4c8: {  	s4 =	simm.s32 $0x3;
	v4 =	vadd.s32 s7, v11  }
0x4c9: {  	s2 =	simm.s32 $0x7;
	v5 =	vadd.s32 s4, v11  }
0x4ca: {  	s5 =	simm.s32 $0x1;
	v13 =	vadd.s32 s2, v11  }
0x4cb: {  	s0 =	simm.s32 $0x5;
	v6 =	vadd.s32 s5, v11  }
0x4cc: {  	s1 =	simm.s32 $0x4;
	v15 =	vadd.s32 s0, v11  }
0x4cd: {  	s8 =	simm.s32 $0x6;
	s6 =	simm.s32 $0x9;
	v17 =	vadd.s32 s1, v11;
	v4 =	vld.idx.msk [tilespmem:v4+s10+$0x0], $0xffff  }
0x4ce: {  	s9 =	simm.s32 $0x8;
	v14 =	vadd.s32 s8, v11;
	v18 =	vadd.s32 s6, v11;
	v5 =	vld.idx.msk [tilespmem:v5+s10+$0x0], $0xffff  }
0x4cf: {  	s30 =	simm.s32 $0xE;
	v19 =	vadd.s32 s9, v11;
	v16 =	vmov s1;
	v20 =	vadd.s32 s1, v12;
	v13 =	vld.idx.msk [tilespmem:v13+s10+$0x0], $0xffff  }
0x4d0: {  	s21 =	simm.s32 $0xF;
	s31 =	simm.s32 $0x10;
	s22 =	simm.s32 $0x11;
	v51 =	vadd.s32 s7, v12;
	v22 =	vadd.s32 s5, v12;
	v24 =	vadd.s32 s30, v11;
	v6 =	vld.idx.msk [tilespmem:v6+s10+$0x0], $0xffff  }
0x4d1: {  	s11 =	simm.s32 $0x12;
	v25 =	vadd.s32 s21, v11;
	v26 =	vadd.s32 s31, v11;
	v28 =	vadd.s32 s22, v11;
	v21 =	vld.idx.msk [tilespmem:v15+s10+$0x0], $0xffff  }
0x4d2: {  	s20 =	simm.s32 $0x13;
	v29 =	vadd.s32 s11, v11;
	v30 =	vadd.s32 s11, v12;
	v32 =	vmov s30;
	v17 =	vld.idx.msk [tilespmem:v17+s10+$0x0], $0xffff  }
0x4d3: {  	v33 =	vadd.s32 s20, v11;
	v34 =	vadd.s32 s30, v12;
	v4 =	vsub.f32 $0.0e+00, v4  }
0x4d4: {  	v20 =	vand.u32 $0x3FF8, v20;
	v18 =	vld.idx.msk [tilespmem:v18+s10+$0x0], $0xffff;
	v5 =	vsub.f32 $0.0e+00, v5;
	v13 =	vsub.f32 $0.0e+00, v13  }
0x4d5: {  	v16 =	vand.u32 $0x6, v16;
	v14 =	vld.idx.msk [tilespmem:v14+s10+$0x0], $0xffff;
	v6 =	vsub.f32 $0.0e+00, v6;
	v4 =	vmul.f32 $1.442695020e+00, v4  }
0x4d6: {  	v50 =	vsub.f32 $0.0e+00, v21;
	v5 =	vmul.f32 $1.442695020e+00, v5;
	v13 =	vmul.f32 $1.442695020e+00, v13  }
0x4d7: {  	v19 =	vld.idx.msk [tilespmem:v19+s10+$0x0], $0xffff;
	v17 =	vsub.f32 $0.0e+00, v17;
	(erf) = vpow2.f32 v4;
	v4 =	vmul.f32 $1.442695020e+00, v6  }
0x4d8: {  	v16 =	vor.u32 v16, v20;
	v6 =	vmul.f32 $1.442695020e+00, v50;
	(erf) = vpow2.f32 v5  }
0x4d9: {  	v18 =	vsub.f32 $0.0e+00, v18;
	(erf) = vpow2.f32 v13;
	v13 =	vmul.f32 $1.442695020e+00, v17  }
0x4da: {  	s25 =	simm.s32 $0x0;
	v20 =	vmov s9;
	v14 =	vsub.f32 $0.0e+00, v14;
	(erf) = vpow2.f32 v6  }
0x4db: {  	v17 =	vmul.f32 $1.442695020e+00, v18;
	v18 =	vadd.s32 s25, v11;
	(erf) = vpow2.f32 v13  }
0x4dc: {  	v15 =	vadd.s32 s9, v12;
	v14 =	vmul.f32 $1.442695020e+00, v14;
	v5 =	vsub.f32 $0.0e+00, v19  }
0x4dd: {  	v55 =	vmov s11;
	v20 =	vand.u32 $0x6, v20;
	v15 =	vand.u32 $0x3FF8, v15  }
0x4de: {  	s28 =	simm.s32 $0xC;
	v5 =	vmul.f32 $1.442695020e+00, v5;
	v13 =	vmov s8;
	(erf) = vpow2.f32 v17  }
0x4df: {  	v56 =	vmov s28;
	v15 =	vor.u32 v20, v15;
	(erf) = vpow2.f32 v14  }
0x4e0: {  	v20 =	vmov s7;
	v19 =	vadd.s32 s8, v12;
	(erf) = vpow2.f32 v5;
	v5 =	vld.idx.msk [tilespmem:v18+s10+$0x0], $0xffff;
	v14 =	vpop (erf)  }
0x4e1: {  	v52 =	vand.u32 $0x3FF8, v19;
	v19 =	vand.u32 $0x6, v13;
	(erf) = vpow2.f32 v4;
	v13 =	vpop (erf)  }
0x4e2: {  	v25 =	vld.idx.msk [tilespmem:v25+s10+$0x0], $0xffff;
	v18 =	vadd.f32 $1.000000000e+00, v14;
	v14 =	vand.u32 $0x6, v20;
	v20 =	vadd.s32 s28, v11;
	v23 =	vpop (erf)  }
0x4e3: {  	s29 =	simm.s32 $0xD;
	v58 =	vadd.s32 s6, v12;
	v59 =	vadd.s32 s0, v12;
	v24 =	vld.idx.msk [tilespmem:v24+s10+$0x0], $0xffff;
	v6 =	vand.u32 $0x3FF8, v51;
	v27 =	vpop (erf)  }
0x4e4: {  	s26 =	simm.s32 $0xB;
	v29 =	vld.idx.msk [tilespmem:v29+s10+$0x0], $0xffff;
	v21 =	vadd.s32 s29, v11;
	v4 =	vor.u32 v14, v6;
	v23 =	vadd.f32 $1.000000000e+00, v23;
	v31 =	vpop (erf)  }
0x4e5: {  	v14 =	vadd.s32 s26, v11;
	v5 =	vsub.f32 $0.0e+00, v5;
	v31 =	vadd.f32 $1.000000000e+00, v31  }
0x4e6: {  	v34 =	vand.u32 $0x3FF8, v34;
	v27 =	vadd.f32 $1.000000000e+00, v27;
	(erf) = vrcp.f32 v23  }
0x4e7: {  	v25 =	vsub.f32 $0.0e+00, v25;
	v35 =	vpop (erf);
	v5 =	vmul.f32 $1.442695020e+00, v5;
	v20 =	vld.idx.msk [tilespmem:v20+s10+$0x0], $0xffff;
	(erf) = vrcp.f32 v31  }
0x4e8: {  	v24 =	vsub.f32 $0.0e+00, v24;
	v13 =	vadd.f32 $1.000000000e+00, v13;
	v36 =	vpop (erf);
	(erf) = vrcp.f32 v27  }
0x4e9: {  	v29 =	vsub.f32 $0.0e+00, v29;
	v21 =	vld.idx.msk [tilespmem:v21+s10+$0x0], $0xffff;
	v23 =	vpop (erf);
	v36 =	vadd.f32 $1.000000000e+00, v36;
	(erf) = vpow2.f32 v5  }
0x4ea: {  	v25 =	vmul.f32 $1.442695020e+00, v25;
	v53 =	vld.idx.msk [tilespmem:v14+s10+$0x0], $0xffff;
	v23 =	vadd.f32 $1.000000000e+00, v23;
	v37 =	vpop (erf);
	(erf) = vrcp.f32 v13  }
0x4eb: {  	v27 =	vld.idx.msk [tilespmem:v28+s10+$0x0], $0xffff;
	v28 =	vand.u32 $0x6, v55;
	v54 =	vadd.f32 $1.000000000e+00, v37;
	(erf) = vrcp.f32 v36  }
0x4ec: {  	v5 =	vld.idx.msk [tilespmem:v26+s10+$0x0], $0xffff;
	v26 =	vand.u32 $0x3FF8, v30;
	v20 =	vsub.f32 $0.0e+00, v20;
	(erf) = vrcp.f32 v23  }
0x4ed: {  	v13 =	vor.u32 v28, v26;
	v26 =	vadd.s32 s2, v12;
	(erf) = vrcp.f32 v54  }
0x4ee: {  	v20 =	vmul.f32 $1.442695020e+00, v20;
	(erf) = vrcp.f32 v18;
	v18 =	vsub.f32 $0.0e+00, v21  }
0x4ef: {  	v17 =	vadd.s32 s4, v12;
	v6 =	vor.u32 v19, v52;
	v35 =	vadd.f32 $1.000000000e+00, v35;
	v23 =	vld.idx.msk [tilespmem:v33+s10+$0x0], $0xffff  }
0x4f0: {  	v14 =	vand.u32 $0x6, v32;
	v21 =	vsub.f32 $0.0e+00, v27;
	v18 =	vmul.f32 $1.442695020e+00, v18  }
0x4f1: {  	v14 =	vor.u32 v14, v34;
	v57 =	vsub.f32 $0.0e+00, v53;
	v19 =	vpop (erf);
	(erf) = vpow2.f32 v20  }
0x4f2: {  	v5 =	vsub.f32 $0.0e+00, v5;
	v21 =	vmul.f32 $1.442695020e+00, v21;
	v20 =	vpop (erf);
	(erf) = vrcp.f32 v35  }
0x4f3: {  	v30 =	vmul.f32 $1.442695020e+00, v57;
	[tilespmem:v26+s14+$0x0] =	vst.idx.msk $0xffff, v19;
	v19 =	vadd.s32 s28, v12;
	v27 =	vpop (erf);
	(erf) = vpow2.f32 v18  }
0x4f4: {  	s0 =	simm.s32 $0xA;
	v5 =	vmul.f32 $1.442695020e+00, v5;
	v23 =	vsub.f32 $0.0e+00, v23;
	(erf) = vpow2.f32 v21;
	v18 =	vpop (erf)  }
0x4f5: {  	v19 =	vand.u32 $0x3FF8, v19;
	[tilespmem:v16+s14+$0x0] =	vst.idx.msk $0xffff, v20;
	v16 =	vmul.f32 $1.442695020e+00, v24;
	v24 =	vadd.s32 s0, v11;
	v26 =	vpop (erf)  }
0x4f6: {  	v23 =	vmul.f32 $1.442695020e+00, v23;
	[tilespmem:v59+s14+$0x0] =	vst.idx.msk $0xffff, v27;
	(erf) = vpow2.f32 v25;
	v18 =	vadd.f32 $1.000000000e+00, v18;
	v20 =	vpop (erf)  }
0x4f7: {  	v27 =	vmul.f32 $1.442695020e+00, v29;
	v21 =	vadd.s32 s31, v12;
	(erf) = vpow2.f32 v16;
	[tilespmem:v17+s14+$0x0] =	vst.idx.msk $0xffff, v26;
	v60 =	vpop (erf)  }
0x4f8: {  	v25 =	vadd.s32 s25, v12;
	v16 =	vadd.s32 s26, v12;
	[tilespmem:v6+s14+$0x0] =	vst.idx.msk $0xffff, v20;
	(erf) = vrcp.f32 v18;
	v61 =	vpop (erf)  }
0x4f9: {  	v20 =	vmov s31;
	v18 =	vmov s25;
	[tilespmem:v15+s14+$0x0] =	vst.idx.msk $0xffff, v60;
	(erf) = vpow2.f32 v23;
	v62 =	vpop (erf)  }
0x4fa: {  	v15 =	vadd.s32 s29, v12;
	(erf) = vpow2.f32 v5;
	v5 =	vand.u32 $0x6, v18;
	[tilespmem:v4+s14+$0x0] =	vst.idx.msk $0xffff, v62;
	v4 =	vpop (erf)  }
0x4fb: {  	[tilespmem:v22+s14+$0x0] =	vst.idx.msk $0xffff, v61;
	(erf) = vpow2.f32 v27;
	v17 =	vadd.f32 $1.000000000e+00, v4;
	v4 =	vand.u32 $0x3FF8, v25;
	v63 =	vpop (erf)  }
0x4fc: {  	s1 =	simm.s32 $0x14;
	v24 =	vld.idx.msk [tilespmem:v24+s10+$0x0], $0xffff;
	v18 =	vand.u32 $0x6, v56;
	(erf) = vpow2.f32 v30;
	v23 =	vpop (erf);
	v22 =	vor.u32 v5, v4;
	[tilespmem:v58+s14+$0x0] =	vst.idx.msk $0xffff, v63  }
.LBB2_33:
0x4fd: {  	s6 =	sadd.s32 $0x1, s1;
	s15 =	sadd.s32 $0x2, s1;
	s9 =	sadd.s32 $0x3, s1;
	v18 =	vor.u32 v18, v19;
	v4 =	vand.u32 $0x3FF8, v21;
	v5 =	vand.u32 $0x6, v20;
	v6 =	vpop (erf)  }
0x4fe: {  	s7 =	sadd.s32 $0x4, s1;
	s4 =	sadd.s32 $0x5, s1;
	s2 =	sadd.s32 $0x6, s1;
	v19 =	vadd.s32 s6, v11;
	v20 =	vadd.s32 s15, v11;
	v21 =	vadd.s32 s9, v11  }
0x4ff: {  	s11 =	sadd.s32 $0x7, s1;
	s13 =	sadd.s32 $0x8, s1;
	s5 =	sadd.s32 $0x9, s1;
	v25 =	vadd.s32 s7, v11;
	v26 =	vadd.s32 s4, v11;
	v27 =	vadd.s32 s2, v11;
	v28 =	vpop (erf)  }
0x500: {  	p0 =	slt.u32 s1, $0x5A;
	s8 =	smov.u32 s1;
	s1 =	sadd.s32 $0xA, s1;
	v29 =	vadd.s32 s11, v11;
	v30 =	vadd.s32 s13, v11;
	v31 =	vadd.s32 s13, v12;
	v32 =	vpop (erf)  }
0x501: {  	v33 =	vmov s7;
	v34 =	vadd.s32 s5, v11;
	v24 =	vsub.f32 $0.0e+00, v24;
	v35 =	vpop (erf)  }
0x502: {  	v23 =	vadd.f32 $1.000000000e+00, v23;
	v36 =	vadd.s32 s7, v12;
	v1 =	vadd.f32 $1.000000000e+00, v6;
	v37 =	vpop (erf);
	[tilespmem:v22+s14+$0x0] =	vst.idx.msk $0xffff, v35  }
0x503: {  	v32 =	vadd.f32 $1.000000000e+00, v32;
	v22 =	vand.u32 $0x3FF8, v36;
	v24 =	vmul.f32 $1.442695020e+00, v24;
	v21 =	vld.idx.msk [tilespmem:v21+s10+$0x0], $0xffff;
	v35 =	vpop (erf)  }
0x504: {  	v28 =	vadd.f32 $1.000000000e+00, v28;
	v36 =	vadd.f32 $1.000000000e+00, v37;
	v20 =	vld.idx.msk [tilespmem:v20+s10+$0x0], $0xffff;
	(erf) = vrcp.f32 v1;
	v6 =	vpop (erf)  }
0x505: {  	v35 =	vadd.f32 $1.000000000e+00, v35;
	v19 =	vld.idx.msk [tilespmem:v19+s10+$0x0], $0xffff;
	v6 =	vadd.f32 $1.000000000e+00, v6;
	v37 =	vpop (erf);
	(erf) = vrcp.f32 v32  }
0x506: {  	v32 =	vand.u32 $0x6, v33;
	v29 =	vld.idx.msk [tilespmem:v29+s10+$0x0], $0xffff;
	v33 =	vadd.f32 $1.000000000e+00, v37;
	(erf) = vrcp.f32 v28  }
0x507: {  	v22 =	vor.u32 v32, v22;
	v28 =	vmov s13;
	v27 =	vld.idx.msk [tilespmem:v27+s10+$0x0], $0xffff;
	(erf) = vpow2.f32 v24  }
0x508: {  	v28 =	vand.u32 $0x6, v28;
	v24 =	vld.idx.msk [tilespmem:v26+s10+$0x0], $0xffff;
	v26 =	vand.u32 $0x3FF8, v31;
	(erf) = vrcp.f32 v23  }
0x509: {  	v23 =	vld.idx.msk [tilespmem:v25+s10+$0x0], $0xffff;
	v25 =	vor.u32 v28, v26;
	v26 =	vadd.s32 s22, v12;
	(erf) = vrcp.f32 v35;
	s22 =	smov.u32 s11  }
0x50a: {  	v28 =	vmov s15;
	v20 =	vsub.f32 $0.0e+00, v20;
	v31 =	vld.idx.msk [tilespmem:v34+s10+$0x0], $0xffff;
	(erf) = vrcp.f32 v6  }
0x50b: {  	v6 =	vsub.f32 $0.0e+00, v19;
	v19 =	vld.idx.msk [tilespmem:v30+s10+$0x0], $0xffff;
	v30 =	vadd.s32 s20, v12;
	(erf) = vrcp.f32 v33;
	s20 =	smov.u32 s5  }
0x50c: {  	v32 =	vadd.s32 s21, v12;
	s21 =	smov.u32 s4;
	v1 =	vmul.f32 $1.442695020e+00, v20;
	(erf) = vrcp.f32 v17  }
0x50d: {  	v6 =	vmul.f32 $1.442695020e+00, v6;
	v17 =	vsub.f32 $0.0e+00, v21;
	v21 =	vsub.f32 $0.0e+00, v29;
	v29 =	vpop (erf)  }
0x50e: {  	v4 =	vor.u32 v5, v4;
	v27 =	vsub.f32 $0.0e+00, v27;
	v24 =	vsub.f32 $0.0e+00, v24;
	[tilespmem:v26+s14+$0x0] =	vst.idx.msk $0xffff, v29;
	v5 =	vpop (erf)  }
0x50f: {  	v17 =	vmul.f32 $1.442695020e+00, v17;
	v23 =	vsub.f32 $0.0e+00, v23;
	(erf) = vpow2.f32 v1;
	v20 =	vpop (erf)  }
0x510: {  	v21 =	vmul.f32 $1.442695020e+00, v21;
	v26 =	vsub.f32 $0.0e+00, v31;
	v29 =	vpop (erf);
	(erf) = vrcp.f32 v36  }
0x511: {  	v24 =	vmul.f32 $1.442695020e+00, v24;
	v19 =	vsub.f32 $0.0e+00, v19;
	(erf) = vpow2.f32 v17;
	[tilespmem:v14+s14+$0x0] =	vst.idx.msk $0xffff, v5;
	v5 =	vpop (erf)  }
0x512: {  	v14 =	vadd.s32 s15, v12;
	v17 =	vmul.f32 $1.442695020e+00, v26;
	(erf) = vpow2.f32 v21;
	[tilespmem:v32+s14+$0x0] =	vst.idx.msk $0xffff, v20;
	v20 =	vpop (erf)  }
0x513: {  	v26 =	vadd.f32 $1.000000000e+00, v29;
	v21 =	vmul.f32 $1.442695020e+00, v23;
	v23 =	vmul.f32 $1.442695020e+00, v27;
	[tilespmem:v4+s14+$0x0] =	vst.idx.msk $0xffff, v20;
	v4 =	vpop (erf)  }
0x514: {  	v27 =	vadd.s32 s8, v11;
	v29 =	vmul.f32 $1.442695020e+00, v19;
	(erf) = vpow2.f32 v24;
	[tilespmem:v13+s14+$0x0] =	vst.idx.msk $0xffff, v4;
	v4 =	vpop (erf)  }
0x515: {  	v19 =	vand.u32 $0x3FF8, v14;
	v20 =	vmov s2;
	(erf) = vpow2.f32 v21;
	[tilespmem:v16+s14+$0x0] =	vst.idx.msk $0xffff, v4;
	v4 =	vpop (erf)  }
.Ltmp17:
0x516: {  	v31 =	vadd.s32 s0, v12;
	v14 =	vmovc v22;
	v13 =	vmovc v25;
	v21 =	vadd.s32 s2, v12;
	[tilespmem:v18+s14+$0x0] =	vst.idx.msk $0xffff, v4;
	(erf) = vrcp.f32 v26;
	(pc) =	sbr.rel @p0 .LBB2_33-.Ltmp17, $4  }
0x517: {  	v4 =	vmov s0;
	s0 =	smov.u32 s8;
	(erf) = vpow2.f32 v17;
	[tilespmem:v15+s14+$0x0] =	vst.idx.msk $0xffff, v5;
	v15 =	vadd.s32 s9, v12  }
0x518: {  	v16 =	vadd.s32 s6, v12;
	v4 =	vand.u32 $0x6, v4;
	v5 =	vpop (erf);
	(erf) = vpow2.f32 v23  }
0x519: {  	v24 =	vld.idx.msk [tilespmem:v27+s10+$0x0], $0xffff;
	v17 =	vadd.f32 $1.000000000e+00, v5;
	(erf) = vpow2.f32 v29;
	v5 =	vand.u32 $0x3FF8, v31;
	v25 =	vpop (erf)  }
0x51a: {  	v18 =	vand.u32 $0x6, v28;
	(erf) = vpow2.f32 v6;
	v23 =	vpop (erf);
	v22 =	vor.u32 v4, v5;
	[tilespmem:v30+s14+$0x0] =	vst.idx.msk $0xffff, v25  }
0x51b: {  	_ =	sdelay $0x1  }
0x51c: {  	v4 =	vpop (erf)  }
0x51d: {  	v4 =	vadd.f32 $1.000000000e+00, v4;
	v5 =	vpop (erf);
	v24 =	vsub.f32 $0.0e+00, v24  }
0x51e: {  	v6 =	vpop (erf)  }
0x51f: {  	(erf) = vrcp.f32 v4;
	v6 =	vadd.f32 $1.000000000e+00, v6;
	v4 =	vmul.f32 $1.442695020e+00, v24  }
0x520: {  	v5 =	vadd.f32 $1.000000000e+00, v5  }
0x521: {  	(erf) = vrcp.f32 v6  }
0x522: {  	(erf) = vrcp.f32 v5  }
0x523: {  	(erf) = vpow2.f32 v4;
	v4 =	vpop (erf)  }
0x524: {  	v5 =	vpop (erf)  }
0x525: {  	v46 =	vadd.f32 $1.000000000e+00, v23;
	v23 =	vpop (erf)  }
0x526: {  	v23 =	vadd.f32 $1.000000000e+00, v23;
	_ =	sdelay $0x1  }
0x527: {  	v47 =	vpop (erf)  }
0x528: {  	(erf) = vrcp.f32 v46;
	v24 =	vadd.f32 $1.000000000e+00, v47;
	v25 =	vpop (erf)  }
0x529: {  	v48 =	vadd.f32 $1.000000000e+00, v25;
	(erf) = vrcp.f32 v23;
	v23 =	vpop (erf)  }
0x52a: {  	(erf) = vrcp.f32 v24;
	v49 =	vpop (erf)  }
0x52b: {  	v50 =	vadd.s32 s22, v12;
	(erf) = vrcp.f32 v48;
	v51 =	vpop (erf)  }
0x52c: {  	v5 =	vadd.f32 $1.000000000e+00, v5;
	(erf) = vrcp.f32 v17;
	v17 =	vpop (erf)  }
0x52d: {  	v26 =	vadd.s32 s21, v12;
	v17 =	vadd.f32 $1.000000000e+00, v17  }
0x52e: {  	(erf) = vrcp.f32 v5  }
0x52f: {  	v21 =	vand.u32 $0x3FF8, v21;
	v20 =	vand.u32 $0x6, v20;
	[tilespmem:v22+s14+$0x0] =	vst.idx.msk $0xffff, v4;
	(erf) = vrcp.f32 v17  }
0x530: {  	v20 =	vor.u32 v20, v21;
	[tilespmem:v50+s14+$0x0] =	vst.idx.msk $0xffff, v23  }
0x531: {  	v4 =	vor.u32 v18, v19;
	[tilespmem:v14+s14+$0x0] =	vst.idx.msk $0xffff, v49;
	v5 =	vpop (erf)  }
0x532: {  	v14 =	vadd.s32 s0, v12;
	[tilespmem:v26+s14+$0x0] =	vst.idx.msk $0xffff, v51;
	v17 =	vmov s0;
	v52 =	vpop (erf)  }
0x533: {  	v18 =	vadd.s32 s20, v12;
	v14 =	vand.u32 $0x3FF8, v14;
	[tilespmem:v15+s14+$0x0] =	vst.idx.msk $0xffff, v5;
	v17 =	vand.u32 $0x6, v17;
	v53 =	vpop (erf)  }
0x534: {  	s20 =	simm.s32 $0xA3;
	[tilespmem:v13+s14+$0x0] =	vst.idx.msk $0xffff, v53;
	v54 =	vpop (erf);
	v13 =	vor.u32 v17, v14  }
0x535: {  	s16 =	simm.s32 $0x94;
	v7 =	vimm.f32 $2.000000000e+00;
	[tilespmem:v20+s14+$0x0] =	vst.idx.msk $0xffff, v52;
	v14 =	vadd.s32 s20, v11;
	v55 =	vpop (erf)  }
0x536: {  	s17 =	simm.s32 $0x95;
	v10 =	vimm.f32 $6.000000000e+00;
	v8 =	vimm.f32 $8.000000000e+00;
	[tilespmem:v4+s14+$0x0] =	vst.idx.msk $0xffff, v55;
	v4 =	vadd.s32 s16, v11  }
0x537: {  	s18 =	simm.s32 $0x96;
	s25 =	simm.s32 $0x9D;
	s4 =	simm.s32 $0x99;
	v9 =	vimm.f32 $1.000000000e+01;
	v1 =	vimm.f32 $1.200000000e+01;
	v56 =	vadd.s32 s17, v11;
	[tilespmem:v16+s14+$0x0] =	vst.idx.msk $0xffff, v54;
	v5 =	vpop (erf)  }
0x538: {  	s19 =	simm.s32 $0x97;
	s6 =	simm.s32 $0xA1;
	s7 =	simm.s32 $0x80;
	v57 =	vadd.s32 s25, v11;
	v29 =	vadd.s32 s4, v11;
	v15 =	vadd.s32 s18, v11;
	[tilespmem:v18+s14+$0x0] =	vst.idx.msk $0xffff, v5;
	v5 =	vpop (erf)  }
0x539: {  	s21 =	simm.s32 $0x9A;
	s9 =	simm.s32 $0x90;
	s11 =	simm.s32 $0x65;
	v31 =	vadd.s32 s6, v11;
	v32 =	vadd.s32 s7, v11;
	v16 =	vadd.s32 s19, v11;
	[tilespmem:v13+s14+$0x0] =	vst.idx.msk $0xffff, v5  }
0x53a: {  	s23 =	simm.s32 $0x9B;
	s13 =	simm.s32 $0x66;
	s15 =	simm.s32 $0x67;
	v35 =	vadd.s32 s9, v11;
	v37 =	vadd.s32 s11, v11;
	v19 =	vadd.s32 s21, v11;
	v21 =	vld.idx.msk [tilespmem:v14+s10+$0x0], $0xffff  }
0x53b: {  	s24 =	simm.s32 $0x9C;
	s4 =	simm.s32 $0x69;
	v38 =	vadd.s32 s13, v11;
	s17 =	simm.s32 $0x6C;
	v40 =	vadd.s32 s15, v11;
	v20 =	vadd.s32 s23, v11;
	v4 =	vld.idx.msk [tilespmem:v4+s10+$0x0], $0xffff  }
0x53c: {  	s22 =	simm.s32 $0x66;
	s6 =	simm.s32 $0x6D;
	v41 =	vadd.s32 s4, v11;
	v45 =	vadd.s32 s17, v11;
	s21 =	simm.s32 $0x71;
	v23 =	vadd.s32 s24, v11;
	v6 =	vld.idx.msk [tilespmem:v56+s10+$0x0], $0xffff  }
0x53d: {  	s2 =	simm.s32 $0x65;
	s25 =	simm.s32 $0x75;
	v46 =	vadd.s32 s6, v11;
	v22 =	vadd.s32 s22, v12;
	s24 =	simm.s32 $0x74;
	v48 =	vadd.s32 s21, v11;
	v24 =	vld.idx.msk [tilespmem:v15+s10+$0x0], $0xffff  }
0x53e: {  	v50 =	vadd.s32 s24, v11;
	v51 =	vadd.s32 s25, v11;
	s23 =	simm.s32 $0x73;
	v17 =	vmov s2;
	s19 =	simm.s32 $0x6F;
	v26 =	vld.idx.msk [tilespmem:v16+s10+$0x0], $0xffff  }
0x53f: {  	s1 =	simm.s32 $0x64;
	v49 =	vadd.s32 s23, v11;
	v17 =	vand.u32 $0x5, v17;
	s16 =	simm.s32 $0x6B;
	v47 =	vadd.s32 s19, v11;
	v27 =	vld.idx.msk [tilespmem:v19+s10+$0x0], $0xffff  }
0x540: {  	v18 =	vadd.s32 s2, v12;
	v44 =	vadd.s32 s16, v11;
	v13 =	vadd.s32 s1, v12;
	v28 =	vld.idx.msk [tilespmem:v20+s10+$0x0], $0xffff  }
0x541: {  	s26 =	simm.s32 $0x9E;
	v18 =	vand.u32 $0x3FF8, v18;
	v5 =	vmov s1;
	v13 =	vand.u32 $0x3FF8, v13;
	v23 =	vld.idx.msk [tilespmem:v23+s10+$0x0], $0xffff  }
0x542: {  	s29 =	simm.s32 $0x9F;
	s30 =	simm.s32 $0xA2;
	v14 =	vmov s22;
	v5 =	vand.u32 $0x4, v5;
	v16 =	vadd.s32 s26, v11;
	v25 =	vld.idx.msk [tilespmem:v57+s10+$0x0], $0xffff  }
0x543: {  	s1 =	simm.s32 $0x78;
	v19 =	vadd.s32 s29, v11;
	v15 =	vor.u32 v17, v18;
	v18 =	vadd.s32 s30, v11;
	v29 =	vld.idx.msk [tilespmem:v29+s10+$0x0], $0xffff  }
0x544: {  	s28 =	simm.s32 $0x68;
	v20 =	vadd.s32 s1, v11;
	v31 =	vld.idx.msk [tilespmem:v31+s10+$0x0], $0xffff;
	v62 =	vor.u32 v5, v13;
	v5 =	vand.u32 $0x3FF8, v22  }
0x545: {  	s26 =	simm.s32 $0x76;
	s30 =	simm.s32 $0x7A;
	v37 =	vld.idx.msk [tilespmem:v37+s10+$0x0], $0xffff;
	v14 =	vand.u32 $0x6, v14;
	v22 =	vadd.s32 s28, v11;
	v20 =	vand.u32 $0xFFF8, v20  }
0x546: {  	s31 =	simm.s32 $0x70;
	v38 =	vld.idx.msk [tilespmem:v38+s10+$0x0], $0xffff;
	v52 =	vadd.s32 s26, v11;
	v54 =	vadd.s32 s30, v11;
	v13 =	vimm.f32 $1.400000000e+01  }
0x547: {  	s2 =	simm.s32 $0x98;
	v40 =	vld.idx.msk [tilespmem:v40+s10+$0x0], $0xffff;
	v17 =	vand.u32 $0xFFF8, v22;
	v63 =	vor.u32 v14, v5;
	v5 =	vadd.s32 s31, v11  }
0x548: {  	s29 =	simm.s32 $0x79;
	v41 =	vld.idx.msk [tilespmem:v41+s10+$0x0], $0xffff;
	s28 =	simm.s32 $0x77;
	v22 =	vadd.s32 s2, v11;
	v58 =	vor.u32 v2, v20;
	v20 =	vand.u32 $0xFFF8, v35  }
0x549: {  	v53 =	vadd.s32 s28, v11;
	v35 =	vadd.s32 s29, v11;
	v14 =	vimm.f32 $4.000000000e+00;
	v30 =	vld.idx.msk [tilespmem:v16+s10+$0x0], $0xffff  }
0x54a: {  	v17 =	vor.u32 v2, v17;
	v22 =	vand.u32 $0xFFF8, v22;
	v5 =	vand.u32 $0xFFF8, v5;
	v33 =	vld.idx.msk [tilespmem:v19+s10+$0x0], $0xffff  }
0x54b: {  	s31 =	simm.s32 $0x7B;
	v36 =	vor.u32 v2, v20;
	v22 =	vor.u32 v2, v22;
	v34 =	vld.idx.msk [tilespmem:v18+s10+$0x0], $0xffff;
	vm2 =	vgt.f32 v28, v27  }
0x54c: {  	s5 =	simm.s32 $0xA0;
	s8 =	simm.s32 $0x88;
	v55 =	vadd.s32 s31, v11;
	v5 =	vor.u32 v2, v5;
	v27 =	vsel vm2, v28, v27;
	v28 =	vld.idx.msk [tilespmem:v44+s10+$0x0], $0xffff  }
0x54d: {  	v16 =	vadd.s32 s5, v11;
	v19 =	vadd.s32 s8, v11;
	s5 =	simm.s32 $0x6A;
	vm0 =	vgt.f32 v6, v4;
	v54 =	vld.idx.msk [tilespmem:v54+s10+$0x0], $0xffff  }
0x54e: {  	vm1 =	vgt.f32 v26, v24;
	vm3 =	vgt.f32 v25, v23;
	v42 =	vadd.s32 s5, v11;
	v35 =	vld.idx.msk [tilespmem:v35+s10+$0x0], $0xffff  }
0x54f: {  	v16 =	vand.u32 $0xFFF8, v16;
	v19 =	vand.u32 $0xFFF8, v19;
	v56 =	vsel vm0, $0x3F800000, v3;
	v18 =	vld.idx.msk [tilespmem:v17+s10+$0x0], $0xffff  }
0x550: {  	v4 =	vsel vm0, v6, v4;
	v6 =	vsel vm1, $0x40400000, v7;
	v24 =	vsel vm1, v26, v24;
	v39 =	vld.idx.msk [tilespmem:v22+s10+$0x0], $0xffff  }
0x551: {  	s13 =	simm.s32 $0x82;
	v26 =	vsel vm2, $0x40E00000, v10;
	v57 =	vsel vm3, $0x41100000, v8;
	v16 =	vor.u32 v2, v16;
	v20 =	vld.idx.msk [tilespmem:v5+s10+$0x0], $0xffff  }
0x552: {  	v23 =	vsel vm3, v25, v23;
	s5 =	simm.s32 $0x64;
	v44 =	vadd.s32 s13, v11;
	v59 =	vor.u32 v2, v19;
	v22 =	vld.idx.msk [tilespmem:v58+s10+$0x0], $0xffff  }
0x553: {  	s22 =	simm.s32 $0x72;
	v60 =	vadd.s32 s5, v11;
	v17 =	vand.u32 $0xFFF8, v32;
	vm0 =	vgt.f32 v33, v30;
	v42 =	vld.idx.msk [tilespmem:v42+s10+$0x0], $0xffff  }
0x554: {  	s18 =	simm.s32 $0x6E;
	v32 =	vadd.s32 s22, v11;
	v17 =	vor.u32 v2, v17;
	v25 =	vsel vm0, v33, v30;
	v30 =	vld.idx.msk [tilespmem:v45+s10+$0x0], $0xffff  }
0x555: {  	s11 =	simm.s32 $0x81;
	v5 =	vadd.s32 s18, v11;
	vm1 =	vgt.f32 v21, v34;
	v58 =	vsel vm0, $0x41300000, v9;
	v33 =	vld.idx.msk [tilespmem:v46+s10+$0x0], $0xffff  }
0x556: {  	s15 =	simm.s32 $0x83;
	s4 =	simm.s32 $0x7C;
	s16 =	simm.s32 $0x84;
	v21 =	vsel vm1, v21, v34;
	vm0 =	vgt.f32 v24, v4;
	v34 =	vadd.s32 s11, v11;
	v43 =	vld.idx.msk [tilespmem:v16+s10+$0x0], $0xffff  }
0x557: {  	v45 =	vadd.s32 s15, v11;
	v46 =	vadd.s32 s16, v11;
	v16 =	vld.idx.msk [tilespmem:v36+s10+$0x0], $0xffff;
	v36 =	vadd.s32 s4, v11  }
0x558: {  	s17 =	simm.s32 $0x85;
	s24 =	simm.s32 $0x8C;
	vm3 =	vgt.f32 v25, v23;
	v6 =	vsel vm0, v6, v56;
	v4 =	vsel vm0, v24, v4;
	v24 =	vld.idx.msk [tilespmem:v48+s10+$0x0], $0xffff  }
0x559: {  	v48 =	vadd.s32 s17, v11;
	v56 =	vadd.s32 s24, v11;
	v57 =	vsel vm3, v58, v57;
	v19 =	vld.idx.msk [tilespmem:v17+s10+$0x0], $0xffff  }
0x55a: {  	s9 =	simm.s32 $0x7F;
	v23 =	vsel vm3, v25, v23;
	v17 =	vld.idx.msk [tilespmem:v59+s10+$0x0], $0xffff;
	v59 =	vsel vm1, $0x41700000, v13;
	vm1 =	vgt.f32 v29, v39  }
0x55b: {  	s22 =	simm.s32 $0x8A;
	v25 =	vld.idx.msk [tilespmem:v32+s10+$0x0], $0xffff;
	v32 =	vadd.s32 s9, v11;
	v61 =	vsel vm1, $0x40A00000, v14;
	v29 =	vsel vm1, v29, v39  }
0x55c: {  	v39 =	vld.idx.msk [tilespmem:v52+s10+$0x0], $0xffff;
	v52 =	vadd.s32 s22, v11;
	vm0 =	vgt.f32 v27, v29;
	vm4 =	vgt.f32 v33, v30  }
0x55d: {  	s30 =	simm.s32 $0x92;
	vm3 =	vgt.f32 v28, v42;
	vm2 =	vgt.f32 v31, v43;
	v30 =	vsel vm4, v33, v30;
	v33 =	vld.idx.msk [tilespmem:v46+s10+$0x0], $0xffff  }
0x55e: {  	v27 =	vsel vm0, v27, v29;
	v26 =	vsel vm0, v26, v61;
	v61 =	vadd.s32 s30, v11;
	v46 =	vld.idx.msk [tilespmem:v48+s10+$0x0], $0xffff  }
0x55f: {  	s23 =	simm.s32 $0x8B;
	v28 =	vsel vm3, v28, v42;
	v48 =	vsel vm4, $0x41100000, v8;
	v31 =	vsel vm2, v31, v43;
	v43 =	vld.idx.msk [tilespmem:v47+s10+$0x0], $0xffff  }
0x560: {  	v58 =	vsel vm2, $0x41500000, v1;
	vm0 =	vgt.f32 v27, v4;
	v47 =	vld.idx.msk [tilespmem:v53+s10+$0x0], $0xffff;
	v53 =	vadd.s32 s23, v11  }
0x561: {  	s6 =	simm.s32 $0x7D;
	v55 =	vld.idx.msk [tilespmem:v55+s10+$0x0], $0xffff;
	s18 =	simm.s32 $0x86;
	vm1 =	vgt.f32 v21, v31;
	v4 =	vsel vm0, v27, v4;
	v6 =	vsel vm0, v26, v6  }
0x562: {  	s26 =	simm.s32 $0x8E;
	s8 =	simm.s32 $0x7E;
	v27 =	vld.idx.msk [tilespmem:v49+s10+$0x0], $0xffff;
	v26 =	vadd.s32 s6, v11;
	v49 =	vadd.s32 s18, v11;
	v21 =	vsel vm1, v21, v31  }
0x563: {  	s28 =	simm.s32 $0x8F;
	v29 =	vld.idx.msk [tilespmem:v60+s10+$0x0], $0xffff;
	v60 =	vsel vm1, v59, v58;
	v31 =	vadd.s32 s8, v11;
	v58 =	vadd.s32 s26, v11  }
0x564: {  	v44 =	vld.idx.msk [tilespmem:v44+s10+$0x0], $0xffff;
	v59 =	vadd.s32 s28, v11;
	vm1 =	vgt.f32 v41, v18;
	vm2 =	vgt.f32 v21, v23  }
0x565: {  	s25 =	simm.s32 $0x8D;
	v5 =	vld.idx.msk [tilespmem:v5+s10+$0x0], $0xffff;
	v18 =	vsel vm1, v41, v18;
	v41 =	vsel vm1, $0x40A00000, v14;
	vm1 =	vgt.f32 v24, v20  }
0x566: {  	s29 =	simm.s32 $0x91;
	v34 =	vld.idx.msk [tilespmem:v34+s10+$0x0], $0xffff;
	v21 =	vsel vm2, v21, v23;
	v23 =	vsel vm2, v60, v57;
	v57 =	vadd.s32 s25, v11  }
0x567: {  	v45 =	vld.idx.msk [tilespmem:v45+s10+$0x0], $0xffff;
	v60 =	vadd.s32 s29, v11;
	v20 =	vsel vm1, v24, v20;
	v24 =	vsel vm1, $0x41500000, v1  }
0x568: {  	s7 =	simm.s32 $0x67;
	s19 =	simm.s32 $0x87;
	v36 =	vld.idx.msk [tilespmem:v36+s10+$0x0], $0xffff;
	vm1 =	vgt.f32 v35, v22;
	vm2 =	vgt.f32 v28, v18;
	vm0 =	vgt.f32 v21, v4  }
0x569: {  	v4 =	vld.idx.msk [tilespmem:v50+s10+$0x0], $0xffff;
	v21 =	vadd.s32 s7, v12;
	v50 =	vadd.s32 s19, v11;
	v22 =	vsel vm1, v35, v22  }
0x56a: {  	s21 =	simm.s32 $0x89;
	v56 =	vld.idx.msk [tilespmem:v56+s10+$0x0], $0xffff;
	v35 =	vsel vm1, $0x40A00000, v14;
	vm1 =	vgt.f32 v37, v29;
	v18 =	vsel vm2, v28, v18  }
0x56b: {  	v23 =	vsel vm0, v23, v6;
	v6 =	vld.idx.msk [tilespmem:v51+s10+$0x0], $0xffff;
	v51 =	vadd.s32 s21, v11;
	vm0 =	vgt.f32 v40, v38  }
0x56c: {  	s31 =	simm.s32 $0x93;
	v32 =	vld.idx.msk [tilespmem:v32+s10+$0x0], $0xffff;
	v29 =	vsel vm1, v37, v29;
	v37 =	vsel vm1, $0x3F800000, v3;
	vm1 =	vgt.f32 v43, v5  }
0x56d: {  	v52 =	vld.idx.msk [tilespmem:v52+s10+$0x0], $0xffff;
	v38 =	vsel vm0, v40, v38;
	v40 =	vadd.s32 s31, v11;
	v5 =	vsel vm1, v43, v5  }
0x56e: {  	v61 =	vld.idx.msk [tilespmem:v61+s10+$0x0], $0xffff;
	v42 =	vsel vm0, $0x40400000, v7;
	v43 =	vsel vm3, $0x40E00000, v10;
	vm3 =	vgt.f32 v27, v25  }
0x56f: {  	v53 =	vld.idx.msk [tilespmem:v53+s10+$0x0], $0xffff;
	vm0 =	vgt.f32 v5, v30;
	v25 =	vsel vm3, v27, v25;
	v27 =	vsel vm1, $0x41300000, v9  }
0x570: {  	v26 =	vld.idx.msk [tilespmem:v26+s10+$0x0], $0xffff;
	vm1 =	vgt.f32 v38, v29;
	v28 =	vsel vm3, $0x41700000, v13;
	vm3 =	vgt.f32 v34, v19  }
0x571: {  	v31 =	vld.idx.msk [tilespmem:v31+s10+$0x0], $0xffff;
	v19 =	vsel vm3, v34, v19;
	v5 =	vsel vm0, v5, v30;
	v27 =	vsel vm0, v27, v48  }
0x572: {  	v34 =	vsel vm3, $0x41500000, v1;
	[tilespmem:v21+s14+$0x0] =	vst.idx.msk $0xffff, v23;
	v21 =	vsel vm1, v38, v29;
	vm3 =	vgt.f32 v6, v4  }
0x573: {  	v49 =	vld.idx.msk [tilespmem:v49+s10+$0x0], $0xffff;
	v4 =	vsel vm3, v6, v4;
	v6 =	vsel vm3, $0x3F800000, v3;
	vm3 =	vgt.f32 v47, v39  }
0x574: {  	v51 =	vld.idx.msk [tilespmem:v51+s10+$0x0], $0xffff;
	v39 =	vsel vm3, v47, v39;
	v47 =	vsel vm3, $0x40400000, v7;
	vm3 =	vgt.f32 v55, v54  }
0x575: {  	v50 =	vld.idx.msk [tilespmem:v50+s10+$0x0], $0xffff;
	v54 =	vsel vm3, v55, v54;
	v55 =	vsel vm3, $0x40E00000, v10;
	vm3 =	vgt.f32 v26, v36  }
0x576: {  	v58 =	vld.idx.msk [tilespmem:v58+s10+$0x0], $0xffff;
	v26 =	vsel vm3, v26, v36;
	v36 =	vsel vm3, $0x41100000, v8;
	vm3 =	vgt.f32 v32, v31  }
0x577: {  	v57 =	vld.idx.msk [tilespmem:v57+s10+$0x0], $0xffff;
	v31 =	vsel vm3, v32, v31;
	v32 =	vsel vm3, $0x41300000, v9;
	vm3 =	vgt.f32 v45, v44  }
0x578: {  	v59 =	vld.idx.msk [tilespmem:v59+s10+$0x0], $0xffff;
	v44 =	vsel vm3, v45, v44;
	v45 =	vsel vm3, $0x41700000, v13;
	vm3 =	vgt.f32 v46, v33  }
0x579: {  	v60 =	vld.idx.msk [tilespmem:v60+s10+$0x0], $0xffff;
	v33 =	vsel vm3, v46, v33;
	v46 =	vsel vm3, $0x3F800000, v3;
	vm3 =	vgt.f32 v51, v17  }
0x57a: {  	v40 =	vld.idx.msk [tilespmem:v40+s10+$0x0], $0xffff;
	v17 =	vsel vm3, v51, v17;
	v51 =	vsel vm3, $0x40A00000, v14;
	vm3 =	vgt.f32 v50, v49  }
0x57b: {  	v49 =	vsel vm3, v50, v49;
	v50 =	vsel vm3, $0x40400000, v7;
	vm3 =	vgt.f32 v53, v52  }
0x57c: {  	v52 =	vsel vm3, v53, v52;
	v53 =	vsel vm3, $0x40E00000, v10;
	vm3 =	vgt.f32 v57, v56  }
0x57d: {  	v56 =	vsel vm3, v57, v56;
	v57 =	vsel vm3, $0x41100000, v8;
	vm3 =	vgt.f32 v59, v58  }
0x57e: {  	v58 =	vsel vm3, v59, v58;
	v59 =	vsel vm3, $0x41300000, v9;
	vm3 =	vgt.f32 v60, v16  }
0x57f: {  	v16 =	vsel vm3, v60, v16;
	v60 =	vsel vm3, $0x41500000, v1;
	vm3 =	vgt.f32 v40, v61  }
0x580: {  	vm0 =	vgt.f32 v31, v26;
	v23 =	vsel vm3, v40, v61;
	v61 =	vsel vm3, $0x41700000, v13  }
0x581: {  	vm3 =	vgt.f32 v25, v20;
	v40 =	vsel vm2, v43, v41;
	vm2 =	vgt.f32 v54, v22  }
0x582: {  	v26 =	vsel vm0, v31, v26;
	v20 =	vsel vm3, v25, v20;
	v22 =	vsel vm2, v54, v22  }
0x583: {  	v24 =	vsel vm3, v28, v24;
	vm3 =	vgt.f32 v44, v19;
	v41 =	vsel vm2, v55, v35  }
0x584: {  	vm2 =	vgt.f32 v52, v17;
	v54 =	vsel vm0, v32, v36;
	vm0 =	vgt.f32 v58, v56  }
0x585: {  	v43 =	vsel vm3, v44, v19;
	v44 =	vsel vm2, v52, v17;
	v34 =	vsel vm3, v45, v34  }
0x586: {  	vm3 =	vgt.f32 v23, v16;
	v52 =	vsel vm2, v53, v51;
	vm2 =	vgt.f32 v18, v21  }
0x587: {  	v19 =	vsel vm1, v42, v37;
	vm1 =	vgt.f32 v39, v4;
	v58 =	vsel vm0, v58, v56  }
0x588: {  	v17 =	vsel vm0, v59, v57;
	v23 =	vsel vm3, v23, v16;
	v16 =	vsel vm3, v61, v60  }
0x589: {  	vm3 =	vgt.f32 v20, v5;
	v4 =	vsel vm1, v39, v4;
	v6 =	vsel vm1, v47, v6  }
0x58a: {  	vm1 =	vgt.f32 v49, v33;
	vm5 =	vgt.f32 v43, v26;
	v60 =	vsel vm2, v18, v21  }
0x58b: {  	p0 =	por $0x1, $0x1;
	v18 =	vsel vm2, v40, v19;
	v53 =	vsel vm1, v49, v33;
	v55 =	vsel vm1, v50, v46  }
.Ltmp18:
0x58c: {  	vm1 =	vgt.f32 v22, v4;
	v5 =	vsel vm3, v20, v5;
	v19 =	vsel vm3, v24, v27;
	(pc) =	sbr.rel @!p0 .LBB2_36-.Ltmp18, $4  }
0x58d: {  	vm4 =	vgt.f32 v23, v58;
	v20 =	vsel vm5, v43, v26;
	v4 =	vsel vm1, v22, v4  }
0x58e: {  	vm2 =	vgt.f32 v44, v53;
	v23 =	vsel vm4, v23, v58;
	v21 =	vsel vm1, v41, v6  }
0x58f: {  	vm0 =	vgt.f32 v5, v60;
	v22 =	vsel vm5, v34, v54;
	v61 =	vsel vm2, v44, v53  }
0x590: {  	s22 =	simm.s32 $0x94;
	s23 =	simm.s32 $0x0;
	s21 =	simm.s32 $0x364;
	vm5 =	vgt.f32 v20, v4;
	v20 =	vsel vm2, v52, v55;
	vm1 =	vgt.f32 v23, v61  }
.LBB2_35:
0x591: {  	v4 =	vsel vm0, v19, v18;
	v5 =	vsel vm5, v22, v21  }
0x592: {  	s1 =	sadd.s32 $0x68, s23;
	v6 =	vsel vm4, v16, v17;
	v7 =	vimm.f32 $0.0e+00;
	v10 =	vimm.f32 $6.000000000e+00  }
0x593: {  	s2 =	sadd.s32 $0x69, s23;
	s20 =	sadd.s32 $0x40, s20;
	v8 =	vimm.f32 $8.000000000e+00;
	v9 =	vimm.f32 $1.000000000e+01;
	v16 =	vmov s1  }
0x594: {  	s7 =	sadd.s32 $0x6A, s23;
	[tilespmem:v62+s14+$0x0] =	vst.idx.msk $0xffff, v4;
	v4 =	vsel vm1, v6, v20;
	v55 =	vadd.s32 s1, v12;
	v13 =	vmov s2;
	s15 =	sadd.s32 $0xFFFFFFF2, s20  }
0x595: {  	v17 =	vadd.s32 s2, v12;
	v56 =	vmov s7;
	s18 =	sadd.s32 $0xFFFFFFF3, s20;
	v19 =	vadd.s32 s15, v11  }
0x596: {  	[tilespmem:v15+s14+$0x0] =	vst.idx.msk $0xffff, v5;
	v15 =	vadd.s32 s7, v12;
	s19 =	sadd.s32 $0xFFFFFFF4, s20;
	v5 =	vand.u32 $0x3FF8, v55;
	v23 =	vadd.s32 s18, v11  }
0x597: {  	s9 =	sadd.s32 $0xFFFFFFCD, s20;
	s25 =	sadd.s32 $0xFFFFFFF7, s20;
	[tilespmem:v63+s14+$0x0] =	vst.idx.msk $0xffff, v4;
	v4 =	vand.u32 $0x4, v16;
	v14 =	vand.u32 $0x3FF8, v17;
	v24 =	vadd.s32 s19, v11  }
0x598: {  	s11 =	sadd.s32 $0xFFFFFFD5, s20;
	s13 =	sadd.s32 $0xFFFFFFDD, s20;
	s31 =	sadd.s32 $0xFFFFFFFC, s20;
	v16 =	vand.u32 $0x5, v13;
	v57 =	vadd.s32 s9, v11;
	v25 =	vadd.s32 s25, v11  }
0x599: {  	s16 =	sadd.s32 $0xFFFFFFE5, s20;
	s17 =	sadd.s32 $0xFFFFFFED, s20;
	s24 =	sadd.s32 $0xFFFFFFC4, s20;
	v17 =	vadd.s32 s11, v11;
	v18 =	vadd.s32 s13, v11;
	v58 =	vadd.s32 s31, v11  }
0x59a: {  	s6 =	sadd.s32 $0xFFFFFFCB, s20;
	s5 =	sadd.s32 $0xFFFFFFCC, s20;
	s7 =	sadd.s32 $0xFFFFFFD0, s20;
	v20 =	vadd.s32 s16, v11;
	v21 =	vadd.s32 s17, v11;
	v41 =	vadd.s32 s24, v11;
	v34 =	vld.idx.msk [tilespmem:v19+s10+$0x0], $0xffff  }
0x59b: {  	s4 =	sadd.s32 $0xFFFFFFF1, s20;
	v49 =	vadd.s32 s6, v11;
	v52 =	vadd.s32 s5, v11;
	v31 =	vadd.s32 s7, v11;
	v35 =	vld.idx.msk [tilespmem:v23+s10+$0x0], $0xffff  }
0x59c: {  	s24 =	sadd.s32 $0xFFFFFFF6, s20;
	v13 =	vimm.f32 $1.400000000e+01;
	v1 =	vor.u32 v16, v14;
	v16 =	vadd.s32 s4, v11;
	v37 =	vld.idx.msk [tilespmem:v24+s10+$0x0], $0xffff  }
0x59d: {  	s13 =	sadd.s32 $0xFFFFFFC3, s20;
	v3 =	vor.u32 v4, v5;
	v4 =	vand.u32 $0x3FF8, v15;
	v26 =	vadd.s32 s24, v11;
	v40 =	vld.idx.msk [tilespmem:v25+s10+$0x0], $0xffff  }
0x59e: {  	s15 =	sadd.s32 $0xFFFFFFC6, s20;
	v5 =	vand.u32 $0x6, v56;
	v6 =	vand.u32 $0xFFF8, v57;
	v39 =	vadd.s32 s13, v11;
	v51 =	vld.idx.msk [tilespmem:v58+s10+$0x0], $0xffff  }
0x59f: {  	s16 =	sadd.s32 $0xFFFFFFC7, s20;
	s17 =	sadd.s32 $0xFFFFFFC8, s20;
	s11 =	sadd.s32 $0xFFFFFFD1, s20;
	v17 =	vand.u32 $0xFFF8, v17;
	v18 =	vand.u32 $0xFFF8, v18;
	v42 =	vadd.s32 s15, v11;
	v41 =	vld.idx.msk [tilespmem:v41+s10+$0x0], $0xffff  }
0x5a0: {  	s18 =	sadd.s32 $0xFFFFFFC9, s20;
	v44 =	vadd.s32 s16, v11;
	v33 =	vadd.s32 s17, v11;
	v29 =	vadd.s32 s11, v11;
	v31 =	vld.idx.msk [tilespmem:v31+s10+$0x0], $0xffff  }
0x5a1: {  	s19 =	sadd.s32 $0xFFFFFFCA, s20;
	s9 =	sadd.s32 $0xFFFFFFCE, s20;
	s13 =	sadd.s32 $0xFFFFFFD2, s20;
	v30 =	vadd.s32 s18, v11;
	v15 =	vor.u32 v5, v4;
	v4 =	vadd.s32 s20, v11;
	v16 =	vld.idx.msk [tilespmem:v16+s10+$0x0], $0xffff  }
0x5a2: {  	s8 =	sadd.s32 $0xFFFFFFC5, s20;
	s28 =	sadd.s32 $0xFFFFFFF9, s20;
	v32 =	vadd.s32 s19, v11;
	v53 =	vadd.s32 s9, v11;
	v28 =	vadd.s32 s13, v11;
	v56 =	vld.idx.msk [tilespmem:v26+s10+$0x0], $0xffff  }
0x5a3: {  	s29 =	sadd.s32 $0xFFFFFFFA, s20;
	v14 =	vimm.f32 $4.000000000e+00;
	v5 =	vadd.s32 s8, v11;
	v19 =	vadd.s32 s28, v11;
	v39 =	vld.idx.msk [tilespmem:v39+s10+$0x0], $0xffff  }
0x5a4: {  	v6 =	vor.u32 v2, v6;
	v5 =	vand.u32 $0xFFF8, v5;
	v23 =	vadd.s32 s29, v11;
	v42 =	vld.idx.msk [tilespmem:v42+s10+$0x0], $0xffff  }
0x5a5: {  	s0 =	smov.u32 s23;
	s26 =	sadd.s32 $0xFFFFFFF8, s20;
	v17 =	vor.u32 v2, v17;
	v18 =	vor.u32 v2, v18;
	v5 =	vor.u32 v2, v5;
	v29 =	vld.idx.msk [tilespmem:v29+s10+$0x0], $0xffff  }
0x5a6: {  	s31 =	sadd.s32 $0xFFFFFFD7, s20;
	s8 =	sadd.s32 $0xFFFFFFC2, s20;
	s29 =	sadd.s32 $0xFFFFFFFE, s20;
	v22 =	vld.idx.msk [tilespmem:v4+s10+$0x0], $0xffff;
	v4 =	vand.u32 $0xFFF8, v20;
	v20 =	vand.u32 $0xFFF8, v21;
	v21 =	vadd.s32 s26, v11  }
0x5a7: {  	v38 =	vadd.s32 s8, v11;
	s28 =	sadd.s32 $0xFFFFFFD4, s20;
	v24 =	vadd.s32 s31, v11;
	s31 =	sadd.s32 $0x6B, s0;
	v48 =	vadd.s32 s29, v11;
	v28 =	vld.idx.msk [tilespmem:v28+s10+$0x0], $0xffff  }
0x5a8: {  	s30 =	sadd.s32 $0xFFFFFFFB, s20;
	v25 =	vadd.s32 s28, v11;
	v57 =	vadd.s32 s31, v12;
	s26 =	sadd.s32 $0xFFFFFFD3, s20;
	v4 =	vor.u32 v2, v4;
	v45 =	vld.idx.msk [tilespmem:v19+s10+$0x0], $0xffff  }
0x5a9: {  	s4 =	sadd.s32 $0xFFFFFFCF, s20;
	s17 =	sadd.s32 $0xFFFFFFF5, s20;
	v36 =	vor.u32 v2, v20;
	v20 =	vadd.s32 s30, v11;
	s30 =	sadd.s32 $0xFFFFFFD6, s20;
	v27 =	vadd.s32 s26, v11;
	v46 =	vld.idx.msk [tilespmem:v23+s10+$0x0], $0xffff  }
0x5aa: {  	s8 =	sadd.s32 $0xFFFFFFFF, s20;
	v26 =	vadd.s32 s30, v11;
	v19 =	vadd.s32 s17, v11;
	v23 =	vld.idx.msk [tilespmem:v5+s10+$0x0], $0xffff;
	v5 =	vadd.s32 s4, v11  }
0x5ab: {  	vm1 =	vgt.f32 v37, v35;
	v19 =	vand.u32 $0xFFF8, v19;
	v43 =	vld.idx.msk [tilespmem:v21+s10+$0x0], $0xffff;
	v21 =	vadd.s32 s8, v11  }
0x5ac: {  	v33 =	vld.idx.msk [tilespmem:v33+s10+$0x0], $0xffff;
	vm0 =	vgt.f32 v34, v16;
	vm8 =	vgt.f32 v41, v39;
	v50 =	vor.u32 v2, v19  }
0x5ad: {  	s25 =	sadd.s32 $0xFFFFFFFD, s20;
	v25 =	vld.idx.msk [tilespmem:v25+s10+$0x0], $0xffff;
	v58 =	vsel vm0, $0x3F800000, v7;
	v7 =	vimm.f32 $2.000000000e+00;
	v34 =	vsel vm0, v34, v16  }
0x5ae: {  	v39 =	vsel vm8, v41, v39;
	vm12 =	vgt.f32 v28, v29;
	v47 =	vld.idx.msk [tilespmem:v20+s10+$0x0], $0xffff;
	v20 =	vadd.s32 s25, v11  }
0x5af: {  	s19 =	sadd.s32 $0xFFFFFFD9, s20;
	v59 =	vsel vm1, $0x40400000, v7;
	v27 =	vld.idx.msk [tilespmem:v27+s10+$0x0], $0xffff;
	v28 =	vsel vm12, v28, v29;
	v19 =	vand.u32 $0xFFF8, v20  }
0x5b0: {  	s18 =	sadd.s32 $0xFFFFFFD8, s20;
	v20 =	vadd.s32 s19, v11;
	v54 =	vor.u32 v2, v19;
	vm3 =	vgt.f32 v46, v45;
	v55 =	vld.idx.msk [tilespmem:v21+s10+$0x0], $0xffff  }
0x5b1: {  	v19 =	vadd.s32 s18, v11;
	vm6 =	vgt.f32 v42, v23;
	v61 =	vsel vm3, $0x41100000, v8;
	v21 =	vld.idx.msk [tilespmem:v17+s10+$0x0], $0xffff  }
0x5b2: {  	s9 =	sadd.s32 $0xFFFFFFDF, s20;
	v23 =	vsel vm6, v42, v23;
	vm2 =	vgt.f32 v43, v40;
	v17 =	vld.idx.msk [tilespmem:v4+s10+$0x0], $0xffff;
	v4 =	vsel vm1, v37, v35  }
0x5b3: {  	v5 =	vld.idx.msk [tilespmem:v5+s10+$0x0], $0xffff;
	v37 =	vsel vm3, v46, v45;
	v46 =	vadd.s32 s9, v11;
	vm4 =	vgt.f32 v51, v47  }
0x5b4: {  	v16 =	vld.idx.msk [tilespmem:v36+s10+$0x0], $0xffff;
	v60 =	vsel vm2, $0x40E00000, v10;
	v35 =	vsel vm2, v43, v40;
	vm0 =	vgt.f32 v4, v34  }
0x5b5: {  	s8 =	sadd.s32 $0xFFFFFFDE, s20;
	v50 =	vld.idx.msk [tilespmem:v50+s10+$0x0], $0xffff;
	vm13 =	vgt.f32 v25, v27;
	v62 =	vsel vm4, $0x41300000, v9;
	v36 =	vsel vm4, v51, v47  }
0x5b6: {  	s15 =	sadd.s32 $0xFFFFFFE0, s20;
	s24 =	sadd.s32 $0xFFFFFFE3, s20;
	v43 =	vsel vm0, v59, v58;
	v4 =	vsel vm0, v4, v34;
	v34 =	vld.idx.msk [tilespmem:v44+s10+$0x0], $0xffff;
	v44 =	vadd.s32 s8, v11  }
0x5b7: {  	v48 =	vld.idx.msk [tilespmem:v48+s10+$0x0], $0xffff;
	v47 =	vadd.s32 s15, v11;
	v51 =	vadd.s32 s24, v11;
	vm3 =	vgt.f32 v36, v37  }
0x5b8: {  	s2 =	sadd.s32 $0xFFFFFFDA, s20;
	v25 =	vsel vm13, v25, v27;
	v54 =	vld.idx.msk [tilespmem:v54+s10+$0x0], $0xffff;
	vm11 =	vgt.f32 v31, v5;
	v45 =	vsel vm3, v62, v61  }
0x5b9: {  	v61 =	vimm.f32 $1.200000000e+01;
	v36 =	vsel vm3, v36, v37;
	v37 =	vadd.s32 s2, v11  }
0x5ba: {  	v5 =	vsel vm11, v31, v5;
	vm5 =	vgt.f32 v22, v55;
	vm1 =	vgt.f32 v56, v50  }
0x5bb: {  	s17 =	sadd.s32 $0xFFFFFFE2, s20;
	v62 =	vmovc v3;
	v3 =	vimm.f32 $0.0e+00;
	v63 =	vsel vm5, $0x41700000, v13;
	v22 =	vsel vm5, v22, v55  }
0x5bc: {  	v40 =	vsel vm1, $0x40A00000, v14;
	v59 =	vsel vm1, v56, v50;
	v50 =	vadd.s32 s17, v11  }
0x5bd: {  	vm0 =	vgt.f32 v35, v59;
	vm10 =	vgt.f32 v33, v34;
	vm2 =	vgt.f32 v48, v54  }
0x5be: {  	v35 =	vsel vm0, v35, v59;
	v58 =	vsel vm0, v60, v40;
	v33 =	vsel vm10, v33, v34  }
0x5bf: {  	s16 =	sadd.s32 $0xFFFFFFE1, s20;
	s28 =	sadd.s32 $0xFFFFFFE7, s20;
	v32 =	vld.idx.msk [tilespmem:v32+s10+$0x0], $0xffff;
	v55 =	vsel vm2, v48, v54;
	v56 =	vsel vm2, $0x41500000, v61;
	vm0 =	vgt.f32 v35, v4  }
0x5c0: {  	v6 =	vld.idx.msk [tilespmem:v6+s10+$0x0], $0xffff;
	v48 =	vadd.s32 s16, v11;
	v54 =	vadd.s32 s28, v11;
	vm1 =	vgt.f32 v22, v55  }
0x5c1: {  	s1 =	sadd.s32 $0xFFFFFFDB, s20;
	v24 =	vld.idx.msk [tilespmem:v24+s10+$0x0], $0xffff;
	vm4 =	vgt.f32 v33, v23;
	v4 =	vsel vm0, v35, v4;
	v22 =	vsel vm1, v22, v55  }
0x5c2: {  	s6 =	sadd.s32 $0xFFFFFFDC, s20;
	v40 =	vld.idx.msk [tilespmem:v30+s10+$0x0], $0xffff;
	v60 =	vsel vm0, v58, v43;
	v35 =	vadd.s32 s1, v11;
	vm2 =	vgt.f32 v22, v36  }
0x5c3: {  	s30 =	sadd.s32 $0xFFFFFFEB, s20;
	v43 =	vadd.s32 s6, v11;
	v59 =	vsel vm1, v63, v56;
	v22 =	vsel vm2, v22, v36;
	v36 =	vld.idx.msk [tilespmem:v49+s10+$0x0], $0xffff  }
0x5c4: {  	s5 =	sadd.s32 $0xFFFFFFE9, s20;
	s29 =	sadd.s32 $0xFFFFFFE8, s20;
	v58 =	vadd.s32 s30, v11;
	v23 =	vsel vm4, v33, v23;
	v30 =	vsel vm2, v59, v45;
	v45 =	vld.idx.msk [tilespmem:v52+s10+$0x0], $0xffff  }
0x5c5: {  	s0 =	sadd.s32 $0xFFFFFFEC, s20;
	s26 =	sadd.s32 $0xFFFFFFE6, s20;
	s25 =	sadd.s32 $0xFFFFFFE4, s20;
	v63 =	vmovc v15;
	v15 =	vmovc v1;
	v55 =	vadd.s32 s29, v11;
	v56 =	vadd.s32 s5, v11;
	v1 =	vimm.s32 $0x0;
	v49 =	vld.idx.msk [tilespmem:v53+s10+$0x0], $0xffff  }
0x5c6: {  	s13 =	sadd.s32 $0xFFFFFFC1, s20;
	v20 =	vld.idx.msk [tilespmem:v20+s10+$0x0], $0xffff;
	v52 =	vadd.s32 s25, v11;
	v53 =	vadd.s32 s26, v11;
	v59 =	vadd.s32 s0, v11  }
0x5c7: {  	s4 =	sadd.s32 $0xFFFFFFEE, s20;
	v19 =	vld.idx.msk [tilespmem:v19+s10+$0x0], $0xffff;
	vm9 =	vgt.f32 v32, v40;
	vm0 =	vgt.f32 v22, v4;
	v4 =	vadd.s32 s13, v11  }
0x5c8: {  	s7 =	sadd.s32 $0xFFFFFFEA, s20;
	s18 =	sadd.s32 $0xFFFFFFEF, s20;
	v42 =	vld.idx.msk [tilespmem:v37+s10+$0x0], $0xffff;
	v32 =	vsel vm9, v32, v40;
	v22 =	vsel vm0, v30, v60;
	v60 =	vadd.s32 s4, v11  }
0x5c9: {  	s31 =	sadd.s32 $0xFFFFFFF0, s20;
	v30 =	vadd.s32 s18, v11;
	v33 =	vld.idx.msk [tilespmem:v43+s10+$0x0], $0xffff;
	v43 =	vsel vm12, $0x3F800000, v3;
	[tilespmem:v57+s14+$0x0] =	vst.idx.msk $0xffff, v22;
	v57 =	vadd.s32 s7, v11  }
0x5ca: {  	v22 =	vadd.s32 s31, v11;
	vm7 =	vgt.f32 v45, v36;
	vm15 =	vgt.f32 v49, v6  }
0x5cb: {  	v26 =	vld.idx.msk [tilespmem:v26+s10+$0x0], $0xffff;
	v6 =	vsel vm15, v49, v6;
	v41 =	vsel vm7, v45, v36;
	v27 =	vsel vm15, $0x41500000, v61  }
0x5cc: {  	v45 =	vld.idx.msk [tilespmem:v44+s10+$0x0], $0xffff;
	vm15 =	vgt.f32 v19, v24;
	v36 =	vsel vm8, $0x40400000, v7;
	v44 =	vsel vm13, $0x40400000, v7  }
0x5cd: {  	v29 =	vld.idx.msk [tilespmem:v35+s10+$0x0], $0xffff;
	vm0 =	vgt.f32 v41, v32;
	vm5 =	vgt.f32 v5, v6;
	v19 =	vsel vm15, v19, v24  }
0x5ce: {  	v38 =	vld.idx.msk [tilespmem:v38+s10+$0x0], $0xffff;
	v24 =	vsel vm10, $0x40E00000, v10;
	vm10 =	vgt.f32 v42, v20;
	v1 =	vsel vm0, $0xFFFFFFFF, v1  }
0x5cf: {  	v4 =	vld.idx.msk [tilespmem:v4+s10+$0x0], $0xffff;
	v31 =	vsel vm0, v41, v32;
	v5 =	vsel vm5, v5, v6;
	v32 =	vsel vm6, $0x40A00000, v14  }
0x5d0: {  	vm0 =	vgt.f32 v26, v21;
	vm6 =	vgt.f32 v25, v28;
	v6 =	vsel vm10, v42, v20  }
0x5d1: {  	v18 =	vld.idx.msk [tilespmem:v18+s10+$0x0], $0xffff;
	v41 =	vsel vm11, $0x41700000, v13;
	vm3 =	vgt.f32 v5, v31;
	v21 =	vsel vm0, v26, v21  }
0x5d2: {  	v40 =	vld.idx.msk [tilespmem:v51+s10+$0x0], $0xffff;
	v35 =	vsel vm0, $0x40A00000, v14;
	v25 =	vsel vm6, v25, v28;
	vm0 =	vgt.f32 v33, v29  }
0x5d3: {  	v26 =	vld.idx.msk [tilespmem:v46+s10+$0x0], $0xffff;
	v46 =	vsel vm10, $0x41100000, v8;
	v24 =	vsel vm4, v24, v32;
	vm8 =	vgt.f32 v19, v21  }
0x5d4: {  	v49 =	vld.idx.msk [tilespmem:v47+s10+$0x0], $0xffff;
	v29 =	vsel vm0, v33, v29;
	v5 =	vsel vm3, v5, v31;
	vm14 =	vgt.f32 v38, v4  }
0x5d5: {  	v20 =	vld.idx.msk [tilespmem:v50+s10+$0x0], $0xffff;
	v19 =	vsel vm8, v19, v21;
	v21 =	vsel vm7, $0x41300000, v9;
	v4 =	vsel vm14, v38, v4  }
0x5d6: {  	v33 =	vld.idx.msk [tilespmem:v52+s10+$0x0], $0xffff;
	v28 =	vsel vm14, $0x3F800000, v3;
	vm7 =	vgt.f32 v19, v25;
	vm14 =	vgt.f32 v45, v18  }
0x5d7: {  	v38 =	vld.idx.msk [tilespmem:v48+s10+$0x0], $0xffff;
	v48 =	vsel vm0, $0x41300000, v9;
	vm1 =	vgt.f32 v39, v4;
	v18 =	vsel vm14, v45, v18  }
0x5d8: {  	v37 =	vld.idx.msk [tilespmem:v55+s10+$0x0], $0xffff;
	v34 =	vsel vm14, $0x41500000, v61;
	v45 =	vsel vm15, $0x40E00000, v10;
	v19 =	vsel vm7, v19, v25  }
0x5d9: {  	v42 =	vld.idx.msk [tilespmem:v53+s10+$0x0], $0xffff;
	v4 =	vsel vm1, v39, v4;
	v39 =	vsel vm9, $0x41100000, v8;
	vm12 =	vgt.f32 v49, v26  }
0x5da: {  	v47 =	vld.idx.msk [tilespmem:v56+s10+$0x0], $0xffff;
	vm9 =	vgt.f32 v29, v6;
	vm2 =	vgt.f32 v23, v4;
	v26 =	vsel vm12, v49, v26  }
0x5db: {  	v6 =	vsel vm9, v29, v6;
	v29 =	vld.idx.msk [tilespmem:v54+s10+$0x0], $0xffff;
	vm0 =	vgt.f32 v33, v40;
	vm11 =	vgt.f32 v26, v18  }
0x5dc: {  	v56 =	vld.idx.msk [tilespmem:v57+s10+$0x0], $0xffff;
	v33 =	vsel vm0, v33, v40;
	v52 =	vsel vm0, $0x40400000, v7;
	vm13 =	vgt.f32 v20, v38  }
0x5dd: {  	v57 =	vld.idx.msk [tilespmem:v58+s10+$0x0], $0xffff;
	v4 =	vsel vm2, v23, v4;
	v18 =	vsel vm11, v26, v18;
	v20 =	vsel vm13, v20, v38  }
0x5de: {  	v58 =	vld.idx.msk [tilespmem:v59+s10+$0x0], $0xffff;
	v38 =	vsel vm12, $0x41700000, v13;
	vm10 =	vgt.f32 v18, v6;
	vm12 =	vgt.f32 v42, v17  }
0x5df: {  	v59 =	vld.idx.msk [tilespmem:v60+s10+$0x0], $0xffff;
	v51 =	vsel vm13, $0x3F800000, v3;
	v17 =	vsel vm12, v42, v17;
	v60 =	vsel vm12, $0x40A00000, v14  }
0x5e0: {  	vm12 =	vgt.f32 v33, v20;
	v6 =	vsel vm10, v18, v6;
	vm0 =	vgt.f32 v37, v29  }
0x5e1: {  	v23 =	vsel vm0, v37, v29;
	v37 =	vsel vm0, $0x40E00000, v10;
	vm0 =	vgt.f32 v56, v47  }
0x5e2: {  	v30 =	vld.idx.msk [tilespmem:v30+s10+$0x0], $0xffff;
	v20 =	vsel vm12, v33, v20;
	vm14 =	vgt.f32 v23, v17;
	v26 =	vsel vm0, v56, v47  }
0x5e3: {  	v22 =	vld.idx.msk [tilespmem:v22+s10+$0x0], $0xffff;
	v53 =	vsel vm0, $0x41100000, v8;
	vm0 =	vgt.f32 v58, v57;
	v56 =	vsel vm5, v41, v27  }
0x5e4: {  	vm5 =	vgt.f32 v6, v19;
	v17 =	vsel vm14, v23, v17;
	v23 =	vsel vm0, v58, v57  }
0x5e5: {  	[tilespmem:$0x1FF80] =	vst v1;
	v54 =	vsel vm0, $0x41300000, v9;
	vm0 =	vgt.f32 v59, v16;
	v57 =	vsel vm8, v45, v35  }
0x5e6: {  	v1 =	vld [tilespmem:$0x1FF80];
	v58 =	vsel vm11, v38, v34;
	v29 =	vsel vm14, v37, v60;
	v60 =	vsel vm9, v48, v46  }
0x5e7: {  	vm13 =	vgt.f32 v17, v20;
	v16 =	vsel vm0, v59, v16;
	v55 =	vsel vm0, $0x41500000, v61  }
0x5e8: {  	vm15 =	vgt.f32 v23, v26;
	vm0 =	vgt.f32 v22, v30;
	v59 =	vsel vm6, v44, v43  }
0x5e9: {  	s23 =	sadd.s32 $0x4, s23;
	v61 =	vsel vm12, v52, v51;
	v18 =	vsel vm15, v23, v26;
	v22 =	vsel vm0, v22, v30  }
0x5ea: {  	p0 =	slt.u32 s23, $0x2C;
	v23 =	vsel vm0, $0x41700000, v13;
	v20 =	vsel vm13, v17, v20;
	vm0 =	vgt.f32 v22, v16  }
.Ltmp19:
0x5eb: {  	v17 =	vsel vm0, v22, v16;
	v16 =	vsel vm0, v23, v55;
	vm0 =	vnez.u8 v1;
	(pc) =	sbr.rel @p0 .LBB2_35-.Ltmp19, $4  }
0x5ec: {  	v22 =	vsel vm1, v36, v28;
	vm4 =	vgt.f32 v17, v18;
	v21 =	vsel vm0, v21, v39  }
0x5ed: {  	vm0 =	vgt.f32 v5, v4;
	v23 =	vsel vm4, v17, v18;
	v17 =	vsel vm15, v54, v53  }
0x5ee: {  	v18 =	vsel vm2, v24, v22;
	v19 =	vsel vm3, v56, v21;
	v21 =	vsel vm7, v57, v59  }
0x5ef: {  	v22 =	vsel vm10, v58, v60;
	vm1 =	vgt.f32 v23, v20;
	v20 =	vsel vm13, v29, v61  }
.LBB2_36:
0x5f0: {  	_ =	sdelay $0x2  }
0x5f1: {  	v4 =	vsel vm0, v19, v18;
	v5 =	vsel vm5, v22, v21  }
0x5f2: {  	v6 =	vsel vm4, v16, v17;
	v7 =	vimm.f32 $2.000000000e+00;
	v8 =	vimm.f32 $4.000000000e+00;
	[tilespmem:v62+s14+$0x0] =	vst.idx.msk $0xffff, v4  }
0x5f3: {  	v9 =	vimm.f32 $6.000000000e+00;
	v10 =	vimm.f32 $8.000000000e+00;
	v4 =	vsel vm1, v6, v20;
	[tilespmem:v15+s14+$0x0] =	vst.idx.msk $0xffff, v5  }
0x5f4: {  	v26 =	vimm.f32 $1.000000000e+01;
	v27 =	vimm.f32 $1.200000000e+01;
	v28 =	vimm.f32 $1.400000000e+01;
	[tilespmem:v63+s14+$0x0] =	vst.idx.msk $0xffff, v4  }
.LBB2_37:
0x5f5: {  	v4 =	vadd.s32 s21, v11;
	s0 =	sadd.s32 $0x1, s21  }
0x5f6: {  	s16 =	sadd.s32 $0x2, s21;
	v5 =	vadd.s32 s0, v11  }
0x5f7: {  	s17 =	sadd.s32 $0x3, s21;
	v6 =	vadd.s32 s16, v11  }
0x5f8: {  	s18 =	sadd.s32 $0x5, s21;
	v14 =	vadd.s32 s17, v11  }
0x5f9: {  	s19 =	sadd.s32 $0x6, s21;
	v15 =	vadd.s32 s18, v11  }
0x5fa: {  	s20 =	sadd.s32 $0x7, s21;
	v16 =	vadd.s32 s19, v11;
	v4 =	vld.idx.msk [tilespmem:v4+s10+$0x0], $0xffff  }
0x5fb: {  	s23 =	sadd.s32 $0x8, s21;
	v17 =	vadd.s32 s20, v11;
	v5 =	vld.idx.msk [tilespmem:v5+s10+$0x0], $0xffff  }
0x5fc: {  	s24 =	sadd.s32 $0x9, s21;
	v18 =	vadd.s32 s23, v11;
	v6 =	vld.idx.msk [tilespmem:v6+s10+$0x0], $0xffff  }
0x5fd: {  	s25 =	sadd.s32 $0xA, s21;
	v19 =	vadd.s32 s24, v11;
	v14 =	vld.idx.msk [tilespmem:v14+s10+$0x0], $0xffff  }
0x5fe: {  	s1 =	sadd.s32 $0x4, s21;
	s28 =	sadd.s32 $0xB, s21;
	v20 =	vadd.s32 s25, v11;
	v15 =	vld.idx.msk [tilespmem:v15+s10+$0x0], $0xffff  }
0x5ff: {  	s26 =	sadd.s32 $0xC, s21;
	s29 =	sadd.s32 $0xD, s21;
	v13 =	vadd.s32 s1, v11;
	v22 =	vadd.s32 s28, v11;
	v16 =	vld.idx.msk [tilespmem:v16+s10+$0x0], $0xffff  }
0x600: {  	v21 =	vadd.s32 s26, v11;
	v23 =	vadd.s32 s29, v11;
	v13 =	vand.u32 $0xFFF8, v13;
	v17 =	vld.idx.msk [tilespmem:v17+s10+$0x0], $0xffff  }
0x601: {  	v21 =	vand.u32 $0xFFF8, v21;
	v13 =	vor.u32 v2, v13;
	v18 =	vld.idx.msk [tilespmem:v18+s10+$0x0], $0xffff  }
0x602: {  	v21 =	vor.u32 v2, v21;
	v19 =	vld.idx.msk [tilespmem:v19+s10+$0x0], $0xffff  }
0x603: {  	s30 =	sadd.s32 $0xE, s21;
	v20 =	vld.idx.msk [tilespmem:v20+s10+$0x0], $0xffff  }
0x604: {  	s31 =	sadd.s32 $0xF, s21;
	v24 =	vadd.s32 s30, v11;
	v22 =	vld.idx.msk [tilespmem:v22+s10+$0x0], $0xffff  }
0x605: {  	v25 =	vadd.s32 s31, v11;
	v23 =	vld.idx.msk [tilespmem:v23+s10+$0x0], $0xffff  }
0x606: {  	v13 =	vld.idx.msk [tilespmem:v13+s10+$0x0], $0xffff  }
0x607: {  	v62 =	vadd.s32 s22, v12;
	v21 =	vld.idx.msk [tilespmem:v21+s10+$0x0], $0xffff;
	vm0 =	vgt.f32 v5, v4  }
0x608: {  	vm1 =	vgt.f32 v14, v6;
	vm4 =	vgt.f32 v17, v16;
	vm5 =	vgt.f32 v19, v18  }
0x609: {  	v24 =	vld.idx.msk [tilespmem:v24+s10+$0x0], $0xffff;
	vm6 =	vgt.f32 v22, v20;
	v4 =	vsel vm0, v5, v4;
	v6 =	vsel vm1, v14, v6  }
0x60a: {  	v5 =	vld.idx.msk [tilespmem:v25+s10+$0x0], $0xffff;
	v14 =	vsel vm0, $0x3F800000, v3;
	v16 =	vsel vm4, v17, v16;
	v18 =	vsel vm5, v19, v18  }
0x60b: {  	v58 =	vsel vm4, $0x40E00000, v9;
	v20 =	vsel vm6, v22, v20;
	v59 =	vsel vm5, $0x41100000, v10  }
0x60c: {  	v60 =	vsel vm6, $0x41300000, v26;
	vm2 =	vgt.f32 v15, v13;
	vm7 =	vgt.f32 v23, v21  }
0x60d: {  	vm9 =	vgt.f32 v6, v4;
	vm11 =	vgt.f32 v20, v18;
	v13 =	vsel vm2, v15, v13  }
0x60e: {  	v15 =	vsel vm1, $0x40400000, v7;
	v57 =	vsel vm2, $0x40A00000, v8;
	v21 =	vsel vm7, v23, v21  }
0x60f: {  	v4 =	vsel vm9, v6, v4;
	v61 =	vsel vm11, v20, v18;
	vm8 =	vgt.f32 v5, v24  }
0x610: {  	v63 =	vsel vm11, v60, v59;
	vm10 =	vgt.f32 v16, v13;
	v5 =	vsel vm8, v5, v24  }
0x611: {  	v14 =	vsel vm9, v15, v14;
	v13 =	vsel vm10, v16, v13;
	vm12 =	vgt.f32 v5, v21  }
0x612: {  	p0 =	sne.s32 s21, $0x374;
	v15 =	vsel vm10, v58, v57;
	vm13 =	vgt.f32 v13, v4;
	v5 =	vsel vm12, v5, v21  }
.Ltmp20:
0x613: {  	v24 =	vsel vm7, $0x41500000, v27;
	v6 =	vsel vm8, $0x41700000, v28;
	vm14 =	vgt.f32 v5, v61;
	(pc) =	sbr.rel @p0 .LBB2_37-.Ltmp20, $4  }
0x614: {  	v4 =	vsel vm13, v13, v4;
	v6 =	vsel vm12, v6, v24;
	v5 =	vsel vm14, v5, v61  }
0x615: {  	v13 =	vsel vm13, v15, v14;
	v6 =	vsel vm14, v6, v63;
	vm15 =	vgt.f32 v5, v4  }
0x616: {  	v4 =	vsel vm15, v6, v13  }
0x617: {  	s22 =	sadd.s32 $0x1, s22;
	s21 =	sadd.s32 $0x10, s21;
	[tilespmem:v62+s14+$0x0] =	vst.idx.msk $0xffff, v4  }
0x618: {  	s0 =	simm.s32 $0x38B  }
0x619: {  	s1 =	simm.s32 $0x38A;
	v4 =	vadd.s32 s0, v11  }
0x61a: {  	s7 =	simm.s32 $0x389;
	v5 =	vadd.s32 s1, v11  }
0x61b: {  	s8 =	simm.s32 $0x387;
	v6 =	vadd.s32 s7, v11  }
0x61c: {  	s15 =	simm.s32 $0x384;
	v13 =	vadd.s32 s8, v11  }
0x61d: {  	s9 =	simm.s32 $0x386;
	v17 =	vadd.s32 s15, v11  }
0x61e: {  	s13 =	simm.s32 $0x388;
	v14 =	vadd.s32 s9, v11;
	v4 =	vld.idx.msk [tilespmem:v4+s10+$0x0], $0xffff  }
0x61f: {  	s11 =	simm.s32 $0x385;
	v16 =	vadd.s32 s13, v11;
	v5 =	vld.idx.msk [tilespmem:v5+s10+$0x0], $0xffff  }
0x620: {  	s16 =	simm.s32 $0x9D;
	s2 =	simm.s32 $0x9C;
	v15 =	vadd.s32 s11, v11;
	v16 =	vand.u32 $0xFFF8, v16;
	v6 =	vld.idx.msk [tilespmem:v6+s10+$0x0], $0xffff  }
0x621: {  	s18 =	simm.s32 $0x392;
	s19 =	simm.s32 $0x9B;
	s21 =	simm.s32 $0x391;
	v18 =	vadd.s32 s16, v12;
	v19 =	vadd.s32 s2, v12;
	v16 =	vor.u32 v2, v16;
	v13 =	vld.idx.msk [tilespmem:v13+s10+$0x0], $0xffff  }
0x622: {  	s17 =	simm.s32 $0x393;
	s22 =	simm.s32 $0x98;
	v21 =	vadd.s32 s18, v11;
	v22 =	vadd.s32 s19, v12;
	v23 =	vadd.s32 s21, v11;
	v63 =	vld.idx.msk [tilespmem:v17+s10+$0x0], $0xffff  }
0x623: {  	s23 =	simm.s32 $0x38F;
	s24 =	simm.s32 $0x97;
	s26 =	simm.s32 $0x96;
	v24 =	vadd.s32 s22, v12;
	v14 =	vld.idx.msk [tilespmem:v14+s10+$0x0], $0xffff;
	vm0 =	vgt.f32 v4, $0.0e+00;
	v4 =	vadd.s32 s17, v11  }
0x624: {  	s20 =	simm.s32 $0x99;
	v26 =	vadd.s32 s23, v11;
	v27 =	vadd.s32 s24, v12;
	v28 =	vadd.s32 s26, v12  }
0x625: {  	v15 =	vld.idx.msk [tilespmem:v15+s10+$0x0], $0xffff;
	vm10 =	vgt.f32 v5, $0.0e+00;
	v5 =	vadd.s32 s20, v12;
	v20 =	vsel vm0, $0x3F800000, v3  }
0x626: {  	s25 =	simm.s32 $0x38E;
	v16 =	vld.idx.msk [tilespmem:v16+s10+$0x0], $0xffff;
	vm1 =	vgt.f32 v6, $0.0e+00;
	vm11 =	vgt.f32 v13, $0.0e+00;
	v17 =	vsel vm10, $0x3F800000, v3;
	[tilespmem:v18+s14+$0x0] =	vst.idx.msk $0xffff, v20  }
0x627: {  	s28 =	simm.s32 $0x9A;
	v13 =	vadd.s32 s25, v11;
	vm14 =	vgt.f32 v63, $0.0e+00;
	v25 =	vsel vm1, $0x3F800000, v3;
	[tilespmem:v19+s14+$0x0] =	vst.idx.msk $0xffff, v17  }
0x628: {  	s29 =	simm.s32 $0x38D;
	vm13 =	vgt.f32 v14, $0.0e+00;
	v6 =	vsel vm14, $0x3F800000, v3;
	[tilespmem:v22+s14+$0x0] =	vst.idx.msk $0xffff, v25;
	v17 =	vadd.s32 s28, v12;
	v14 =	vld.idx.msk [tilespmem:v4+s10+$0x0], $0xffff  }
0x629: {  	s30 =	simm.s32 $0x390;
	v18 =	vsel vm11, $0x3F800000, v3;
	v19 =	vadd.s32 s29, v11;
	[tilespmem:v28+s14+$0x0] =	vst.idx.msk $0xffff, v6  }
0x62a: {  	vm12 =	vgt.f32 v15, $0.0e+00;
	v15 =	vld.idx.msk [tilespmem:v21+s10+$0x0], $0xffff;
	v20 =	vadd.s32 s30, v11;
	v4 =	vsel vm13, $0x3F800000, v3;
	[tilespmem:v5+s14+$0x0] =	vst.idx.msk $0xffff, v18  }
0x62b: {  	s31 =	simm.s32 $0x38C;
	vm15 =	vgt.f32 v16, $0.0e+00;
	v5 =	vsel vm12, $0x3F800000, v3;
	v18 =	vld.idx.msk [tilespmem:v23+s10+$0x0], $0xffff;
	[tilespmem:v24+s14+$0x0] =	vst.idx.msk $0xffff, v4;
	v4 =	vand.u32 $0xFFF8, v20  }
0x62c: {  	s0 =	simm.s32 $0x0;
	s1 =	simm.s32 $0x8;
	s2 =	simm.s32 $0xA5;
	v16 =	vld.idx.msk [tilespmem:v26+s10+$0x0], $0xffff;
	v22 =	vsel vm15, $0x3F800000, v3;
	[tilespmem:v27+s14+$0x0] =	vst.idx.msk $0xffff, v5;
	v20 =	vadd.s32 s31, v11;
	v21 =	vor.u32 v2, v4  }
.LBB2_39:
0x62d: {  	s4 =	sadd.s32 $0x393, s1;
	v4 =	vld.idx.msk [tilespmem:v13+s10+$0x0], $0xffff;
	s5 =	sadd.s32 $0xA4, s0;
	vm0 =	vgt.f32 v14, $0.0e+00;
	v5 =	vadd.s32 s2, v12;
	[tilespmem:v17+s14+$0x0] =	vst.idx.msk $0xffff, v22  }
0x62e: {  	s2 =	sadd.s32 $0x392, s1;
	v6 =	vadd.s32 s4, v11;
	v17 =	vld.idx.msk [tilespmem:v19+s10+$0x0], $0xffff;
	v19 =	vadd.s32 s5, v12  }
0x62f: {  	s4 =	sadd.s32 $0xA3, s0;
	v13 =	vsel vm0, $0x3F800000, v3;
	v22 =	vadd.s32 s2, v11;
	vm0 =	vgt.f32 v15, $0.0e+00  }
0x630: {  	s2 =	sadd.s32 $0xA1, s0;
	s5 =	sadd.s32 $0xA0, s0;
	v23 =	vadd.s32 s4, v12;
	s4 =	sadd.s32 $0x391, s1;
	vm1 =	vgt.f32 v18, $0.0e+00;
	v15 =	vsel vm0, $0x3F800000, v3  }
0x631: {  	v25 =	vadd.s32 s5, v12;
	v24 =	vld.idx.msk [tilespmem:v20+s10+$0x0], $0xffff;
	v20 =	vadd.s32 s2, v12;
	s2 =	sadd.s32 $0x38F, s1;
	v18 =	vadd.s32 s4, v11;
	s4 =	sadd.s32 $0x9F, s0  }
0x632: {  	s5 =	sadd.s32 $0x38E, s1;
	v26 =	vsel vm1, $0x3F800000, v3;
	v21 =	vld.idx.msk [tilespmem:v21+s10+$0x0], $0xffff;
	v27 =	vadd.s32 s2, v11;
	s2 =	sadd.s32 $0x9E, s0;
	v28 =	vadd.s32 s4, v12;
	s4 =	sadd.s32 $0x38D, s1  }
0x633: {  	vm0 =	vgt.f32 v16, $0.0e+00;
	[tilespmem:v5+s14+$0x0] =	vst.idx.msk $0xffff, v13;
	v5 =	vadd.s32 s2, v12;
	s2 =	sadd.s32 $0xA2, s0;
	s0 =	smov.u32 s1;
	s1 =	sadd.s32 $0x8, s1  }
0x634: {  	v13 =	vadd.s32 s5, v11;
	v14 =	vld.idx.msk [tilespmem:v6+s10+$0x0], $0xffff;
	v6 =	vsel vm0, $0x3F800000, v3;
	[tilespmem:v19+s14+$0x0] =	vst.idx.msk $0xffff, v15;
	p0 =	slt.u32 s1, $0x28  }
.Ltmp21:
0x635: {  	vm1 =	vgt.f32 v4, $0.0e+00;
	vm0 =	vgt.f32 v17, $0.0e+00;
	v17 =	vadd.s32 s2, v12;
	[tilespmem:v23+s14+$0x0] =	vst.idx.msk $0xffff, v26;
	(pc) =	sbr.rel @p0 .LBB2_39-.Ltmp21, $4  }
0x636: {  	s2 =	sadd.s32 $0x38C, s0;
	v19 =	vadd.s32 s4, v11;
	s4 =	sadd.s32 $0x390, s0;
	v16 =	vsel vm1, $0x3F800000, v3;
	v4 =	vsel vm0, $0x3F800000, v3;
	v15 =	vld.idx.msk [tilespmem:v22+s10+$0x0], $0xffff;
	[tilespmem:v20+s14+$0x0] =	vst.idx.msk $0xffff, v6  }
0x637: {  	v20 =	vadd.s32 s2, v11;
	v6 =	vadd.s32 s4, v11;
	vm0 =	vgt.f32 v24, $0.0e+00;
	v18 =	vld.idx.msk [tilespmem:v18+s10+$0x0], $0xffff;
	[tilespmem:v25+s14+$0x0] =	vst.idx.msk $0xffff, v16  }
0x638: {  	v6 =	vand.u32 $0xFFF8, v6;
	v22 =	vsel vm0, $0x3F800000, v3;
	vm0 =	vgt.f32 v21, $0.0e+00;
	[tilespmem:v28+s14+$0x0] =	vst.idx.msk $0xffff, v4  }
0x639: {  	s2 =	sadd.s32 $0xA5, s0;
	v21 =	vor.u32 v2, v6;
	v16 =	vld.idx.msk [tilespmem:v27+s10+$0x0], $0xffff;
	[tilespmem:v5+s14+$0x0] =	vst.idx.msk $0xffff, v22;
	v22 =	vsel vm0, $0x3F800000, v3  }
0x63a: {  	_ =	sdelay $0x1  }
0x63b: {  	s1 =	sadd.s32 $0xA4, s0;
	v4 =	vadd.s32 s2, v12  }
0x63c: {  	s25 =	sadd.s32 $0xA3, s0;
	v5 =	vadd.s32 s1, v12  }
0x63d: {  	v6 =	vld.idx.msk [tilespmem:v13+s10+$0x0], $0xffff;
	s26 =	sadd.s32 $0xA1, s0;
	v13 =	vadd.s32 s25, v12  }
0x63e: {  	vm0 =	vgt.f32 v14, $0.0e+00;
	v14 =	vld.idx.msk [tilespmem:v19+s10+$0x0], $0xffff;
	s28 =	sadd.s32 $0xA0, s0;
	v58 =	vadd.s32 s26, v12  }
0x63f: {  	[tilespmem:v17+s14+$0x0] =	vst.idx.msk $0xffff, v22;
	s29 =	sadd.s32 $0x9F, s0;
	v59 =	vsel vm0, $0x3F800000, v3;
	vm10 =	vgt.f32 v15, $0.0e+00;
	v15 =	vld.idx.msk [tilespmem:v20+s10+$0x0], $0xffff;
	v60 =	vadd.s32 s28, v12  }
0x640: {  	v21 =	vld.idx.msk [tilespmem:v21+s10+$0x0], $0xffff;
	s30 =	sadd.s32 $0x9E, s0;
	v62 =	vadd.s32 s29, v12;
	vm1 =	vgt.f32 v18, $0.0e+00;
	v61 =	vsel vm10, $0x3F800000, v3;
	[tilespmem:v4+s14+$0x0] =	vst.idx.msk $0xffff, v59  }
0x641: {  	s31 =	sadd.s32 $0xA2, s0;
	v63 =	vadd.s32 s30, v12;
	vm11 =	vgt.f32 v16, $0.0e+00;
	v4 =	vsel vm1, $0x3F800000, v3;
	[tilespmem:v5+s14+$0x0] =	vst.idx.msk $0xffff, v61  }
0x642: {  	vm12 =	vgt.f32 v6, $0.0e+00;
	v6 =	vadd.s32 s31, v12;
	v5 =	vsel vm11, $0x3F800000, v3;
	[tilespmem:v13+s14+$0x0] =	vst.idx.msk $0xffff, v4  }
0x643: {  	vm13 =	vgt.f32 v14, $0.0e+00;
	v4 =	vsel vm12, $0x3F800000, v3;
	[tilespmem:v58+s14+$0x0] =	vst.idx.msk $0xffff, v5  }
0x644: {  	vm14 =	vgt.f32 v15, $0.0e+00;
	v5 =	vsel vm13, $0x3F800000, v3;
	[tilespmem:v60+s14+$0x0] =	vst.idx.msk $0xffff, v4  }
0x645: {  	vm15 =	vgt.f32 v21, $0.0e+00;
	v4 =	vsel vm14, $0x3F800000, v3;
	[tilespmem:v62+s14+$0x0] =	vst.idx.msk $0xffff, v5  }
0x646: {  	v7 =	vimm.f32 $6.000000000e+00;
	[tilespmem:v63+s14+$0x0] =	vst.idx.msk $0xffff, v4;
	v4 =	vsel vm15, $0x3F800000, v3  }
0x647: {  	s0 =	simm.s32 $0x3B4;
	v8 =	vimm.f32 $8.000000000e+00;
	v9 =	vimm.f32 $1.000000000e+01;
	v63 =	vimm.f32 $1.200000000e+01;
	[tilespmem:v6+s14+$0x0] =	vst.idx.msk $0xffff, v4  }
.LBB2_41:
0x648: {  	v4 =	vadd.s32 s0, v11;
	_ =	sdelay $0x4  }
0x649: {  	v4 =	vld.idx.msk [tilespmem:v4+s10+$0x0], $0xffff  }
0x64a: {  	s1 =	sadd.s32 $0xFFFFFD12, s0  }
0x64b: {  	p0 =	sne.s32 s0, $0x3B5;
	v5 =	vadd.s32 s1, v12  }
.Ltmp22:
0x64c: {  	_ = 	snop;
	(pc) =	sbr.rel @p0 .LBB2_41-.Ltmp22, $4  }
0x64d: {  	_ = 	snop  }
0x64e: {  	vm0 =	vgt.f32 v4, $0.0e+00  }
0x64f: {  	v4 =	vsel vm0, $0x3F800000, v3  }
0x650: {  	s0 =	sadd.s32 $0x1, s0;
	[tilespmem:v5+s14+$0x0] =	vst.idx.msk $0xffff, v4  }
0x651: {  	s0 =	rddreg [dreg:$0xb]  }
0x652: {  	s0 =	smul.u32 $0x19, s0  }
0x653: {  	s1 =	rddreg [dreg:$0x1]  }
0x654: {  	s31 =	rddreg [dreg:$0xa];
	s0 =	sadd.s32 s1, s0  }
0x655: {  	[hbm4b:s0+s3] =	stream.linear.scatter [tilespmem:s14], [sflag:$0x4], $0x1900, $0x38;
	[tilespmem:$0x11F80] =	vst v63  }
0x656: {  	s0 =	sadd.s32 $0x1, s31  }
0x657: {  	p0 =	sne.s32 s0, $0x8  }
.Ltmp23:
0x658: {  	_ = 	snop;
	(pc) =	sbr.rel @p0 .LBB2_2-.Ltmp23, $2  }
0x659: {  	_ =	sdelay $0x2  }
0x65a: {  	v5 =	vimm.f32 $2.000000000e+00;
	v6 =	vimm.f32 $4.000000000e+00  }
0x65b: {  	s0 =	simm.s32 $0x3  }
0x65c: {  	_ =	swait.ge [sflag:s0], $0x1900  }
0x65d: {  	[sflag:s0] =	ssyncset.done $0x0  }
0x65e: {  	s1 =	simm.s32 $0x4;
	[sflag:s0] =	ssyncadd.s32 $0xFFFFE700  }
0x65f: {  	_ =	swait.ge [sflag:s1], $0x1900  }
0x660: {  	s2 =	rddreg [dreg:$0x9]  }
0x661: {  	s31 =	rddreg [dreg:$0x8];
	s2 =	sadd.s32 $0x1, s2  }
0x662: {  	p0 =	sne.s32 s2, s31  }
.Ltmp24:
0x663: {  	_ = 	snop;
	(pc) =	sbr.rel @p0 .LBB2_1-.Ltmp24, $3  }
0x664: {  	_ =	sdelay $0x1  }
0x665: {  	[sflag:s1] =	ssyncset.done $0x0  }
0x666: {  	[sflag:s1] =	ssyncadd.s32 $0xFFFFE700  }
0x667: {  	_ =	sfence.sel $0x180000  }
0x668: {  	[bflag:$0x0] =	sbarrier.arrive $0xFFFF  }
0x669: {  	_ =	strace $0x90000047  }
0x66a: {  	s0 =	stileid.u32;
	[bflag:$0x2] =	sbarrier.arrive $0xFFFF  }
0x66b: {  	p0 =	sne.s32 s0, $0x0;
	s0 =	rddreg [dreg:$0x2]  }
0x66c: {  	s0 =	sadd.s32 @!p0 $0x100000, s0  }
0x66d: {  	[sflag:s0] =	ssyncadd.tile.s32 @!p0 $0x1;
	_ =	shalt  }
.Lfunc_end2:
_tile_overlayer_lowered:
.L_overlay_start_2:
0x66e: {  	(tag) =	ssettag $0x2  }
0x66f: {  	s0 =	rddreg [dreg:$0x0];
	s2 =	stileid.u32  }
0x670: {  	s1 =	rddreg [dreg:$0x1];
	p0 =	sne.s32 s2, $0x0  }
0x671: {  	s3 =	rddreg [dreg:$0x2];
	[bflag:$0x3] =	sbarrier.arrive $0xFFFF;
	s2 =	simm.s32 @!p0 $0x1C05  }
0x672: {  	[timem:s3], [sflag:s2] =	dma.local @!p0 [hbm:s0], s1  }
0x673: {  	s0 =	simm.s32 @!p0 $0x5  }
0x674: {  	_ =	swait.ge @!p0 [sflag:s0], s1  }
0x675: {  	s1 =	ssub.s32 @!p0 $0x0, s1;
	[sflag:s0] =	ssyncset.done @!p0 $0x0  }
0x676: {  	[sflag:s0] =	ssyncadd.s32 @!p0 s1  }
0x677: {  	[bflag:$0x3] =	sbarrier.arrive $0xFFFF  }
0x678: {  	_ =	shalt  }

</sc_bundles>
